<compile_context>
chip_gen: v7x
topology: tpu7x:2x2x1
jax: 0.10.2.dev20260603
libtpu: 0.0.44.dev20260713+nightly
codegen_flags: <defaults>
</compile_context>

<pallas_src>
import functools

import jax
import jax.numpy as jnp
from jax import lax
from jax.experimental import pallas as pl
from jax.experimental.pallas import tpu as pltpu
from jax.experimental.pallas import tpu_sc as plsc

_START = 65000
_NGENE = 1000000
_BATCH = 16384
_DIM = 64

_T0 = _START // 128
_T1 = (_START + _NGENE - 1) // 128 + 1

_INFO = plsc.get_sparse_core_info()
_NC = _INFO.num_cores
_NS = _INFO.num_subcores
_NW = _NC * _NS
_TPW = -(-(_T1 - _T0) // _NW)
_RING = 9
_POOL = 128
_NVEC = _BATCH // 16

_mesh = plsc.VectorSubcoreMesh(core_axis_name="c", subcore_axis_name="s")


@functools.partial(
    pl.kernel,
    mesh=_mesh,
    out_type=jax.ShapeDtypeStruct((_BATCH, _DIM), jnp.float32),
    scratch_types=[
        pltpu.VMEM((_BATCH,), jnp.int32),
        pltpu.VMEM((_BATCH,), jnp.int32),
        pltpu.VMEM((256,), jnp.int32),
        pltpu.VMEM((256,), jnp.int32),
        pltpu.VMEM((256,), jnp.int32),
        pltpu.VMEM((_RING, _DIM, 128), jnp.float32),
        pltpu.VMEM((_POOL, _DIM), jnp.float32),
        *([pltpu.SemaphoreType.DMA] * _RING),
        pltpu.SemaphoreType.DMA,
    ],
    compiler_params=pltpu.CompilerParams(needs_layout_passes=False),
)
def _gather_kernel(
    table_hbm, idx_hbm, out_hbm,
    idx_v, sq_v, cnt_v, off_v, cur_v, stage_v, pool_v, *sems,
):
    st_sems = sems[:_RING]
    row_sem = sems[_RING]
    wid = lax.axis_index("s") * _NC + lax.axis_index("c")
    lo = _T0 + wid * _TPW
    n_t = jnp.minimum(jnp.int32(_TPW), jnp.int32(_T1) - lo)

    pltpu.sync_copy(idx_hbm, idx_v)

    ones16 = jnp.ones((16,), jnp.int32)

    for c in range(16):
        cnt_v[pl.ds(c * 16, 16)] = jnp.zeros((16,), jnp.int32)

    def p1(u, carry):
        for uu in range(4):
            v = u * 4 + uu
            qv = idx_v[pl.ds(v * 16, 16)] + _START
            t = qv >> 7
            m = (t >= lo) & (t - lo < n_t)
            plsc.addupdate_scatter(cnt_v, [t - lo], ones16, mask=m)
        return carry

    lax.fori_loop(0, _NVEC // 4, p1, 0)

    carry = jnp.int32(0)
    for c in range(16):
        b = cnt_v[pl.ds(c * 16, 16)]
        s = plsc.cumsum(b)
        start = s - b + carry
        off_v[pl.ds(c * 16, 16)] = start
        cur_v[pl.ds(c * 16, 16)] = start
        carry = carry + s[15]
    nh = carry

    def scalar_at(ref, i):
        return plsc.load_gather(ref, [jnp.full((16,), i, jnp.int32)])[0]

    def fire(tl, j):
        cnt = scalar_at(cnt_v, tl)

        @pl.when((tl < n_t) & (cnt > 0))
        def _():
            col0 = pl.multiple_of((lo + tl) * 128, 128)
            pltpu.make_async_copy(
                table_hbm.at[:, pl.ds(col0, 128)], stage_v.at[j], st_sems[j]
            ).start()

    for j in range(_RING):
        fire(jnp.int32(j), j)

    def p3(u, carry):
        for uu in range(4):
            v = u * 4 + uu
            qv = idx_v[pl.ds(v * 16, 16)] + _START
            t = qv >> 7
            m = (t >= lo) & (t - lo < n_t)
            tl = t - lo
            dup, _ = plsc.scan_count(tl, m)
            base = plsc.load_gather(cur_v, [tl], mask=m)
            slot = base + dup - 1
            pos = jnp.full((16,), v * 16, jnp.int32) + lax.iota(jnp.int32, 16)
            packed = ((qv & 127) << 14) | pos
            plsc.store_scatter(sq_v, [slot], packed, mask=m)
            plsc.addupdate_scatter(cur_v, [tl], ones16, mask=m)
        return carry

    lax.fori_loop(0, _NVEC // 4, p3, 0)

    def flush(pbase, n):
        def emit(k, carry):
            e = pbase + k
            pos = plsc.load_gather(sq_v, [jnp.full((16,), e, jnp.int32)])[0] & 16383
            pltpu.make_async_copy(
                pool_v.at[pl.ds(k, 1)], out_hbm.at[pl.ds(pos, 1)], row_sem
            ).start()
            return carry

        lax.fori_loop(0, n, emit, 0)

        def drain(k, carry):
            pltpu.make_async_copy(
                out_hbm.at[pl.ds(0, 1)], pool_v.at[pl.ds(0, 1)], row_sem
            ).wait()
            return carry

        lax.fori_loop(0, n, drain, 0)

    def process(tl, j, pbase):
        cnt = scalar_at(cnt_v, tl)

        def with_tile():
            pltpu.make_async_copy(
                table_hbm.at[:, pl.ds(0, 128)], stage_v.at[j], st_sems[j]
            ).wait()
            off = scalar_at(off_v, tl)
            buf = stage_v.at[j]

            def entry(k, pb):
                e = off + k

                def do_flush():
                    flush(pb, jnp.int32(_POOL))
                    return pb + _POOL

                pb = lax.cond(e - pb >= _POOL, do_flush, lambda: pb)
                pk = plsc.load_gather(sq_v, [jnp.full((16,), e, jnp.int32)])
                lane = (pk >> 14) & 127
                prow = e - pb
                for g in range(4):
                    rowi = lax.iota(jnp.int32, 16) + g * 16
                    vals = plsc.load_gather(buf, [rowi, lane])
                    pool_v[prow, pl.ds(g * 16, 16)] = vals
                return pb

            return lax.fori_loop(0, cnt, entry, pbase)

        return lax.cond((tl < n_t) & (cnt > 0), with_tile, lambda: pbase)

    def round_body(g, pbase):
        for j in range(_RING):
            pbase = process((g - 1) * _RING + j, j, pbase)
            fire(g * _RING + j, j)
        return pbase

    n_rounds = -(-_TPW // _RING) + 1
    pbase = lax.fori_loop(1, n_rounds, round_body, jnp.int32(0))
    flush(pbase, nh - pbase)


def kernel(embedding_weight, batch):
    return _gather_kernel(embedding_weight.T, batch.astype(jnp.int32))

# --- scband reference (transcript-rebuilt; emitter-appended) ---
"""Pipeline reference for scband-my-meta-path2-vec-16724602650996 (READ-ONLY COPY).

The authoritative reference and input builder live on the scoring server;
editing this copy changes nothing except your own understanding.
"""

import jax, jax.numpy as jnp
import numpy as np

# Node-type layout (sorted types: ANATOMY, BP, CC, GENE, MF)
# start/end offsets computed exactly as in my_MetaPath2Vec.__init__
NUM_NODES = {"ANATOMY": 10000, "BP": 50000, "CC": 5000, "GENE": 1000000, "MF": 12000}
START = {}
END = {}
_count = 0
for _k in sorted(NUM_NODES.keys()):
    START[_k] = _count
    _count += NUM_NODES[_k]
    END[_k] = _count
COUNT = _count  # 1077000
EMBED_DIM = 64
BATCH = 16384
NODE_TYPE = "GENE"


def setup_inputs(seed: int = 0) -> dict:
    key = jax.random.key(seed)
    k1, k2 = jax.random.split(key)
    # Embedding table has count + 1 rows (last row = dummy_idx), like torch.nn.Embedding
    embedding_weight = jax.random.normal(k1, (COUNT + 1, EMBED_DIM), dtype=jnp.float32)
    batch = jax.random.randint(k2, (BATCH,), 0, NUM_NODES[NODE_TYPE], dtype=jnp.int64 if jax.config.read('jax_enable_x64') else jnp.int32)
    return {"embedding_weight": embedding_weight, "batch": batch}


def reference(embedding_weight, batch):
    # forward(node_type='GENE', batch): slice the per-type block, then index_select
    emb = embedding_weight[START[NODE_TYPE]:END[NODE_TYPE]]
    return jnp.take(emb, batch, axis=0)

if __name__ == "__main__":
    import jax
    _d = setup_inputs()
    print(jax.jit(kernel)(*tuple(_d.values())))

</pallas_src>

<mosaic_0001>
#map = affine_map<(d0, d1) -> (0, 0)>
#map1 = affine_map<(d0, d1) -> (0)>
module attributes {stable_mosaic.version = 14 : i64} {
  func.func @_gather_kernel(%arg0: i32, %arg1: i32, %arg2: memref<64x1077001xf32, #tpu.memory_space<hbm>>, %arg3: memref<16384xi32, #tpu.memory_space<hbm>>, %arg4: memref<16384x64xf32, #tpu.memory_space<hbm>>, %arg5: memref<16384xi32, #tpu.memory_space<vmem>>, %arg6: memref<16384xi32, #tpu.memory_space<vmem>>, %arg7: memref<256xi32, #tpu.memory_space<vmem>>, %arg8: memref<256xi32, #tpu.memory_space<vmem>>, %arg9: memref<256xi32, #tpu.memory_space<vmem>>, %arg10: memref<9x64x128xf32, #tpu.memory_space<vmem>>, %arg11: memref<128x64xf32, #tpu.memory_space<vmem>>, %arg12: memref<!tpu.dma_semaphore, #tpu.memory_space<semaphore_mem>>, %arg13: memref<!tpu.dma_semaphore, #tpu.memory_space<semaphore_mem>>, %arg14: memref<!tpu.dma_semaphore, #tpu.memory_space<semaphore_mem>>, %arg15: memref<!tpu.dma_semaphore, #tpu.memory_space<semaphore_mem>>, %arg16: memref<!tpu.dma_semaphore, #tpu.memory_space<semaphore_mem>>, %arg17: memref<!tpu.dma_semaphore, #tpu.memory_space<semaphore_mem>>, %arg18: memref<!tpu.dma_semaphore, #tpu.memory_space<semaphore_mem>>, %arg19: memref<!tpu.dma_semaphore, #tpu.memory_space<semaphore_mem>>, %arg20: memref<!tpu.dma_semaphore, #tpu.memory_space<semaphore_mem>>, %arg21: memref<!tpu.dma_semaphore, #tpu.memory_space<semaphore_mem>>) attributes {dimension_semantics = [#tpu.dimension_semantics<core_parallel>, #tpu.dimension_semantics<subcore_parallel>], iteration_bounds = array<i64: 2, 16>, scalar_prefetch = 0 : i64, scratch_operands = 17 : i64, tpu.core_type = #tpu.core_type<sc_vector_subcore>, window_params = [{transform_indices = #map}, {transform_indices = #map1}, {transform_indices = #map}]} {
    %mul3A = arith.constant 2 : i32
    %mul3A_0 = arith.muli %arg1, %mul3A : i32
    %add3A = arith.addi %mul3A_0, %arg0 : i32
    %mul3A_1 = arith.constant 245 : i32
    %mul3A_2 = arith.muli %add3A, %mul3A_1 : i32
    %add3A_3 = arith.constant 507 : i32
    %add3A_4 = arith.addi %add3A_3, %mul3A_2 : i32
    %sub3A = arith.constant 8321 : i32
    %sub3A_5 = arith.subi %sub3A, %add3A_4 : i32
    %min3A = arith.constant 245 : i32
    %min3A_6 = arith.minsi %min3A, %sub3A_5 : i32
    "tpu.region"() ({
      %run_scoped3A = tpu.sem_alloc : memref<!tpu.dma_semaphore, #tpu.memory_space<semaphore_mem>>
      tpu.enqueue_dma source(%arg3 : memref<16384xi32, #tpu.memory_space<hbm>>) target(%arg5 : memref<16384xi32, #tpu.memory_space<vmem>>) target_semaphore(%run_scoped3A : memref<!tpu.dma_semaphore, #tpu.memory_space<semaphore_mem>>)
      tpu.wait_dma2 semaphore(%run_scoped3A : memref<!tpu.dma_semaphore, #tpu.memory_space<semaphore_mem>>) src(%arg3 : memref<16384xi32, #tpu.memory_space<hbm>>) dst(%arg5 : memref<16384xi32, #tpu.memory_space<vmem>>)
      tpu.yield
    }) : () -> ()
    %broadcast_in_dim3A = arith.constant 1 : i32
    %broadcast_in_dim3A_7 = vector.broadcast %broadcast_in_dim3A : i32 to vector<16xi32>
    %broadcast_in_dim3A_8 = arith.constant 0 : i32
    %broadcast_in_dim3A_9 = vector.broadcast %broadcast_in_dim3A_8 : i32 to vector<16xi32>
    %swap3A = arith.constant 0 : index
    %swap3A_10 = tpu.vector_load %arg7[%swap3A] {strides = array<i32>} : memref<256xi32, #tpu.memory_space<vmem>>, vector<16xi32>,
    tpu.vector_store %arg7[%swap3A], %broadcast_in_dim3A_9 {strides = array<i32>} : memref<256xi32, #tpu.memory_space<vmem>>, vector<16xi32>,
    %broadcast_in_dim3A_11 = arith.constant 0 : i32
    %broadcast_in_dim3A_12 = vector.broadcast %broadcast_in_dim3A_11 : i32 to vector<16xi32>
    %swap3A_13 = arith.constant 16 : index
    %swap3A_14 = tpu.vector_load %arg7[%swap3A_13] {strides = array<i32>} : memref<256xi32, #tpu.memory_space<vmem>>, vector<16xi32>,
    tpu.vector_store %arg7[%swap3A_13], %broadcast_in_dim3A_12 {strides = array<i32>} : memref<256xi32, #tpu.memory_space<vmem>>, vector<16xi32>,
    %broadcast_in_dim3A_15 = arith.constant 0 : i32
    %broadcast_in_dim3A_16 = vector.broadcast %broadcast_in_dim3A_15 : i32 to vector<16xi32>
    %swap3A_17 = arith.constant 32 : index
    %swap3A_18 = tpu.vector_load %arg7[%swap3A_17] {strides = array<i32>} : memref<256xi32, #tpu.memory_space<vmem>>, vector<16xi32>,
    tpu.vector_store %arg7[%swap3A_17], %broadcast_in_dim3A_16 {strides = array<i32>} : memref<256xi32, #tpu.memory_space<vmem>>, vector<16xi32>,
    %broadcast_in_dim3A_19 = arith.constant 0 : i32
    %broadcast_in_dim3A_20 = vector.broadcast %broadcast_in_dim3A_19 : i32 to vector<16xi32>
    %swap3A_21 = arith.constant 48 : index
    %swap3A_22 = tpu.vector_load %arg7[%swap3A_21] {strides = array<i32>} : memref<256xi32, #tpu.memory_space<vmem>>, vector<16xi32>,
    tpu.vector_store %arg7[%swap3A_21], %broadcast_in_dim3A_20 {strides = array<i32>} : memref<256xi32, #tpu.memory_space<vmem>>, vector<16xi32>,
    %broadcast_in_dim3A_23 = arith.constant 0 : i32
    %broadcast_in_dim3A_24 = vector.broadcast %broadcast_in_dim3A_23 : i32 to vector<16xi32>
    %swap3A_25 = arith.constant 64 : index
    %swap3A_26 = tpu.vector_load %arg7[%swap3A_25] {strides = array<i32>} : memref<256xi32, #tpu.memory_space<vmem>>, vector<16xi32>,
    tpu.vector_store %arg7[%swap3A_25], %broadcast_in_dim3A_24 {strides = array<i32>} : memref<256xi32, #tpu.memory_space<vmem>>, vector<16xi32>,
    %broadcast_in_dim3A_27 = arith.constant 0 : i32
    %broadcast_in_dim3A_28 = vector.broadcast %broadcast_in_dim3A_27 : i32 to vector<16xi32>
    %swap3A_29 = arith.constant 80 : index
    %swap3A_30 = tpu.vector_load %arg7[%swap3A_29] {strides = array<i32>} : memref<256xi32, #tpu.memory_space<vmem>>, vector<16xi32>,
    tpu.vector_store %arg7[%swap3A_29], %broadcast_in_dim3A_28 {strides = array<i32>} : memref<256xi32, #tpu.memory_space<vmem>>, vector<16xi32>,
    %broadcast_in_dim3A_31 = arith.constant 0 : i32
    %broadcast_in_dim3A_32 = vector.broadcast %broadcast_in_dim3A_31 : i32 to vector<16xi32>
    %swap3A_33 = arith.constant 96 : index
    %swap3A_34 = tpu.vector_load %arg7[%swap3A_33] {strides = array<i32>} : memref<256xi32, #tpu.memory_space<vmem>>, vector<16xi32>,
    tpu.vector_store %arg7[%swap3A_33], %broadcast_in_dim3A_32 {strides = array<i32>} : memref<256xi32, #tpu.memory_space<vmem>>, vector<16xi32>,
    %broadcast_in_dim3A_35 = arith.constant 0 : i32
    %broadcast_in_dim3A_36 = vector.broadcast %broadcast_in_dim3A_35 : i32 to vector<16xi32>
    %swap3A_37 = arith.constant 112 : index
    %swap3A_38 = tpu.vector_load %arg7[%swap3A_37] {strides = array<i32>} : memref<256xi32, #tpu.memory_space<vmem>>, vector<16xi32>,
    tpu.vector_store %arg7[%swap3A_37], %broadcast_in_dim3A_36 {strides = array<i32>} : memref<256xi32, #tpu.memory_space<vmem>>, vector<16xi32>,
    %broadcast_in_dim3A_39 = arith.constant 0 : i32
    %broadcast_in_dim3A_40 = vector.broadcast %broadcast_in_dim3A_39 : i32 to vector<16xi32>
    %swap3A_41 = arith.constant 128 : index
    %swap3A_42 = tpu.vector_load %arg7[%swap3A_41] {strides = array<i32>} : memref<256xi32, #tpu.memory_space<vmem>>, vector<16xi32>,
    tpu.vector_store %arg7[%swap3A_41], %broadcast_in_dim3A_40 {strides = array<i32>} : memref<256xi32, #tpu.memory_space<vmem>>, vector<16xi32>,
    %broadcast_in_dim3A_43 = arith.constant 0 : i32
    %broadcast_in_dim3A_44 = vector.broadcast %broadcast_in_dim3A_43 : i32 to vector<16xi32>
    %swap3A_45 = arith.constant 144 : index
    %swap3A_46 = tpu.vector_load %arg7[%swap3A_45] {strides = array<i32>} : memref<256xi32, #tpu.memory_space<vmem>>, vector<16xi32>,
    tpu.vector_store %arg7[%swap3A_45], %broadcast_in_dim3A_44 {strides = array<i32>} : memref<256xi32, #tpu.memory_space<vmem>>, vector<16xi32>,
    %broadcast_in_dim3A_47 = arith.constant 0 : i32
    %broadcast_in_dim3A_48 = vector.broadcast %broadcast_in_dim3A_47 : i32 to vector<16xi32>
    %swap3A_49 = arith.constant 160 : index
    %swap3A_50 = tpu.vector_load %arg7[%swap3A_49] {strides = array<i32>} : memref<256xi32, #tpu.memory_space<vmem>>, vector<16xi32>,
    tpu.vector_store %arg7[%swap3A_49], %broadcast_in_dim3A_48 {strides = array<i32>} : memref<256xi32, #tpu.memory_space<vmem>>, vector<16xi32>,
    %broadcast_in_dim3A_51 = arith.constant 0 : i32
    %broadcast_in_dim3A_52 = vector.broadcast %broadcast_in_dim3A_51 : i32 to vector<16xi32>
    %swap3A_53 = arith.constant 176 : index
    %swap3A_54 = tpu.vector_load %arg7[%swap3A_53] {strides = array<i32>} : memref<256xi32, #tpu.memory_space<vmem>>, vector<16xi32>,
    tpu.vector_store %arg7[%swap3A_53], %broadcast_in_dim3A_52 {strides = array<i32>} : memref<256xi32, #tpu.memory_space<vmem>>, vector<16xi32>,
    %broadcast_in_dim3A_55 = arith.constant 0 : i32
    %broadcast_in_dim3A_56 = vector.broadcast %broadcast_in_dim3A_55 : i32 to vector<16xi32>
    %swap3A_57 = arith.constant 192 : index
    %swap3A_58 = tpu.vector_load %arg7[%swap3A_57] {strides = array<i32>} : memref<256xi32, #tpu.memory_space<vmem>>, vector<16xi32>,
    tpu.vector_store %arg7[%swap3A_57], %broadcast_in_dim3A_56 {strides = array<i32>} : memref<256xi32, #tpu.memory_space<vmem>>, vector<16xi32>,
    %broadcast_in_dim3A_59 = arith.constant 0 : i32
    %broadcast_in_dim3A_60 = vector.broadcast %broadcast_in_dim3A_59 : i32 to vector<16xi32>
    %swap3A_61 = arith.constant 208 : index
    %swap3A_62 = tpu.vector_load %arg7[%swap3A_61] {strides = array<i32>} : memref<256xi32, #tpu.memory_space<vmem>>, vector<16xi32>,
    tpu.vector_store %arg7[%swap3A_61], %broadcast_in_dim3A_60 {strides = array<i32>} : memref<256xi32, #tpu.memory_space<vmem>>, vector<16xi32>,
    %broadcast_in_dim3A_63 = arith.constant 0 : i32
    %broadcast_in_dim3A_64 = vector.broadcast %broadcast_in_dim3A_63 : i32 to vector<16xi32>
    %swap3A_65 = arith.constant 224 : index
    %swap3A_66 = tpu.vector_load %arg7[%swap3A_65] {strides = array<i32>} : memref<256xi32, #tpu.memory_space<vmem>>, vector<16xi32>,
    tpu.vector_store %arg7[%swap3A_65], %broadcast_in_dim3A_64 {strides = array<i32>} : memref<256xi32, #tpu.memory_space<vmem>>, vector<16xi32>,
    %broadcast_in_dim3A_67 = arith.constant 0 : i32
    %broadcast_in_dim3A_68 = vector.broadcast %broadcast_in_dim3A_67 : i32 to vector<16xi32>
    %swap3A_69 = arith.constant 240 : index
    %swap3A_70 = tpu.vector_load %arg7[%swap3A_69] {strides = array<i32>} : memref<256xi32, #tpu.memory_space<vmem>>, vector<16xi32>,
    tpu.vector_store %arg7[%swap3A_69], %broadcast_in_dim3A_68 {strides = array<i32>} : memref<256xi32, #tpu.memory_space<vmem>>, vector<16xi32>,
    %scan3A = arith.constant 0 : i32
    %scan3A_71 = arith.constant 0 : i32
    %scan3A_72 = arith.constant 256 : i32
    %scan3A_73 = arith.addi %scan3A_71, %scan3A_72 : i32
    %scan3A_74 = arith.constant 1 : i32
    scf.for %scan3A_467 = %scan3A_71 to %scan3A_73 step %scan3A_74  : i32 {
      %mul3A_468 = arith.constant 4 : i32
      %mul3A_469 = arith.muli %scan3A_467, %mul3A_468 : i32
      %add3A_470 = arith.constant 0 : i32
      %add3A_471 = arith.addi %mul3A_469, %add3A_470 : i32
      %mul3A_472 = arith.constant 16 : i32
      %mul3A_473 = arith.muli %add3A_471, %mul3A_472 : i32
      %get3A_474 = arith.index_cast %mul3A_473 : i32 to index
      %get3A_475 = tpu.vector_load %arg5[%get3A_474] {strides = array<i32>} : memref<16384xi32, #tpu.memory_space<vmem>>, vector<16xi32>,
      %add3A_476 = arith.constant 65000 : i32
      %add3A_477 = vector.broadcast %add3A_476 : i32 to vector<16xi32>
      %add3A_478 = arith.addi %get3A_475, %add3A_477 : vector<16xi32>
      %shift_right_arithmetic3A = arith.constant 7 : i32
      %shift_right_arithmetic3A_479 = vector.broadcast %shift_right_arithmetic3A : i32 to vector<16xi32>
      %shift_right_arithmetic3A_480 = arith.shrsi %add3A_478, %shift_right_arithmetic3A_479 : vector<16xi32>
      %ge3A = vector.broadcast %add3A_4 : i32 to vector<16xi32>
      %ge3A_481 = arith.cmpi sge, %shift_right_arithmetic3A_480, %ge3A : vector<16xi32>
      %sub3A_482 = vector.broadcast %add3A_4 : i32 to vector<16xi32>
      %sub3A_483 = arith.subi %shift_right_arithmetic3A_480, %sub3A_482 : vector<16xi32>
      %lt3A_484 = vector.broadcast %min3A_6 : i32 to vector<16xi32>
      %lt3A_485 = arith.cmpi slt, %sub3A_483, %lt3A_484 : vector<16xi32>
      %and3A_486 = arith.andi %ge3A_481, %lt3A_485 : vector<16xi1>
      %sub3A_487 = vector.broadcast %add3A_4 : i32 to vector<16xi32>
      %sub3A_488 = arith.subi %shift_right_arithmetic3A_480, %sub3A_487 : vector<16xi32>
      tpu.vector_store_idx %arg7[%sub3A_488], %broadcast_in_dim3A_7 masked %and3A_486 {add = true} : memref<256xi32, #tpu.memory_space<vmem>>[vector<16xi32>], vector<16xi32>, vector<16xi1>
      %mul3A_489 = arith.constant 4 : i32
      %mul3A_490 = arith.muli %scan3A_467, %mul3A_489 : i32
      %add3A_491 = arith.constant 1 : i32
      %add3A_492 = arith.addi %mul3A_490, %add3A_491 : i32
      %mul3A_493 = arith.constant 16 : i32
      %mul3A_494 = arith.muli %add3A_492, %mul3A_493 : i32
      %get3A_495 = arith.index_cast %mul3A_494 : i32 to index
      %get3A_496 = tpu.vector_load %arg5[%get3A_495] {strides = array<i32>} : memref<16384xi32, #tpu.memory_space<vmem>>, vector<16xi32>,
      %add3A_497 = arith.constant 65000 : i32
      %add3A_498 = vector.broadcast %add3A_497 : i32 to vector<16xi32>
      %add3A_499 = arith.addi %get3A_496, %add3A_498 : vector<16xi32>
      %shift_right_arithmetic3A_500 = arith.constant 7 : i32
      %shift_right_arithmetic3A_501 = vector.broadcast %shift_right_arithmetic3A_500 : i32 to vector<16xi32>
      %shift_right_arithmetic3A_502 = arith.shrsi %add3A_499, %shift_right_arithmetic3A_501 : vector<16xi32>
      %ge3A_503 = vector.broadcast %add3A_4 : i32 to vector<16xi32>
      %ge3A_504 = arith.cmpi sge, %shift_right_arithmetic3A_502, %ge3A_503 : vector<16xi32>
      %sub3A_505 = vector.broadcast %add3A_4 : i32 to vector<16xi32>
      %sub3A_506 = arith.subi %shift_right_arithmetic3A_502, %sub3A_505 : vector<16xi32>
      %lt3A_507 = vector.broadcast %min3A_6 : i32 to vector<16xi32>
      %lt3A_508 = arith.cmpi slt, %sub3A_506, %lt3A_507 : vector<16xi32>
      %and3A_509 = arith.andi %ge3A_504, %lt3A_508 : vector<16xi1>
      %sub3A_510 = vector.broadcast %add3A_4 : i32 to vector<16xi32>
      %sub3A_511 = arith.subi %shift_right_arithmetic3A_502, %sub3A_510 : vector<16xi32>
      tpu.vector_store_idx %arg7[%sub3A_511], %broadcast_in_dim3A_7 masked %and3A_509 {add = true} : memref<256xi32, #tpu.memory_space<vmem>>[vector<16xi32>], vector<16xi32>, vector<16xi1>
      %mul3A_512 = arith.constant 4 : i32
      %mul3A_513 = arith.muli %scan3A_467, %mul3A_512 : i32
      %add3A_514 = arith.constant 2 : i32
      %add3A_515 = arith.addi %mul3A_513, %add3A_514 : i32
      %mul3A_516 = arith.constant 16 : i32
      %mul3A_517 = arith.muli %add3A_515, %mul3A_516 : i32
      %get3A_518 = arith.index_cast %mul3A_517 : i32 to index
      %get3A_519 = tpu.vector_load %arg5[%get3A_518] {strides = array<i32>} : memref<16384xi32, #tpu.memory_space<vmem>>, vector<16xi32>,
      %add3A_520 = arith.constant 65000 : i32
      %add3A_521 = vector.broadcast %add3A_520 : i32 to vector<16xi32>
      %add3A_522 = arith.addi %get3A_519, %add3A_521 : vector<16xi32>
      %shift_right_arithmetic3A_523 = arith.constant 7 : i32
      %shift_right_arithmetic3A_524 = vector.broadcast %shift_right_arithmetic3A_523 : i32 to vector<16xi32>
      %shift_right_arithmetic3A_525 = arith.shrsi %add3A_522, %shift_right_arithmetic3A_524 : vector<16xi32>
      %ge3A_526 = vector.broadcast %add3A_4 : i32 to vector<16xi32>
      %ge3A_527 = arith.cmpi sge, %shift_right_arithmetic3A_525, %ge3A_526 : vector<16xi32>
      %sub3A_528 = vector.broadcast %add3A_4 : i32 to vector<16xi32>
      %sub3A_529 = arith.subi %shift_right_arithmetic3A_525, %sub3A_528 : vector<16xi32>
      %lt3A_530 = vector.broadcast %min3A_6 : i32 to vector<16xi32>
      %lt3A_531 = arith.cmpi slt, %sub3A_529, %lt3A_530 : vector<16xi32>
      %and3A_532 = arith.andi %ge3A_527, %lt3A_531 : vector<16xi1>
      %sub3A_533 = vector.broadcast %add3A_4 : i32 to vector<16xi32>
      %sub3A_534 = arith.subi %shift_right_arithmetic3A_525, %sub3A_533 : vector<16xi32>
      tpu.vector_store_idx %arg7[%sub3A_534], %broadcast_in_dim3A_7 masked %and3A_532 {add = true} : memref<256xi32, #tpu.memory_space<vmem>>[vector<16xi32>], vector<16xi32>, vector<16xi1>
      %mul3A_535 = arith.constant 4 : i32
      %mul3A_536 = arith.muli %scan3A_467, %mul3A_535 : i32
      %add3A_537 = arith.constant 3 : i32
      %add3A_538 = arith.addi %mul3A_536, %add3A_537 : i32
      %mul3A_539 = arith.constant 16 : i32
      %mul3A_540 = arith.muli %add3A_538, %mul3A_539 : i32
      %get3A_541 = arith.index_cast %mul3A_540 : i32 to index
      %get3A_542 = tpu.vector_load %arg5[%get3A_541] {strides = array<i32>} : memref<16384xi32, #tpu.memory_space<vmem>>, vector<16xi32>,
      %add3A_543 = arith.constant 65000 : i32
      %add3A_544 = vector.broadcast %add3A_543 : i32 to vector<16xi32>
      %add3A_545 = arith.addi %get3A_542, %add3A_544 : vector<16xi32>
      %shift_right_arithmetic3A_546 = arith.constant 7 : i32
      %shift_right_arithmetic3A_547 = vector.broadcast %shift_right_arithmetic3A_546 : i32 to vector<16xi32>
      %shift_right_arithmetic3A_548 = arith.shrsi %add3A_545, %shift_right_arithmetic3A_547 : vector<16xi32>
      %ge3A_549 = vector.broadcast %add3A_4 : i32 to vector<16xi32>
      %ge3A_550 = arith.cmpi sge, %shift_right_arithmetic3A_548, %ge3A_549 : vector<16xi32>
      %sub3A_551 = vector.broadcast %add3A_4 : i32 to vector<16xi32>
      %sub3A_552 = arith.subi %shift_right_arithmetic3A_548, %sub3A_551 : vector<16xi32>
      %lt3A_553 = vector.broadcast %min3A_6 : i32 to vector<16xi32>
      %lt3A_554 = arith.cmpi slt, %sub3A_552, %lt3A_553 : vector<16xi32>
      %and3A_555 = arith.andi %ge3A_550, %lt3A_554 : vector<16xi1>
      %sub3A_556 = vector.broadcast %add3A_4 : i32 to vector<16xi32>
      %sub3A_557 = arith.subi %shift_right_arithmetic3A_548, %sub3A_556 : vector<16xi32>
      tpu.vector_store_idx %arg7[%sub3A_557], %broadcast_in_dim3A_7 masked %and3A_555 {add = true} : memref<256xi32, #tpu.memory_space<vmem>>[vector<16xi32>], vector<16xi32>, vector<16xi1>
    }
    %scan3A_75 = arith.constant 256 : i32
    %get3A = arith.constant 0 : index
    %get3A_76 = tpu.vector_load %arg7[%get3A] {strides = array<i32>} : memref<256xi32, #tpu.memory_space<vmem>>, vector<16xi32>,
    %broadcast_in_dim3A_77 = arith.constant true
    %broadcast_in_dim3A_78 = vector.broadcast %broadcast_in_dim3A_77 : i1 to vector<16xi1>
    %masked_cumsum3A = tpu.scan <sum>, %get3A_76 masked %broadcast_in_dim3A_78 : vector<16xi32>, vector<16xi1> -> vector<16xi32>
    %sub3A_79 = arith.subi %masked_cumsum3A, %get3A_76 : vector<16xi32>
    %add3A_80 = arith.constant 0 : i32
    %add3A_81 = vector.broadcast %add3A_80 : i32 to vector<16xi32>
    %add3A_82 = arith.addi %sub3A_79, %add3A_81 : vector<16xi32>
    %swap3A_83 = arith.constant 0 : index
    %swap3A_84 = tpu.vector_load %arg8[%swap3A_83] {strides = array<i32>} : memref<256xi32, #tpu.memory_space<vmem>>, vector<16xi32>,
    tpu.vector_store %arg8[%swap3A_83], %add3A_82 {strides = array<i32>} : memref<256xi32, #tpu.memory_space<vmem>>, vector<16xi32>,
    %swap3A_85 = arith.constant 0 : index
    %swap3A_86 = tpu.vector_load %arg9[%swap3A_85] {strides = array<i32>} : memref<256xi32, #tpu.memory_space<vmem>>, vector<16xi32>,
    tpu.vector_store %arg9[%swap3A_85], %add3A_82 {strides = array<i32>} : memref<256xi32, #tpu.memory_space<vmem>>, vector<16xi32>,
    %slice3A = vector.extract_strided_slice %masked_cumsum3A {offsets = [15], sizes = [1], strides = [1]} : vector<16xi32> to vector<1xi32>
    %squeeze3A = vector.extract %slice3A[0] : i32 from vector<1xi32>
    %add3A_87 = arith.constant 0 : i32
    %add3A_88 = arith.addi %add3A_87, %squeeze3A : i32
    %get3A_89 = arith.constant 16 : index
    %get3A_90 = tpu.vector_load %arg7[%get3A_89] {strides = array<i32>} : memref<256xi32, #tpu.memory_space<vmem>>, vector<16xi32>,
    %broadcast_in_dim3A_91 = arith.constant true
    %broadcast_in_dim3A_92 = vector.broadcast %broadcast_in_dim3A_91 : i1 to vector<16xi1>
    %masked_cumsum3A_93 = tpu.scan <sum>, %get3A_90 masked %broadcast_in_dim3A_92 : vector<16xi32>, vector<16xi1> -> vector<16xi32>
    %sub3A_94 = arith.subi %masked_cumsum3A_93, %get3A_90 : vector<16xi32>
    %add3A_95 = vector.broadcast %add3A_88 : i32 to vector<16xi32>
    %add3A_96 = arith.addi %sub3A_94, %add3A_95 : vector<16xi32>
    %swap3A_97 = arith.constant 16 : index
    %swap3A_98 = tpu.vector_load %arg8[%swap3A_97] {strides = array<i32>} : memref<256xi32, #tpu.memory_space<vmem>>, vector<16xi32>,
    tpu.vector_store %arg8[%swap3A_97], %add3A_96 {strides = array<i32>} : memref<256xi32, #tpu.memory_space<vmem>>, vector<16xi32>,
    %swap3A_99 = arith.constant 16 : index
    %swap3A_100 = tpu.vector_load %arg9[%swap3A_99] {strides = array<i32>} : memref<256xi32, #tpu.memory_space<vmem>>, vector<16xi32>,
    tpu.vector_store %arg9[%swap3A_99], %add3A_96 {strides = array<i32>} : memref<256xi32, #tpu.memory_space<vmem>>, vector<16xi32>,
    %slice3A_101 = vector.extract_strided_slice %masked_cumsum3A_93 {offsets = [15], sizes = [1], strides = [1]} : vector<16xi32> to vector<1xi32>
    %squeeze3A_102 = vector.extract %slice3A_101[0] : i32 from vector<1xi32>
    %add3A_103 = arith.addi %add3A_88, %squeeze3A_102 : i32
    %get3A_104 = arith.constant 32 : index
    %get3A_105 = tpu.vector_load %arg7[%get3A_104] {strides = array<i32>} : memref<256xi32, #tpu.memory_space<vmem>>, vector<16xi32>,
    %broadcast_in_dim3A_106 = arith.constant true
    %broadcast_in_dim3A_107 = vector.broadcast %broadcast_in_dim3A_106 : i1 to vector<16xi1>
    %masked_cumsum3A_108 = tpu.scan <sum>, %get3A_105 masked %broadcast_in_dim3A_107 : vector<16xi32>, vector<16xi1> -> vector<16xi32>
    %sub3A_109 = arith.subi %masked_cumsum3A_108, %get3A_105 : vector<16xi32>
    %add3A_110 = vector.broadcast %add3A_103 : i32 to vector<16xi32>
    %add3A_111 = arith.addi %sub3A_109, %add3A_110 : vector<16xi32>
    %swap3A_112 = arith.constant 32 : index
    %swap3A_113 = tpu.vector_load %arg8[%swap3A_112] {strides = array<i32>} : memref<256xi32, #tpu.memory_space<vmem>>, vector<16xi32>,
    tpu.vector_store %arg8[%swap3A_112], %add3A_111 {strides = array<i32>} : memref<256xi32, #tpu.memory_space<vmem>>, vector<16xi32>,
    %swap3A_114 = arith.constant 32 : index
    %swap3A_115 = tpu.vector_load %arg9[%swap3A_114] {strides = array<i32>} : memref<256xi32, #tpu.memory_space<vmem>>, vector<16xi32>,
    tpu.vector_store %arg9[%swap3A_114], %add3A_111 {strides = array<i32>} : memref<256xi32, #tpu.memory_space<vmem>>, vector<16xi32>,
    %slice3A_116 = vector.extract_strided_slice %masked_cumsum3A_108 {offsets = [15], sizes = [1], strides = [1]} : vector<16xi32> to vector<1xi32>
    %squeeze3A_117 = vector.extract %slice3A_116[0] : i32 from vector<1xi32>
    %add3A_118 = arith.addi %add3A_103, %squeeze3A_117 : i32
    %get3A_119 = arith.constant 48 : index
    %get3A_120 = tpu.vector_load %arg7[%get3A_119] {strides = array<i32>} : memref<256xi32, #tpu.memory_space<vmem>>, vector<16xi32>,
    %broadcast_in_dim3A_121 = arith.constant true
    %broadcast_in_dim3A_122 = vector.broadcast %broadcast_in_dim3A_121 : i1 to vector<16xi1>
    %masked_cumsum3A_123 = tpu.scan <sum>, %get3A_120 masked %broadcast_in_dim3A_122 : vector<16xi32>, vector<16xi1> -> vector<16xi32>
    %sub3A_124 = arith.subi %masked_cumsum3A_123, %get3A_120 : vector<16xi32>
    %add3A_125 = vector.broadcast %add3A_118 : i32 to vector<16xi32>
    %add3A_126 = arith.addi %sub3A_124, %add3A_125 : vector<16xi32>
    %swap3A_127 = arith.constant 48 : index
    %swap3A_128 = tpu.vector_load %arg8[%swap3A_127] {strides = array<i32>} : memref<256xi32, #tpu.memory_space<vmem>>, vector<16xi32>,
    tpu.vector_store %arg8[%swap3A_127], %add3A_126 {strides = array<i32>} : memref<256xi32, #tpu.memory_space<vmem>>, vector<16xi32>,
    %swap3A_129 = arith.constant 48 : index
    %swap3A_130 = tpu.vector_load %arg9[%swap3A_129] {strides = array<i32>} : memref<256xi32, #tpu.memory_space<vmem>>, vector<16xi32>,
    tpu.vector_store %arg9[%swap3A_129], %add3A_126 {strides = array<i32>} : memref<256xi32, #tpu.memory_space<vmem>>, vector<16xi32>,
    %slice3A_131 = vector.extract_strided_slice %masked_cumsum3A_123 {offsets = [15], sizes = [1], strides = [1]} : vector<16xi32> to vector<1xi32>
    %squeeze3A_132 = vector.extract %slice3A_131[0] : i32 from vector<1xi32>
    %add3A_133 = arith.addi %add3A_118, %squeeze3A_132 : i32
    %get3A_134 = arith.constant 64 : index
    %get3A_135 = tpu.vector_load %arg7[%get3A_134] {strides = array<i32>} : memref<256xi32, #tpu.memory_space<vmem>>, vector<16xi32>,
    %broadcast_in_dim3A_136 = arith.constant true
    %broadcast_in_dim3A_137 = vector.broadcast %broadcast_in_dim3A_136 : i1 to vector<16xi1>
    %masked_cumsum3A_138 = tpu.scan <sum>, %get3A_135 masked %broadcast_in_dim3A_137 : vector<16xi32>, vector<16xi1> -> vector<16xi32>
    %sub3A_139 = arith.subi %masked_cumsum3A_138, %get3A_135 : vector<16xi32>
    %add3A_140 = vector.broadcast %add3A_133 : i32 to vector<16xi32>
    %add3A_141 = arith.addi %sub3A_139, %add3A_140 : vector<16xi32>
    %swap3A_142 = arith.constant 64 : index
    %swap3A_143 = tpu.vector_load %arg8[%swap3A_142] {strides = array<i32>} : memref<256xi32, #tpu.memory_space<vmem>>, vector<16xi32>,
    tpu.vector_store %arg8[%swap3A_142], %add3A_141 {strides = array<i32>} : memref<256xi32, #tpu.memory_space<vmem>>, vector<16xi32>,
    %swap3A_144 = arith.constant 64 : index
    %swap3A_145 = tpu.vector_load %arg9[%swap3A_144] {strides = array<i32>} : memref<256xi32, #tpu.memory_space<vmem>>, vector<16xi32>,
    tpu.vector_store %arg9[%swap3A_144], %add3A_141 {strides = array<i32>} : memref<256xi32, #tpu.memory_space<vmem>>, vector<16xi32>,
    %slice3A_146 = vector.extract_strided_slice %masked_cumsum3A_138 {offsets = [15], sizes = [1], strides = [1]} : vector<16xi32> to vector<1xi32>
    %squeeze3A_147 = vector.extract %slice3A_146[0] : i32 from vector<1xi32>
    %add3A_148 = arith.addi %add3A_133, %squeeze3A_147 : i32
    %get3A_149 = arith.constant 80 : index
    %get3A_150 = tpu.vector_load %arg7[%get3A_149] {strides = array<i32>} : memref<256xi32, #tpu.memory_space<vmem>>, vector<16xi32>,
    %broadcast_in_dim3A_151 = arith.constant true
    %broadcast_in_dim3A_152 = vector.broadcast %broadcast_in_dim3A_151 : i1 to vector<16xi1>
    %masked_cumsum3A_153 = tpu.scan <sum>, %get3A_150 masked %broadcast_in_dim3A_152 : vector<16xi32>, vector<16xi1> -> vector<16xi32>
    %sub3A_154 = arith.subi %masked_cumsum3A_153, %get3A_150 : vector<16xi32>
    %add3A_155 = vector.broadcast %add3A_148 : i32 to vector<16xi32>
    %add3A_156 = arith.addi %sub3A_154, %add3A_155 : vector<16xi32>
    %swap3A_157 = arith.constant 80 : index
    %swap3A_158 = tpu.vector_load %arg8[%swap3A_157] {strides = array<i32>} : memref<256xi32, #tpu.memory_space<vmem>>, vector<16xi32>,
    tpu.vector_store %arg8[%swap3A_157], %add3A_156 {strides = array<i32>} : memref<256xi32, #tpu.memory_space<vmem>>, vector<16xi32>,
    %swap3A_159 = arith.constant 80 : index
    %swap3A_160 = tpu.vector_load %arg9[%swap3A_159] {strides = array<i32>} : memref<256xi32, #tpu.memory_space<vmem>>, vector<16xi32>,
    tpu.vector_store %arg9[%swap3A_159], %add3A_156 {strides = array<i32>} : memref<256xi32, #tpu.memory_space<vmem>>, vector<16xi32>,
    %slice3A_161 = vector.extract_strided_slice %masked_cumsum3A_153 {offsets = [15], sizes = [1], strides = [1]} : vector<16xi32> to vector<1xi32>
    %squeeze3A_162 = vector.extract %slice3A_161[0] : i32 from vector<1xi32>
    %add3A_163 = arith.addi %add3A_148, %squeeze3A_162 : i32
    %get3A_164 = arith.constant 96 : index
    %get3A_165 = tpu.vector_load %arg7[%get3A_164] {strides = array<i32>} : memref<256xi32, #tpu.memory_space<vmem>>, vector<16xi32>,
    %broadcast_in_dim3A_166 = arith.constant true
    %broadcast_in_dim3A_167 = vector.broadcast %broadcast_in_dim3A_166 : i1 to vector<16xi1>
    %masked_cumsum3A_168 = tpu.scan <sum>, %get3A_165 masked %broadcast_in_dim3A_167 : vector<16xi32>, vector<16xi1> -> vector<16xi32>
    %sub3A_169 = arith.subi %masked_cumsum3A_168, %get3A_165 : vector<16xi32>
    %add3A_170 = vector.broadcast %add3A_163 : i32 to vector<16xi32>
    %add3A_171 = arith.addi %sub3A_169, %add3A_170 : vector<16xi32>
    %swap3A_172 = arith.constant 96 : index
    %swap3A_173 = tpu.vector_load %arg8[%swap3A_172] {strides = array<i32>} : memref<256xi32, #tpu.memory_space<vmem>>, vector<16xi32>,
    tpu.vector_store %arg8[%swap3A_172], %add3A_171 {strides = array<i32>} : memref<256xi32, #tpu.memory_space<vmem>>, vector<16xi32>,
    %swap3A_174 = arith.constant 96 : index
    %swap3A_175 = tpu.vector_load %arg9[%swap3A_174] {strides = array<i32>} : memref<256xi32, #tpu.memory_space<vmem>>, vector<16xi32>,
    tpu.vector_store %arg9[%swap3A_174], %add3A_171 {strides = array<i32>} : memref<256xi32, #tpu.memory_space<vmem>>, vector<16xi32>,
    %slice3A_176 = vector.extract_strided_slice %masked_cumsum3A_168 {offsets = [15], sizes = [1], strides = [1]} : vector<16xi32> to vector<1xi32>
    %squeeze3A_177 = vector.extract %slice3A_176[0] : i32 from vector<1xi32>
    %add3A_178 = arith.addi %add3A_163, %squeeze3A_177 : i32
    %get3A_179 = arith.constant 112 : index
    %get3A_180 = tpu.vector_load %arg7[%get3A_179] {strides = array<i32>} : memref<256xi32, #tpu.memory_space<vmem>>, vector<16xi32>,
    %broadcast_in_dim3A_181 = arith.constant true
    %broadcast_in_dim3A_182 = vector.broadcast %broadcast_in_dim3A_181 : i1 to vector<16xi1>
    %masked_cumsum3A_183 = tpu.scan <sum>, %get3A_180 masked %broadcast_in_dim3A_182 : vector<16xi32>, vector<16xi1> -> vector<16xi32>
    %sub3A_184 = arith.subi %masked_cumsum3A_183, %get3A_180 : vector<16xi32>
    %add3A_185 = vector.broadcast %add3A_178 : i32 to vector<16xi32>
    %add3A_186 = arith.addi %sub3A_184, %add3A_185 : vector<16xi32>
    %swap3A_187 = arith.constant 112 : index
    %swap3A_188 = tpu.vector_load %arg8[%swap3A_187] {strides = array<i32>} : memref<256xi32, #tpu.memory_space<vmem>>, vector<16xi32>,
    tpu.vector_store %arg8[%swap3A_187], %add3A_186 {strides = array<i32>} : memref<256xi32, #tpu.memory_space<vmem>>, vector<16xi32>,
    %swap3A_189 = arith.constant 112 : index
    %swap3A_190 = tpu.vector_load %arg9[%swap3A_189] {strides = array<i32>} : memref<256xi32, #tpu.memory_space<vmem>>, vector<16xi32>,
    tpu.vector_store %arg9[%swap3A_189], %add3A_186 {strides = array<i32>} : memref<256xi32, #tpu.memory_space<vmem>>, vector<16xi32>,
    %slice3A_191 = vector.extract_strided_slice %masked_cumsum3A_183 {offsets = [15], sizes = [1], strides = [1]} : vector<16xi32> to vector<1xi32>
    %squeeze3A_192 = vector.extract %slice3A_191[0] : i32 from vector<1xi32>
    %add3A_193 = arith.addi %add3A_178, %squeeze3A_192 : i32
    %get3A_194 = arith.constant 128 : index
    %get3A_195 = tpu.vector_load %arg7[%get3A_194] {strides = array<i32>} : memref<256xi32, #tpu.memory_space<vmem>>, vector<16xi32>,
    %broadcast_in_dim3A_196 = arith.constant true
    %broadcast_in_dim3A_197 = vector.broadcast %broadcast_in_dim3A_196 : i1 to vector<16xi1>
    %masked_cumsum3A_198 = tpu.scan <sum>, %get3A_195 masked %broadcast_in_dim3A_197 : vector<16xi32>, vector<16xi1> -> vector<16xi32>
    %sub3A_199 = arith.subi %masked_cumsum3A_198, %get3A_195 : vector<16xi32>
    %add3A_200 = vector.broadcast %add3A_193 : i32 to vector<16xi32>
    %add3A_201 = arith.addi %sub3A_199, %add3A_200 : vector<16xi32>
    %swap3A_202 = arith.constant 128 : index
    %swap3A_203 = tpu.vector_load %arg8[%swap3A_202] {strides = array<i32>} : memref<256xi32, #tpu.memory_space<vmem>>, vector<16xi32>,
    tpu.vector_store %arg8[%swap3A_202], %add3A_201 {strides = array<i32>} : memref<256xi32, #tpu.memory_space<vmem>>, vector<16xi32>,
    %swap3A_204 = arith.constant 128 : index
    %swap3A_205 = tpu.vector_load %arg9[%swap3A_204] {strides = array<i32>} : memref<256xi32, #tpu.memory_space<vmem>>, vector<16xi32>,
    tpu.vector_store %arg9[%swap3A_204], %add3A_201 {strides = array<i32>} : memref<256xi32, #tpu.memory_space<vmem>>, vector<16xi32>,
    %slice3A_206 = vector.extract_strided_slice %masked_cumsum3A_198 {offsets = [15], sizes = [1], strides = [1]} : vector<16xi32> to vector<1xi32>
    %squeeze3A_207 = vector.extract %slice3A_206[0] : i32 from vector<1xi32>
    %add3A_208 = arith.addi %add3A_193, %squeeze3A_207 : i32
    %get3A_209 = arith.constant 144 : index
    %get3A_210 = tpu.vector_load %arg7[%get3A_209] {strides = array<i32>} : memref<256xi32, #tpu.memory_space<vmem>>, vector<16xi32>,
    %broadcast_in_dim3A_211 = arith.constant true
    %broadcast_in_dim3A_212 = vector.broadcast %broadcast_in_dim3A_211 : i1 to vector<16xi1>
    %masked_cumsum3A_213 = tpu.scan <sum>, %get3A_210 masked %broadcast_in_dim3A_212 : vector<16xi32>, vector<16xi1> -> vector<16xi32>
    %sub3A_214 = arith.subi %masked_cumsum3A_213, %get3A_210 : vector<16xi32>
    %add3A_215 = vector.broadcast %add3A_208 : i32 to vector<16xi32>
    %add3A_216 = arith.addi %sub3A_214, %add3A_215 : vector<16xi32>
    %swap3A_217 = arith.constant 144 : index
    %swap3A_218 = tpu.vector_load %arg8[%swap3A_217] {strides = array<i32>} : memref<256xi32, #tpu.memory_space<vmem>>, vector<16xi32>,
    tpu.vector_store %arg8[%swap3A_217], %add3A_216 {strides = array<i32>} : memref<256xi32, #tpu.memory_space<vmem>>, vector<16xi32>,
    %swap3A_219 = arith.constant 144 : index
    %swap3A_220 = tpu.vector_load %arg9[%swap3A_219] {strides = array<i32>} : memref<256xi32, #tpu.memory_space<vmem>>, vector<16xi32>,
    tpu.vector_store %arg9[%swap3A_219], %add3A_216 {strides = array<i32>} : memref<256xi32, #tpu.memory_space<vmem>>, vector<16xi32>,
    %slice3A_221 = vector.extract_strided_slice %masked_cumsum3A_213 {offsets = [15], sizes = [1], strides = [1]} : vector<16xi32> to vector<1xi32>
    %squeeze3A_222 = vector.extract %slice3A_221[0] : i32 from vector<1xi32>
    %add3A_223 = arith.addi %add3A_208, %squeeze3A_222 : i32
    %get3A_224 = arith.constant 160 : index
    %get3A_225 = tpu.vector_load %arg7[%get3A_224] {strides = array<i32>} : memref<256xi32, #tpu.memory_space<vmem>>, vector<16xi32>,
    %broadcast_in_dim3A_226 = arith.constant true
    %broadcast_in_dim3A_227 = vector.broadcast %broadcast_in_dim3A_226 : i1 to vector<16xi1>
    %masked_cumsum3A_228 = tpu.scan <sum>, %get3A_225 masked %broadcast_in_dim3A_227 : vector<16xi32>, vector<16xi1> -> vector<16xi32>
    %sub3A_229 = arith.subi %masked_cumsum3A_228, %get3A_225 : vector<16xi32>
    %add3A_230 = vector.broadcast %add3A_223 : i32 to vector<16xi32>
    %add3A_231 = arith.addi %sub3A_229, %add3A_230 : vector<16xi32>
    %swap3A_232 = arith.constant 160 : index
    %swap3A_233 = tpu.vector_load %arg8[%swap3A_232] {strides = array<i32>} : memref<256xi32, #tpu.memory_space<vmem>>, vector<16xi32>,
    tpu.vector_store %arg8[%swap3A_232], %add3A_231 {strides = array<i32>} : memref<256xi32, #tpu.memory_space<vmem>>, vector<16xi32>,
    %swap3A_234 = arith.constant 160 : index
    %swap3A_235 = tpu.vector_load %arg9[%swap3A_234] {strides = array<i32>} : memref<256xi32, #tpu.memory_space<vmem>>, vector<16xi32>,
    tpu.vector_store %arg9[%swap3A_234], %add3A_231 {strides = array<i32>} : memref<256xi32, #tpu.memory_space<vmem>>, vector<16xi32>,
    %slice3A_236 = vector.extract_strided_slice %masked_cumsum3A_228 {offsets = [15], sizes = [1], strides = [1]} : vector<16xi32> to vector<1xi32>
    %squeeze3A_237 = vector.extract %slice3A_236[0] : i32 from vector<1xi32>
    %add3A_238 = arith.addi %add3A_223, %squeeze3A_237 : i32
    %get3A_239 = arith.constant 176 : index
    %get3A_240 = tpu.vector_load %arg7[%get3A_239] {strides = array<i32>} : memref<256xi32, #tpu.memory_space<vmem>>, vector<16xi32>,
    %broadcast_in_dim3A_241 = arith.constant true
    %broadcast_in_dim3A_242 = vector.broadcast %broadcast_in_dim3A_241 : i1 to vector<16xi1>
    %masked_cumsum3A_243 = tpu.scan <sum>, %get3A_240 masked %broadcast_in_dim3A_242 : vector<16xi32>, vector<16xi1> -> vector<16xi32>
    %sub3A_244 = arith.subi %masked_cumsum3A_243, %get3A_240 : vector<16xi32>
    %add3A_245 = vector.broadcast %add3A_238 : i32 to vector<16xi32>
    %add3A_246 = arith.addi %sub3A_244, %add3A_245 : vector<16xi32>
    %swap3A_247 = arith.constant 176 : index
    %swap3A_248 = tpu.vector_load %arg8[%swap3A_247] {strides = array<i32>} : memref<256xi32, #tpu.memory_space<vmem>>, vector<16xi32>,
    tpu.vector_store %arg8[%swap3A_247], %add3A_246 {strides = array<i32>} : memref<256xi32, #tpu.memory_space<vmem>>, vector<16xi32>,
    %swap3A_249 = arith.constant 176 : index
    %swap3A_250 = tpu.vector_load %arg9[%swap3A_249] {strides = array<i32>} : memref<256xi32, #tpu.memory_space<vmem>>, vector<16xi32>,
    tpu.vector_store %arg9[%swap3A_249], %add3A_246 {strides = array<i32>} : memref<256xi32, #tpu.memory_space<vmem>>, vector<16xi32>,
    %slice3A_251 = vector.extract_strided_slice %masked_cumsum3A_243 {offsets = [15], sizes = [1], strides = [1]} : vector<16xi32> to vector<1xi32>
    %squeeze3A_252 = vector.extract %slice3A_251[0] : i32 from vector<1xi32>
    %add3A_253 = arith.addi %add3A_238, %squeeze3A_252 : i32
    %get3A_254 = arith.constant 192 : index
    %get3A_255 = tpu.vector_load %arg7[%get3A_254] {strides = array<i32>} : memref<256xi32, #tpu.memory_space<vmem>>, vector<16xi32>,
    %broadcast_in_dim3A_256 = arith.constant true
    %broadcast_in_dim3A_257 = vector.broadcast %broadcast_in_dim3A_256 : i1 to vector<16xi1>
    %masked_cumsum3A_258 = tpu.scan <sum>, %get3A_255 masked %broadcast_in_dim3A_257 : vector<16xi32>, vector<16xi1> -> vector<16xi32>
    %sub3A_259 = arith.subi %masked_cumsum3A_258, %get3A_255 : vector<16xi32>
    %add3A_260 = vector.broadcast %add3A_253 : i32 to vector<16xi32>
    %add3A_261 = arith.addi %sub3A_259, %add3A_260 : vector<16xi32>
    %swap3A_262 = arith.constant 192 : index
    %swap3A_263 = tpu.vector_load %arg8[%swap3A_262] {strides = array<i32>} : memref<256xi32, #tpu.memory_space<vmem>>, vector<16xi32>,
    tpu.vector_store %arg8[%swap3A_262], %add3A_261 {strides = array<i32>} : memref<256xi32, #tpu.memory_space<vmem>>, vector<16xi32>,
    %swap3A_264 = arith.constant 192 : index
    %swap3A_265 = tpu.vector_load %arg9[%swap3A_264] {strides = array<i32>} : memref<256xi32, #tpu.memory_space<vmem>>, vector<16xi32>,
    tpu.vector_store %arg9[%swap3A_264], %add3A_261 {strides = array<i32>} : memref<256xi32, #tpu.memory_space<vmem>>, vector<16xi32>,
    %slice3A_266 = vector.extract_strided_slice %masked_cumsum3A_258 {offsets = [15], sizes = [1], strides = [1]} : vector<16xi32> to vector<1xi32>
    %squeeze3A_267 = vector.extract %slice3A_266[0] : i32 from vector<1xi32>
    %add3A_268 = arith.addi %add3A_253, %squeeze3A_267 : i32
    %get3A_269 = arith.constant 208 : index
    %get3A_270 = tpu.vector_load %arg7[%get3A_269] {strides = array<i32>} : memref<256xi32, #tpu.memory_space<vmem>>, vector<16xi32>,
    %broadcast_in_dim3A_271 = arith.constant true
    %broadcast_in_dim3A_272 = vector.broadcast %broadcast_in_dim3A_271 : i1 to vector<16xi1>
    %masked_cumsum3A_273 = tpu.scan <sum>, %get3A_270 masked %broadcast_in_dim3A_272 : vector<16xi32>, vector<16xi1> -> vector<16xi32>
    %sub3A_274 = arith.subi %masked_cumsum3A_273, %get3A_270 : vector<16xi32>
    %add3A_275 = vector.broadcast %add3A_268 : i32 to vector<16xi32>
    %add3A_276 = arith.addi %sub3A_274, %add3A_275 : vector<16xi32>
    %swap3A_277 = arith.constant 208 : index
    %swap3A_278 = tpu.vector_load %arg8[%swap3A_277] {strides = array<i32>} : memref<256xi32, #tpu.memory_space<vmem>>, vector<16xi32>,
    tpu.vector_store %arg8[%swap3A_277], %add3A_276 {strides = array<i32>} : memref<256xi32, #tpu.memory_space<vmem>>, vector<16xi32>,
    %swap3A_279 = arith.constant 208 : index
    %swap3A_280 = tpu.vector_load %arg9[%swap3A_279] {strides = array<i32>} : memref<256xi32, #tpu.memory_space<vmem>>, vector<16xi32>,
    tpu.vector_store %arg9[%swap3A_279], %add3A_276 {strides = array<i32>} : memref<256xi32, #tpu.memory_space<vmem>>, vector<16xi32>,
    %slice3A_281 = vector.extract_strided_slice %masked_cumsum3A_273 {offsets = [15], sizes = [1], strides = [1]} : vector<16xi32> to vector<1xi32>
    %squeeze3A_282 = vector.extract %slice3A_281[0] : i32 from vector<1xi32>
    %add3A_283 = arith.addi %add3A_268, %squeeze3A_282 : i32
    %get3A_284 = arith.constant 224 : index
    %get3A_285 = tpu.vector_load %arg7[%get3A_284] {strides = array<i32>} : memref<256xi32, #tpu.memory_space<vmem>>, vector<16xi32>,
    %broadcast_in_dim3A_286 = arith.constant true
    %broadcast_in_dim3A_287 = vector.broadcast %broadcast_in_dim3A_286 : i1 to vector<16xi1>
    %masked_cumsum3A_288 = tpu.scan <sum>, %get3A_285 masked %broadcast_in_dim3A_287 : vector<16xi32>, vector<16xi1> -> vector<16xi32>
    %sub3A_289 = arith.subi %masked_cumsum3A_288, %get3A_285 : vector<16xi32>
    %add3A_290 = vector.broadcast %add3A_283 : i32 to vector<16xi32>
    %add3A_291 = arith.addi %sub3A_289, %add3A_290 : vector<16xi32>
    %swap3A_292 = arith.constant 224 : index
    %swap3A_293 = tpu.vector_load %arg8[%swap3A_292] {strides = array<i32>} : memref<256xi32, #tpu.memory_space<vmem>>, vector<16xi32>,
    tpu.vector_store %arg8[%swap3A_292], %add3A_291 {strides = array<i32>} : memref<256xi32, #tpu.memory_space<vmem>>, vector<16xi32>,
    %swap3A_294 = arith.constant 224 : index
    %swap3A_295 = tpu.vector_load %arg9[%swap3A_294] {strides = array<i32>} : memref<256xi32, #tpu.memory_space<vmem>>, vector<16xi32>,
    tpu.vector_store %arg9[%swap3A_294], %add3A_291 {strides = array<i32>} : memref<256xi32, #tpu.memory_space<vmem>>, vector<16xi32>,
    %slice3A_296 = vector.extract_strided_slice %masked_cumsum3A_288 {offsets = [15], sizes = [1], strides = [1]} : vector<16xi32> to vector<1xi32>
    %squeeze3A_297 = vector.extract %slice3A_296[0] : i32 from vector<1xi32>
    %add3A_298 = arith.addi %add3A_283, %squeeze3A_297 : i32
    %get3A_299 = arith.constant 240 : index
    %get3A_300 = tpu.vector_load %arg7[%get3A_299] {strides = array<i32>} : memref<256xi32, #tpu.memory_space<vmem>>, vector<16xi32>,
    %broadcast_in_dim3A_301 = arith.constant true
    %broadcast_in_dim3A_302 = vector.broadcast %broadcast_in_dim3A_301 : i1 to vector<16xi1>
    %masked_cumsum3A_303 = tpu.scan <sum>, %get3A_300 masked %broadcast_in_dim3A_302 : vector<16xi32>, vector<16xi1> -> vector<16xi32>
    %sub3A_304 = arith.subi %masked_cumsum3A_303, %get3A_300 : vector<16xi32>
    %add3A_305 = vector.broadcast %add3A_298 : i32 to vector<16xi32>
    %add3A_306 = arith.addi %sub3A_304, %add3A_305 : vector<16xi32>
    %swap3A_307 = arith.constant 240 : index
    %swap3A_308 = tpu.vector_load %arg8[%swap3A_307] {strides = array<i32>} : memref<256xi32, #tpu.memory_space<vmem>>, vector<16xi32>,
    tpu.vector_store %arg8[%swap3A_307], %add3A_306 {strides = array<i32>} : memref<256xi32, #tpu.memory_space<vmem>>, vector<16xi32>,
    %swap3A_309 = arith.constant 240 : index
    %swap3A_310 = tpu.vector_load %arg9[%swap3A_309] {strides = array<i32>} : memref<256xi32, #tpu.memory_space<vmem>>, vector<16xi32>,
    tpu.vector_store %arg9[%swap3A_309], %add3A_306 {strides = array<i32>} : memref<256xi32, #tpu.memory_space<vmem>>, vector<16xi32>,
    %slice3A_311 = vector.extract_strided_slice %masked_cumsum3A_303 {offsets = [15], sizes = [1], strides = [1]} : vector<16xi32> to vector<1xi32>
    %squeeze3A_312 = vector.extract %slice3A_311[0] : i32 from vector<1xi32>
    %add3A_313 = arith.addi %add3A_298, %squeeze3A_312 : i32
    %broadcast_in_dim3A_314 = arith.constant 0 : i32
    %broadcast_in_dim3A_315 = vector.broadcast %broadcast_in_dim3A_314 : i32 to vector<16xi32>
    %gather3A = tpu.vector_load_idx %arg7[%broadcast_in_dim3A_315] : memref<256xi32, #tpu.memory_space<vmem>>[vector<16xi32>], vector<16xi32>,
    %slice3A_316 = vector.extract_strided_slice %gather3A {offsets = [0], sizes = [1], strides = [1]} : vector<16xi32> to vector<1xi32>
    %squeeze3A_317 = vector.extract %slice3A_316[0] : i32 from vector<1xi32>
    %lt3A = arith.constant 0 : i32
    %lt3A_318 = arith.cmpi slt, %lt3A, %min3A_6 : i32
    %gt3A = arith.constant 0 : i32
    %gt3A_319 = arith.cmpi sgt, %squeeze3A_317, %gt3A : i32
    %and3A = arith.andi %lt3A_318, %gt3A_319 : i1
    %convert_element_type3A = arith.extui %and3A : i1 to i32
    %cond3A = arith.constant 0 : i32
    %cond3A_320 = arith.constant 0 : i32
    %cond3A_321 = arith.cmpi ne, %convert_element_type3A, %cond3A_320 : i32
    scf.if %cond3A_321 {
      %add3A_467 = arith.addi %add3A_4, %cond3A : i32
      %mul3A_468 = arith.constant 128 : i32
      %mul3A_469 = arith.muli %add3A_467, %mul3A_468 : i32
      %multiple_of3A = tpu.assume_multiple %mul3A_469, 128 : i32
      %dma_start3A = arith.constant 0 : i32
      %dma_start3A_470 = arith.constant 0 : i32
      %dma_start3A_471 = arith.constant 0 : i32
      %dma_start3A_472 = tpu.memref_slice %arg10[%dma_start3A, %dma_start3A_470, %dma_start3A_471] : memref<9x64x128xf32, #tpu.memory_space<vmem>> -> memref<1x64x128xf32, #tpu.memory_space<vmem>>
      %dma_start3A_473 = tpu.memref_squeeze %dma_start3A_472 : memref<1x64x128xf32, #tpu.memory_space<vmem>> -> memref<64x128xf32, #tpu.memory_space<vmem>>
      %dma_start3A_474 = arith.constant 0 : i32
      %dma_start3A_475 = tpu.memref_slice %arg2[%dma_start3A_474, %multiple_of3A] : memref<64x1077001xf32, #tpu.memory_space<hbm>> -> memref<64x128xf32, #tpu.memory_space<hbm>>
      %dma_start3A_476 = arith.constant 0 : i32
      %dma_start3A_477 = arith.constant 0 : i32
      %dma_start3A_478 = tpu.memref_slice %arg10[%dma_start3A, %dma_start3A_476, %dma_start3A_477] : memref<9x64x128xf32, #tpu.memory_space<vmem>> -> memref<1x64x128xf32, #tpu.memory_space<vmem>>
      %dma_start3A_479 = tpu.memref_squeeze %dma_start3A_478 : memref<1x64x128xf32, #tpu.memory_space<vmem>> -> memref<64x128xf32, #tpu.memory_space<vmem>>
      %dma_start3A_480 = arith.constant 0 : i32
      %dma_start3A_481 = tpu.memref_slice %arg2[%dma_start3A_480, %multiple_of3A] : memref<64x1077001xf32, #tpu.memory_space<hbm>> -> memref<64x128xf32, #tpu.memory_space<hbm>>
      tpu.enqueue_dma source(%dma_start3A_481 : memref<64x128xf32, #tpu.memory_space<hbm>>) target(%dma_start3A_479 : memref<64x128xf32, #tpu.memory_space<vmem>>) target_semaphore(%arg12 : memref<!tpu.dma_semaphore, #tpu.memory_space<semaphore_mem>>)
    } else {
    }
    %broadcast_in_dim3A_322 = arith.constant 1 : i32
    %broadcast_in_dim3A_323 = vector.broadcast %broadcast_in_dim3A_322 : i32 to vector<16xi32>
    %gather3A_324 = tpu.vector_load_idx %arg7[%broadcast_in_dim3A_323] : memref<256xi32, #tpu.memory_space<vmem>>[vector<16xi32>], vector<16xi32>,
    %slice3A_325 = vector.extract_strided_slice %gather3A_324 {offsets = [0], sizes = [1], strides = [1]} : vector<16xi32> to vector<1xi32>
    %squeeze3A_326 = vector.extract %slice3A_325[0] : i32 from vector<1xi32>
    %lt3A_327 = arith.constant 1 : i32
    %lt3A_328 = arith.cmpi slt, %lt3A_327, %min3A_6 : i32
    %gt3A_329 = arith.constant 0 : i32
    %gt3A_330 = arith.cmpi sgt, %squeeze3A_326, %gt3A_329 : i32
    %and3A_331 = arith.andi %lt3A_328, %gt3A_330 : i1
    %convert_element_type3A_332 = arith.extui %and3A_331 : i1 to i32
    %cond3A_333 = arith.constant 1 : i32
    %cond3A_334 = arith.constant 0 : i32
    %cond3A_335 = arith.cmpi ne, %convert_element_type3A_332, %cond3A_334 : i32
    scf.if %cond3A_335 {
      %add3A_467 = arith.addi %add3A_4, %cond3A_333 : i32
      %mul3A_468 = arith.constant 128 : i32
      %mul3A_469 = arith.muli %add3A_467, %mul3A_468 : i32
      %multiple_of3A = tpu.assume_multiple %mul3A_469, 128 : i32
      %dma_start3A = arith.constant 1 : i32
      %dma_start3A_470 = arith.constant 0 : i32
      %dma_start3A_471 = arith.constant 0 : i32
      %dma_start3A_472 = tpu.memref_slice %arg10[%dma_start3A, %dma_start3A_470, %dma_start3A_471] : memref<9x64x128xf32, #tpu.memory_space<vmem>> -> memref<1x64x128xf32, #tpu.memory_space<vmem>>
      %dma_start3A_473 = tpu.memref_squeeze %dma_start3A_472 : memref<1x64x128xf32, #tpu.memory_space<vmem>> -> memref<64x128xf32, #tpu.memory_space<vmem>>
      %dma_start3A_474 = arith.constant 0 : i32
      %dma_start3A_475 = tpu.memref_slice %arg2[%dma_start3A_474, %multiple_of3A] : memref<64x1077001xf32, #tpu.memory_space<hbm>> -> memref<64x128xf32, #tpu.memory_space<hbm>>
      %dma_start3A_476 = arith.constant 0 : i32
      %dma_start3A_477 = arith.constant 0 : i32
      %dma_start3A_478 = tpu.memref_slice %arg10[%dma_start3A, %dma_start3A_476, %dma_start3A_477] : memref<9x64x128xf32, #tpu.memory_space<vmem>> -> memref<1x64x128xf32, #tpu.memory_space<vmem>>
      %dma_start3A_479 = tpu.memref_squeeze %dma_start3A_478 : memref<1x64x128xf32, #tpu.memory_space<vmem>> -> memref<64x128xf32, #tpu.memory_space<vmem>>
      %dma_start3A_480 = arith.constant 0 : i32
      %dma_start3A_481 = tpu.memref_slice %arg2[%dma_start3A_480, %multiple_of3A] : memref<64x1077001xf32, #tpu.memory_space<hbm>> -> memref<64x128xf32, #tpu.memory_space<hbm>>
      tpu.enqueue_dma source(%dma_start3A_481 : memref<64x128xf32, #tpu.memory_space<hbm>>) target(%dma_start3A_479 : memref<64x128xf32, #tpu.memory_space<vmem>>) target_semaphore(%arg13 : memref<!tpu.dma_semaphore, #tpu.memory_space<semaphore_mem>>)
    } else {
    }
    %broadcast_in_dim3A_336 = arith.constant 2 : i32
    %broadcast_in_dim3A_337 = vector.broadcast %broadcast_in_dim3A_336 : i32 to vector<16xi32>
    %gather3A_338 = tpu.vector_load_idx %arg7[%broadcast_in_dim3A_337] : memref<256xi32, #tpu.memory_space<vmem>>[vector<16xi32>], vector<16xi32>,
    %slice3A_339 = vector.extract_strided_slice %gather3A_338 {offsets = [0], sizes = [1], strides = [1]} : vector<16xi32> to vector<1xi32>
    %squeeze3A_340 = vector.extract %slice3A_339[0] : i32 from vector<1xi32>
    %lt3A_341 = arith.constant 2 : i32
    %lt3A_342 = arith.cmpi slt, %lt3A_341, %min3A_6 : i32
    %gt3A_343 = arith.constant 0 : i32
    %gt3A_344 = arith.cmpi sgt, %squeeze3A_340, %gt3A_343 : i32
    %and3A_345 = arith.andi %lt3A_342, %gt3A_344 : i1
    %convert_element_type3A_346 = arith.extui %and3A_345 : i1 to i32
    %cond3A_347 = arith.constant 2 : i32
    %cond3A_348 = arith.constant 0 : i32
    %cond3A_349 = arith.cmpi ne, %convert_element_type3A_346, %cond3A_348 : i32
    scf.if %cond3A_349 {
      %add3A_467 = arith.addi %add3A_4, %cond3A_347 : i32
      %mul3A_468 = arith.constant 128 : i32
      %mul3A_469 = arith.muli %add3A_467, %mul3A_468 : i32
      %multiple_of3A = tpu.assume_multiple %mul3A_469, 128 : i32
      %dma_start3A = arith.constant 2 : i32
      %dma_start3A_470 = arith.constant 0 : i32
      %dma_start3A_471 = arith.constant 0 : i32
      %dma_start3A_472 = tpu.memref_slice %arg10[%dma_start3A, %dma_start3A_470, %dma_start3A_471] : memref<9x64x128xf32, #tpu.memory_space<vmem>> -> memref<1x64x128xf32, #tpu.memory_space<vmem>>
      %dma_start3A_473 = tpu.memref_squeeze %dma_start3A_472 : memref<1x64x128xf32, #tpu.memory_space<vmem>> -> memref<64x128xf32, #tpu.memory_space<vmem>>
      %dma_start3A_474 = arith.constant 0 : i32
      %dma_start3A_475 = tpu.memref_slice %arg2[%dma_start3A_474, %multiple_of3A] : memref<64x1077001xf32, #tpu.memory_space<hbm>> -> memref<64x128xf32, #tpu.memory_space<hbm>>
      %dma_start3A_476 = arith.constant 0 : i32
      %dma_start3A_477 = arith.constant 0 : i32
      %dma_start3A_478 = tpu.memref_slice %arg10[%dma_start3A, %dma_start3A_476, %dma_start3A_477] : memref<9x64x128xf32, #tpu.memory_space<vmem>> -> memref<1x64x128xf32, #tpu.memory_space<vmem>>
      %dma_start3A_479 = tpu.memref_squeeze %dma_start3A_478 : memref<1x64x128xf32, #tpu.memory_space<vmem>> -> memref<64x128xf32, #tpu.memory_space<vmem>>
      %dma_start3A_480 = arith.constant 0 : i32
      %dma_start3A_481 = tpu.memref_slice %arg2[%dma_start3A_480, %multiple_of3A] : memref<64x1077001xf32, #tpu.memory_space<hbm>> -> memref<64x128xf32, #tpu.memory_space<hbm>>
      tpu.enqueue_dma source(%dma_start3A_481 : memref<64x128xf32, #tpu.memory_space<hbm>>) target(%dma_start3A_479 : memref<64x128xf32, #tpu.memory_space<vmem>>) target_semaphore(%arg14 : memref<!tpu.dma_semaphore, #tpu.memory_space<semaphore_mem>>)
    } else {
    }
    %broadcast_in_dim3A_350 = arith.constant 3 : i32
    %broadcast_in_dim3A_351 = vector.broadcast %broadcast_in_dim3A_350 : i32 to vector<16xi32>
    %gather3A_352 = tpu.vector_load_idx %arg7[%broadcast_in_dim3A_351] : memref<256xi32, #tpu.memory_space<vmem>>[vector<16xi32>], vector<16xi32>,
    %slice3A_353 = vector.extract_strided_slice %gather3A_352 {offsets = [0], sizes = [1], strides = [1]} : vector<16xi32> to vector<1xi32>
    %squeeze3A_354 = vector.extract %slice3A_353[0] : i32 from vector<1xi32>
    %lt3A_355 = arith.constant 3 : i32
    %lt3A_356 = arith.cmpi slt, %lt3A_355, %min3A_6 : i32
    %gt3A_357 = arith.constant 0 : i32
    %gt3A_358 = arith.cmpi sgt, %squeeze3A_354, %gt3A_357 : i32
    %and3A_359 = arith.andi %lt3A_356, %gt3A_358 : i1
    %convert_element_type3A_360 = arith.extui %and3A_359 : i1 to i32
    %cond3A_361 = arith.constant 3 : i32
    %cond3A_362 = arith.constant 0 : i32
    %cond3A_363 = arith.cmpi ne, %convert_element_type3A_360, %cond3A_362 : i32
    scf.if %cond3A_363 {
      %add3A_467 = arith.addi %add3A_4, %cond3A_361 : i32
      %mul3A_468 = arith.constant 128 : i32
      %mul3A_469 = arith.muli %add3A_467, %mul3A_468 : i32
      %multiple_of3A = tpu.assume_multiple %mul3A_469, 128 : i32
      %dma_start3A = arith.constant 3 : i32
      %dma_start3A_470 = arith.constant 0 : i32
      %dma_start3A_471 = arith.constant 0 : i32
      %dma_start3A_472 = tpu.memref_slice %arg10[%dma_start3A, %dma_start3A_470, %dma_start3A_471] : memref<9x64x128xf32, #tpu.memory_space<vmem>> -> memref<1x64x128xf32, #tpu.memory_space<vmem>>
      %dma_start3A_473 = tpu.memref_squeeze %dma_start3A_472 : memref<1x64x128xf32, #tpu.memory_space<vmem>> -> memref<64x128xf32, #tpu.memory_space<vmem>>
      %dma_start3A_474 = arith.constant 0 : i32
      %dma_start3A_475 = tpu.memref_slice %arg2[%dma_start3A_474, %multiple_of3A] : memref<64x1077001xf32, #tpu.memory_space<hbm>> -> memref<64x128xf32, #tpu.memory_space<hbm>>
      %dma_start3A_476 = arith.constant 0 : i32
      %dma_start3A_477 = arith.constant 0 : i32
      %dma_start3A_478 = tpu.memref_slice %arg10[%dma_start3A, %dma_start3A_476, %dma_start3A_477] : memref<9x64x128xf32, #tpu.memory_space<vmem>> -> memref<1x64x128xf32, #tpu.memory_space<vmem>>
      %dma_start3A_479 = tpu.memref_squeeze %dma_start3A_478 : memref<1x64x128xf32, #tpu.memory_space<vmem>> -> memref<64x128xf32, #tpu.memory_space<vmem>>
      %dma_start3A_480 = arith.constant 0 : i32
      %dma_start3A_481 = tpu.memref_slice %arg2[%dma_start3A_480, %multiple_of3A] : memref<64x1077001xf32, #tpu.memory_space<hbm>> -> memref<64x128xf32, #tpu.memory_space<hbm>>
      tpu.enqueue_dma source(%dma_start3A_481 : memref<64x128xf32, #tpu.memory_space<hbm>>) target(%dma_start3A_479 : memref<64x128xf32, #tpu.memory_space<vmem>>) target_semaphore(%arg15 : memref<!tpu.dma_semaphore, #tpu.memory_space<semaphore_mem>>)
    } else {
    }
    %broadcast_in_dim3A_364 = arith.constant 4 : i32
    %broadcast_in_dim3A_365 = vector.broadcast %broadcast_in_dim3A_364 : i32 to vector<16xi32>
    %gather3A_366 = tpu.vector_load_idx %arg7[%broadcast_in_dim3A_365] : memref<256xi32, #tpu.memory_space<vmem>>[vector<16xi32>], vector<16xi32>,
    %slice3A_367 = vector.extract_strided_slice %gather3A_366 {offsets = [0], sizes = [1], strides = [1]} : vector<16xi32> to vector<1xi32>
    %squeeze3A_368 = vector.extract %slice3A_367[0] : i32 from vector<1xi32>
    %lt3A_369 = arith.constant 4 : i32
    %lt3A_370 = arith.cmpi slt, %lt3A_369, %min3A_6 : i32
    %gt3A_371 = arith.constant 0 : i32
    %gt3A_372 = arith.cmpi sgt, %squeeze3A_368, %gt3A_371 : i32
    %and3A_373 = arith.andi %lt3A_370, %gt3A_372 : i1
    %convert_element_type3A_374 = arith.extui %and3A_373 : i1 to i32
    %cond3A_375 = arith.constant 4 : i32
    %cond3A_376 = arith.constant 0 : i32
    %cond3A_377 = arith.cmpi ne, %convert_element_type3A_374, %cond3A_376 : i32
    scf.if %cond3A_377 {
      %add3A_467 = arith.addi %add3A_4, %cond3A_375 : i32
      %mul3A_468 = arith.constant 128 : i32
      %mul3A_469 = arith.muli %add3A_467, %mul3A_468 : i32
      %multiple_of3A = tpu.assume_multiple %mul3A_469, 128 : i32
      %dma_start3A = arith.constant 4 : i32
      %dma_start3A_470 = arith.constant 0 : i32
      %dma_start3A_471 = arith.constant 0 : i32
      %dma_start3A_472 = tpu.memref_slice %arg10[%dma_start3A, %dma_start3A_470, %dma_start3A_471] : memref<9x64x128xf32, #tpu.memory_space<vmem>> -> memref<1x64x128xf32, #tpu.memory_space<vmem>>
      %dma_start3A_473 = tpu.memref_squeeze %dma_start3A_472 : memref<1x64x128xf32, #tpu.memory_space<vmem>> -> memref<64x128xf32, #tpu.memory_space<vmem>>
      %dma_start3A_474 = arith.constant 0 : i32
      %dma_start3A_475 = tpu.memref_slice %arg2[%dma_start3A_474, %multiple_of3A] : memref<64x1077001xf32, #tpu.memory_space<hbm>> -> memref<64x128xf32, #tpu.memory_space<hbm>>
      %dma_start3A_476 = arith.constant 0 : i32
      %dma_start3A_477 = arith.constant 0 : i32
      %dma_start3A_478 = tpu.memref_slice %arg10[%dma_start3A, %dma_start3A_476, %dma_start3A_477] : memref<9x64x128xf32, #tpu.memory_space<vmem>> -> memref<1x64x128xf32, #tpu.memory_space<vmem>>
      %dma_start3A_479 = tpu.memref_squeeze %dma_start3A_478 : memref<1x64x128xf32, #tpu.memory_space<vmem>> -> memref<64x128xf32, #tpu.memory_space<vmem>>
      %dma_start3A_480 = arith.constant 0 : i32
      %dma_start3A_481 = tpu.memref_slice %arg2[%dma_start3A_480, %multiple_of3A] : memref<64x1077001xf32, #tpu.memory_space<hbm>> -> memref<64x128xf32, #tpu.memory_space<hbm>>
      tpu.enqueue_dma source(%dma_start3A_481 : memref<64x128xf32, #tpu.memory_space<hbm>>) target(%dma_start3A_479 : memref<64x128xf32, #tpu.memory_space<vmem>>) target_semaphore(%arg16 : memref<!tpu.dma_semaphore, #tpu.memory_space<semaphore_mem>>)
    } else {
    }
    %broadcast_in_dim3A_378 = arith.constant 5 : i32
    %broadcast_in_dim3A_379 = vector.broadcast %broadcast_in_dim3A_378 : i32 to vector<16xi32>
    %gather3A_380 = tpu.vector_load_idx %arg7[%broadcast_in_dim3A_379] : memref<256xi32, #tpu.memory_space<vmem>>[vector<16xi32>], vector<16xi32>,
    %slice3A_381 = vector.extract_strided_slice %gather3A_380 {offsets = [0], sizes = [1], strides = [1]} : vector<16xi32> to vector<1xi32>
    %squeeze3A_382 = vector.extract %slice3A_381[0] : i32 from vector<1xi32>
    %lt3A_383 = arith.constant 5 : i32
    %lt3A_384 = arith.cmpi slt, %lt3A_383, %min3A_6 : i32
    %gt3A_385 = arith.constant 0 : i32
    %gt3A_386 = arith.cmpi sgt, %squeeze3A_382, %gt3A_385 : i32
    %and3A_387 = arith.andi %lt3A_384, %gt3A_386 : i1
    %convert_element_type3A_388 = arith.extui %and3A_387 : i1 to i32
    %cond3A_389 = arith.constant 5 : i32
    %cond3A_390 = arith.constant 0 : i32
    %cond3A_391 = arith.cmpi ne, %convert_element_type3A_388, %cond3A_390 : i32
    scf.if %cond3A_391 {
      %add3A_467 = arith.addi %add3A_4, %cond3A_389 : i32
      %mul3A_468 = arith.constant 128 : i32
      %mul3A_469 = arith.muli %add3A_467, %mul3A_468 : i32
      %multiple_of3A = tpu.assume_multiple %mul3A_469, 128 : i32
      %dma_start3A = arith.constant 5 : i32
      %dma_start3A_470 = arith.constant 0 : i32
      %dma_start3A_471 = arith.constant 0 : i32
      %dma_start3A_472 = tpu.memref_slice %arg10[%dma_start3A, %dma_start3A_470, %dma_start3A_471] : memref<9x64x128xf32, #tpu.memory_space<vmem>> -> memref<1x64x128xf32, #tpu.memory_space<vmem>>
      %dma_start3A_473 = tpu.memref_squeeze %dma_start3A_472 : memref<1x64x128xf32, #tpu.memory_space<vmem>> -> memref<64x128xf32, #tpu.memory_space<vmem>>
      %dma_start3A_474 = arith.constant 0 : i32
      %dma_start3A_475 = tpu.memref_slice %arg2[%dma_start3A_474, %multiple_of3A] : memref<64x1077001xf32, #tpu.memory_space<hbm>> -> memref<64x128xf32, #tpu.memory_space<hbm>>
      %dma_start3A_476 = arith.constant 0 : i32
      %dma_start3A_477 = arith.constant 0 : i32
      %dma_start3A_478 = tpu.memref_slice %arg10[%dma_start3A, %dma_start3A_476, %dma_start3A_477] : memref<9x64x128xf32, #tpu.memory_space<vmem>> -> memref<1x64x128xf32, #tpu.memory_space<vmem>>
      %dma_start3A_479 = tpu.memref_squeeze %dma_start3A_478 : memref<1x64x128xf32, #tpu.memory_space<vmem>> -> memref<64x128xf32, #tpu.memory_space<vmem>>
      %dma_start3A_480 = arith.constant 0 : i32
      %dma_start3A_481 = tpu.memref_slice %arg2[%dma_start3A_480, %multiple_of3A] : memref<64x1077001xf32, #tpu.memory_space<hbm>> -> memref<64x128xf32, #tpu.memory_space<hbm>>
      tpu.enqueue_dma source(%dma_start3A_481 : memref<64x128xf32, #tpu.memory_space<hbm>>) target(%dma_start3A_479 : memref<64x128xf32, #tpu.memory_space<vmem>>) target_semaphore(%arg17 : memref<!tpu.dma_semaphore, #tpu.memory_space<semaphore_mem>>)
    } else {
    }
    %broadcast_in_dim3A_392 = arith.constant 6 : i32
    %broadcast_in_dim3A_393 = vector.broadcast %broadcast_in_dim3A_392 : i32 to vector<16xi32>
    %gather3A_394 = tpu.vector_load_idx %arg7[%broadcast_in_dim3A_393] : memref<256xi32, #tpu.memory_space<vmem>>[vector<16xi32>], vector<16xi32>,
    %slice3A_395 = vector.extract_strided_slice %gather3A_394 {offsets = [0], sizes = [1], strides = [1]} : vector<16xi32> to vector<1xi32>
    %squeeze3A_396 = vector.extract %slice3A_395[0] : i32 from vector<1xi32>
    %lt3A_397 = arith.constant 6 : i32
    %lt3A_398 = arith.cmpi slt, %lt3A_397, %min3A_6 : i32
    %gt3A_399 = arith.constant 0 : i32
    %gt3A_400 = arith.cmpi sgt, %squeeze3A_396, %gt3A_399 : i32
    %and3A_401 = arith.andi %lt3A_398, %gt3A_400 : i1
    %convert_element_type3A_402 = arith.extui %and3A_401 : i1 to i32
    %cond3A_403 = arith.constant 6 : i32
    %cond3A_404 = arith.constant 0 : i32
    %cond3A_405 = arith.cmpi ne, %convert_element_type3A_402, %cond3A_404 : i32
    scf.if %cond3A_405 {
      %add3A_467 = arith.addi %add3A_4, %cond3A_403 : i32
      %mul3A_468 = arith.constant 128 : i32
      %mul3A_469 = arith.muli %add3A_467, %mul3A_468 : i32
      %multiple_of3A = tpu.assume_multiple %mul3A_469, 128 : i32
      %dma_start3A = arith.constant 6 : i32
      %dma_start3A_470 = arith.constant 0 : i32
      %dma_start3A_471 = arith.constant 0 : i32
      %dma_start3A_472 = tpu.memref_slice %arg10[%dma_start3A, %dma_start3A_470, %dma_start3A_471] : memref<9x64x128xf32, #tpu.memory_space<vmem>> -> memref<1x64x128xf32, #tpu.memory_space<vmem>>
      %dma_start3A_473 = tpu.memref_squeeze %dma_start3A_472 : memref<1x64x128xf32, #tpu.memory_space<vmem>> -> memref<64x128xf32, #tpu.memory_space<vmem>>
      %dma_start3A_474 = arith.constant 0 : i32
      %dma_start3A_475 = tpu.memref_slice %arg2[%dma_start3A_474, %multiple_of3A] : memref<64x1077001xf32, #tpu.memory_space<hbm>> -> memref<64x128xf32, #tpu.memory_space<hbm>>
      %dma_start3A_476 = arith.constant 0 : i32
      %dma_start3A_477 = arith.constant 0 : i32
      %dma_start3A_478 = tpu.memref_slice %arg10[%dma_start3A, %dma_start3A_476, %dma_start3A_477] : memref<9x64x128xf32, #tpu.memory_space<vmem>> -> memref<1x64x128xf32, #tpu.memory_space<vmem>>
      %dma_start3A_479 = tpu.memref_squeeze %dma_start3A_478 : memref<1x64x128xf32, #tpu.memory_space<vmem>> -> memref<64x128xf32, #tpu.memory_space<vmem>>
      %dma_start3A_480 = arith.constant 0 : i32
      %dma_start3A_481 = tpu.memref_slice %arg2[%dma_start3A_480, %multiple_of3A] : memref<64x1077001xf32, #tpu.memory_space<hbm>> -> memref<64x128xf32, #tpu.memory_space<hbm>>
      tpu.enqueue_dma source(%dma_start3A_481 : memref<64x128xf32, #tpu.memory_space<hbm>>) target(%dma_start3A_479 : memref<64x128xf32, #tpu.memory_space<vmem>>) target_semaphore(%arg18 : memref<!tpu.dma_semaphore, #tpu.memory_space<semaphore_mem>>)
    } else {
    }
    %broadcast_in_dim3A_406 = arith.constant 7 : i32
    %broadcast_in_dim3A_407 = vector.broadcast %broadcast_in_dim3A_406 : i32 to vector<16xi32>
    %gather3A_408 = tpu.vector_load_idx %arg7[%broadcast_in_dim3A_407] : memref<256xi32, #tpu.memory_space<vmem>>[vector<16xi32>], vector<16xi32>,
    %slice3A_409 = vector.extract_strided_slice %gather3A_408 {offsets = [0], sizes = [1], strides = [1]} : vector<16xi32> to vector<1xi32>
    %squeeze3A_410 = vector.extract %slice3A_409[0] : i32 from vector<1xi32>
    %lt3A_411 = arith.constant 7 : i32
    %lt3A_412 = arith.cmpi slt, %lt3A_411, %min3A_6 : i32
    %gt3A_413 = arith.constant 0 : i32
    %gt3A_414 = arith.cmpi sgt, %squeeze3A_410, %gt3A_413 : i32
    %and3A_415 = arith.andi %lt3A_412, %gt3A_414 : i1
    %convert_element_type3A_416 = arith.extui %and3A_415 : i1 to i32
    %cond3A_417 = arith.constant 7 : i32
    %cond3A_418 = arith.constant 0 : i32
    %cond3A_419 = arith.cmpi ne, %convert_element_type3A_416, %cond3A_418 : i32
    scf.if %cond3A_419 {
      %add3A_467 = arith.addi %add3A_4, %cond3A_417 : i32
      %mul3A_468 = arith.constant 128 : i32
      %mul3A_469 = arith.muli %add3A_467, %mul3A_468 : i32
      %multiple_of3A = tpu.assume_multiple %mul3A_469, 128 : i32
      %dma_start3A = arith.constant 7 : i32
      %dma_start3A_470 = arith.constant 0 : i32
      %dma_start3A_471 = arith.constant 0 : i32
      %dma_start3A_472 = tpu.memref_slice %arg10[%dma_start3A, %dma_start3A_470, %dma_start3A_471] : memref<9x64x128xf32, #tpu.memory_space<vmem>> -> memref<1x64x128xf32, #tpu.memory_space<vmem>>
      %dma_start3A_473 = tpu.memref_squeeze %dma_start3A_472 : memref<1x64x128xf32, #tpu.memory_space<vmem>> -> memref<64x128xf32, #tpu.memory_space<vmem>>
      %dma_start3A_474 = arith.constant 0 : i32
      %dma_start3A_475 = tpu.memref_slice %arg2[%dma_start3A_474, %multiple_of3A] : memref<64x1077001xf32, #tpu.memory_space<hbm>> -> memref<64x128xf32, #tpu.memory_space<hbm>>
      %dma_start3A_476 = arith.constant 0 : i32
      %dma_start3A_477 = arith.constant 0 : i32
      %dma_start3A_478 = tpu.memref_slice %arg10[%dma_start3A, %dma_start3A_476, %dma_start3A_477] : memref<9x64x128xf32, #tpu.memory_space<vmem>> -> memref<1x64x128xf32, #tpu.memory_space<vmem>>
      %dma_start3A_479 = tpu.memref_squeeze %dma_start3A_478 : memref<1x64x128xf32, #tpu.memory_space<vmem>> -> memref<64x128xf32, #tpu.memory_space<vmem>>
      %dma_start3A_480 = arith.constant 0 : i32
      %dma_start3A_481 = tpu.memref_slice %arg2[%dma_start3A_480, %multiple_of3A] : memref<64x1077001xf32, #tpu.memory_space<hbm>> -> memref<64x128xf32, #tpu.memory_space<hbm>>
      tpu.enqueue_dma source(%dma_start3A_481 : memref<64x128xf32, #tpu.memory_space<hbm>>) target(%dma_start3A_479 : memref<64x128xf32, #tpu.memory_space<vmem>>) target_semaphore(%arg19 : memref<!tpu.dma_semaphore, #tpu.memory_space<semaphore_mem>>)
    } else {
    }
    %broadcast_in_dim3A_420 = arith.constant 8 : i32
    %broadcast_in_dim3A_421 = vector.broadcast %broadcast_in_dim3A_420 : i32 to vector<16xi32>
    %gather3A_422 = tpu.vector_load_idx %arg7[%broadcast_in_dim3A_421] : memref<256xi32, #tpu.memory_space<vmem>>[vector<16xi32>], vector<16xi32>,
    %slice3A_423 = vector.extract_strided_slice %gather3A_422 {offsets = [0], sizes = [1], strides = [1]} : vector<16xi32> to vector<1xi32>
    %squeeze3A_424 = vector.extract %slice3A_423[0] : i32 from vector<1xi32>
    %lt3A_425 = arith.constant 8 : i32
    %lt3A_426 = arith.cmpi slt, %lt3A_425, %min3A_6 : i32
    %gt3A_427 = arith.constant 0 : i32
    %gt3A_428 = arith.cmpi sgt, %squeeze3A_424, %gt3A_427 : i32
    %and3A_429 = arith.andi %lt3A_426, %gt3A_428 : i1
    %convert_element_type3A_430 = arith.extui %and3A_429 : i1 to i32
    %cond3A_431 = arith.constant 8 : i32
    %cond3A_432 = arith.constant 0 : i32
    %cond3A_433 = arith.cmpi ne, %convert_element_type3A_430, %cond3A_432 : i32
    scf.if %cond3A_433 {
      %add3A_467 = arith.addi %add3A_4, %cond3A_431 : i32
      %mul3A_468 = arith.constant 128 : i32
      %mul3A_469 = arith.muli %add3A_467, %mul3A_468 : i32
      %multiple_of3A = tpu.assume_multiple %mul3A_469, 128 : i32
      %dma_start3A = arith.constant 8 : i32
      %dma_start3A_470 = arith.constant 0 : i32
      %dma_start3A_471 = arith.constant 0 : i32
      %dma_start3A_472 = tpu.memref_slice %arg10[%dma_start3A, %dma_start3A_470, %dma_start3A_471] : memref<9x64x128xf32, #tpu.memory_space<vmem>> -> memref<1x64x128xf32, #tpu.memory_space<vmem>>
      %dma_start3A_473 = tpu.memref_squeeze %dma_start3A_472 : memref<1x64x128xf32, #tpu.memory_space<vmem>> -> memref<64x128xf32, #tpu.memory_space<vmem>>
      %dma_start3A_474 = arith.constant 0 : i32
      %dma_start3A_475 = tpu.memref_slice %arg2[%dma_start3A_474, %multiple_of3A] : memref<64x1077001xf32, #tpu.memory_space<hbm>> -> memref<64x128xf32, #tpu.memory_space<hbm>>
      %dma_start3A_476 = arith.constant 0 : i32
      %dma_start3A_477 = arith.constant 0 : i32
      %dma_start3A_478 = tpu.memref_slice %arg10[%dma_start3A, %dma_start3A_476, %dma_start3A_477] : memref<9x64x128xf32, #tpu.memory_space<vmem>> -> memref<1x64x128xf32, #tpu.memory_space<vmem>>
      %dma_start3A_479 = tpu.memref_squeeze %dma_start3A_478 : memref<1x64x128xf32, #tpu.memory_space<vmem>> -> memref<64x128xf32, #tpu.memory_space<vmem>>
      %dma_start3A_480 = arith.constant 0 : i32
      %dma_start3A_481 = tpu.memref_slice %arg2[%dma_start3A_480, %multiple_of3A] : memref<64x1077001xf32, #tpu.memory_space<hbm>> -> memref<64x128xf32, #tpu.memory_space<hbm>>
      tpu.enqueue_dma source(%dma_start3A_481 : memref<64x128xf32, #tpu.memory_space<hbm>>) target(%dma_start3A_479 : memref<64x128xf32, #tpu.memory_space<vmem>>) target_semaphore(%arg20 : memref<!tpu.dma_semaphore, #tpu.memory_space<semaphore_mem>>)
    } else {
    }
    %scan3A_434 = arith.constant 0 : i32
    %scan3A_435 = arith.constant 0 : i32
    %scan3A_436 = arith.constant 256 : i32
    %scan3A_437 = arith.addi %scan3A_435, %scan3A_436 : i32
    %scan3A_438 = arith.constant 1 : i32
    scf.for %scan3A_467 = %scan3A_435 to %scan3A_437 step %scan3A_438  : i32 {
      %mul3A_468 = arith.constant 4 : i32
      %mul3A_469 = arith.muli %scan3A_467, %mul3A_468 : i32
      %add3A_470 = arith.constant 0 : i32
      %add3A_471 = arith.addi %mul3A_469, %add3A_470 : i32
      %mul3A_472 = arith.constant 16 : i32
      %mul3A_473 = arith.muli %add3A_471, %mul3A_472 : i32
      %get3A_474 = arith.index_cast %mul3A_473 : i32 to index
      %get3A_475 = tpu.vector_load %arg5[%get3A_474] {strides = array<i32>} : memref<16384xi32, #tpu.memory_space<vmem>>, vector<16xi32>,
      %add3A_476 = arith.constant 65000 : i32
      %add3A_477 = vector.broadcast %add3A_476 : i32 to vector<16xi32>
      %add3A_478 = arith.addi %get3A_475, %add3A_477 : vector<16xi32>
      %shift_right_arithmetic3A = arith.constant 7 : i32
      %shift_right_arithmetic3A_479 = vector.broadcast %shift_right_arithmetic3A : i32 to vector<16xi32>
      %shift_right_arithmetic3A_480 = arith.shrsi %add3A_478, %shift_right_arithmetic3A_479 : vector<16xi32>
      %ge3A = vector.broadcast %add3A_4 : i32 to vector<16xi32>
      %ge3A_481 = arith.cmpi sge, %shift_right_arithmetic3A_480, %ge3A : vector<16xi32>
      %sub3A_482 = vector.broadcast %add3A_4 : i32 to vector<16xi32>
      %sub3A_483 = arith.subi %shift_right_arithmetic3A_480, %sub3A_482 : vector<16xi32>
      %lt3A_484 = vector.broadcast %min3A_6 : i32 to vector<16xi32>
      %lt3A_485 = arith.cmpi slt, %sub3A_483, %lt3A_484 : vector<16xi32>
      %and3A_486 = arith.andi %ge3A_481, %lt3A_485 : vector<16xi1>
      %sub3A_487 = vector.broadcast %add3A_4 : i32 to vector<16xi32>
      %sub3A_488 = arith.subi %shift_right_arithmetic3A_480, %sub3A_487 : vector<16xi32>
      %unique3A, %unique3A_489 = tpu.scan_count mask(%and3A_486 : vector<16xi1>) value(%sub3A_488 : vector<16xi32>) : vector<16xi1>, vector<16xi32>
      %gather3A_490 = tpu.vector_load_idx %arg9[%sub3A_488] masked %and3A_486 : memref<256xi32, #tpu.memory_space<vmem>>[vector<16xi32>], vector<16xi32>, vector<16xi1>
      %add3A_491 = arith.addi %gather3A_490, %unique3A_489 : vector<16xi32>
      %sub3A_492 = arith.constant 1 : i32
      %sub3A_493 = vector.broadcast %sub3A_492 : i32 to vector<16xi32>
      %sub3A_494 = arith.subi %add3A_491, %sub3A_493 : vector<16xi32>
      %mul3A_495 = arith.constant 16 : i32
      %mul3A_496 = arith.muli %add3A_471, %mul3A_495 : i32
      %broadcast_in_dim3A_497 = vector.broadcast %mul3A_496 : i32 to vector<16xi32>
      %iota3A = tpu.iota {dimensions = array<i32: 0>} : vector<16xi32>
      %add3A_498 = arith.addi %broadcast_in_dim3A_497, %iota3A : vector<16xi32>
      %and3A_499 = arith.constant 127 : i32
      %and3A_500 = vector.broadcast %and3A_499 : i32 to vector<16xi32>
      %and3A_501 = arith.andi %add3A_478, %and3A_500 : vector<16xi32>
      %shift_left3A = arith.constant 14 : i32
      %shift_left3A_502 = vector.broadcast %shift_left3A : i32 to vector<16xi32>
      %shift_left3A_503 = arith.shli %and3A_501, %shift_left3A_502 : vector<16xi32>
      %or3A = arith.ori %shift_left3A_503, %add3A_498 : vector<16xi32>
      tpu.vector_store_idx %arg6[%sub3A_494], %or3A masked %and3A_486 : memref<16384xi32, #tpu.memory_space<vmem>>[vector<16xi32>], vector<16xi32>, vector<16xi1>
      tpu.vector_store_idx %arg9[%sub3A_488], %broadcast_in_dim3A_7 masked %and3A_486 {add = true} : memref<256xi32, #tpu.memory_space<vmem>>[vector<16xi32>], vector<16xi32>, vector<16xi1>
      %mul3A_504 = arith.constant 4 : i32
      %mul3A_505 = arith.muli %scan3A_467, %mul3A_504 : i32
      %add3A_506 = arith.constant 1 : i32
      %add3A_507 = arith.addi %mul3A_505, %add3A_506 : i32
      %mul3A_508 = arith.constant 16 : i32
      %mul3A_509 = arith.muli %add3A_507, %mul3A_508 : i32
      %get3A_510 = arith.index_cast %mul3A_509 : i32 to index
      %get3A_511 = tpu.vector_load %arg5[%get3A_510] {strides = array<i32>} : memref<16384xi32, #tpu.memory_space<vmem>>, vector<16xi32>,
      %add3A_512 = arith.constant 65000 : i32
      %add3A_513 = vector.broadcast %add3A_512 : i32 to vector<16xi32>
      %add3A_514 = arith.addi %get3A_511, %add3A_513 : vector<16xi32>
      %shift_right_arithmetic3A_515 = arith.constant 7 : i32
      %shift_right_arithmetic3A_516 = vector.broadcast %shift_right_arithmetic3A_515 : i32 to vector<16xi32>
      %shift_right_arithmetic3A_517 = arith.shrsi %add3A_514, %shift_right_arithmetic3A_516 : vector<16xi32>
      %ge3A_518 = vector.broadcast %add3A_4 : i32 to vector<16xi32>
      %ge3A_519 = arith.cmpi sge, %shift_right_arithmetic3A_517, %ge3A_518 : vector<16xi32>
      %sub3A_520 = vector.broadcast %add3A_4 : i32 to vector<16xi32>
      %sub3A_521 = arith.subi %shift_right_arithmetic3A_517, %sub3A_520 : vector<16xi32>
      %lt3A_522 = vector.broadcast %min3A_6 : i32 to vector<16xi32>
      %lt3A_523 = arith.cmpi slt, %sub3A_521, %lt3A_522 : vector<16xi32>
      %and3A_524 = arith.andi %ge3A_519, %lt3A_523 : vector<16xi1>
      %sub3A_525 = vector.broadcast %add3A_4 : i32 to vector<16xi32>
      %sub3A_526 = arith.subi %shift_right_arithmetic3A_517, %sub3A_525 : vector<16xi32>
      %unique3A_527, %unique3A_528 = tpu.scan_count mask(%and3A_524 : vector<16xi1>) value(%sub3A_526 : vector<16xi32>) : vector<16xi1>, vector<16xi32>
      %gather3A_529 = tpu.vector_load_idx %arg9[%sub3A_526] masked %and3A_524 : memref<256xi32, #tpu.memory_space<vmem>>[vector<16xi32>], vector<16xi32>, vector<16xi1>
      %add3A_530 = arith.addi %gather3A_529, %unique3A_528 : vector<16xi32>
      %sub3A_531 = arith.constant 1 : i32
      %sub3A_532 = vector.broadcast %sub3A_531 : i32 to vector<16xi32>
      %sub3A_533 = arith.subi %add3A_530, %sub3A_532 : vector<16xi32>
      %mul3A_534 = arith.constant 16 : i32
      %mul3A_535 = arith.muli %add3A_507, %mul3A_534 : i32
      %broadcast_in_dim3A_536 = vector.broadcast %mul3A_535 : i32 to vector<16xi32>
      %iota3A_537 = tpu.iota {dimensions = array<i32: 0>} : vector<16xi32>
      %add3A_538 = arith.addi %broadcast_in_dim3A_536, %iota3A_537 : vector<16xi32>
      %and3A_539 = arith.constant 127 : i32
      %and3A_540 = vector.broadcast %and3A_539 : i32 to vector<16xi32>
      %and3A_541 = arith.andi %add3A_514, %and3A_540 : vector<16xi32>
      %shift_left3A_542 = arith.constant 14 : i32
      %shift_left3A_543 = vector.broadcast %shift_left3A_542 : i32 to vector<16xi32>
      %shift_left3A_544 = arith.shli %and3A_541, %shift_left3A_543 : vector<16xi32>
      %or3A_545 = arith.ori %shift_left3A_544, %add3A_538 : vector<16xi32>
      tpu.vector_store_idx %arg6[%sub3A_533], %or3A_545 masked %and3A_524 : memref<16384xi32, #tpu.memory_space<vmem>>[vector<16xi32>], vector<16xi32>, vector<16xi1>
      tpu.vector_store_idx %arg9[%sub3A_526], %broadcast_in_dim3A_7 masked %and3A_524 {add = true} : memref<256xi32, #tpu.memory_space<vmem>>[vector<16xi32>], vector<16xi32>, vector<16xi1>
      %mul3A_546 = arith.constant 4 : i32
      %mul3A_547 = arith.muli %scan3A_467, %mul3A_546 : i32
      %add3A_548 = arith.constant 2 : i32
      %add3A_549 = arith.addi %mul3A_547, %add3A_548 : i32
      %mul3A_550 = arith.constant 16 : i32
      %mul3A_551 = arith.muli %add3A_549, %mul3A_550 : i32
      %get3A_552 = arith.index_cast %mul3A_551 : i32 to index
      %get3A_553 = tpu.vector_load %arg5[%get3A_552] {strides = array<i32>} : memref<16384xi32, #tpu.memory_space<vmem>>, vector<16xi32>,
      %add3A_554 = arith.constant 65000 : i32
      %add3A_555 = vector.broadcast %add3A_554 : i32 to vector<16xi32>
      %add3A_556 = arith.addi %get3A_553, %add3A_555 : vector<16xi32>
      %shift_right_arithmetic3A_557 = arith.constant 7 : i32
      %shift_right_arithmetic3A_558 = vector.broadcast %shift_right_arithmetic3A_557 : i32 to vector<16xi32>
      %shift_right_arithmetic3A_559 = arith.shrsi %add3A_556, %shift_right_arithmetic3A_558 : vector<16xi32>
      %ge3A_560 = vector.broadcast %add3A_4 : i32 to vector<16xi32>
      %ge3A_561 = arith.cmpi sge, %shift_right_arithmetic3A_559, %ge3A_560 : vector<16xi32>
      %sub3A_562 = vector.broadcast %add3A_4 : i32 to vector<16xi32>
      %sub3A_563 = arith.subi %shift_right_arithmetic3A_559, %sub3A_562 : vector<16xi32>
      %lt3A_564 = vector.broadcast %min3A_6 : i32 to vector<16xi32>
      %lt3A_565 = arith.cmpi slt, %sub3A_563, %lt3A_564 : vector<16xi32>
      %and3A_566 = arith.andi %ge3A_561, %lt3A_565 : vector<16xi1>
      %sub3A_567 = vector.broadcast %add3A_4 : i32 to vector<16xi32>
      %sub3A_568 = arith.subi %shift_right_arithmetic3A_559, %sub3A_567 : vector<16xi32>
      %unique3A_569, %unique3A_570 = tpu.scan_count mask(%and3A_566 : vector<16xi1>) value(%sub3A_568 : vector<16xi32>) : vector<16xi1>, vector<16xi32>
      %gather3A_571 = tpu.vector_load_idx %arg9[%sub3A_568] masked %and3A_566 : memref<256xi32, #tpu.memory_space<vmem>>[vector<16xi32>], vector<16xi32>, vector<16xi1>
      %add3A_572 = arith.addi %gather3A_571, %unique3A_570 : vector<16xi32>
      %sub3A_573 = arith.constant 1 : i32
      %sub3A_574 = vector.broadcast %sub3A_573 : i32 to vector<16xi32>
      %sub3A_575 = arith.subi %add3A_572, %sub3A_574 : vector<16xi32>
      %mul3A_576 = arith.constant 16 : i32
      %mul3A_577 = arith.muli %add3A_549, %mul3A_576 : i32
      %broadcast_in_dim3A_578 = vector.broadcast %mul3A_577 : i32 to vector<16xi32>
      %iota3A_579 = tpu.iota {dimensions = array<i32: 0>} : vector<16xi32>
      %add3A_580 = arith.addi %broadcast_in_dim3A_578, %iota3A_579 : vector<16xi32>
      %and3A_581 = arith.constant 127 : i32
      %and3A_582 = vector.broadcast %and3A_581 : i32 to vector<16xi32>
      %and3A_583 = arith.andi %add3A_556, %and3A_582 : vector<16xi32>
      %shift_left3A_584 = arith.constant 14 : i32
      %shift_left3A_585 = vector.broadcast %shift_left3A_584 : i32 to vector<16xi32>
      %shift_left3A_586 = arith.shli %and3A_583, %shift_left3A_585 : vector<16xi32>
      %or3A_587 = arith.ori %shift_left3A_586, %add3A_580 : vector<16xi32>
      tpu.vector_store_idx %arg6[%sub3A_575], %or3A_587 masked %and3A_566 : memref<16384xi32, #tpu.memory_space<vmem>>[vector<16xi32>], vector<16xi32>, vector<16xi1>
      tpu.vector_store_idx %arg9[%sub3A_568], %broadcast_in_dim3A_7 masked %and3A_566 {add = true} : memref<256xi32, #tpu.memory_space<vmem>>[vector<16xi32>], vector<16xi32>, vector<16xi1>
      %mul3A_588 = arith.constant 4 : i32
      %mul3A_589 = arith.muli %scan3A_467, %mul3A_588 : i32
      %add3A_590 = arith.constant 3 : i32
      %add3A_591 = arith.addi %mul3A_589, %add3A_590 : i32
      %mul3A_592 = arith.constant 16 : i32
      %mul3A_593 = arith.muli %add3A_591, %mul3A_592 : i32
      %get3A_594 = arith.index_cast %mul3A_593 : i32 to index
      %get3A_595 = tpu.vector_load %arg5[%get3A_594] {strides = array<i32>} : memref<16384xi32, #tpu.memory_space<vmem>>, vector<16xi32>,
      %add3A_596 = arith.constant 65000 : i32
      %add3A_597 = vector.broadcast %add3A_596 : i32 to vector<16xi32>
      %add3A_598 = arith.addi %get3A_595, %add3A_597 : vector<16xi32>
      %shift_right_arithmetic3A_599 = arith.constant 7 : i32
      %shift_right_arithmetic3A_600 = vector.broadcast %shift_right_arithmetic3A_599 : i32 to vector<16xi32>
      %shift_right_arithmetic3A_601 = arith.shrsi %add3A_598, %shift_right_arithmetic3A_600 : vector<16xi32>
      %ge3A_602 = vector.broadcast %add3A_4 : i32 to vector<16xi32>
      %ge3A_603 = arith.cmpi sge, %shift_right_arithmetic3A_601, %ge3A_602 : vector<16xi32>
      %sub3A_604 = vector.broadcast %add3A_4 : i32 to vector<16xi32>
      %sub3A_605 = arith.subi %shift_right_arithmetic3A_601, %sub3A_604 : vector<16xi32>
      %lt3A_606 = vector.broadcast %min3A_6 : i32 to vector<16xi32>
      %lt3A_607 = arith.cmpi slt, %sub3A_605, %lt3A_606 : vector<16xi32>
      %and3A_608 = arith.andi %ge3A_603, %lt3A_607 : vector<16xi1>
      %sub3A_609 = vector.broadcast %add3A_4 : i32 to vector<16xi32>
      %sub3A_610 = arith.subi %shift_right_arithmetic3A_601, %sub3A_609 : vector<16xi32>
      %unique3A_611, %unique3A_612 = tpu.scan_count mask(%and3A_608 : vector<16xi1>) value(%sub3A_610 : vector<16xi32>) : vector<16xi1>, vector<16xi32>
      %gather3A_613 = tpu.vector_load_idx %arg9[%sub3A_610] masked %and3A_608 : memref<256xi32, #tpu.memory_space<vmem>>[vector<16xi32>], vector<16xi32>, vector<16xi1>
      %add3A_614 = arith.addi %gather3A_613, %unique3A_612 : vector<16xi32>
      %sub3A_615 = arith.constant 1 : i32
      %sub3A_616 = vector.broadcast %sub3A_615 : i32 to vector<16xi32>
      %sub3A_617 = arith.subi %add3A_614, %sub3A_616 : vector<16xi32>
      %mul3A_618 = arith.constant 16 : i32
      %mul3A_619 = arith.muli %add3A_591, %mul3A_618 : i32
      %broadcast_in_dim3A_620 = vector.broadcast %mul3A_619 : i32 to vector<16xi32>
      %iota3A_621 = tpu.iota {dimensions = array<i32: 0>} : vector<16xi32>
      %add3A_622 = arith.addi %broadcast_in_dim3A_620, %iota3A_621 : vector<16xi32>
      %and3A_623 = arith.constant 127 : i32
      %and3A_624 = vector.broadcast %and3A_623 : i32 to vector<16xi32>
      %and3A_625 = arith.andi %add3A_598, %and3A_624 : vector<16xi32>
      %shift_left3A_626 = arith.constant 14 : i32
      %shift_left3A_627 = vector.broadcast %shift_left3A_626 : i32 to vector<16xi32>
      %shift_left3A_628 = arith.shli %and3A_625, %shift_left3A_627 : vector<16xi32>
      %or3A_629 = arith.ori %shift_left3A_628, %add3A_622 : vector<16xi32>
      tpu.vector_store_idx %arg6[%sub3A_617], %or3A_629 masked %and3A_608 : memref<16384xi32, #tpu.memory_space<vmem>>[vector<16xi32>], vector<16xi32>, vector<16xi1>
      tpu.vector_store_idx %arg9[%sub3A_610], %broadcast_in_dim3A_7 masked %and3A_608 {add = true} : memref<256xi32, #tpu.memory_space<vmem>>[vector<16xi32>], vector<16xi32>, vector<16xi1>
    }
    %scan3A_439 = arith.constant 256 : i32
    %scan3A_440 = arith.constant 0 : i32
    %scan3A_441 = arith.constant 1 : i32
    %scan3A_442 = arith.constant 28 : i32
    %scan3A_443 = arith.addi %scan3A_441, %scan3A_442 : i32
    %scan3A_444 = arith.constant 1 : i32
    %scan3A_445 = scf.for %scan3A_467 = %scan3A_441 to %scan3A_443 step %scan3A_444 iter_args(%scan3A_468 = %scan3A_440) -> (i32)  : i32 {
      %sub3A_469 = arith.constant 1 : i32
      %sub3A_470 = arith.subi %scan3A_467, %sub3A_469 : i32
      %mul3A_471 = arith.constant 9 : i32
      %mul3A_472 = arith.muli %sub3A_470, %mul3A_471 : i32
      %add3A_473 = arith.constant 0 : i32
      %add3A_474 = arith.addi %mul3A_472, %add3A_473 : i32
      %broadcast_in_dim3A_475 = vector.broadcast %add3A_474 : i32 to vector<16xi32>
      %gather3A_476 = tpu.vector_load_idx %arg7[%broadcast_in_dim3A_475] : memref<256xi32, #tpu.memory_space<vmem>>[vector<16xi32>], vector<16xi32>,
      %slice3A_477 = vector.extract_strided_slice %gather3A_476 {offsets = [0], sizes = [1], strides = [1]} : vector<16xi32> to vector<1xi32>
      %squeeze3A_478 = vector.extract %slice3A_477[0] : i32 from vector<1xi32>
      %lt3A_479 = arith.cmpi slt, %add3A_474, %min3A_6 : i32
      %gt3A_480 = arith.constant 0 : i32
      %gt3A_481 = arith.cmpi sgt, %squeeze3A_478, %gt3A_480 : i32
      %and3A_482 = arith.andi %lt3A_479, %gt3A_481 : i1
      %convert_element_type3A_483 = arith.extui %and3A_482 : i1 to i32
      %cond3A_484 = arith.constant 0 : i32
      %cond3A_485 = arith.cmpi ne, %convert_element_type3A_483, %cond3A_484 : i32
      %cond3A_486 = scf.if %cond3A_485 -> (i32) {
        %dma_wait3A = arith.constant 0 : i32
        %dma_wait3A_766 = arith.constant 0 : i32
        %dma_wait3A_767 = arith.constant 0 : i32
        %dma_wait3A_768 = tpu.memref_slice %arg10[%dma_wait3A, %dma_wait3A_766, %dma_wait3A_767] : memref<9x64x128xf32, #tpu.memory_space<vmem>> -> memref<1x64x128xf32, #tpu.memory_space<vmem>>
        %dma_wait3A_769 = tpu.memref_squeeze %dma_wait3A_768 : memref<1x64x128xf32, #tpu.memory_space<vmem>> -> memref<64x128xf32, #tpu.memory_space<vmem>>
        %dma_wait3A_770 = arith.constant 0 : i32
        %dma_wait3A_771 = arith.constant 0 : i32
        %dma_wait3A_772 = tpu.memref_slice %arg2[%dma_wait3A_770, %dma_wait3A_771] : memref<64x1077001xf32, #tpu.memory_space<hbm>> -> memref<64x128xf32, #tpu.memory_space<hbm>>
        %dma_wait3A_773 = arith.constant 0 : i32
        %dma_wait3A_774 = arith.constant 0 : i32
        %dma_wait3A_775 = tpu.memref_slice %arg10[%dma_wait3A, %dma_wait3A_773, %dma_wait3A_774] : memref<9x64x128xf32, #tpu.memory_space<vmem>> -> memref<1x64x128xf32, #tpu.memory_space<vmem>>
        %dma_wait3A_776 = tpu.memref_squeeze %dma_wait3A_775 : memref<1x64x128xf32, #tpu.memory_space<vmem>> -> memref<64x128xf32, #tpu.memory_space<vmem>>
        %dma_wait3A_777 = arith.constant 0 : i32
        %dma_wait3A_778 = arith.constant 0 : i32
        %dma_wait3A_779 = tpu.memref_slice %arg2[%dma_wait3A_777, %dma_wait3A_778] : memref<64x1077001xf32, #tpu.memory_space<hbm>> -> memref<64x128xf32, #tpu.memory_space<hbm>>
        tpu.wait_dma2 semaphore(%arg12 : memref<!tpu.dma_semaphore, #tpu.memory_space<semaphore_mem>>) src(%dma_wait3A_779 : memref<64x128xf32, #tpu.memory_space<hbm>>) dst(%dma_wait3A_776 : memref<64x128xf32, #tpu.memory_space<vmem>>)
        %broadcast_in_dim3A_780 = vector.broadcast %add3A_474 : i32 to vector<16xi32>
        %gather3A_781 = tpu.vector_load_idx %arg8[%broadcast_in_dim3A_780] : memref<256xi32, #tpu.memory_space<vmem>>[vector<16xi32>], vector<16xi32>,
        %slice3A_782 = vector.extract_strided_slice %gather3A_781 {offsets = [0], sizes = [1], strides = [1]} : vector<16xi32> to vector<1xi32>
        %squeeze3A_783 = vector.extract %slice3A_782[0] : i32 from vector<1xi32>
        %while3A_784 = arith.constant 0 : i32
        %while3A_785 = arith.constant 0 : i32
        %while3A_786 = arith.subi %squeeze3A_478, %while3A_785 : i32
        %while3A_787 = arith.addi %while3A_785, %while3A_786 : i32
        %while3A_788 = arith.constant 1 : i32
        %while3A_789 = arith.divsi %while3A_786, %while3A_788 : i32
        %while3A_790 = arith.muli %while3A_789, %while3A_788 : i32
        %while3A_791 = arith.addi %while3A_785, %while3A_790 : i32
        %while3A_792 = arith.constant 1 : i32
        %while3A_793 = scf.for %while3A_796 = %while3A_785 to %while3A_791 step %while3A_792 iter_args(%while3A_797 = %scan3A_468) -> (i32)  : i32 {
          %add3A_798 = arith.addi %squeeze3A_783, %while3A_796 : i32
          %sub3A_799 = arith.subi %add3A_798, %while3A_797 : i32
          %ge3A = arith.constant 128 : i32
          %ge3A_800 = arith.cmpi sge, %sub3A_799, %ge3A : i32
          %convert_element_type3A_801 = arith.extui %ge3A_800 : i1 to i32
          %cond3A_802 = arith.constant 0 : i32
          %cond3A_803 = arith.cmpi ne, %convert_element_type3A_801, %cond3A_802 : i32
          %cond3A_804 = scf.if %cond3A_803 -> (i32) {
            %while3A_860 = arith.constant 0 : i32
            %while3A_861 = arith.constant 0 : i32
            %while3A_862 = arith.constant 128 : i32
            %while3A_863 = arith.subi %while3A_862, %while3A_861 : i32
            %while3A_864 = arith.addi %while3A_861, %while3A_863 : i32
            %while3A_865 = arith.constant 1 : i32
            %while3A_866 = arith.divsi %while3A_863, %while3A_865 : i32
            %while3A_867 = arith.muli %while3A_866, %while3A_865 : i32
            %while3A_868 = arith.addi %while3A_861, %while3A_867 : i32
            %while3A_869 = arith.constant 1 : i32
            scf.for %while3A_884 = %while3A_861 to %while3A_868 step %while3A_869  : i32 {
              %add3A_885 = arith.addi %while3A_797, %while3A_884 : i32
              %broadcast_in_dim3A_886 = vector.broadcast %add3A_885 : i32 to vector<16xi32>
              %gather3A_887 = tpu.vector_load_idx %arg6[%broadcast_in_dim3A_886] : memref<16384xi32, #tpu.memory_space<vmem>>[vector<16xi32>], vector<16xi32>,
              %slice3A_888 = vector.extract_strided_slice %gather3A_887 {offsets = [0], sizes = [1], strides = [1]} : vector<16xi32> to vector<1xi32>
              %squeeze3A_889 = vector.extract %slice3A_888[0] : i32 from vector<1xi32>
              %and3A_890 = arith.constant 16383 : i32
              %and3A_891 = arith.andi %squeeze3A_889, %and3A_890 : i32
              %dma_start3A = arith.constant 0 : i32
              %dma_start3A_892 = tpu.memref_slice %arg11[%while3A_884, %dma_start3A] : memref<128x64xf32, #tpu.memory_space<vmem>> -> memref<1x64xf32, #tpu.memory_space<vmem>>
              %dma_start3A_893 = arith.constant 0 : i32
              %dma_start3A_894 = tpu.memref_slice %arg4[%and3A_891, %dma_start3A_893] : memref<16384x64xf32, #tpu.memory_space<hbm>> -> memref<1x64xf32, #tpu.memory_space<hbm>>
              %dma_start3A_895 = arith.constant 0 : i32
              %dma_start3A_896 = tpu.memref_slice %arg4[%and3A_891, %dma_start3A_895] : memref<16384x64xf32, #tpu.memory_space<hbm>> -> memref<1x64xf32, #tpu.memory_space<hbm>>
              %dma_start3A_897 = arith.constant 0 : i32
              %dma_start3A_898 = tpu.memref_slice %arg11[%while3A_884, %dma_start3A_897] : memref<128x64xf32, #tpu.memory_space<vmem>> -> memref<1x64xf32, #tpu.memory_space<vmem>>
              tpu.enqueue_dma source(%dma_start3A_898 : memref<1x64xf32, #tpu.memory_space<vmem>>) target(%dma_start3A_896 : memref<1x64xf32, #tpu.memory_space<hbm>>) target_semaphore(%arg21 : memref<!tpu.dma_semaphore, #tpu.memory_space<semaphore_mem>>)
            }
            %while3A_870 = arith.constant 1 : i32
            scf.for %while3A_884 = %while3A_868 to %while3A_864 step %while3A_870  : i32 {
              %add3A_885 = arith.addi %while3A_797, %while3A_884 : i32
              %broadcast_in_dim3A_886 = vector.broadcast %add3A_885 : i32 to vector<16xi32>
              %gather3A_887 = tpu.vector_load_idx %arg6[%broadcast_in_dim3A_886] : memref<16384xi32, #tpu.memory_space<vmem>>[vector<16xi32>], vector<16xi32>,
              %slice3A_888 = vector.extract_strided_slice %gather3A_887 {offsets = [0], sizes = [1], strides = [1]} : vector<16xi32> to vector<1xi32>
              %squeeze3A_889 = vector.extract %slice3A_888[0] : i32 from vector<1xi32>
              %and3A_890 = arith.constant 16383 : i32
              %and3A_891 = arith.andi %squeeze3A_889, %and3A_890 : i32
              %dma_start3A = arith.constant 0 : i32
              %dma_start3A_892 = tpu.memref_slice %arg11[%while3A_884, %dma_start3A] : memref<128x64xf32, #tpu.memory_space<vmem>> -> memref<1x64xf32, #tpu.memory_space<vmem>>
              %dma_start3A_893 = arith.constant 0 : i32
              %dma_start3A_894 = tpu.memref_slice %arg4[%and3A_891, %dma_start3A_893] : memref<16384x64xf32, #tpu.memory_space<hbm>> -> memref<1x64xf32, #tpu.memory_space<hbm>>
              %dma_start3A_895 = arith.constant 0 : i32
              %dma_start3A_896 = tpu.memref_slice %arg4[%and3A_891, %dma_start3A_895] : memref<16384x64xf32, #tpu.memory_space<hbm>> -> memref<1x64xf32, #tpu.memory_space<hbm>>
              %dma_start3A_897 = arith.constant 0 : i32
              %dma_start3A_898 = tpu.memref_slice %arg11[%while3A_884, %dma_start3A_897] : memref<128x64xf32, #tpu.memory_space<vmem>> -> memref<1x64xf32, #tpu.memory_space<vmem>>
              tpu.enqueue_dma source(%dma_start3A_898 : memref<1x64xf32, #tpu.memory_space<vmem>>) target(%dma_start3A_896 : memref<1x64xf32, #tpu.memory_space<hbm>>) target_semaphore(%arg21 : memref<!tpu.dma_semaphore, #tpu.memory_space<semaphore_mem>>)
            }
            %while3A_871 = arith.constant 0 : i32
            %while3A_872 = arith.constant 0 : i32
            %while3A_873 = arith.constant 128 : i32
            %while3A_874 = arith.subi %while3A_873, %while3A_872 : i32
            %while3A_875 = arith.addi %while3A_872, %while3A_874 : i32
            %while3A_876 = arith.constant 1 : i32
            %while3A_877 = arith.divsi %while3A_874, %while3A_876 : i32
            %while3A_878 = arith.muli %while3A_877, %while3A_876 : i32
            %while3A_879 = arith.addi %while3A_872, %while3A_878 : i32
            %while3A_880 = arith.constant 1 : i32
            scf.for %while3A_884 = %while3A_872 to %while3A_879 step %while3A_880  : i32 {
              %dma_wait3A_885 = arith.constant 0 : i32
              %dma_wait3A_886 = arith.constant 0 : i32
              %dma_wait3A_887 = tpu.memref_slice %arg11[%dma_wait3A_885, %dma_wait3A_886] : memref<128x64xf32, #tpu.memory_space<vmem>> -> memref<1x64xf32, #tpu.memory_space<vmem>>
              %dma_wait3A_888 = arith.constant 0 : i32
              %dma_wait3A_889 = arith.constant 0 : i32
              %dma_wait3A_890 = tpu.memref_slice %arg4[%dma_wait3A_888, %dma_wait3A_889] : memref<16384x64xf32, #tpu.memory_space<hbm>> -> memref<1x64xf32, #tpu.memory_space<hbm>>
              %dma_wait3A_891 = arith.constant 0 : i32
              %dma_wait3A_892 = arith.constant 0 : i32
              %dma_wait3A_893 = tpu.memref_slice %arg11[%dma_wait3A_891, %dma_wait3A_892] : memref<128x64xf32, #tpu.memory_space<vmem>> -> memref<1x64xf32, #tpu.memory_space<vmem>>
              %dma_wait3A_894 = arith.constant 0 : i32
              %dma_wait3A_895 = arith.constant 0 : i32
              %dma_wait3A_896 = tpu.memref_slice %arg4[%dma_wait3A_894, %dma_wait3A_895] : memref<16384x64xf32, #tpu.memory_space<hbm>> -> memref<1x64xf32, #tpu.memory_space<hbm>>
              tpu.wait_dma2 semaphore(%arg21 : memref<!tpu.dma_semaphore, #tpu.memory_space<semaphore_mem>>) src(%dma_wait3A_896 : memref<1x64xf32, #tpu.memory_space<hbm>>) dst(%dma_wait3A_893 : memref<1x64xf32, #tpu.memory_space<vmem>>)
            }
            %while3A_881 = arith.constant 1 : i32
            scf.for %while3A_884 = %while3A_879 to %while3A_875 step %while3A_881  : i32 {
              %dma_wait3A_885 = arith.constant 0 : i32
              %dma_wait3A_886 = arith.constant 0 : i32
              %dma_wait3A_887 = tpu.memref_slice %arg11[%dma_wait3A_885, %dma_wait3A_886] : memref<128x64xf32, #tpu.memory_space<vmem>> -> memref<1x64xf32, #tpu.memory_space<vmem>>
              %dma_wait3A_888 = arith.constant 0 : i32
              %dma_wait3A_889 = arith.constant 0 : i32
              %dma_wait3A_890 = tpu.memref_slice %arg4[%dma_wait3A_888, %dma_wait3A_889] : memref<16384x64xf32, #tpu.memory_space<hbm>> -> memref<1x64xf32, #tpu.memory_space<hbm>>
              %dma_wait3A_891 = arith.constant 0 : i32
              %dma_wait3A_892 = arith.constant 0 : i32
              %dma_wait3A_893 = tpu.memref_slice %arg11[%dma_wait3A_891, %dma_wait3A_892] : memref<128x64xf32, #tpu.memory_space<vmem>> -> memref<1x64xf32, #tpu.memory_space<vmem>>
              %dma_wait3A_894 = arith.constant 0 : i32
              %dma_wait3A_895 = arith.constant 0 : i32
              %dma_wait3A_896 = tpu.memref_slice %arg4[%dma_wait3A_894, %dma_wait3A_895] : memref<16384x64xf32, #tpu.memory_space<hbm>> -> memref<1x64xf32, #tpu.memory_space<hbm>>
              tpu.wait_dma2 semaphore(%arg21 : memref<!tpu.dma_semaphore, #tpu.memory_space<semaphore_mem>>) src(%dma_wait3A_896 : memref<1x64xf32, #tpu.memory_space<hbm>>) dst(%dma_wait3A_893 : memref<1x64xf32, #tpu.memory_space<vmem>>)
            }
            %add3A_882 = arith.constant 128 : i32
            %add3A_883 = arith.addi %while3A_797, %add3A_882 : i32
            scf.yield %add3A_883 : i32
          } else {
            scf.yield %while3A_797 : i32
          }
          %broadcast_in_dim3A_805 = vector.broadcast %add3A_798 : i32 to vector<16xi32>
          %gather3A_806 = tpu.vector_load_idx %arg6[%broadcast_in_dim3A_805] : memref<16384xi32, #tpu.memory_space<vmem>>[vector<16xi32>], vector<16xi32>,
          %shift_right_arithmetic3A = arith.constant 14 : i32
          %shift_right_arithmetic3A_807 = vector.broadcast %shift_right_arithmetic3A : i32 to vector<16xi32>
          %shift_right_arithmetic3A_808 = arith.shrsi %gather3A_806, %shift_right_arithmetic3A_807 : vector<16xi32>
          %and3A_809 = arith.constant 127 : i32
          %and3A_810 = vector.broadcast %and3A_809 : i32 to vector<16xi32>
          %and3A_811 = arith.andi %shift_right_arithmetic3A_808, %and3A_810 : vector<16xi32>
          %sub3A_812 = arith.subi %add3A_798, %cond3A_804 : i32
          %iota3A = tpu.iota {dimensions = array<i32: 0>} : vector<16xi32>
          %add3A_813 = arith.constant 0 : i32
          %add3A_814 = vector.broadcast %add3A_813 : i32 to vector<16xi32>
          %add3A_815 = arith.addi %iota3A, %add3A_814 : vector<16xi32>
          %gather3A_816 = arith.constant 0 : i32
          %gather3A_817 = arith.constant 0 : i32
          %gather3A_818 = tpu.memref_slice %arg10[%while3A_784, %gather3A_816, %gather3A_817] : memref<9x64x128xf32, #tpu.memory_space<vmem>> -> memref<1x64x128xf32, #tpu.memory_space<vmem>>
          %gather3A_819 = tpu.memref_squeeze %gather3A_818 : memref<1x64x128xf32, #tpu.memory_space<vmem>> -> memref<64x128xf32, #tpu.memory_space<vmem>>
          %gather3A_820 = tpu.vector_load_idx %gather3A_819[%add3A_815, %and3A_811] : memref<64x128xf32, #tpu.memory_space<vmem>>[vector<16xi32>, vector<16xi32>], vector<16xf32>,
          %swap3A_821 = arith.index_cast %sub3A_812 : i32 to index
          %swap3A_822 = arith.constant 0 : index
          %swap3A_823 = tpu.vector_load %arg11[%swap3A_821, %swap3A_822] {strides = array<i32>} : memref<128x64xf32, #tpu.memory_space<vmem>>, vector<16xf32>,
          tpu.vector_store %arg11[%swap3A_821, %swap3A_822], %gather3A_820 {strides = array<i32>} : memref<128x64xf32, #tpu.memory_space<vmem>>, vector<16xf32>,
          %iota3A_824 = tpu.iota {dimensions = array<i32: 0>} : vector<16xi32>
          %add3A_825 = arith.constant 16 : i32
          %add3A_826 = vector.broadcast %add3A_825 : i32 to vector<16xi32>
          %add3A_827 = arith.addi %iota3A_824, %add3A_826 : vector<16xi32>
          %gather3A_828 = arith.constant 0 : i32
          %gather3A_829 = arith.constant 0 : i32
          %gather3A_830 = tpu.memref_slice %arg10[%while3A_784, %gather3A_828, %gather3A_829] : memref<9x64x128xf32, #tpu.memory_space<vmem>> -> memref<1x64x128xf32, #tpu.memory_space<vmem>>
          %gather3A_831 = tpu.memref_squeeze %gather3A_830 : memref<1x64x128xf32, #tpu.memory_space<vmem>> -> memref<64x128xf32, #tpu.memory_space<vmem>>
          %gather3A_832 = tpu.vector_load_idx %gather3A_831[%add3A_827, %and3A_811] : memref<64x128xf32, #tpu.memory_space<vmem>>[vector<16xi32>, vector<16xi32>], vector<16xf32>,
          %swap3A_833 = arith.index_cast %sub3A_812 : i32 to index
          %swap3A_834 = arith.constant 16 : index
          %swap3A_835 = tpu.vector_load %arg11[%swap3A_833, %swap3A_834] {strides = array<i32>} : memref<128x64xf32, #tpu.memory_space<vmem>>, vector<16xf32>,
          tpu.vector_store %arg11[%swap3A_833, %swap3A_834], %gather3A_832 {strides = array<i32>} : memref<128x64xf32, #tpu.memory_space<vmem>>, vector<16xf32>,
          %iota3A_836 = tpu.iota {dimensions = array<i32: 0>} : vector<16xi32>
          %add3A_837 = arith.constant 32 : i32
          %add3A_838 = vector.broadcast %add3A_837 : i32 to vector<16xi32>
          %add3A_839 = arith.addi %iota3A_836, %add3A_838 : vector<16xi32>
          %gather3A_840 = arith.constant 0 : i32
          %gather3A_841 = arith.constant 0 : i32
          %gather3A_842 = tpu.memref_slice %arg10[%while3A_784, %gather3A_840, %gather3A_841] : memref<9x64x128xf32, #tpu.memory_space<vmem>> -> memref<1x64x128xf32, #tpu.memory_space<vmem>>
          %gather3A_843 = tpu.memref_squeeze %gather3A_842 : memref<1x64x128xf32, #tpu.memory_space<vmem>> -> memref<64x128xf32, #tpu.memory_space<vmem>>
          %gather3A_844 = tpu.vector_load_idx %gather3A_843[%add3A_839, %and3A_811] : memref<64x128xf32, #tpu.memory_space<vmem>>[vector<16xi32>, vector<16xi32>], vector<16xf32>,
          %swap3A_845 = arith.index_cast %sub3A_812 : i32 to index
          %swap3A_846 = arith.constant 32 : index
          %swap3A_847 = tpu.vector_load %arg11[%swap3A_845, %swap3A_846] {strides = array<i32>} : memref<128x64xf32, #tpu.memory_space<vmem>>, vector<16xf32>,
          tpu.vector_store %arg11[%swap3A_845, %swap3A_846], %gather3A_844 {strides = array<i32>} : memref<128x64xf32, #tpu.memory_space<vmem>>, vector<16xf32>,
          %iota3A_848 = tpu.iota {dimensions = array<i32: 0>} : vector<16xi32>
          %add3A_849 = arith.constant 48 : i32
          %add3A_850 = vector.broadcast %add3A_849 : i32 to vector<16xi32>
          %add3A_851 = arith.addi %iota3A_848, %add3A_850 : vector<16xi32>
          %gather3A_852 = arith.constant 0 : i32
          %gather3A_853 = arith.constant 0 : i32
          %gather3A_854 = tpu.memref_slice %arg10[%while3A_784, %gather3A_852, %gather3A_853] : memref<9x64x128xf32, #tpu.memory_space<vmem>> -> memref<1x64x128xf32, #tpu.memory_space<vmem>>
          %gather3A_855 = tpu.memref_squeeze %gather3A_854 : memref<1x64x128xf32, #tpu.memory_space<vmem>> -> memref<64x128xf32, #tpu.memory_space<vmem>>
          %gather3A_856 = tpu.vector_load_idx %gather3A_855[%add3A_851, %and3A_811] : memref<64x128xf32, #tpu.memory_space<vmem>>[vector<16xi32>, vector<16xi32>], vector<16xf32>,
          %swap3A_857 = arith.index_cast %sub3A_812 : i32 to index
          %swap3A_858 = arith.constant 48 : index
          %swap3A_859 = tpu.vector_load %arg11[%swap3A_857, %swap3A_858] {strides = array<i32>} : memref<128x64xf32, #tpu.memory_space<vmem>>, vector<16xf32>,
          tpu.vector_store %arg11[%swap3A_857, %swap3A_858], %gather3A_856 {strides = array<i32>} : memref<128x64xf32, #tpu.memory_space<vmem>>, vector<16xf32>,
          scf.yield %cond3A_804 : i32
        }
        %while3A_794 = arith.constant 1 : i32
        %while3A_795 = scf.for %while3A_796 = %while3A_791 to %while3A_787 step %while3A_794 iter_args(%while3A_797 = %while3A_793) -> (i32)  : i32 {
          %add3A_798 = arith.addi %squeeze3A_783, %while3A_796 : i32
          %sub3A_799 = arith.subi %add3A_798, %while3A_797 : i32
          %ge3A = arith.constant 128 : i32
          %ge3A_800 = arith.cmpi sge, %sub3A_799, %ge3A : i32
          %convert_element_type3A_801 = arith.extui %ge3A_800 : i1 to i32
          %cond3A_802 = arith.constant 0 : i32
          %cond3A_803 = arith.cmpi ne, %convert_element_type3A_801, %cond3A_802 : i32
          %cond3A_804 = scf.if %cond3A_803 -> (i32) {
            %while3A_860 = arith.constant 0 : i32
            %while3A_861 = arith.constant 0 : i32
            %while3A_862 = arith.constant 128 : i32
            %while3A_863 = arith.subi %while3A_862, %while3A_861 : i32
            %while3A_864 = arith.addi %while3A_861, %while3A_863 : i32
            %while3A_865 = arith.constant 1 : i32
            %while3A_866 = arith.divsi %while3A_863, %while3A_865 : i32
            %while3A_867 = arith.muli %while3A_866, %while3A_865 : i32
            %while3A_868 = arith.addi %while3A_861, %while3A_867 : i32
            %while3A_869 = arith.constant 1 : i32
            scf.for %while3A_884 = %while3A_861 to %while3A_868 step %while3A_869  : i32 {
              %add3A_885 = arith.addi %while3A_797, %while3A_884 : i32
              %broadcast_in_dim3A_886 = vector.broadcast %add3A_885 : i32 to vector<16xi32>
              %gather3A_887 = tpu.vector_load_idx %arg6[%broadcast_in_dim3A_886] : memref<16384xi32, #tpu.memory_space<vmem>>[vector<16xi32>], vector<16xi32>,
              %slice3A_888 = vector.extract_strided_slice %gather3A_887 {offsets = [0], sizes = [1], strides = [1]} : vector<16xi32> to vector<1xi32>
              %squeeze3A_889 = vector.extract %slice3A_888[0] : i32 from vector<1xi32>
              %and3A_890 = arith.constant 16383 : i32
              %and3A_891 = arith.andi %squeeze3A_889, %and3A_890 : i32
              %dma_start3A = arith.constant 0 : i32
              %dma_start3A_892 = tpu.memref_slice %arg11[%while3A_884, %dma_start3A] : memref<128x64xf32, #tpu.memory_space<vmem>> -> memref<1x64xf32, #tpu.memory_space<vmem>>
              %dma_start3A_893 = arith.constant 0 : i32
              %dma_start3A_894 = tpu.memref_slice %arg4[%and3A_891, %dma_start3A_893] : memref<16384x64xf32, #tpu.memory_space<hbm>> -> memref<1x64xf32, #tpu.memory_space<hbm>>
              %dma_start3A_895 = arith.constant 0 : i32
              %dma_start3A_896 = tpu.memref_slice %arg4[%and3A_891, %dma_start3A_895] : memref<16384x64xf32, #tpu.memory_space<hbm>> -> memref<1x64xf32, #tpu.memory_space<hbm>>
              %dma_start3A_897 = arith.constant 0 : i32
              %dma_start3A_898 = tpu.memref_slice %arg11[%while3A_884, %dma_start3A_897] : memref<128x64xf32, #tpu.memory_space<vmem>> -> memref<1x64xf32, #tpu.memory_space<vmem>>
              tpu.enqueue_dma source(%dma_start3A_898 : memref<1x64xf32, #tpu.memory_space<vmem>>) target(%dma_start3A_896 : memref<1x64xf32, #tpu.memory_space<hbm>>) target_semaphore(%arg21 : memref<!tpu.dma_semaphore, #tpu.memory_space<semaphore_mem>>)
            }
            %while3A_870 = arith.constant 1 : i32
            scf.for %while3A_884 = %while3A_868 to %while3A_864 step %while3A_870  : i32 {
              %add3A_885 = arith.addi %while3A_797, %while3A_884 : i32
              %broadcast_in_dim3A_886 = vector.broadcast %add3A_885 : i32 to vector<16xi32>
              %gather3A_887 = tpu.vector_load_idx %arg6[%broadcast_in_dim3A_886] : memref<16384xi32, #tpu.memory_space<vmem>>[vector<16xi32>], vector<16xi32>,
              %slice3A_888 = vector.extract_strided_slice %gather3A_887 {offsets = [0], sizes = [1], strides = [1]} : vector<16xi32> to vector<1xi32>
              %squeeze3A_889 = vector.extract %slice3A_888[0] : i32 from vector<1xi32>
              %and3A_890 = arith.constant 16383 : i32
              %and3A_891 = arith.andi %squeeze3A_889, %and3A_890 : i32
              %dma_start3A = arith.constant 0 : i32
              %dma_start3A_892 = tpu.memref_slice %arg11[%while3A_884, %dma_start3A] : memref<128x64xf32, #tpu.memory_space<vmem>> -> memref<1x64xf32, #tpu.memory_space<vmem>>
              %dma_start3A_893 = arith.constant 0 : i32
              %dma_start3A_894 = tpu.memref_slice %arg4[%and3A_891, %dma_start3A_893] : memref<16384x64xf32, #tpu.memory_space<hbm>> -> memref<1x64xf32, #tpu.memory_space<hbm>>
              %dma_start3A_895 = arith.constant 0 : i32
              %dma_start3A_896 = tpu.memref_slice %arg4[%and3A_891, %dma_start3A_895] : memref<16384x64xf32, #tpu.memory_space<hbm>> -> memref<1x64xf32, #tpu.memory_space<hbm>>
              %dma_start3A_897 = arith.constant 0 : i32
              %dma_start3A_898 = tpu.memref_slice %arg11[%while3A_884, %dma_start3A_897] : memref<128x64xf32, #tpu.memory_space<vmem>> -> memref<1x64xf32, #tpu.memory_space<vmem>>
              tpu.enqueue_dma source(%dma_start3A_898 : memref<1x64xf32, #tpu.memory_space<vmem>>) target(%dma_start3A_896 : memref<1x64xf32, #tpu.memory_space<hbm>>) target_semaphore(%arg21 : memref<!tpu.dma_semaphore, #tpu.memory_space<semaphore_mem>>)
            }
            %while3A_871 = arith.constant 0 : i32
            %while3A_872 = arith.constant 0 : i32
            %while3A_873 = arith.constant 128 : i32
            %while3A_874 = arith.subi %while3A_873, %while3A_872 : i32
            %while3A_875 = arith.addi %while3A_872, %while3A_874 : i32
            %while3A_876 = arith.constant 1 : i32
            %while3A_877 = arith.divsi %while3A_874, %while3A_876 : i32
            %while3A_878 = arith.muli %while3A_877, %while3A_876 : i32
            %while3A_879 = arith.addi %while3A_872, %while3A_878 : i32
            %while3A_880 = arith.constant 1 : i32
            scf.for %while3A_884 = %while3A_872 to %while3A_879 step %while3A_880  : i32 {
              %dma_wait3A_885 = arith.constant 0 : i32
              %dma_wait3A_886 = arith.constant 0 : i32
              %dma_wait3A_887 = tpu.memref_slice %arg11[%dma_wait3A_885, %dma_wait3A_886] : memref<128x64xf32, #tpu.memory_space<vmem>> -> memref<1x64xf32, #tpu.memory_space<vmem>>
              %dma_wait3A_888 = arith.constant 0 : i32
              %dma_wait3A_889 = arith.constant 0 : i32
              %dma_wait3A_890 = tpu.memref_slice %arg4[%dma_wait3A_888, %dma_wait3A_889] : memref<16384x64xf32, #tpu.memory_space<hbm>> -> memref<1x64xf32, #tpu.memory_space<hbm>>
              %dma_wait3A_891 = arith.constant 0 : i32
              %dma_wait3A_892 = arith.constant 0 : i32
              %dma_wait3A_893 = tpu.memref_slice %arg11[%dma_wait3A_891, %dma_wait3A_892] : memref<128x64xf32, #tpu.memory_space<vmem>> -> memref<1x64xf32, #tpu.memory_space<vmem>>
              %dma_wait3A_894 = arith.constant 0 : i32
              %dma_wait3A_895 = arith.constant 0 : i32
              %dma_wait3A_896 = tpu.memref_slice %arg4[%dma_wait3A_894, %dma_wait3A_895] : memref<16384x64xf32, #tpu.memory_space<hbm>> -> memref<1x64xf32, #tpu.memory_space<hbm>>
              tpu.wait_dma2 semaphore(%arg21 : memref<!tpu.dma_semaphore, #tpu.memory_space<semaphore_mem>>) src(%dma_wait3A_896 : memref<1x64xf32, #tpu.memory_space<hbm>>) dst(%dma_wait3A_893 : memref<1x64xf32, #tpu.memory_space<vmem>>)
            }
            %while3A_881 = arith.constant 1 : i32
            scf.for %while3A_884 = %while3A_879 to %while3A_875 step %while3A_881  : i32 {
              %dma_wait3A_885 = arith.constant 0 : i32
              %dma_wait3A_886 = arith.constant 0 : i32
              %dma_wait3A_887 = tpu.memref_slice %arg11[%dma_wait3A_885, %dma_wait3A_886] : memref<128x64xf32, #tpu.memory_space<vmem>> -> memref<1x64xf32, #tpu.memory_space<vmem>>
              %dma_wait3A_888 = arith.constant 0 : i32
              %dma_wait3A_889 = arith.constant 0 : i32
              %dma_wait3A_890 = tpu.memref_slice %arg4[%dma_wait3A_888, %dma_wait3A_889] : memref<16384x64xf32, #tpu.memory_space<hbm>> -> memref<1x64xf32, #tpu.memory_space<hbm>>
              %dma_wait3A_891 = arith.constant 0 : i32
              %dma_wait3A_892 = arith.constant 0 : i32
              %dma_wait3A_893 = tpu.memref_slice %arg11[%dma_wait3A_891, %dma_wait3A_892] : memref<128x64xf32, #tpu.memory_space<vmem>> -> memref<1x64xf32, #tpu.memory_space<vmem>>
              %dma_wait3A_894 = arith.constant 0 : i32
              %dma_wait3A_895 = arith.constant 0 : i32
              %dma_wait3A_896 = tpu.memref_slice %arg4[%dma_wait3A_894, %dma_wait3A_895] : memref<16384x64xf32, #tpu.memory_space<hbm>> -> memref<1x64xf32, #tpu.memory_space<hbm>>
              tpu.wait_dma2 semaphore(%arg21 : memref<!tpu.dma_semaphore, #tpu.memory_space<semaphore_mem>>) src(%dma_wait3A_896 : memref<1x64xf32, #tpu.memory_space<hbm>>) dst(%dma_wait3A_893 : memref<1x64xf32, #tpu.memory_space<vmem>>)
            }
            %add3A_882 = arith.constant 128 : i32
            %add3A_883 = arith.addi %while3A_797, %add3A_882 : i32
            scf.yield %add3A_883 : i32
          } else {
            scf.yield %while3A_797 : i32
          }
          %broadcast_in_dim3A_805 = vector.broadcast %add3A_798 : i32 to vector<16xi32>
          %gather3A_806 = tpu.vector_load_idx %arg6[%broadcast_in_dim3A_805] : memref<16384xi32, #tpu.memory_space<vmem>>[vector<16xi32>], vector<16xi32>,
          %shift_right_arithmetic3A = arith.constant 14 : i32
          %shift_right_arithmetic3A_807 = vector.broadcast %shift_right_arithmetic3A : i32 to vector<16xi32>
          %shift_right_arithmetic3A_808 = arith.shrsi %gather3A_806, %shift_right_arithmetic3A_807 : vector<16xi32>
          %and3A_809 = arith.constant 127 : i32
          %and3A_810 = vector.broadcast %and3A_809 : i32 to vector<16xi32>
          %and3A_811 = arith.andi %shift_right_arithmetic3A_808, %and3A_810 : vector<16xi32>
          %sub3A_812 = arith.subi %add3A_798, %cond3A_804 : i32
          %iota3A = tpu.iota {dimensions = array<i32: 0>} : vector<16xi32>
          %add3A_813 = arith.constant 0 : i32
          %add3A_814 = vector.broadcast %add3A_813 : i32 to vector<16xi32>
          %add3A_815 = arith.addi %iota3A, %add3A_814 : vector<16xi32>
          %gather3A_816 = arith.constant 0 : i32
          %gather3A_817 = arith.constant 0 : i32
          %gather3A_818 = tpu.memref_slice %arg10[%while3A_784, %gather3A_816, %gather3A_817] : memref<9x64x128xf32, #tpu.memory_space<vmem>> -> memref<1x64x128xf32, #tpu.memory_space<vmem>>
          %gather3A_819 = tpu.memref_squeeze %gather3A_818 : memref<1x64x128xf32, #tpu.memory_space<vmem>> -> memref<64x128xf32, #tpu.memory_space<vmem>>
          %gather3A_820 = tpu.vector_load_idx %gather3A_819[%add3A_815, %and3A_811] : memref<64x128xf32, #tpu.memory_space<vmem>>[vector<16xi32>, vector<16xi32>], vector<16xf32>,
          %swap3A_821 = arith.index_cast %sub3A_812 : i32 to index
          %swap3A_822 = arith.constant 0 : index
          %swap3A_823 = tpu.vector_load %arg11[%swap3A_821, %swap3A_822] {strides = array<i32>} : memref<128x64xf32, #tpu.memory_space<vmem>>, vector<16xf32>,
          tpu.vector_store %arg11[%swap3A_821, %swap3A_822], %gather3A_820 {strides = array<i32>} : memref<128x64xf32, #tpu.memory_space<vmem>>, vector<16xf32>,
          %iota3A_824 = tpu.iota {dimensions = array<i32: 0>} : vector<16xi32>
          %add3A_825 = arith.constant 16 : i32
          %add3A_826 = vector.broadcast %add3A_825 : i32 to vector<16xi32>
          %add3A_827 = arith.addi %iota3A_824, %add3A_826 : vector<16xi32>
          %gather3A_828 = arith.constant 0 : i32
          %gather3A_829 = arith.constant 0 : i32
          %gather3A_830 = tpu.memref_slice %arg10[%while3A_784, %gather3A_828, %gather3A_829] : memref<9x64x128xf32, #tpu.memory_space<vmem>> -> memref<1x64x128xf32, #tpu.memory_space<vmem>>
          %gather3A_831 = tpu.memref_squeeze %gather3A_830 : memref<1x64x128xf32, #tpu.memory_space<vmem>> -> memref<64x128xf32, #tpu.memory_space<vmem>>
          %gather3A_832 = tpu.vector_load_idx %gather3A_831[%add3A_827, %and3A_811] : memref<64x128xf32, #tpu.memory_space<vmem>>[vector<16xi32>, vector<16xi32>], vector<16xf32>,
          %swap3A_833 = arith.index_cast %sub3A_812 : i32 to index
          %swap3A_834 = arith.constant 16 : index
          %swap3A_835 = tpu.vector_load %arg11[%swap3A_833, %swap3A_834] {strides = array<i32>} : memref<128x64xf32, #tpu.memory_space<vmem>>, vector<16xf32>,
          tpu.vector_store %arg11[%swap3A_833, %swap3A_834], %gather3A_832 {strides = array<i32>} : memref<128x64xf32, #tpu.memory_space<vmem>>, vector<16xf32>,
          %iota3A_836 = tpu.iota {dimensions = array<i32: 0>} : vector<16xi32>
          %add3A_837 = arith.constant 32 : i32
          %add3A_838 = vector.broadcast %add3A_837 : i32 to vector<16xi32>
          %add3A_839 = arith.addi %iota3A_836, %add3A_838 : vector<16xi32>
          %gather3A_840 = arith.constant 0 : i32
          %gather3A_841 = arith.constant 0 : i32
          %gather3A_842 = tpu.memref_slice %arg10[%while3A_784, %gather3A_840, %gather3A_841] : memref<9x64x128xf32, #tpu.memory_space<vmem>> -> memref<1x64x128xf32, #tpu.memory_space<vmem>>
          %gather3A_843 = tpu.memref_squeeze %gather3A_842 : memref<1x64x128xf32, #tpu.memory_space<vmem>> -> memref<64x128xf32, #tpu.memory_space<vmem>>
          %gather3A_844 = tpu.vector_load_idx %gather3A_843[%add3A_839, %and3A_811] : memref<64x128xf32, #tpu.memory_space<vmem>>[vector<16xi32>, vector<16xi32>], vector<16xf32>,
          %swap3A_845 = arith.index_cast %sub3A_812 : i32 to index
          %swap3A_846 = arith.constant 32 : index
          %swap3A_847 = tpu.vector_load %arg11[%swap3A_845, %swap3A_846] {strides = array<i32>} : memref<128x64xf32, #tpu.memory_space<vmem>>, vector<16xf32>,
          tpu.vector_store %arg11[%swap3A_845, %swap3A_846], %gather3A_844 {strides = array<i32>} : memref<128x64xf32, #tpu.memory_space<vmem>>, vector<16xf32>,
          %iota3A_848 = tpu.iota {dimensions = array<i32: 0>} : vector<16xi32>
          %add3A_849 = arith.constant 48 : i32
          %add3A_850 = vector.broadcast %add3A_849 : i32 to vector<16xi32>
          %add3A_851 = arith.addi %iota3A_848, %add3A_850 : vector<16xi32>
          %gather3A_852 = arith.constant 0 : i32
          %gather3A_853 = arith.constant 0 : i32
          %gather3A_854 = tpu.memref_slice %arg10[%while3A_784, %gather3A_852, %gather3A_853] : memref<9x64x128xf32, #tpu.memory_space<vmem>> -> memref<1x64x128xf32, #tpu.memory_space<vmem>>
          %gather3A_855 = tpu.memref_squeeze %gather3A_854 : memref<1x64x128xf32, #tpu.memory_space<vmem>> -> memref<64x128xf32, #tpu.memory_space<vmem>>
          %gather3A_856 = tpu.vector_load_idx %gather3A_855[%add3A_851, %and3A_811] : memref<64x128xf32, #tpu.memory_space<vmem>>[vector<16xi32>, vector<16xi32>], vector<16xf32>,
          %swap3A_857 = arith.index_cast %sub3A_812 : i32 to index
          %swap3A_858 = arith.constant 48 : index
          %swap3A_859 = tpu.vector_load %arg11[%swap3A_857, %swap3A_858] {strides = array<i32>} : memref<128x64xf32, #tpu.memory_space<vmem>>, vector<16xf32>,
          tpu.vector_store %arg11[%swap3A_857, %swap3A_858], %gather3A_856 {strides = array<i32>} : memref<128x64xf32, #tpu.memory_space<vmem>>, vector<16xf32>,
          scf.yield %cond3A_804 : i32
        }
        scf.yield %while3A_795 : i32
      } else {
        scf.yield %scan3A_468 : i32
      }
      %mul3A_487 = arith.constant 9 : i32
      %mul3A_488 = arith.muli %scan3A_467, %mul3A_487 : i32
      %add3A_489 = arith.constant 0 : i32
      %add3A_490 = arith.addi %mul3A_488, %add3A_489 : i32
      %broadcast_in_dim3A_491 = vector.broadcast %add3A_490 : i32 to vector<16xi32>
      %gather3A_492 = tpu.vector_load_idx %arg7[%broadcast_in_dim3A_491] : memref<256xi32, #tpu.memory_space<vmem>>[vector<16xi32>], vector<16xi32>,
      %slice3A_493 = vector.extract_strided_slice %gather3A_492 {offsets = [0], sizes = [1], strides = [1]} : vector<16xi32> to vector<1xi32>
      %squeeze3A_494 = vector.extract %slice3A_493[0] : i32 from vector<1xi32>
      %lt3A_495 = arith.cmpi slt, %add3A_490, %min3A_6 : i32
      %gt3A_496 = arith.constant 0 : i32
      %gt3A_497 = arith.cmpi sgt, %squeeze3A_494, %gt3A_496 : i32
      %and3A_498 = arith.andi %lt3A_495, %gt3A_497 : i1
      %convert_element_type3A_499 = arith.extui %and3A_498 : i1 to i32
      %cond3A_500 = arith.constant 0 : i32
      %cond3A_501 = arith.cmpi ne, %convert_element_type3A_499, %cond3A_500 : i32
      scf.if %cond3A_501 {
        %add3A_766 = arith.addi %add3A_4, %add3A_490 : i32
        %mul3A_767 = arith.constant 128 : i32
        %mul3A_768 = arith.muli %add3A_766, %mul3A_767 : i32
        %multiple_of3A = tpu.assume_multiple %mul3A_768, 128 : i32
        %dma_start3A = arith.constant 0 : i32
        %dma_start3A_769 = arith.constant 0 : i32
        %dma_start3A_770 = arith.constant 0 : i32
        %dma_start3A_771 = tpu.memref_slice %arg10[%dma_start3A, %dma_start3A_769, %dma_start3A_770] : memref<9x64x128xf32, #tpu.memory_space<vmem>> -> memref<1x64x128xf32, #tpu.memory_space<vmem>>
        %dma_start3A_772 = tpu.memref_squeeze %dma_start3A_771 : memref<1x64x128xf32, #tpu.memory_space<vmem>> -> memref<64x128xf32, #tpu.memory_space<vmem>>
        %dma_start3A_773 = arith.constant 0 : i32
        %dma_start3A_774 = tpu.memref_slice %arg2[%dma_start3A_773, %multiple_of3A] : memref<64x1077001xf32, #tpu.memory_space<hbm>> -> memref<64x128xf32, #tpu.memory_space<hbm>>
        %dma_start3A_775 = arith.constant 0 : i32
        %dma_start3A_776 = arith.constant 0 : i32
        %dma_start3A_777 = tpu.memref_slice %arg10[%dma_start3A, %dma_start3A_775, %dma_start3A_776] : memref<9x64x128xf32, #tpu.memory_space<vmem>> -> memref<1x64x128xf32, #tpu.memory_space<vmem>>
        %dma_start3A_778 = tpu.memref_squeeze %dma_start3A_777 : memref<1x64x128xf32, #tpu.memory_space<vmem>> -> memref<64x128xf32, #tpu.memory_space<vmem>>
        %dma_start3A_779 = arith.constant 0 : i32
        %dma_start3A_780 = tpu.memref_slice %arg2[%dma_start3A_779, %multiple_of3A] : memref<64x1077001xf32, #tpu.memory_space<hbm>> -> memref<64x128xf32, #tpu.memory_space<hbm>>
        tpu.enqueue_dma source(%dma_start3A_780 : memref<64x128xf32, #tpu.memory_space<hbm>>) target(%dma_start3A_778 : memref<64x128xf32, #tpu.memory_space<vmem>>) target_semaphore(%arg12 : memref<!tpu.dma_semaphore, #tpu.memory_space<semaphore_mem>>)
      } else {
      }
      %sub3A_502 = arith.constant 1 : i32
      %sub3A_503 = arith.subi %scan3A_467, %sub3A_502 : i32
      %mul3A_504 = arith.constant 9 : i32
      %mul3A_505 = arith.muli %sub3A_503, %mul3A_504 : i32
      %add3A_506 = arith.constant 1 : i32
      %add3A_507 = arith.addi %mul3A_505, %add3A_506 : i32
      %broadcast_in_dim3A_508 = vector.broadcast %add3A_507 : i32 to vector<16xi32>
      %gather3A_509 = tpu.vector_load_idx %arg7[%broadcast_in_dim3A_508] : memref<256xi32, #tpu.memory_space<vmem>>[vector<16xi32>], vector<16xi32>,
      %slice3A_510 = vector.extract_strided_slice %gather3A_509 {offsets = [0], sizes = [1], strides = [1]} : vector<16xi32> to vector<1xi32>
      %squeeze3A_511 = vector.extract %slice3A_510[0] : i32 from vector<1xi32>
      %lt3A_512 = arith.cmpi slt, %add3A_507, %min3A_6 : i32
      %gt3A_513 = arith.constant 0 : i32
      %gt3A_514 = arith.cmpi sgt, %squeeze3A_511, %gt3A_513 : i32
      %and3A_515 = arith.andi %lt3A_512, %gt3A_514 : i1
      %convert_element_type3A_516 = arith.extui %and3A_515 : i1 to i32
      %cond3A_517 = arith.constant 0 : i32
      %cond3A_518 = arith.cmpi ne, %convert_element_type3A_516, %cond3A_517 : i32
      %cond3A_519 = scf.if %cond3A_518 -> (i32) {
        %dma_wait3A = arith.constant 1 : i32
        %dma_wait3A_766 = arith.constant 0 : i32
        %dma_wait3A_767 = arith.constant 0 : i32
        %dma_wait3A_768 = tpu.memref_slice %arg10[%dma_wait3A, %dma_wait3A_766, %dma_wait3A_767] : memref<9x64x128xf32, #tpu.memory_space<vmem>> -> memref<1x64x128xf32, #tpu.memory_space<vmem>>
        %dma_wait3A_769 = tpu.memref_squeeze %dma_wait3A_768 : memref<1x64x128xf32, #tpu.memory_space<vmem>> -> memref<64x128xf32, #tpu.memory_space<vmem>>
        %dma_wait3A_770 = arith.constant 0 : i32
        %dma_wait3A_771 = arith.constant 0 : i32
        %dma_wait3A_772 = tpu.memref_slice %arg2[%dma_wait3A_770, %dma_wait3A_771] : memref<64x1077001xf32, #tpu.memory_space<hbm>> -> memref<64x128xf32, #tpu.memory_space<hbm>>
        %dma_wait3A_773 = arith.constant 0 : i32
        %dma_wait3A_774 = arith.constant 0 : i32
        %dma_wait3A_775 = tpu.memref_slice %arg10[%dma_wait3A, %dma_wait3A_773, %dma_wait3A_774] : memref<9x64x128xf32, #tpu.memory_space<vmem>> -> memref<1x64x128xf32, #tpu.memory_space<vmem>>
        %dma_wait3A_776 = tpu.memref_squeeze %dma_wait3A_775 : memref<1x64x128xf32, #tpu.memory_space<vmem>> -> memref<64x128xf32, #tpu.memory_space<vmem>>
        %dma_wait3A_777 = arith.constant 0 : i32
        %dma_wait3A_778 = arith.constant 0 : i32
        %dma_wait3A_779 = tpu.memref_slice %arg2[%dma_wait3A_777, %dma_wait3A_778] : memref<64x1077001xf32, #tpu.memory_space<hbm>> -> memref<64x128xf32, #tpu.memory_space<hbm>>
        tpu.wait_dma2 semaphore(%arg13 : memref<!tpu.dma_semaphore, #tpu.memory_space<semaphore_mem>>) src(%dma_wait3A_779 : memref<64x128xf32, #tpu.memory_space<hbm>>) dst(%dma_wait3A_776 : memref<64x128xf32, #tpu.memory_space<vmem>>)
        %broadcast_in_dim3A_780 = vector.broadcast %add3A_507 : i32 to vector<16xi32>
        %gather3A_781 = tpu.vector_load_idx %arg8[%broadcast_in_dim3A_780] : memref<256xi32, #tpu.memory_space<vmem>>[vector<16xi32>], vector<16xi32>,
        %slice3A_782 = vector.extract_strided_slice %gather3A_781 {offsets = [0], sizes = [1], strides = [1]} : vector<16xi32> to vector<1xi32>
        %squeeze3A_783 = vector.extract %slice3A_782[0] : i32 from vector<1xi32>
        %while3A_784 = arith.constant 1 : i32
        %while3A_785 = arith.constant 0 : i32
        %while3A_786 = arith.subi %squeeze3A_511, %while3A_785 : i32
        %while3A_787 = arith.addi %while3A_785, %while3A_786 : i32
        %while3A_788 = arith.constant 1 : i32
        %while3A_789 = arith.divsi %while3A_786, %while3A_788 : i32
        %while3A_790 = arith.muli %while3A_789, %while3A_788 : i32
        %while3A_791 = arith.addi %while3A_785, %while3A_790 : i32
        %while3A_792 = arith.constant 1 : i32
        %while3A_793 = scf.for %while3A_796 = %while3A_785 to %while3A_791 step %while3A_792 iter_args(%while3A_797 = %cond3A_486) -> (i32)  : i32 {
          %add3A_798 = arith.addi %squeeze3A_783, %while3A_796 : i32
          %sub3A_799 = arith.subi %add3A_798, %while3A_797 : i32
          %ge3A = arith.constant 128 : i32
          %ge3A_800 = arith.cmpi sge, %sub3A_799, %ge3A : i32
          %convert_element_type3A_801 = arith.extui %ge3A_800 : i1 to i32
          %cond3A_802 = arith.constant 0 : i32
          %cond3A_803 = arith.cmpi ne, %convert_element_type3A_801, %cond3A_802 : i32
          %cond3A_804 = scf.if %cond3A_803 -> (i32) {
            %while3A_860 = arith.constant 0 : i32
            %while3A_861 = arith.constant 0 : i32
            %while3A_862 = arith.constant 128 : i32
            %while3A_863 = arith.subi %while3A_862, %while3A_861 : i32
            %while3A_864 = arith.addi %while3A_861, %while3A_863 : i32
            %while3A_865 = arith.constant 1 : i32
            %while3A_866 = arith.divsi %while3A_863, %while3A_865 : i32
            %while3A_867 = arith.muli %while3A_866, %while3A_865 : i32
            %while3A_868 = arith.addi %while3A_861, %while3A_867 : i32
            %while3A_869 = arith.constant 1 : i32
            scf.for %while3A_884 = %while3A_861 to %while3A_868 step %while3A_869  : i32 {
              %add3A_885 = arith.addi %while3A_797, %while3A_884 : i32
              %broadcast_in_dim3A_886 = vector.broadcast %add3A_885 : i32 to vector<16xi32>
              %gather3A_887 = tpu.vector_load_idx %arg6[%broadcast_in_dim3A_886] : memref<16384xi32, #tpu.memory_space<vmem>>[vector<16xi32>], vector<16xi32>,
              %slice3A_888 = vector.extract_strided_slice %gather3A_887 {offsets = [0], sizes = [1], strides = [1]} : vector<16xi32> to vector<1xi32>
              %squeeze3A_889 = vector.extract %slice3A_888[0] : i32 from vector<1xi32>
              %and3A_890 = arith.constant 16383 : i32
              %and3A_891 = arith.andi %squeeze3A_889, %and3A_890 : i32
              %dma_start3A = arith.constant 0 : i32
              %dma_start3A_892 = tpu.memref_slice %arg11[%while3A_884, %dma_start3A] : memref<128x64xf32, #tpu.memory_space<vmem>> -> memref<1x64xf32, #tpu.memory_space<vmem>>
              %dma_start3A_893 = arith.constant 0 : i32
              %dma_start3A_894 = tpu.memref_slice %arg4[%and3A_891, %dma_start3A_893] : memref<16384x64xf32, #tpu.memory_space<hbm>> -> memref<1x64xf32, #tpu.memory_space<hbm>>
              %dma_start3A_895 = arith.constant 0 : i32
              %dma_start3A_896 = tpu.memref_slice %arg4[%and3A_891, %dma_start3A_895] : memref<16384x64xf32, #tpu.memory_space<hbm>> -> memref<1x64xf32, #tpu.memory_space<hbm>>
              %dma_start3A_897 = arith.constant 0 : i32
              %dma_start3A_898 = tpu.memref_slice %arg11[%while3A_884, %dma_start3A_897] : memref<128x64xf32, #tpu.memory_space<vmem>> -> memref<1x64xf32, #tpu.memory_space<vmem>>
              tpu.enqueue_dma source(%dma_start3A_898 : memref<1x64xf32, #tpu.memory_space<vmem>>) target(%dma_start3A_896 : memref<1x64xf32, #tpu.memory_space<hbm>>) target_semaphore(%arg21 : memref<!tpu.dma_semaphore, #tpu.memory_space<semaphore_mem>>)
            }
            %while3A_870 = arith.constant 1 : i32
            scf.for %while3A_884 = %while3A_868 to %while3A_864 step %while3A_870  : i32 {
              %add3A_885 = arith.addi %while3A_797, %while3A_884 : i32
              %broadcast_in_dim3A_886 = vector.broadcast %add3A_885 : i32 to vector<16xi32>
              %gather3A_887 = tpu.vector_load_idx %arg6[%broadcast_in_dim3A_886] : memref<16384xi32, #tpu.memory_space<vmem>>[vector<16xi32>], vector<16xi32>,
              %slice3A_888 = vector.extract_strided_slice %gather3A_887 {offsets = [0], sizes = [1], strides = [1]} : vector<16xi32> to vector<1xi32>
              %squeeze3A_889 = vector.extract %slice3A_888[0] : i32 from vector<1xi32>
              %and3A_890 = arith.constant 16383 : i32
              %and3A_891 = arith.andi %squeeze3A_889, %and3A_890 : i32
              %dma_start3A = arith.constant 0 : i32
              %dma_start3A_892 = tpu.memref_slice %arg11[%while3A_884, %dma_start3A] : memref<128x64xf32, #tpu.memory_space<vmem>> -> memref<1x64xf32, #tpu.memory_space<vmem>>
              %dma_start3A_893 = arith.constant 0 : i32
              %dma_start3A_894 = tpu.memref_slice %arg4[%and3A_891, %dma_start3A_893] : memref<16384x64xf32, #tpu.memory_space<hbm>> -> memref<1x64xf32, #tpu.memory_space<hbm>>
              %dma_start3A_895 = arith.constant 0 : i32
              %dma_start3A_896 = tpu.memref_slice %arg4[%and3A_891, %dma_start3A_895] : memref<16384x64xf32, #tpu.memory_space<hbm>> -> memref<1x64xf32, #tpu.memory_space<hbm>>
              %dma_start3A_897 = arith.constant 0 : i32
              %dma_start3A_898 = tpu.memref_slice %arg11[%while3A_884, %dma_start3A_897] : memref<128x64xf32, #tpu.memory_space<vmem>> -> memref<1x64xf32, #tpu.memory_space<vmem>>
              tpu.enqueue_dma source(%dma_start3A_898 : memref<1x64xf32, #tpu.memory_space<vmem>>) target(%dma_start3A_896 : memref<1x64xf32, #tpu.memory_space<hbm>>) target_semaphore(%arg21 : memref<!tpu.dma_semaphore, #tpu.memory_space<semaphore_mem>>)
            }
            %while3A_871 = arith.constant 0 : i32
            %while3A_872 = arith.constant 0 : i32
            %while3A_873 = arith.constant 128 : i32
            %while3A_874 = arith.subi %while3A_873, %while3A_872 : i32
            %while3A_875 = arith.addi %while3A_872, %while3A_874 : i32
            %while3A_876 = arith.constant 1 : i32
            %while3A_877 = arith.divsi %while3A_874, %while3A_876 : i32
            %while3A_878 = arith.muli %while3A_877, %while3A_876 : i32
            %while3A_879 = arith.addi %while3A_872, %while3A_878 : i32
            %while3A_880 = arith.constant 1 : i32
            scf.for %while3A_884 = %while3A_872 to %while3A_879 step %while3A_880  : i32 {
              %dma_wait3A_885 = arith.constant 0 : i32
              %dma_wait3A_886 = arith.constant 0 : i32
              %dma_wait3A_887 = tpu.memref_slice %arg11[%dma_wait3A_885, %dma_wait3A_886] : memref<128x64xf32, #tpu.memory_space<vmem>> -> memref<1x64xf32, #tpu.memory_space<vmem>>
              %dma_wait3A_888 = arith.constant 0 : i32
              %dma_wait3A_889 = arith.constant 0 : i32
              %dma_wait3A_890 = tpu.memref_slice %arg4[%dma_wait3A_888, %dma_wait3A_889] : memref<16384x64xf32, #tpu.memory_space<hbm>> -> memref<1x64xf32, #tpu.memory_space<hbm>>
              %dma_wait3A_891 = arith.constant 0 : i32
              %dma_wait3A_892 = arith.constant 0 : i32
              %dma_wait3A_893 = tpu.memref_slice %arg11[%dma_wait3A_891, %dma_wait3A_892] : memref<128x64xf32, #tpu.memory_space<vmem>> -> memref<1x64xf32, #tpu.memory_space<vmem>>
              %dma_wait3A_894 = arith.constant 0 : i32
              %dma_wait3A_895 = arith.constant 0 : i32
              %dma_wait3A_896 = tpu.memref_slice %arg4[%dma_wait3A_894, %dma_wait3A_895] : memref<16384x64xf32, #tpu.memory_space<hbm>> -> memref<1x64xf32, #tpu.memory_space<hbm>>
              tpu.wait_dma2 semaphore(%arg21 : memref<!tpu.dma_semaphore, #tpu.memory_space<semaphore_mem>>) src(%dma_wait3A_896 : memref<1x64xf32, #tpu.memory_space<hbm>>) dst(%dma_wait3A_893 : memref<1x64xf32, #tpu.memory_space<vmem>>)
            }
            %while3A_881 = arith.constant 1 : i32
            scf.for %while3A_884 = %while3A_879 to %while3A_875 step %while3A_881  : i32 {
              %dma_wait3A_885 = arith.constant 0 : i32
              %dma_wait3A_886 = arith.constant 0 : i32
              %dma_wait3A_887 = tpu.memref_slice %arg11[%dma_wait3A_885, %dma_wait3A_886] : memref<128x64xf32, #tpu.memory_space<vmem>> -> memref<1x64xf32, #tpu.memory_space<vmem>>
              %dma_wait3A_888 = arith.constant 0 : i32
              %dma_wait3A_889 = arith.constant 0 : i32
              %dma_wait3A_890 = tpu.memref_slice %arg4[%dma_wait3A_888, %dma_wait3A_889] : memref<16384x64xf32, #tpu.memory_space<hbm>> -> memref<1x64xf32, #tpu.memory_space<hbm>>
              %dma_wait3A_891 = arith.constant 0 : i32
              %dma_wait3A_892 = arith.constant 0 : i32
              %dma_wait3A_893 = tpu.memref_slice %arg11[%dma_wait3A_891, %dma_wait3A_892] : memref<128x64xf32, #tpu.memory_space<vmem>> -> memref<1x64xf32, #tpu.memory_space<vmem>>
              %dma_wait3A_894 = arith.constant 0 : i32
              %dma_wait3A_895 = arith.constant 0 : i32
              %dma_wait3A_896 = tpu.memref_slice %arg4[%dma_wait3A_894, %dma_wait3A_895] : memref<16384x64xf32, #tpu.memory_space<hbm>> -> memref<1x64xf32, #tpu.memory_space<hbm>>
              tpu.wait_dma2 semaphore(%arg21 : memref<!tpu.dma_semaphore, #tpu.memory_space<semaphore_mem>>) src(%dma_wait3A_896 : memref<1x64xf32, #tpu.memory_space<hbm>>) dst(%dma_wait3A_893 : memref<1x64xf32, #tpu.memory_space<vmem>>)
            }
            %add3A_882 = arith.constant 128 : i32
            %add3A_883 = arith.addi %while3A_797, %add3A_882 : i32
            scf.yield %add3A_883 : i32
          } else {
            scf.yield %while3A_797 : i32
          }
          %broadcast_in_dim3A_805 = vector.broadcast %add3A_798 : i32 to vector<16xi32>
          %gather3A_806 = tpu.vector_load_idx %arg6[%broadcast_in_dim3A_805] : memref<16384xi32, #tpu.memory_space<vmem>>[vector<16xi32>], vector<16xi32>,
          %shift_right_arithmetic3A = arith.constant 14 : i32
          %shift_right_arithmetic3A_807 = vector.broadcast %shift_right_arithmetic3A : i32 to vector<16xi32>
          %shift_right_arithmetic3A_808 = arith.shrsi %gather3A_806, %shift_right_arithmetic3A_807 : vector<16xi32>
          %and3A_809 = arith.constant 127 : i32
          %and3A_810 = vector.broadcast %and3A_809 : i32 to vector<16xi32>
          %and3A_811 = arith.andi %shift_right_arithmetic3A_808, %and3A_810 : vector<16xi32>
          %sub3A_812 = arith.subi %add3A_798, %cond3A_804 : i32
          %iota3A = tpu.iota {dimensions = array<i32: 0>} : vector<16xi32>
          %add3A_813 = arith.constant 0 : i32
          %add3A_814 = vector.broadcast %add3A_813 : i32 to vector<16xi32>
          %add3A_815 = arith.addi %iota3A, %add3A_814 : vector<16xi32>
          %gather3A_816 = arith.constant 0 : i32
          %gather3A_817 = arith.constant 0 : i32
          %gather3A_818 = tpu.memref_slice %arg10[%while3A_784, %gather3A_816, %gather3A_817] : memref<9x64x128xf32, #tpu.memory_space<vmem>> -> memref<1x64x128xf32, #tpu.memory_space<vmem>>
          %gather3A_819 = tpu.memref_squeeze %gather3A_818 : memref<1x64x128xf32, #tpu.memory_space<vmem>> -> memref<64x128xf32, #tpu.memory_space<vmem>>
          %gather3A_820 = tpu.vector_load_idx %gather3A_819[%add3A_815, %and3A_811] : memref<64x128xf32, #tpu.memory_space<vmem>>[vector<16xi32>, vector<16xi32>], vector<16xf32>,
          %swap3A_821 = arith.index_cast %sub3A_812 : i32 to index
          %swap3A_822 = arith.constant 0 : index
          %swap3A_823 = tpu.vector_load %arg11[%swap3A_821, %swap3A_822] {strides = array<i32>} : memref<128x64xf32, #tpu.memory_space<vmem>>, vector<16xf32>,
          tpu.vector_store %arg11[%swap3A_821, %swap3A_822], %gather3A_820 {strides = array<i32>} : memref<128x64xf32, #tpu.memory_space<vmem>>, vector<16xf32>,
          %iota3A_824 = tpu.iota {dimensions = array<i32: 0>} : vector<16xi32>
          %add3A_825 = arith.constant 16 : i32
          %add3A_826 = vector.broadcast %add3A_825 : i32 to vector<16xi32>
          %add3A_827 = arith.addi %iota3A_824, %add3A_826 : vector<16xi32>
          %gather3A_828 = arith.constant 0 : i32
          %gather3A_829 = arith.constant 0 : i32
          %gather3A_830 = tpu.memref_slice %arg10[%while3A_784, %gather3A_828, %gather3A_829] : memref<9x64x128xf32, #tpu.memory_space<vmem>> -> memref<1x64x128xf32, #tpu.memory_space<vmem>>
          %gather3A_831 = tpu.memref_squeeze %gather3A_830 : memref<1x64x128xf32, #tpu.memory_space<vmem>> -> memref<64x128xf32, #tpu.memory_space<vmem>>
          %gather3A_832 = tpu.vector_load_idx %gather3A_831[%add3A_827, %and3A_811] : memref<64x128xf32, #tpu.memory_space<vmem>>[vector<16xi32>, vector<16xi32>], vector<16xf32>,
          %swap3A_833 = arith.index_cast %sub3A_812 : i32 to index
          %swap3A_834 = arith.constant 16 : index
          %swap3A_835 = tpu.vector_load %arg11[%swap3A_833, %swap3A_834] {strides = array<i32>} : memref<128x64xf32, #tpu.memory_space<vmem>>, vector<16xf32>,
          tpu.vector_store %arg11[%swap3A_833, %swap3A_834], %gather3A_832 {strides = array<i32>} : memref<128x64xf32, #tpu.memory_space<vmem>>, vector<16xf32>,
          %iota3A_836 = tpu.iota {dimensions = array<i32: 0>} : vector<16xi32>
          %add3A_837 = arith.constant 32 : i32
          %add3A_838 = vector.broadcast %add3A_837 : i32 to vector<16xi32>
          %add3A_839 = arith.addi %iota3A_836, %add3A_838 : vector<16xi32>
          %gather3A_840 = arith.constant 0 : i32
          %gather3A_841 = arith.constant 0 : i32
          %gather3A_842 = tpu.memref_slice %arg10[%while3A_784, %gather3A_840, %gather3A_841] : memref<9x64x128xf32, #tpu.memory_space<vmem>> -> memref<1x64x128xf32, #tpu.memory_space<vmem>>
          %gather3A_843 = tpu.memref_squeeze %gather3A_842 : memref<1x64x128xf32, #tpu.memory_space<vmem>> -> memref<64x128xf32, #tpu.memory_space<vmem>>
          %gather3A_844 = tpu.vector_load_idx %gather3A_843[%add3A_839, %and3A_811] : memref<64x128xf32, #tpu.memory_space<vmem>>[vector<16xi32>, vector<16xi32>], vector<16xf32>,
          %swap3A_845 = arith.index_cast %sub3A_812 : i32 to index
          %swap3A_846 = arith.constant 32 : index
          %swap3A_847 = tpu.vector_load %arg11[%swap3A_845, %swap3A_846] {strides = array<i32>} : memref<128x64xf32, #tpu.memory_space<vmem>>, vector<16xf32>,
          tpu.vector_store %arg11[%swap3A_845, %swap3A_846], %gather3A_844 {strides = array<i32>} : memref<128x64xf32, #tpu.memory_space<vmem>>, vector<16xf32>,
          %iota3A_848 = tpu.iota {dimensions = array<i32: 0>} : vector<16xi32>
          %add3A_849 = arith.constant 48 : i32
          %add3A_850 = vector.broadcast %add3A_849 : i32 to vector<16xi32>
          %add3A_851 = arith.addi %iota3A_848, %add3A_850 : vector<16xi32>
          %gather3A_852 = arith.constant 0 : i32
          %gather3A_853 = arith.constant 0 : i32
          %gather3A_854 = tpu.memref_slice %arg10[%while3A_784, %gather3A_852, %gather3A_853] : memref<9x64x128xf32, #tpu.memory_space<vmem>> -> memref<1x64x128xf32, #tpu.memory_space<vmem>>
          %gather3A_855 = tpu.memref_squeeze %gather3A_854 : memref<1x64x128xf32, #tpu.memory_space<vmem>> -> memref<64x128xf32, #tpu.memory_space<vmem>>
          %gather3A_856 = tpu.vector_load_idx %gather3A_855[%add3A_851, %and3A_811] : memref<64x128xf32, #tpu.memory_space<vmem>>[vector<16xi32>, vector<16xi32>], vector<16xf32>,
          %swap3A_857 = arith.index_cast %sub3A_812 : i32 to index
          %swap3A_858 = arith.constant 48 : index
          %swap3A_859 = tpu.vector_load %arg11[%swap3A_857, %swap3A_858] {strides = array<i32>} : memref<128x64xf32, #tpu.memory_space<vmem>>, vector<16xf32>,
          tpu.vector_store %arg11[%swap3A_857, %swap3A_858], %gather3A_856 {strides = array<i32>} : memref<128x64xf32, #tpu.memory_space<vmem>>, vector<16xf32>,
          scf.yield %cond3A_804 : i32
        }
        %while3A_794 = arith.constant 1 : i32
        %while3A_795 = scf.for %while3A_796 = %while3A_791 to %while3A_787 step %while3A_794 iter_args(%while3A_797 = %while3A_793) -> (i32)  : i32 {
          %add3A_798 = arith.addi %squeeze3A_783, %while3A_796 : i32
          %sub3A_799 = arith.subi %add3A_798, %while3A_797 : i32
          %ge3A = arith.constant 128 : i32
          %ge3A_800 = arith.cmpi sge, %sub3A_799, %ge3A : i32
          %convert_element_type3A_801 = arith.extui %ge3A_800 : i1 to i32
          %cond3A_802 = arith.constant 0 : i32
          %cond3A_803 = arith.cmpi ne, %convert_element_type3A_801, %cond3A_802 : i32
          %cond3A_804 = scf.if %cond3A_803 -> (i32) {
            %while3A_860 = arith.constant 0 : i32
            %while3A_861 = arith.constant 0 : i32
            %while3A_862 = arith.constant 128 : i32
            %while3A_863 = arith.subi %while3A_862, %while3A_861 : i32
            %while3A_864 = arith.addi %while3A_861, %while3A_863 : i32
            %while3A_865 = arith.constant 1 : i32
            %while3A_866 = arith.divsi %while3A_863, %while3A_865 : i32
            %while3A_867 = arith.muli %while3A_866, %while3A_865 : i32
            %while3A_868 = arith.addi %while3A_861, %while3A_867 : i32
            %while3A_869 = arith.constant 1 : i32
            scf.for %while3A_884 = %while3A_861 to %while3A_868 step %while3A_869  : i32 {
              %add3A_885 = arith.addi %while3A_797, %while3A_884 : i32
              %broadcast_in_dim3A_886 = vector.broadcast %add3A_885 : i32 to vector<16xi32>
              %gather3A_887 = tpu.vector_load_idx %arg6[%broadcast_in_dim3A_886] : memref<16384xi32, #tpu.memory_space<vmem>>[vector<16xi32>], vector<16xi32>,
              %slice3A_888 = vector.extract_strided_slice %gather3A_887 {offsets = [0], sizes = [1], strides = [1]} : vector<16xi32> to vector<1xi32>
              %squeeze3A_889 = vector.extract %slice3A_888[0] : i32 from vector<1xi32>
              %and3A_890 = arith.constant 16383 : i32
              %and3A_891 = arith.andi %squeeze3A_889, %and3A_890 : i32
              %dma_start3A = arith.constant 0 : i32
              %dma_start3A_892 = tpu.memref_slice %arg11[%while3A_884, %dma_start3A] : memref<128x64xf32, #tpu.memory_space<vmem>> -> memref<1x64xf32, #tpu.memory_space<vmem>>
              %dma_start3A_893 = arith.constant 0 : i32
              %dma_start3A_894 = tpu.memref_slice %arg4[%and3A_891, %dma_start3A_893] : memref<16384x64xf32, #tpu.memory_space<hbm>> -> memref<1x64xf32, #tpu.memory_space<hbm>>
              %dma_start3A_895 = arith.constant 0 : i32
              %dma_start3A_896 = tpu.memref_slice %arg4[%and3A_891, %dma_start3A_895] : memref<16384x64xf32, #tpu.memory_space<hbm>> -> memref<1x64xf32, #tpu.memory_space<hbm>>
              %dma_start3A_897 = arith.constant 0 : i32
              %dma_start3A_898 = tpu.memref_slice %arg11[%while3A_884, %dma_start3A_897] : memref<128x64xf32, #tpu.memory_space<vmem>> -> memref<1x64xf32, #tpu.memory_space<vmem>>
              tpu.enqueue_dma source(%dma_start3A_898 : memref<1x64xf32, #tpu.memory_space<vmem>>) target(%dma_start3A_896 : memref<1x64xf32, #tpu.memory_space<hbm>>) target_semaphore(%arg21 : memref<!tpu.dma_semaphore, #tpu.memory_space<semaphore_mem>>)
            }
            %while3A_870 = arith.constant 1 : i32
            scf.for %while3A_884 = %while3A_868 to %while3A_864 step %while3A_870  : i32 {
              %add3A_885 = arith.addi %while3A_797, %while3A_884 : i32
              %broadcast_in_dim3A_886 = vector.broadcast %add3A_885 : i32 to vector<16xi32>
              %gather3A_887 = tpu.vector_load_idx %arg6[%broadcast_in_dim3A_886] : memref<16384xi32, #tpu.memory_space<vmem>>[vector<16xi32>], vector<16xi32>,
              %slice3A_888 = vector.extract_strided_slice %gather3A_887 {offsets = [0], sizes = [1], strides = [1]} : vector<16xi32> to vector<1xi32>
              %squeeze3A_889 = vector.extract %slice3A_888[0] : i32 from vector<1xi32>
              %and3A_890 = arith.constant 16383 : i32
              %and3A_891 = arith.andi %squeeze3A_889, %and3A_890 : i32
              %dma_start3A = arith.constant 0 : i32
              %dma_start3A_892 = tpu.memref_slice %arg11[%while3A_884, %dma_start3A] : memref<128x64xf32, #tpu.memory_space<vmem>> -> memref<1x64xf32, #tpu.memory_space<vmem>>
              %dma_start3A_893 = arith.constant 0 : i32
              %dma_start3A_894 = tpu.memref_slice %arg4[%and3A_891, %dma_start3A_893] : memref<16384x64xf32, #tpu.memory_space<hbm>> -> memref<1x64xf32, #tpu.memory_space<hbm>>
              %dma_start3A_895 = arith.constant 0 : i32
              %dma_start3A_896 = tpu.memref_slice %arg4[%and3A_891, %dma_start3A_895] : memref<16384x64xf32, #tpu.memory_space<hbm>> -> memref<1x64xf32, #tpu.memory_space<hbm>>
              %dma_start3A_897 = arith.constant 0 : i32
              %dma_start3A_898 = tpu.memref_slice %arg11[%while3A_884, %dma_start3A_897] : memref<128x64xf32, #tpu.memory_space<vmem>> -> memref<1x64xf32, #tpu.memory_space<vmem>>
              tpu.enqueue_dma source(%dma_start3A_898 : memref<1x64xf32, #tpu.memory_space<vmem>>) target(%dma_start3A_896 : memref<1x64xf32, #tpu.memory_space<hbm>>) target_semaphore(%arg21 : memref<!tpu.dma_semaphore, #tpu.memory_space<semaphore_mem>>)
            }
            %while3A_871 = arith.constant 0 : i32
            %while3A_872 = arith.constant 0 : i32
            %while3A_873 = arith.constant 128 : i32
            %while3A_874 = arith.subi %while3A_873, %while3A_872 : i32
            %while3A_875 = arith.addi %while3A_872, %while3A_874 : i32
            %while3A_876 = arith.constant 1 : i32
            %while3A_877 = arith.divsi %while3A_874, %while3A_876 : i32
            %while3A_878 = arith.muli %while3A_877, %while3A_876 : i32
            %while3A_879 = arith.addi %while3A_872, %while3A_878 : i32
            %while3A_880 = arith.constant 1 : i32
            scf.for %while3A_884 = %while3A_872 to %while3A_879 step %while3A_880  : i32 {
              %dma_wait3A_885 = arith.constant 0 : i32
              %dma_wait3A_886 = arith.constant 0 : i32
              %dma_wait3A_887 = tpu.memref_slice %arg11[%dma_wait3A_885, %dma_wait3A_886] : memref<128x64xf32, #tpu.memory_space<vmem>> -> memref<1x64xf32, #tpu.memory_space<vmem>>
              %dma_wait3A_888 = arith.constant 0 : i32
              %dma_wait3A_889 = arith.constant 0 : i32
              %dma_wait3A_890 = tpu.memref_slice %arg4[%dma_wait3A_888, %dma_wait3A_889] : memref<16384x64xf32, #tpu.memory_space<hbm>> -> memref<1x64xf32, #tpu.memory_space<hbm>>
              %dma_wait3A_891 = arith.constant 0 : i32
              %dma_wait3A_892 = arith.constant 0 : i32
              %dma_wait3A_893 = tpu.memref_slice %arg11[%dma_wait3A_891, %dma_wait3A_892] : memref<128x64xf32, #tpu.memory_space<vmem>> -> memref<1x64xf32, #tpu.memory_space<vmem>>
              %dma_wait3A_894 = arith.constant 0 : i32
              %dma_wait3A_895 = arith.constant 0 : i32
              %dma_wait3A_896 = tpu.memref_slice %arg4[%dma_wait3A_894, %dma_wait3A_895] : memref<16384x64xf32, #tpu.memory_space<hbm>> -> memref<1x64xf32, #tpu.memory_space<hbm>>
              tpu.wait_dma2 semaphore(%arg21 : memref<!tpu.dma_semaphore, #tpu.memory_space<semaphore_mem>>) src(%dma_wait3A_896 : memref<1x64xf32, #tpu.memory_space<hbm>>) dst(%dma_wait3A_893 : memref<1x64xf32, #tpu.memory_space<vmem>>)
            }
            %while3A_881 = arith.constant 1 : i32
            scf.for %while3A_884 = %while3A_879 to %while3A_875 step %while3A_881  : i32 {
              %dma_wait3A_885 = arith.constant 0 : i32
              %dma_wait3A_886 = arith.constant 0 : i32
              %dma_wait3A_887 = tpu.memref_slice %arg11[%dma_wait3A_885, %dma_wait3A_886] : memref<128x64xf32, #tpu.memory_space<vmem>> -> memref<1x64xf32, #tpu.memory_space<vmem>>
              %dma_wait3A_888 = arith.constant 0 : i32
              %dma_wait3A_889 = arith.constant 0 : i32
              %dma_wait3A_890 = tpu.memref_slice %arg4[%dma_wait3A_888, %dma_wait3A_889] : memref<16384x64xf32, #tpu.memory_space<hbm>> -> memref<1x64xf32, #tpu.memory_space<hbm>>
              %dma_wait3A_891 = arith.constant 0 : i32
              %dma_wait3A_892 = arith.constant 0 : i32
              %dma_wait3A_893 = tpu.memref_slice %arg11[%dma_wait3A_891, %dma_wait3A_892] : memref<128x64xf32, #tpu.memory_space<vmem>> -> memref<1x64xf32, #tpu.memory_space<vmem>>
              %dma_wait3A_894 = arith.constant 0 : i32
              %dma_wait3A_895 = arith.constant 0 : i32
              %dma_wait3A_896 = tpu.memref_slice %arg4[%dma_wait3A_894, %dma_wait3A_895] : memref<16384x64xf32, #tpu.memory_space<hbm>> -> memref<1x64xf32, #tpu.memory_space<hbm>>
              tpu.wait_dma2 semaphore(%arg21 : memref<!tpu.dma_semaphore, #tpu.memory_space<semaphore_mem>>) src(%dma_wait3A_896 : memref<1x64xf32, #tpu.memory_space<hbm>>) dst(%dma_wait3A_893 : memref<1x64xf32, #tpu.memory_space<vmem>>)
            }
            %add3A_882 = arith.constant 128 : i32
            %add3A_883 = arith.addi %while3A_797, %add3A_882 : i32
            scf.yield %add3A_883 : i32
          } else {
            scf.yield %while3A_797 : i32
          }
          %broadcast_in_dim3A_805 = vector.broadcast %add3A_798 : i32 to vector<16xi32>
          %gather3A_806 = tpu.vector_load_idx %arg6[%broadcast_in_dim3A_805] : memref<16384xi32, #tpu.memory_space<vmem>>[vector<16xi32>], vector<16xi32>,
          %shift_right_arithmetic3A = arith.constant 14 : i32
          %shift_right_arithmetic3A_807 = vector.broadcast %shift_right_arithmetic3A : i32 to vector<16xi32>
          %shift_right_arithmetic3A_808 = arith.shrsi %gather3A_806, %shift_right_arithmetic3A_807 : vector<16xi32>
          %and3A_809 = arith.constant 127 : i32
          %and3A_810 = vector.broadcast %and3A_809 : i32 to vector<16xi32>
          %and3A_811 = arith.andi %shift_right_arithmetic3A_808, %and3A_810 : vector<16xi32>
          %sub3A_812 = arith.subi %add3A_798, %cond3A_804 : i32
          %iota3A = tpu.iota {dimensions = array<i32: 0>} : vector<16xi32>
          %add3A_813 = arith.constant 0 : i32
          %add3A_814 = vector.broadcast %add3A_813 : i32 to vector<16xi32>
          %add3A_815 = arith.addi %iota3A, %add3A_814 : vector<16xi32>
          %gather3A_816 = arith.constant 0 : i32
          %gather3A_817 = arith.constant 0 : i32
          %gather3A_818 = tpu.memref_slice %arg10[%while3A_784, %gather3A_816, %gather3A_817] : memref<9x64x128xf32, #tpu.memory_space<vmem>> -> memref<1x64x128xf32, #tpu.memory_space<vmem>>
          %gather3A_819 = tpu.memref_squeeze %gather3A_818 : memref<1x64x128xf32, #tpu.memory_space<vmem>> -> memref<64x128xf32, #tpu.memory_space<vmem>>
          %gather3A_820 = tpu.vector_load_idx %gather3A_819[%add3A_815, %and3A_811] : memref<64x128xf32, #tpu.memory_space<vmem>>[vector<16xi32>, vector<16xi32>], vector<16xf32>,
          %swap3A_821 = arith.index_cast %sub3A_812 : i32 to index
          %swap3A_822 = arith.constant 0 : index
          %swap3A_823 = tpu.vector_load %arg11[%swap3A_821, %swap3A_822] {strides = array<i32>} : memref<128x64xf32, #tpu.memory_space<vmem>>, vector<16xf32>,
          tpu.vector_store %arg11[%swap3A_821, %swap3A_822], %gather3A_820 {strides = array<i32>} : memref<128x64xf32, #tpu.memory_space<vmem>>, vector<16xf32>,
          %iota3A_824 = tpu.iota {dimensions = array<i32: 0>} : vector<16xi32>
          %add3A_825 = arith.constant 16 : i32
          %add3A_826 = vector.broadcast %add3A_825 : i32 to vector<16xi32>
          %add3A_827 = arith.addi %iota3A_824, %add3A_826 : vector<16xi32>
          %gather3A_828 = arith.constant 0 : i32
          %gather3A_829 = arith.constant 0 : i32
          %gather3A_830 = tpu.memref_slice %arg10[%while3A_784, %gather3A_828, %gather3A_829] : memref<9x64x128xf32, #tpu.memory_space<vmem>> -> memref<1x64x128xf32, #tpu.memory_space<vmem>>
          %gather3A_831 = tpu.memref_squeeze %gather3A_830 : memref<1x64x128xf32, #tpu.memory_space<vmem>> -> memref<64x128xf32, #tpu.memory_space<vmem>>
          %gather3A_832 = tpu.vector_load_idx %gather3A_831[%add3A_827, %and3A_811] : memref<64x128xf32, #tpu.memory_space<vmem>>[vector<16xi32>, vector<16xi32>], vector<16xf32>,
          %swap3A_833 = arith.index_cast %sub3A_812 : i32 to index
          %swap3A_834 = arith.constant 16 : index
          %swap3A_835 = tpu.vector_load %arg11[%swap3A_833, %swap3A_834] {strides = array<i32>} : memref<128x64xf32, #tpu.memory_space<vmem>>, vector<16xf32>,
          tpu.vector_store %arg11[%swap3A_833, %swap3A_834], %gather3A_832 {strides = array<i32>} : memref<128x64xf32, #tpu.memory_space<vmem>>, vector<16xf32>,
          %iota3A_836 = tpu.iota {dimensions = array<i32: 0>} : vector<16xi32>
          %add3A_837 = arith.constant 32 : i32
          %add3A_838 = vector.broadcast %add3A_837 : i32 to vector<16xi32>
          %add3A_839 = arith.addi %iota3A_836, %add3A_838 : vector<16xi32>
          %gather3A_840 = arith.constant 0 : i32
          %gather3A_841 = arith.constant 0 : i32
          %gather3A_842 = tpu.memref_slice %arg10[%while3A_784, %gather3A_840, %gather3A_841] : memref<9x64x128xf32, #tpu.memory_space<vmem>> -> memref<1x64x128xf32, #tpu.memory_space<vmem>>
          %gather3A_843 = tpu.memref_squeeze %gather3A_842 : memref<1x64x128xf32, #tpu.memory_space<vmem>> -> memref<64x128xf32, #tpu.memory_space<vmem>>
          %gather3A_844 = tpu.vector_load_idx %gather3A_843[%add3A_839, %and3A_811] : memref<64x128xf32, #tpu.memory_space<vmem>>[vector<16xi32>, vector<16xi32>], vector<16xf32>,
          %swap3A_845 = arith.index_cast %sub3A_812 : i32 to index
          %swap3A_846 = arith.constant 32 : index
          %swap3A_847 = tpu.vector_load %arg11[%swap3A_845, %swap3A_846] {strides = array<i32>} : memref<128x64xf32, #tpu.memory_space<vmem>>, vector<16xf32>,
          tpu.vector_store %arg11[%swap3A_845, %swap3A_846], %gather3A_844 {strides = array<i32>} : memref<128x64xf32, #tpu.memory_space<vmem>>, vector<16xf32>,
          %iota3A_848 = tpu.iota {dimensions = array<i32: 0>} : vector<16xi32>
          %add3A_849 = arith.constant 48 : i32
          %add3A_850 = vector.broadcast %add3A_849 : i32 to vector<16xi32>
          %add3A_851 = arith.addi %iota3A_848, %add3A_850 : vector<16xi32>
          %gather3A_852 = arith.constant 0 : i32
          %gather3A_853 = arith.constant 0 : i32
          %gather3A_854 = tpu.memref_slice %arg10[%while3A_784, %gather3A_852, %gather3A_853] : memref<9x64x128xf32, #tpu.memory_space<vmem>> -> memref<1x64x128xf32, #tpu.memory_space<vmem>>
          %gather3A_855 = tpu.memref_squeeze %gather3A_854 : memref<1x64x128xf32, #tpu.memory_space<vmem>> -> memref<64x128xf32, #tpu.memory_space<vmem>>
          %gather3A_856 = tpu.vector_load_idx %gather3A_855[%add3A_851, %and3A_811] : memref<64x128xf32, #tpu.memory_space<vmem>>[vector<16xi32>, vector<16xi32>], vector<16xf32>,
          %swap3A_857 = arith.index_cast %sub3A_812 : i32 to index
          %swap3A_858 = arith.constant 48 : index
          %swap3A_859 = tpu.vector_load %arg11[%swap3A_857, %swap3A_858] {strides = array<i32>} : memref<128x64xf32, #tpu.memory_space<vmem>>, vector<16xf32>,
          tpu.vector_store %arg11[%swap3A_857, %swap3A_858], %gather3A_856 {strides = array<i32>} : memref<128x64xf32, #tpu.memory_space<vmem>>, vector<16xf32>,
          scf.yield %cond3A_804 : i32
        }
        scf.yield %while3A_795 : i32
      } else {
        scf.yield %cond3A_486 : i32
      }
      %mul3A_520 = arith.constant 9 : i32
      %mul3A_521 = arith.muli %scan3A_467, %mul3A_520 : i32
      %add3A_522 = arith.constant 1 : i32
      %add3A_523 = arith.addi %mul3A_521, %add3A_522 : i32
      %broadcast_in_dim3A_524 = vector.broadcast %add3A_523 : i32 to vector<16xi32>
      %gather3A_525 = tpu.vector_load_idx %arg7[%broadcast_in_dim3A_524] : memref<256xi32, #tpu.memory_space<vmem>>[vector<16xi32>], vector<16xi32>,
      %slice3A_526 = vector.extract_strided_slice %gather3A_525 {offsets = [0], sizes = [1], strides = [1]} : vector<16xi32> to vector<1xi32>
      %squeeze3A_527 = vector.extract %slice3A_526[0] : i32 from vector<1xi32>
      %lt3A_528 = arith.cmpi slt, %add3A_523, %min3A_6 : i32
      %gt3A_529 = arith.constant 0 : i32
      %gt3A_530 = arith.cmpi sgt, %squeeze3A_527, %gt3A_529 : i32
      %and3A_531 = arith.andi %lt3A_528, %gt3A_530 : i1
      %convert_element_type3A_532 = arith.extui %and3A_531 : i1 to i32
      %cond3A_533 = arith.constant 0 : i32
      %cond3A_534 = arith.cmpi ne, %convert_element_type3A_532, %cond3A_533 : i32
      scf.if %cond3A_534 {
        %add3A_766 = arith.addi %add3A_4, %add3A_523 : i32
        %mul3A_767 = arith.constant 128 : i32
        %mul3A_768 = arith.muli %add3A_766, %mul3A_767 : i32
        %multiple_of3A = tpu.assume_multiple %mul3A_768, 128 : i32
        %dma_start3A = arith.constant 1 : i32
        %dma_start3A_769 = arith.constant 0 : i32
        %dma_start3A_770 = arith.constant 0 : i32
        %dma_start3A_771 = tpu.memref_slice %arg10[%dma_start3A, %dma_start3A_769, %dma_start3A_770] : memref<9x64x128xf32, #tpu.memory_space<vmem>> -> memref<1x64x128xf32, #tpu.memory_space<vmem>>
        %dma_start3A_772 = tpu.memref_squeeze %dma_start3A_771 : memref<1x64x128xf32, #tpu.memory_space<vmem>> -> memref<64x128xf32, #tpu.memory_space<vmem>>
        %dma_start3A_773 = arith.constant 0 : i32
        %dma_start3A_774 = tpu.memref_slice %arg2[%dma_start3A_773, %multiple_of3A] : memref<64x1077001xf32, #tpu.memory_space<hbm>> -> memref<64x128xf32, #tpu.memory_space<hbm>>
        %dma_start3A_775 = arith.constant 0 : i32
        %dma_start3A_776 = arith.constant 0 : i32
        %dma_start3A_777 = tpu.memref_slice %arg10[%dma_start3A, %dma_start3A_775, %dma_start3A_776] : memref<9x64x128xf32, #tpu.memory_space<vmem>> -> memref<1x64x128xf32, #tpu.memory_space<vmem>>
        %dma_start3A_778 = tpu.memref_squeeze %dma_start3A_777 : memref<1x64x128xf32, #tpu.memory_space<vmem>> -> memref<64x128xf32, #tpu.memory_space<vmem>>
        %dma_start3A_779 = arith.constant 0 : i32
        %dma_start3A_780 = tpu.memref_slice %arg2[%dma_start3A_779, %multiple_of3A] : memref<64x1077001xf32, #tpu.memory_space<hbm>> -> memref<64x128xf32, #tpu.memory_space<hbm>>
        tpu.enqueue_dma source(%dma_start3A_780 : memref<64x128xf32, #tpu.memory_space<hbm>>) target(%dma_start3A_778 : memref<64x128xf32, #tpu.memory_space<vmem>>) target_semaphore(%arg13 : memref<!tpu.dma_semaphore, #tpu.memory_space<semaphore_mem>>)
      } else {
      }
      %sub3A_535 = arith.constant 1 : i32
      %sub3A_536 = arith.subi %scan3A_467, %sub3A_535 : i32
      %mul3A_537 = arith.constant 9 : i32
      %mul3A_538 = arith.muli %sub3A_536, %mul3A_537 : i32
      %add3A_539 = arith.constant 2 : i32
      %add3A_540 = arith.addi %mul3A_538, %add3A_539 : i32
      %broadcast_in_dim3A_541 = vector.broadcast %add3A_540 : i32 to vector<16xi32>
      %gather3A_542 = tpu.vector_load_idx %arg7[%broadcast_in_dim3A_541] : memref<256xi32, #tpu.memory_space<vmem>>[vector<16xi32>], vector<16xi32>,
      %slice3A_543 = vector.extract_strided_slice %gather3A_542 {offsets = [0], sizes = [1], strides = [1]} : vector<16xi32> to vector<1xi32>
      %squeeze3A_544 = vector.extract %slice3A_543[0] : i32 from vector<1xi32>
      %lt3A_545 = arith.cmpi slt, %add3A_540, %min3A_6 : i32
      %gt3A_546 = arith.constant 0 : i32
      %gt3A_547 = arith.cmpi sgt, %squeeze3A_544, %gt3A_546 : i32
      %and3A_548 = arith.andi %lt3A_545, %gt3A_547 : i1
      %convert_element_type3A_549 = arith.extui %and3A_548 : i1 to i32
      %cond3A_550 = arith.constant 0 : i32
      %cond3A_551 = arith.cmpi ne, %convert_element_type3A_549, %cond3A_550 : i32
      %cond3A_552 = scf.if %cond3A_551 -> (i32) {
        %dma_wait3A = arith.constant 2 : i32
        %dma_wait3A_766 = arith.constant 0 : i32
        %dma_wait3A_767 = arith.constant 0 : i32
        %dma_wait3A_768 = tpu.memref_slice %arg10[%dma_wait3A, %dma_wait3A_766, %dma_wait3A_767] : memref<9x64x128xf32, #tpu.memory_space<vmem>> -> memref<1x64x128xf32, #tpu.memory_space<vmem>>
        %dma_wait3A_769 = tpu.memref_squeeze %dma_wait3A_768 : memref<1x64x128xf32, #tpu.memory_space<vmem>> -> memref<64x128xf32, #tpu.memory_space<vmem>>
        %dma_wait3A_770 = arith.constant 0 : i32
        %dma_wait3A_771 = arith.constant 0 : i32
        %dma_wait3A_772 = tpu.memref_slice %arg2[%dma_wait3A_770, %dma_wait3A_771] : memref<64x1077001xf32, #tpu.memory_space<hbm>> -> memref<64x128xf32, #tpu.memory_space<hbm>>
        %dma_wait3A_773 = arith.constant 0 : i32
        %dma_wait3A_774 = arith.constant 0 : i32
        %dma_wait3A_775 = tpu.memref_slice %arg10[%dma_wait3A, %dma_wait3A_773, %dma_wait3A_774] : memref<9x64x128xf32, #tpu.memory_space<vmem>> -> memref<1x64x128xf32, #tpu.memory_space<vmem>>
        %dma_wait3A_776 = tpu.memref_squeeze %dma_wait3A_775 : memref<1x64x128xf32, #tpu.memory_space<vmem>> -> memref<64x128xf32, #tpu.memory_space<vmem>>
        %dma_wait3A_777 = arith.constant 0 : i32
        %dma_wait3A_778 = arith.constant 0 : i32
        %dma_wait3A_779 = tpu.memref_slice %arg2[%dma_wait3A_777, %dma_wait3A_778] : memref<64x1077001xf32, #tpu.memory_space<hbm>> -> memref<64x128xf32, #tpu.memory_space<hbm>>
        tpu.wait_dma2 semaphore(%arg14 : memref<!tpu.dma_semaphore, #tpu.memory_space<semaphore_mem>>) src(%dma_wait3A_779 : memref<64x128xf32, #tpu.memory_space<hbm>>) dst(%dma_wait3A_776 : memref<64x128xf32, #tpu.memory_space<vmem>>)
        %broadcast_in_dim3A_780 = vector.broadcast %add3A_540 : i32 to vector<16xi32>
        %gather3A_781 = tpu.vector_load_idx %arg8[%broadcast_in_dim3A_780] : memref<256xi32, #tpu.memory_space<vmem>>[vector<16xi32>], vector<16xi32>,
        %slice3A_782 = vector.extract_strided_slice %gather3A_781 {offsets = [0], sizes = [1], strides = [1]} : vector<16xi32> to vector<1xi32>
        %squeeze3A_783 = vector.extract %slice3A_782[0] : i32 from vector<1xi32>
        %while3A_784 = arith.constant 2 : i32
        %while3A_785 = arith.constant 0 : i32
        %while3A_786 = arith.subi %squeeze3A_544, %while3A_785 : i32
        %while3A_787 = arith.addi %while3A_785, %while3A_786 : i32
        %while3A_788 = arith.constant 1 : i32
        %while3A_789 = arith.divsi %while3A_786, %while3A_788 : i32
        %while3A_790 = arith.muli %while3A_789, %while3A_788 : i32
        %while3A_791 = arith.addi %while3A_785, %while3A_790 : i32
        %while3A_792 = arith.constant 1 : i32
        %while3A_793 = scf.for %while3A_796 = %while3A_785 to %while3A_791 step %while3A_792 iter_args(%while3A_797 = %cond3A_519) -> (i32)  : i32 {
          %add3A_798 = arith.addi %squeeze3A_783, %while3A_796 : i32
          %sub3A_799 = arith.subi %add3A_798, %while3A_797 : i32
          %ge3A = arith.constant 128 : i32
          %ge3A_800 = arith.cmpi sge, %sub3A_799, %ge3A : i32
          %convert_element_type3A_801 = arith.extui %ge3A_800 : i1 to i32
          %cond3A_802 = arith.constant 0 : i32
          %cond3A_803 = arith.cmpi ne, %convert_element_type3A_801, %cond3A_802 : i32
          %cond3A_804 = scf.if %cond3A_803 -> (i32) {
            %while3A_860 = arith.constant 0 : i32
            %while3A_861 = arith.constant 0 : i32
            %while3A_862 = arith.constant 128 : i32
            %while3A_863 = arith.subi %while3A_862, %while3A_861 : i32
            %while3A_864 = arith.addi %while3A_861, %while3A_863 : i32
            %while3A_865 = arith.constant 1 : i32
            %while3A_866 = arith.divsi %while3A_863, %while3A_865 : i32
            %while3A_867 = arith.muli %while3A_866, %while3A_865 : i32
            %while3A_868 = arith.addi %while3A_861, %while3A_867 : i32
            %while3A_869 = arith.constant 1 : i32
            scf.for %while3A_884 = %while3A_861 to %while3A_868 step %while3A_869  : i32 {
              %add3A_885 = arith.addi %while3A_797, %while3A_884 : i32
              %broadcast_in_dim3A_886 = vector.broadcast %add3A_885 : i32 to vector<16xi32>
              %gather3A_887 = tpu.vector_load_idx %arg6[%broadcast_in_dim3A_886] : memref<16384xi32, #tpu.memory_space<vmem>>[vector<16xi32>], vector<16xi32>,
              %slice3A_888 = vector.extract_strided_slice %gather3A_887 {offsets = [0], sizes = [1], strides = [1]} : vector<16xi32> to vector<1xi32>
              %squeeze3A_889 = vector.extract %slice3A_888[0] : i32 from vector<1xi32>
              %and3A_890 = arith.constant 16383 : i32
              %and3A_891 = arith.andi %squeeze3A_889, %and3A_890 : i32
              %dma_start3A = arith.constant 0 : i32
              %dma_start3A_892 = tpu.memref_slice %arg11[%while3A_884, %dma_start3A] : memref<128x64xf32, #tpu.memory_space<vmem>> -> memref<1x64xf32, #tpu.memory_space<vmem>>
              %dma_start3A_893 = arith.constant 0 : i32
              %dma_start3A_894 = tpu.memref_slice %arg4[%and3A_891, %dma_start3A_893] : memref<16384x64xf32, #tpu.memory_space<hbm>> -> memref<1x64xf32, #tpu.memory_space<hbm>>
              %dma_start3A_895 = arith.constant 0 : i32
              %dma_start3A_896 = tpu.memref_slice %arg4[%and3A_891, %dma_start3A_895] : memref<16384x64xf32, #tpu.memory_space<hbm>> -> memref<1x64xf32, #tpu.memory_space<hbm>>
              %dma_start3A_897 = arith.constant 0 : i32
              %dma_start3A_898 = tpu.memref_slice %arg11[%while3A_884, %dma_start3A_897] : memref<128x64xf32, #tpu.memory_space<vmem>> -> memref<1x64xf32, #tpu.memory_space<vmem>>
              tpu.enqueue_dma source(%dma_start3A_898 : memref<1x64xf32, #tpu.memory_space<vmem>>) target(%dma_start3A_896 : memref<1x64xf32, #tpu.memory_space<hbm>>) target_semaphore(%arg21 : memref<!tpu.dma_semaphore, #tpu.memory_space<semaphore_mem>>)
            }
            %while3A_870 = arith.constant 1 : i32
            scf.for %while3A_884 = %while3A_868 to %while3A_864 step %while3A_870  : i32 {
              %add3A_885 = arith.addi %while3A_797, %while3A_884 : i32
              %broadcast_in_dim3A_886 = vector.broadcast %add3A_885 : i32 to vector<16xi32>
              %gather3A_887 = tpu.vector_load_idx %arg6[%broadcast_in_dim3A_886] : memref<16384xi32, #tpu.memory_space<vmem>>[vector<16xi32>], vector<16xi32>,
              %slice3A_888 = vector.extract_strided_slice %gather3A_887 {offsets = [0], sizes = [1], strides = [1]} : vector<16xi32> to vector<1xi32>
              %squeeze3A_889 = vector.extract %slice3A_888[0] : i32 from vector<1xi32>
              %and3A_890 = arith.constant 16383 : i32
              %and3A_891 = arith.andi %squeeze3A_889, %and3A_890 : i32
              %dma_start3A = arith.constant 0 : i32
              %dma_start3A_892 = tpu.memref_slice %arg11[%while3A_884, %dma_start3A] : memref<128x64xf32, #tpu.memory_space<vmem>> -> memref<1x64xf32, #tpu.memory_space<vmem>>
              %dma_start3A_893 = arith.constant 0 : i32
              %dma_start3A_894 = tpu.memref_slice %arg4[%and3A_891, %dma_start3A_893] : memref<16384x64xf32, #tpu.memory_space<hbm>> -> memref<1x64xf32, #tpu.memory_space<hbm>>
              %dma_start3A_895 = arith.constant 0 : i32
              %dma_start3A_896 = tpu.memref_slice %arg4[%and3A_891, %dma_start3A_895] : memref<16384x64xf32, #tpu.memory_space<hbm>> -> memref<1x64xf32, #tpu.memory_space<hbm>>
              %dma_start3A_897 = arith.constant 0 : i32
              %dma_start3A_898 = tpu.memref_slice %arg11[%while3A_884, %dma_start3A_897] : memref<128x64xf32, #tpu.memory_space<vmem>> -> memref<1x64xf32, #tpu.memory_space<vmem>>
              tpu.enqueue_dma source(%dma_start3A_898 : memref<1x64xf32, #tpu.memory_space<vmem>>) target(%dma_start3A_896 : memref<1x64xf32, #tpu.memory_space<hbm>>) target_semaphore(%arg21 : memref<!tpu.dma_semaphore, #tpu.memory_space<semaphore_mem>>)
            }
            %while3A_871 = arith.constant 0 : i32
            %while3A_872 = arith.constant 0 : i32
            %while3A_873 = arith.constant 128 : i32
            %while3A_874 = arith.subi %while3A_873, %while3A_872 : i32
            %while3A_875 = arith.addi %while3A_872, %while3A_874 : i32
            %while3A_876 = arith.constant 1 : i32
            %while3A_877 = arith.divsi %while3A_874, %while3A_876 : i32
            %while3A_878 = arith.muli %while3A_877, %while3A_876 : i32
            %while3A_879 = arith.addi %while3A_872, %while3A_878 : i32
            %while3A_880 = arith.constant 1 : i32
            scf.for %while3A_884 = %while3A_872 to %while3A_879 step %while3A_880  : i32 {
              %dma_wait3A_885 = arith.constant 0 : i32
              %dma_wait3A_886 = arith.constant 0 : i32
              %dma_wait3A_887 = tpu.memref_slice %arg11[%dma_wait3A_885, %dma_wait3A_886] : memref<128x64xf32, #tpu.memory_space<vmem>> -> memref<1x64xf32, #tpu.memory_space<vmem>>
              %dma_wait3A_888 = arith.constant 0 : i32
              %dma_wait3A_889 = arith.constant 0 : i32
              %dma_wait3A_890 = tpu.memref_slice %arg4[%dma_wait3A_888, %dma_wait3A_889] : memref<16384x64xf32, #tpu.memory_space<hbm>> -> memref<1x64xf32, #tpu.memory_space<hbm>>
              %dma_wait3A_891 = arith.constant 0 : i32
              %dma_wait3A_892 = arith.constant 0 : i32
              %dma_wait3A_893 = tpu.memref_slice %arg11[%dma_wait3A_891, %dma_wait3A_892] : memref<128x64xf32, #tpu.memory_space<vmem>> -> memref<1x64xf32, #tpu.memory_space<vmem>>
              %dma_wait3A_894 = arith.constant 0 : i32
              %dma_wait3A_895 = arith.constant 0 : i32
              %dma_wait3A_896 = tpu.memref_slice %arg4[%dma_wait3A_894, %dma_wait3A_895] : memref<16384x64xf32, #tpu.memory_space<hbm>> -> memref<1x64xf32, #tpu.memory_space<hbm>>
              tpu.wait_dma2 semaphore(%arg21 : memref<!tpu.dma_semaphore, #tpu.memory_space<semaphore_mem>>) src(%dma_wait3A_896 : memref<1x64xf32, #tpu.memory_space<hbm>>) dst(%dma_wait3A_893 : memref<1x64xf32, #tpu.memory_space<vmem>>)
            }
            %while3A_881 = arith.constant 1 : i32
            scf.for %while3A_884 = %while3A_879 to %while3A_875 step %while3A_881  : i32 {
              %dma_wait3A_885 = arith.constant 0 : i32
              %dma_wait3A_886 = arith.constant 0 : i32
              %dma_wait3A_887 = tpu.memref_slice %arg11[%dma_wait3A_885, %dma_wait3A_886] : memref<128x64xf32, #tpu.memory_space<vmem>> -> memref<1x64xf32, #tpu.memory_space<vmem>>
              %dma_wait3A_888 = arith.constant 0 : i32
              %dma_wait3A_889 = arith.constant 0 : i32
              %dma_wait3A_890 = tpu.memref_slice %arg4[%dma_wait3A_888, %dma_wait3A_889] : memref<16384x64xf32, #tpu.memory_space<hbm>> -> memref<1x64xf32, #tpu.memory_space<hbm>>
              %dma_wait3A_891 = arith.constant 0 : i32
              %dma_wait3A_892 = arith.constant 0 : i32
              %dma_wait3A_893 = tpu.memref_slice %arg11[%dma_wait3A_891, %dma_wait3A_892] : memref<128x64xf32, #tpu.memory_space<vmem>> -> memref<1x64xf32, #tpu.memory_space<vmem>>
              %dma_wait3A_894 = arith.constant 0 : i32
              %dma_wait3A_895 = arith.constant 0 : i32
              %dma_wait3A_896 = tpu.memref_slice %arg4[%dma_wait3A_894, %dma_wait3A_895] : memref<16384x64xf32, #tpu.memory_space<hbm>> -> memref<1x64xf32, #tpu.memory_space<hbm>>
              tpu.wait_dma2 semaphore(%arg21 : memref<!tpu.dma_semaphore, #tpu.memory_space<semaphore_mem>>) src(%dma_wait3A_896 : memref<1x64xf32, #tpu.memory_space<hbm>>) dst(%dma_wait3A_893 : memref<1x64xf32, #tpu.memory_space<vmem>>)
            }
            %add3A_882 = arith.constant 128 : i32
            %add3A_883 = arith.addi %while3A_797, %add3A_882 : i32
            scf.yield %add3A_883 : i32
          } else {
            scf.yield %while3A_797 : i32
          }
          %broadcast_in_dim3A_805 = vector.broadcast %add3A_798 : i32 to vector<16xi32>
          %gather3A_806 = tpu.vector_load_idx %arg6[%broadcast_in_dim3A_805] : memref<16384xi32, #tpu.memory_space<vmem>>[vector<16xi32>], vector<16xi32>,
          %shift_right_arithmetic3A = arith.constant 14 : i32
          %shift_right_arithmetic3A_807 = vector.broadcast %shift_right_arithmetic3A : i32 to vector<16xi32>
          %shift_right_arithmetic3A_808 = arith.shrsi %gather3A_806, %shift_right_arithmetic3A_807 : vector<16xi32>
          %and3A_809 = arith.constant 127 : i32
          %and3A_810 = vector.broadcast %and3A_809 : i32 to vector<16xi32>
          %and3A_811 = arith.andi %shift_right_arithmetic3A_808, %and3A_810 : vector<16xi32>
          %sub3A_812 = arith.subi %add3A_798, %cond3A_804 : i32
          %iota3A = tpu.iota {dimensions = array<i32: 0>} : vector<16xi32>
          %add3A_813 = arith.constant 0 : i32
          %add3A_814 = vector.broadcast %add3A_813 : i32 to vector<16xi32>
          %add3A_815 = arith.addi %iota3A, %add3A_814 : vector<16xi32>
          %gather3A_816 = arith.constant 0 : i32
          %gather3A_817 = arith.constant 0 : i32
          %gather3A_818 = tpu.memref_slice %arg10[%while3A_784, %gather3A_816, %gather3A_817] : memref<9x64x128xf32, #tpu.memory_space<vmem>> -> memref<1x64x128xf32, #tpu.memory_space<vmem>>
          %gather3A_819 = tpu.memref_squeeze %gather3A_818 : memref<1x64x128xf32, #tpu.memory_space<vmem>> -> memref<64x128xf32, #tpu.memory_space<vmem>>
          %gather3A_820 = tpu.vector_load_idx %gather3A_819[%add3A_815, %and3A_811] : memref<64x128xf32, #tpu.memory_space<vmem>>[vector<16xi32>, vector<16xi32>], vector<16xf32>,
          %swap3A_821 = arith.index_cast %sub3A_812 : i32 to index
          %swap3A_822 = arith.constant 0 : index
          %swap3A_823 = tpu.vector_load %arg11[%swap3A_821, %swap3A_822] {strides = array<i32>} : memref<128x64xf32, #tpu.memory_space<vmem>>, vector<16xf32>,
          tpu.vector_store %arg11[%swap3A_821, %swap3A_822], %gather3A_820 {strides = array<i32>} : memref<128x64xf32, #tpu.memory_space<vmem>>, vector<16xf32>,
          %iota3A_824 = tpu.iota {dimensions = array<i32: 0>} : vector<16xi32>
          %add3A_825 = arith.constant 16 : i32
          %add3A_826 = vector.broadcast %add3A_825 : i32 to vector<16xi32>
          %add3A_827 = arith.addi %iota3A_824, %add3A_826 : vector<16xi32>
          %gather3A_828 = arith.constant 0 : i32
          %gather3A_829 = arith.constant 0 : i32
          %gather3A_830 = tpu.memref_slice %arg10[%while3A_784, %gather3A_828, %gather3A_829] : memref<9x64x128xf32, #tpu.memory_space<vmem>> -> memref<1x64x128xf32, #tpu.memory_space<vmem>>
          %gather3A_831 = tpu.memref_squeeze %gather3A_830 : memref<1x64x128xf32, #tpu.memory_space<vmem>> -> memref<64x128xf32, #tpu.memory_space<vmem>>
          %gather3A_832 = tpu.vector_load_idx %gather3A_831[%add3A_827, %and3A_811] : memref<64x128xf32, #tpu.memory_space<vmem>>[vector<16xi32>, vector<16xi32>], vector<16xf32>,
          %swap3A_833 = arith.index_cast %sub3A_812 : i32 to index
          %swap3A_834 = arith.constant 16 : index
          %swap3A_835 = tpu.vector_load %arg11[%swap3A_833, %swap3A_834] {strides = array<i32>} : memref<128x64xf32, #tpu.memory_space<vmem>>, vector<16xf32>,
          tpu.vector_store %arg11[%swap3A_833, %swap3A_834], %gather3A_832 {strides = array<i32>} : memref<128x64xf32, #tpu.memory_space<vmem>>, vector<16xf32>,
          %iota3A_836 = tpu.iota {dimensions = array<i32: 0>} : vector<16xi32>
          %add3A_837 = arith.constant 32 : i32
          %add3A_838 = vector.broadcast %add3A_837 : i32 to vector<16xi32>
          %add3A_839 = arith.addi %iota3A_836, %add3A_838 : vector<16xi32>
          %gather3A_840 = arith.constant 0 : i32
          %gather3A_841 = arith.constant 0 : i32
          %gather3A_842 = tpu.memref_slice %arg10[%while3A_784, %gather3A_840, %gather3A_841] : memref<9x64x128xf32, #tpu.memory_space<vmem>> -> memref<1x64x128xf32, #tpu.memory_space<vmem>>
          %gather3A_843 = tpu.memref_squeeze %gather3A_842 : memref<1x64x128xf32, #tpu.memory_space<vmem>> -> memref<64x128xf32, #tpu.memory_space<vmem>>
          %gather3A_844 = tpu.vector_load_idx %gather3A_843[%add3A_839, %and3A_811] : memref<64x128xf32, #tpu.memory_space<vmem>>[vector<16xi32>, vector<16xi32>], vector<16xf32>,
          %swap3A_845 = arith.index_cast %sub3A_812 : i32 to index
          %swap3A_846 = arith.constant 32 : index
          %swap3A_847 = tpu.vector_load %arg11[%swap3A_845, %swap3A_846] {strides = array<i32>} : memref<128x64xf32, #tpu.memory_space<vmem>>, vector<16xf32>,
          tpu.vector_store %arg11[%swap3A_845, %swap3A_846], %gather3A_844 {strides = array<i32>} : memref<128x64xf32, #tpu.memory_space<vmem>>, vector<16xf32>,
          %iota3A_848 = tpu.iota {dimensions = array<i32: 0>} : vector<16xi32>
          %add3A_849 = arith.constant 48 : i32
          %add3A_850 = vector.broadcast %add3A_849 : i32 to vector<16xi32>
          %add3A_851 = arith.addi %iota3A_848, %add3A_850 : vector<16xi32>
          %gather3A_852 = arith.constant 0 : i32
          %gather3A_853 = arith.constant 0 : i32
          %gather3A_854 = tpu.memref_slice %arg10[%while3A_784, %gather3A_852, %gather3A_853] : memref<9x64x128xf32, #tpu.memory_space<vmem>> -> memref<1x64x128xf32, #tpu.memory_space<vmem>>
          %gather3A_855 = tpu.memref_squeeze %gather3A_854 : memref<1x64x128xf32, #tpu.memory_space<vmem>> -> memref<64x128xf32, #tpu.memory_space<vmem>>
          %gather3A_856 = tpu.vector_load_idx %gather3A_855[%add3A_851, %and3A_811] : memref<64x128xf32, #tpu.memory_space<vmem>>[vector<16xi32>, vector<16xi32>], vector<16xf32>,
          %swap3A_857 = arith.index_cast %sub3A_812 : i32 to index
          %swap3A_858 = arith.constant 48 : index
          %swap3A_859 = tpu.vector_load %arg11[%swap3A_857, %swap3A_858] {strides = array<i32>} : memref<128x64xf32, #tpu.memory_space<vmem>>, vector<16xf32>,
          tpu.vector_store %arg11[%swap3A_857, %swap3A_858], %gather3A_856 {strides = array<i32>} : memref<128x64xf32, #tpu.memory_space<vmem>>, vector<16xf32>,
          scf.yield %cond3A_804 : i32
        }
        %while3A_794 = arith.constant 1 : i32
        %while3A_795 = scf.for %while3A_796 = %while3A_791 to %while3A_787 step %while3A_794 iter_args(%while3A_797 = %while3A_793) -> (i32)  : i32 {
          %add3A_798 = arith.addi %squeeze3A_783, %while3A_796 : i32
          %sub3A_799 = arith.subi %add3A_798, %while3A_797 : i32
          %ge3A = arith.constant 128 : i32
          %ge3A_800 = arith.cmpi sge, %sub3A_799, %ge3A : i32
          %convert_element_type3A_801 = arith.extui %ge3A_800 : i1 to i32
          %cond3A_802 = arith.constant 0 : i32
          %cond3A_803 = arith.cmpi ne, %convert_element_type3A_801, %cond3A_802 : i32
          %cond3A_804 = scf.if %cond3A_803 -> (i32) {
            %while3A_860 = arith.constant 0 : i32
            %while3A_861 = arith.constant 0 : i32
            %while3A_862 = arith.constant 128 : i32
            %while3A_863 = arith.subi %while3A_862, %while3A_861 : i32
            %while3A_864 = arith.addi %while3A_861, %while3A_863 : i32
            %while3A_865 = arith.constant 1 : i32
            %while3A_866 = arith.divsi %while3A_863, %while3A_865 : i32
            %while3A_867 = arith.muli %while3A_866, %while3A_865 : i32
            %while3A_868 = arith.addi %while3A_861, %while3A_867 : i32
            %while3A_869 = arith.constant 1 : i32
            scf.for %while3A_884 = %while3A_861 to %while3A_868 step %while3A_869  : i32 {
              %add3A_885 = arith.addi %while3A_797, %while3A_884 : i32
              %broadcast_in_dim3A_886 = vector.broadcast %add3A_885 : i32 to vector<16xi32>
              %gather3A_887 = tpu.vector_load_idx %arg6[%broadcast_in_dim3A_886] : memref<16384xi32, #tpu.memory_space<vmem>>[vector<16xi32>], vector<16xi32>,
              %slice3A_888 = vector.extract_strided_slice %gather3A_887 {offsets = [0], sizes = [1], strides = [1]} : vector<16xi32> to vector<1xi32>
              %squeeze3A_889 = vector.extract %slice3A_888[0] : i32 from vector<1xi32>
              %and3A_890 = arith.constant 16383 : i32
              %and3A_891 = arith.andi %squeeze3A_889, %and3A_890 : i32
              %dma_start3A = arith.constant 0 : i32
              %dma_start3A_892 = tpu.memref_slice %arg11[%while3A_884, %dma_start3A] : memref<128x64xf32, #tpu.memory_space<vmem>> -> memref<1x64xf32, #tpu.memory_space<vmem>>
              %dma_start3A_893 = arith.constant 0 : i32
              %dma_start3A_894 = tpu.memref_slice %arg4[%and3A_891, %dma_start3A_893] : memref<16384x64xf32, #tpu.memory_space<hbm>> -> memref<1x64xf32, #tpu.memory_space<hbm>>
              %dma_start3A_895 = arith.constant 0 : i32
              %dma_start3A_896 = tpu.memref_slice %arg4[%and3A_891, %dma_start3A_895] : memref<16384x64xf32, #tpu.memory_space<hbm>> -> memref<1x64xf32, #tpu.memory_space<hbm>>
              %dma_start3A_897 = arith.constant 0 : i32
              %dma_start3A_898 = tpu.memref_slice %arg11[%while3A_884, %dma_start3A_897] : memref<128x64xf32, #tpu.memory_space<vmem>> -> memref<1x64xf32, #tpu.memory_space<vmem>>
              tpu.enqueue_dma source(%dma_start3A_898 : memref<1x64xf32, #tpu.memory_space<vmem>>) target(%dma_start3A_896 : memref<1x64xf32, #tpu.memory_space<hbm>>) target_semaphore(%arg21 : memref<!tpu.dma_semaphore, #tpu.memory_space<semaphore_mem>>)
            }
            %while3A_870 = arith.constant 1 : i32
            scf.for %while3A_884 = %while3A_868 to %while3A_864 step %while3A_870  : i32 {
              %add3A_885 = arith.addi %while3A_797, %while3A_884 : i32
              %broadcast_in_dim3A_886 = vector.broadcast %add3A_885 : i32 to vector<16xi32>
              %gather3A_887 = tpu.vector_load_idx %arg6[%broadcast_in_dim3A_886] : memref<16384xi32, #tpu.memory_space<vmem>>[vector<16xi32>], vector<16xi32>,
              %slice3A_888 = vector.extract_strided_slice %gather3A_887 {offsets = [0], sizes = [1], strides = [1]} : vector<16xi32> to vector<1xi32>
              %squeeze3A_889 = vector.extract %slice3A_888[0] : i32 from vector<1xi32>
              %and3A_890 = arith.constant 16383 : i32
              %and3A_891 = arith.andi %squeeze3A_889, %and3A_890 : i32
              %dma_start3A = arith.constant 0 : i32
              %dma_start3A_892 = tpu.memref_slice %arg11[%while3A_884, %dma_start3A] : memref<128x64xf32, #tpu.memory_space<vmem>> -> memref<1x64xf32, #tpu.memory_space<vmem>>
              %dma_start3A_893 = arith.constant 0 : i32
              %dma_start3A_894 = tpu.memref_slice %arg4[%and3A_891, %dma_start3A_893] : memref<16384x64xf32, #tpu.memory_space<hbm>> -> memref<1x64xf32, #tpu.memory_space<hbm>>
              %dma_start3A_895 = arith.constant 0 : i32
              %dma_start3A_896 = tpu.memref_slice %arg4[%and3A_891, %dma_start3A_895] : memref<16384x64xf32, #tpu.memory_space<hbm>> -> memref<1x64xf32, #tpu.memory_space<hbm>>
              %dma_start3A_897 = arith.constant 0 : i32
              %dma_start3A_898 = tpu.memref_slice %arg11[%while3A_884, %dma_start3A_897] : memref<128x64xf32, #tpu.memory_space<vmem>> -> memref<1x64xf32, #tpu.memory_space<vmem>>
              tpu.enqueue_dma source(%dma_start3A_898 : memref<1x64xf32, #tpu.memory_space<vmem>>) target(%dma_start3A_896 : memref<1x64xf32, #tpu.memory_space<hbm>>) target_semaphore(%arg21 : memref<!tpu.dma_semaphore, #tpu.memory_space<semaphore_mem>>)
            }
            %while3A_871 = arith.constant 0 : i32
            %while3A_872 = arith.constant 0 : i32
            %while3A_873 = arith.constant 128 : i32
            %while3A_874 = arith.subi %while3A_873, %while3A_872 : i32
            %while3A_875 = arith.addi %while3A_872, %while3A_874 : i32
            %while3A_876 = arith.constant 1 : i32
            %while3A_877 = arith.divsi %while3A_874, %while3A_876 : i32
            %while3A_878 = arith.muli %while3A_877, %while3A_876 : i32
            %while3A_879 = arith.addi %while3A_872, %while3A_878 : i32
            %while3A_880 = arith.constant 1 : i32
            scf.for %while3A_884 = %while3A_872 to %while3A_879 step %while3A_880  : i32 {
              %dma_wait3A_885 = arith.constant 0 : i32
              %dma_wait3A_886 = arith.constant 0 : i32
              %dma_wait3A_887 = tpu.memref_slice %arg11[%dma_wait3A_885, %dma_wait3A_886] : memref<128x64xf32, #tpu.memory_space<vmem>> -> memref<1x64xf32, #tpu.memory_space<vmem>>
              %dma_wait3A_888 = arith.constant 0 : i32
              %dma_wait3A_889 = arith.constant 0 : i32
              %dma_wait3A_890 = tpu.memref_slice %arg4[%dma_wait3A_888, %dma_wait3A_889] : memref<16384x64xf32, #tpu.memory_space<hbm>> -> memref<1x64xf32, #tpu.memory_space<hbm>>
              %dma_wait3A_891 = arith.constant 0 : i32
              %dma_wait3A_892 = arith.constant 0 : i32
              %dma_wait3A_893 = tpu.memref_slice %arg11[%dma_wait3A_891, %dma_wait3A_892] : memref<128x64xf32, #tpu.memory_space<vmem>> -> memref<1x64xf32, #tpu.memory_space<vmem>>
              %dma_wait3A_894 = arith.constant 0 : i32
              %dma_wait3A_895 = arith.constant 0 : i32
              %dma_wait3A_896 = tpu.memref_slice %arg4[%dma_wait3A_894, %dma_wait3A_895] : memref<16384x64xf32, #tpu.memory_space<hbm>> -> memref<1x64xf32, #tpu.memory_space<hbm>>
              tpu.wait_dma2 semaphore(%arg21 : memref<!tpu.dma_semaphore, #tpu.memory_space<semaphore_mem>>) src(%dma_wait3A_896 : memref<1x64xf32, #tpu.memory_space<hbm>>) dst(%dma_wait3A_893 : memref<1x64xf32, #tpu.memory_space<vmem>>)
            }
            %while3A_881 = arith.constant 1 : i32
            scf.for %while3A_884 = %while3A_879 to %while3A_875 step %while3A_881  : i32 {
              %dma_wait3A_885 = arith.constant 0 : i32
              %dma_wait3A_886 = arith.constant 0 : i32
              %dma_wait3A_887 = tpu.memref_slice %arg11[%dma_wait3A_885, %dma_wait3A_886] : memref<128x64xf32, #tpu.memory_space<vmem>> -> memref<1x64xf32, #tpu.memory_space<vmem>>
              %dma_wait3A_888 = arith.constant 0 : i32
              %dma_wait3A_889 = arith.constant 0 : i32
              %dma_wait3A_890 = tpu.memref_slice %arg4[%dma_wait3A_888, %dma_wait3A_889] : memref<16384x64xf32, #tpu.memory_space<hbm>> -> memref<1x64xf32, #tpu.memory_space<hbm>>
              %dma_wait3A_891 = arith.constant 0 : i32
              %dma_wait3A_892 = arith.constant 0 : i32
              %dma_wait3A_893 = tpu.memref_slice %arg11[%dma_wait3A_891, %dma_wait3A_892] : memref<128x64xf32, #tpu.memory_space<vmem>> -> memref<1x64xf32, #tpu.memory_space<vmem>>
              %dma_wait3A_894 = arith.constant 0 : i32
              %dma_wait3A_895 = arith.constant 0 : i32
              %dma_wait3A_896 = tpu.memref_slice %arg4[%dma_wait3A_894, %dma_wait3A_895] : memref<16384x64xf32, #tpu.memory_space<hbm>> -> memref<1x64xf32, #tpu.memory_space<hbm>>
              tpu.wait_dma2 semaphore(%arg21 : memref<!tpu.dma_semaphore, #tpu.memory_space<semaphore_mem>>) src(%dma_wait3A_896 : memref<1x64xf32, #tpu.memory_space<hbm>>) dst(%dma_wait3A_893 : memref<1x64xf32, #tpu.memory_space<vmem>>)
            }
            %add3A_882 = arith.constant 128 : i32
            %add3A_883 = arith.addi %while3A_797, %add3A_882 : i32
            scf.yield %add3A_883 : i32
          } else {
            scf.yield %while3A_797 : i32
          }
          %broadcast_in_dim3A_805 = vector.broadcast %add3A_798 : i32 to vector<16xi32>
          %gather3A_806 = tpu.vector_load_idx %arg6[%broadcast_in_dim3A_805] : memref<16384xi32, #tpu.memory_space<vmem>>[vector<16xi32>], vector<16xi32>,
          %shift_right_arithmetic3A = arith.constant 14 : i32
          %shift_right_arithmetic3A_807 = vector.broadcast %shift_right_arithmetic3A : i32 to vector<16xi32>
          %shift_right_arithmetic3A_808 = arith.shrsi %gather3A_806, %shift_right_arithmetic3A_807 : vector<16xi32>
          %and3A_809 = arith.constant 127 : i32
          %and3A_810 = vector.broadcast %and3A_809 : i32 to vector<16xi32>
          %and3A_811 = arith.andi %shift_right_arithmetic3A_808, %and3A_810 : vector<16xi32>
          %sub3A_812 = arith.subi %add3A_798, %cond3A_804 : i32
          %iota3A = tpu.iota {dimensions = array<i32: 0>} : vector<16xi32>
          %add3A_813 = arith.constant 0 : i32
          %add3A_814 = vector.broadcast %add3A_813 : i32 to vector<16xi32>
          %add3A_815 = arith.addi %iota3A, %add3A_814 : vector<16xi32>
          %gather3A_816 = arith.constant 0 : i32
          %gather3A_817 = arith.constant 0 : i32
          %gather3A_818 = tpu.memref_slice %arg10[%while3A_784, %gather3A_816, %gather3A_817] : memref<9x64x128xf32, #tpu.memory_space<vmem>> -> memref<1x64x128xf32, #tpu.memory_space<vmem>>
          %gather3A_819 = tpu.memref_squeeze %gather3A_818 : memref<1x64x128xf32, #tpu.memory_space<vmem>> -> memref<64x128xf32, #tpu.memory_space<vmem>>
          %gather3A_820 = tpu.vector_load_idx %gather3A_819[%add3A_815, %and3A_811] : memref<64x128xf32, #tpu.memory_space<vmem>>[vector<16xi32>, vector<16xi32>], vector<16xf32>,
          %swap3A_821 = arith.index_cast %sub3A_812 : i32 to index
          %swap3A_822 = arith.constant 0 : index
          %swap3A_823 = tpu.vector_load %arg11[%swap3A_821, %swap3A_822] {strides = array<i32>} : memref<128x64xf32, #tpu.memory_space<vmem>>, vector<16xf32>,
          tpu.vector_store %arg11[%swap3A_821, %swap3A_822], %gather3A_820 {strides = array<i32>} : memref<128x64xf32, #tpu.memory_space<vmem>>, vector<16xf32>,
          %iota3A_824 = tpu.iota {dimensions = array<i32: 0>} : vector<16xi32>
          %add3A_825 = arith.constant 16 : i32
          %add3A_826 = vector.broadcast %add3A_825 : i32 to vector<16xi32>
          %add3A_827 = arith.addi %iota3A_824, %add3A_826 : vector<16xi32>
          %gather3A_828 = arith.constant 0 : i32
          %gather3A_829 = arith.constant 0 : i32
          %gather3A_830 = tpu.memref_slice %arg10[%while3A_784, %gather3A_828, %gather3A_829] : memref<9x64x128xf32, #tpu.memory_space<vmem>> -> memref<1x64x128xf32, #tpu.memory_space<vmem>>
          %gather3A_831 = tpu.memref_squeeze %gather3A_830 : memref<1x64x128xf32, #tpu.memory_space<vmem>> -> memref<64x128xf32, #tpu.memory_space<vmem>>
          %gather3A_832 = tpu.vector_load_idx %gather3A_831[%add3A_827, %and3A_811] : memref<64x128xf32, #tpu.memory_space<vmem>>[vector<16xi32>, vector<16xi32>], vector<16xf32>,
          %swap3A_833 = arith.index_cast %sub3A_812 : i32 to index
          %swap3A_834 = arith.constant 16 : index
          %swap3A_835 = tpu.vector_load %arg11[%swap3A_833, %swap3A_834] {strides = array<i32>} : memref<128x64xf32, #tpu.memory_space<vmem>>, vector<16xf32>,
          tpu.vector_store %arg11[%swap3A_833, %swap3A_834], %gather3A_832 {strides = array<i32>} : memref<128x64xf32, #tpu.memory_space<vmem>>, vector<16xf32>,
          %iota3A_836 = tpu.iota {dimensions = array<i32: 0>} : vector<16xi32>
          %add3A_837 = arith.constant 32 : i32
          %add3A_838 = vector.broadcast %add3A_837 : i32 to vector<16xi32>
          %add3A_839 = arith.addi %iota3A_836, %add3A_838 : vector<16xi32>
          %gather3A_840 = arith.constant 0 : i32
          %gather3A_841 = arith.constant 0 : i32
          %gather3A_842 = tpu.memref_slice %arg10[%while3A_784, %gather3A_840, %gather3A_841] : memref<9x64x128xf32, #tpu.memory_space<vmem>> -> memref<1x64x128xf32, #tpu.memory_space<vmem>>
          %gather3A_843 = tpu.memref_squeeze %gather3A_842 : memref<1x64x128xf32, #tpu.memory_space<vmem>> -> memref<64x128xf32, #tpu.memory_space<vmem>>
          %gather3A_844 = tpu.vector_load_idx %gather3A_843[%add3A_839, %and3A_811] : memref<64x128xf32, #tpu.memory_space<vmem>>[vector<16xi32>, vector<16xi32>], vector<16xf32>,
          %swap3A_845 = arith.index_cast %sub3A_812 : i32 to index
          %swap3A_846 = arith.constant 32 : index
          %swap3A_847 = tpu.vector_load %arg11[%swap3A_845, %swap3A_846] {strides = array<i32>} : memref<128x64xf32, #tpu.memory_space<vmem>>, vector<16xf32>,
          tpu.vector_store %arg11[%swap3A_845, %swap3A_846], %gather3A_844 {strides = array<i32>} : memref<128x64xf32, #tpu.memory_space<vmem>>, vector<16xf32>,
          %iota3A_848 = tpu.iota {dimensions = array<i32: 0>} : vector<16xi32>
          %add3A_849 = arith.constant 48 : i32
          %add3A_850 = vector.broadcast %add3A_849 : i32 to vector<16xi32>
          %add3A_851 = arith.addi %iota3A_848, %add3A_850 : vector<16xi32>
          %gather3A_852 = arith.constant 0 : i32
          %gather3A_853 = arith.constant 0 : i32
          %gather3A_854 = tpu.memref_slice %arg10[%while3A_784, %gather3A_852, %gather3A_853] : memref<9x64x128xf32, #tpu.memory_space<vmem>> -> memref<1x64x128xf32, #tpu.memory_space<vmem>>
          %gather3A_855 = tpu.memref_squeeze %gather3A_854 : memref<1x64x128xf32, #tpu.memory_space<vmem>> -> memref<64x128xf32, #tpu.memory_space<vmem>>
          %gather3A_856 = tpu.vector_load_idx %gather3A_855[%add3A_851, %and3A_811] : memref<64x128xf32, #tpu.memory_space<vmem>>[vector<16xi32>, vector<16xi32>], vector<16xf32>,
          %swap3A_857 = arith.index_cast %sub3A_812 : i32 to index
          %swap3A_858 = arith.constant 48 : index
          %swap3A_859 = tpu.vector_load %arg11[%swap3A_857, %swap3A_858] {strides = array<i32>} : memref<128x64xf32, #tpu.memory_space<vmem>>, vector<16xf32>,
          tpu.vector_store %arg11[%swap3A_857, %swap3A_858], %gather3A_856 {strides = array<i32>} : memref<128x64xf32, #tpu.memory_space<vmem>>, vector<16xf32>,
          scf.yield %cond3A_804 : i32
        }
        scf.yield %while3A_795 : i32
      } else {
        scf.yield %cond3A_519 : i32
      }
      %mul3A_553 = arith.constant 9 : i32
      %mul3A_554 = arith.muli %scan3A_467, %mul3A_553 : i32
      %add3A_555 = arith.constant 2 : i32
      %add3A_556 = arith.addi %mul3A_554, %add3A_555 : i32
      %broadcast_in_dim3A_557 = vector.broadcast %add3A_556 : i32 to vector<16xi32>
      %gather3A_558 = tpu.vector_load_idx %arg7[%broadcast_in_dim3A_557] : memref<256xi32, #tpu.memory_space<vmem>>[vector<16xi32>], vector<16xi32>,
      %slice3A_559 = vector.extract_strided_slice %gather3A_558 {offsets = [0], sizes = [1], strides = [1]} : vector<16xi32> to vector<1xi32>
      %squeeze3A_560 = vector.extract %slice3A_559[0] : i32 from vector<1xi32>
      %lt3A_561 = arith.cmpi slt, %add3A_556, %min3A_6 : i32
      %gt3A_562 = arith.constant 0 : i32
      %gt3A_563 = arith.cmpi sgt, %squeeze3A_560, %gt3A_562 : i32
      %and3A_564 = arith.andi %lt3A_561, %gt3A_563 : i1
      %convert_element_type3A_565 = arith.extui %and3A_564 : i1 to i32
      %cond3A_566 = arith.constant 0 : i32
      %cond3A_567 = arith.cmpi ne, %convert_element_type3A_565, %cond3A_566 : i32
      scf.if %cond3A_567 {
        %add3A_766 = arith.addi %add3A_4, %add3A_556 : i32
        %mul3A_767 = arith.constant 128 : i32
        %mul3A_768 = arith.muli %add3A_766, %mul3A_767 : i32
        %multiple_of3A = tpu.assume_multiple %mul3A_768, 128 : i32
        %dma_start3A = arith.constant 2 : i32
        %dma_start3A_769 = arith.constant 0 : i32
        %dma_start3A_770 = arith.constant 0 : i32
        %dma_start3A_771 = tpu.memref_slice %arg10[%dma_start3A, %dma_start3A_769, %dma_start3A_770] : memref<9x64x128xf32, #tpu.memory_space<vmem>> -> memref<1x64x128xf32, #tpu.memory_space<vmem>>
        %dma_start3A_772 = tpu.memref_squeeze %dma_start3A_771 : memref<1x64x128xf32, #tpu.memory_space<vmem>> -> memref<64x128xf32, #tpu.memory_space<vmem>>
        %dma_start3A_773 = arith.constant 0 : i32
        %dma_start3A_774 = tpu.memref_slice %arg2[%dma_start3A_773, %multiple_of3A] : memref<64x1077001xf32, #tpu.memory_space<hbm>> -> memref<64x128xf32, #tpu.memory_space<hbm>>
        %dma_start3A_775 = arith.constant 0 : i32
        %dma_start3A_776 = arith.constant 0 : i32
        %dma_start3A_777 = tpu.memref_slice %arg10[%dma_start3A, %dma_start3A_775, %dma_start3A_776] : memref<9x64x128xf32, #tpu.memory_space<vmem>> -> memref<1x64x128xf32, #tpu.memory_space<vmem>>
        %dma_start3A_778 = tpu.memref_squeeze %dma_start3A_777 : memref<1x64x128xf32, #tpu.memory_space<vmem>> -> memref<64x128xf32, #tpu.memory_space<vmem>>
        %dma_start3A_779 = arith.constant 0 : i32
        %dma_start3A_780 = tpu.memref_slice %arg2[%dma_start3A_779, %multiple_of3A] : memref<64x1077001xf32, #tpu.memory_space<hbm>> -> memref<64x128xf32, #tpu.memory_space<hbm>>
        tpu.enqueue_dma source(%dma_start3A_780 : memref<64x128xf32, #tpu.memory_space<hbm>>) target(%dma_start3A_778 : memref<64x128xf32, #tpu.memory_space<vmem>>) target_semaphore(%arg14 : memref<!tpu.dma_semaphore, #tpu.memory_space<semaphore_mem>>)
      } else {
      }
      %sub3A_568 = arith.constant 1 : i32
      %sub3A_569 = arith.subi %scan3A_467, %sub3A_568 : i32
      %mul3A_570 = arith.constant 9 : i32
      %mul3A_571 = arith.muli %sub3A_569, %mul3A_570 : i32
      %add3A_572 = arith.constant 3 : i32
      %add3A_573 = arith.addi %mul3A_571, %add3A_572 : i32
      %broadcast_in_dim3A_574 = vector.broadcast %add3A_573 : i32 to vector<16xi32>
      %gather3A_575 = tpu.vector_load_idx %arg7[%broadcast_in_dim3A_574] : memref<256xi32, #tpu.memory_space<vmem>>[vector<16xi32>], vector<16xi32>,
      %slice3A_576 = vector.extract_strided_slice %gather3A_575 {offsets = [0], sizes = [1], strides = [1]} : vector<16xi32> to vector<1xi32>
      %squeeze3A_577 = vector.extract %slice3A_576[0] : i32 from vector<1xi32>
      %lt3A_578 = arith.cmpi slt, %add3A_573, %min3A_6 : i32
      %gt3A_579 = arith.constant 0 : i32
      %gt3A_580 = arith.cmpi sgt, %squeeze3A_577, %gt3A_579 : i32
      %and3A_581 = arith.andi %lt3A_578, %gt3A_580 : i1
      %convert_element_type3A_582 = arith.extui %and3A_581 : i1 to i32
      %cond3A_583 = arith.constant 0 : i32
      %cond3A_584 = arith.cmpi ne, %convert_element_type3A_582, %cond3A_583 : i32
      %cond3A_585 = scf.if %cond3A_584 -> (i32) {
        %dma_wait3A = arith.constant 3 : i32
        %dma_wait3A_766 = arith.constant 0 : i32
        %dma_wait3A_767 = arith.constant 0 : i32
        %dma_wait3A_768 = tpu.memref_slice %arg10[%dma_wait3A, %dma_wait3A_766, %dma_wait3A_767] : memref<9x64x128xf32, #tpu.memory_space<vmem>> -> memref<1x64x128xf32, #tpu.memory_space<vmem>>
        %dma_wait3A_769 = tpu.memref_squeeze %dma_wait3A_768 : memref<1x64x128xf32, #tpu.memory_space<vmem>> -> memref<64x128xf32, #tpu.memory_space<vmem>>
        %dma_wait3A_770 = arith.constant 0 : i32
        %dma_wait3A_771 = arith.constant 0 : i32
        %dma_wait3A_772 = tpu.memref_slice %arg2[%dma_wait3A_770, %dma_wait3A_771] : memref<64x1077001xf32, #tpu.memory_space<hbm>> -> memref<64x128xf32, #tpu.memory_space<hbm>>
        %dma_wait3A_773 = arith.constant 0 : i32
        %dma_wait3A_774 = arith.constant 0 : i32
        %dma_wait3A_775 = tpu.memref_slice %arg10[%dma_wait3A, %dma_wait3A_773, %dma_wait3A_774] : memref<9x64x128xf32, #tpu.memory_space<vmem>> -> memref<1x64x128xf32, #tpu.memory_space<vmem>>
        %dma_wait3A_776 = tpu.memref_squeeze %dma_wait3A_775 : memref<1x64x128xf32, #tpu.memory_space<vmem>> -> memref<64x128xf32, #tpu.memory_space<vmem>>
        %dma_wait3A_777 = arith.constant 0 : i32
        %dma_wait3A_778 = arith.constant 0 : i32
        %dma_wait3A_779 = tpu.memref_slice %arg2[%dma_wait3A_777, %dma_wait3A_778] : memref<64x1077001xf32, #tpu.memory_space<hbm>> -> memref<64x128xf32, #tpu.memory_space<hbm>>
        tpu.wait_dma2 semaphore(%arg15 : memref<!tpu.dma_semaphore, #tpu.memory_space<semaphore_mem>>) src(%dma_wait3A_779 : memref<64x128xf32, #tpu.memory_space<hbm>>) dst(%dma_wait3A_776 : memref<64x128xf32, #tpu.memory_space<vmem>>)
        %broadcast_in_dim3A_780 = vector.broadcast %add3A_573 : i32 to vector<16xi32>
        %gather3A_781 = tpu.vector_load_idx %arg8[%broadcast_in_dim3A_780] : memref<256xi32, #tpu.memory_space<vmem>>[vector<16xi32>], vector<16xi32>,
        %slice3A_782 = vector.extract_strided_slice %gather3A_781 {offsets = [0], sizes = [1], strides = [1]} : vector<16xi32> to vector<1xi32>
        %squeeze3A_783 = vector.extract %slice3A_782[0] : i32 from vector<1xi32>
        %while3A_784 = arith.constant 3 : i32
        %while3A_785 = arith.constant 0 : i32
        %while3A_786 = arith.subi %squeeze3A_577, %while3A_785 : i32
        %while3A_787 = arith.addi %while3A_785, %while3A_786 : i32
        %while3A_788 = arith.constant 1 : i32
        %while3A_789 = arith.divsi %while3A_786, %while3A_788 : i32
        %while3A_790 = arith.muli %while3A_789, %while3A_788 : i32
        %while3A_791 = arith.addi %while3A_785, %while3A_790 : i32
        %while3A_792 = arith.constant 1 : i32
        %while3A_793 = scf.for %while3A_796 = %while3A_785 to %while3A_791 step %while3A_792 iter_args(%while3A_797 = %cond3A_552) -> (i32)  : i32 {
          %add3A_798 = arith.addi %squeeze3A_783, %while3A_796 : i32
          %sub3A_799 = arith.subi %add3A_798, %while3A_797 : i32
          %ge3A = arith.constant 128 : i32
          %ge3A_800 = arith.cmpi sge, %sub3A_799, %ge3A : i32
          %convert_element_type3A_801 = arith.extui %ge3A_800 : i1 to i32
          %cond3A_802 = arith.constant 0 : i32
          %cond3A_803 = arith.cmpi ne, %convert_element_type3A_801, %cond3A_802 : i32
          %cond3A_804 = scf.if %cond3A_803 -> (i32) {
            %while3A_860 = arith.constant 0 : i32
            %while3A_861 = arith.constant 0 : i32
            %while3A_862 = arith.constant 128 : i32
            %while3A_863 = arith.subi %while3A_862, %while3A_861 : i32
            %while3A_864 = arith.addi %while3A_861, %while3A_863 : i32
            %while3A_865 = arith.constant 1 : i32
            %while3A_866 = arith.divsi %while3A_863, %while3A_865 : i32
            %while3A_867 = arith.muli %while3A_866, %while3A_865 : i32
            %while3A_868 = arith.addi %while3A_861, %while3A_867 : i32
            %while3A_869 = arith.constant 1 : i32
            scf.for %while3A_884 = %while3A_861 to %while3A_868 step %while3A_869  : i32 {
              %add3A_885 = arith.addi %while3A_797, %while3A_884 : i32
              %broadcast_in_dim3A_886 = vector.broadcast %add3A_885 : i32 to vector<16xi32>
              %gather3A_887 = tpu.vector_load_idx %arg6[%broadcast_in_dim3A_886] : memref<16384xi32, #tpu.memory_space<vmem>>[vector<16xi32>], vector<16xi32>,
              %slice3A_888 = vector.extract_strided_slice %gather3A_887 {offsets = [0], sizes = [1], strides = [1]} : vector<16xi32> to vector<1xi32>
              %squeeze3A_889 = vector.extract %slice3A_888[0] : i32 from vector<1xi32>
              %and3A_890 = arith.constant 16383 : i32
              %and3A_891 = arith.andi %squeeze3A_889, %and3A_890 : i32
              %dma_start3A = arith.constant 0 : i32
              %dma_start3A_892 = tpu.memref_slice %arg11[%while3A_884, %dma_start3A] : memref<128x64xf32, #tpu.memory_space<vmem>> -> memref<1x64xf32, #tpu.memory_space<vmem>>
              %dma_start3A_893 = arith.constant 0 : i32
              %dma_start3A_894 = tpu.memref_slice %arg4[%and3A_891, %dma_start3A_893] : memref<16384x64xf32, #tpu.memory_space<hbm>> -> memref<1x64xf32, #tpu.memory_space<hbm>>
              %dma_start3A_895 = arith.constant 0 : i32
              %dma_start3A_896 = tpu.memref_slice %arg4[%and3A_891, %dma_start3A_895] : memref<16384x64xf32, #tpu.memory_space<hbm>> -> memref<1x64xf32, #tpu.memory_space<hbm>>
              %dma_start3A_897 = arith.constant 0 : i32
              %dma_start3A_898 = tpu.memref_slice %arg11[%while3A_884, %dma_start3A_897] : memref<128x64xf32, #tpu.memory_space<vmem>> -> memref<1x64xf32, #tpu.memory_space<vmem>>
              tpu.enqueue_dma source(%dma_start3A_898 : memref<1x64xf32, #tpu.memory_space<vmem>>) target(%dma_start3A_896 : memref<1x64xf32, #tpu.memory_space<hbm>>) target_semaphore(%arg21 : memref<!tpu.dma_semaphore, #tpu.memory_space<semaphore_mem>>)
            }
            %while3A_870 = arith.constant 1 : i32
            scf.for %while3A_884 = %while3A_868 to %while3A_864 step %while3A_870  : i32 {
              %add3A_885 = arith.addi %while3A_797, %while3A_884 : i32
              %broadcast_in_dim3A_886 = vector.broadcast %add3A_885 : i32 to vector<16xi32>
              %gather3A_887 = tpu.vector_load_idx %arg6[%broadcast_in_dim3A_886] : memref<16384xi32, #tpu.memory_space<vmem>>[vector<16xi32>], vector<16xi32>,
              %slice3A_888 = vector.extract_strided_slice %gather3A_887 {offsets = [0], sizes = [1], strides = [1]} : vector<16xi32> to vector<1xi32>
              %squeeze3A_889 = vector.extract %slice3A_888[0] : i32 from vector<1xi32>
              %and3A_890 = arith.constant 16383 : i32
              %and3A_891 = arith.andi %squeeze3A_889, %and3A_890 : i32
              %dma_start3A = arith.constant 0 : i32
              %dma_start3A_892 = tpu.memref_slice %arg11[%while3A_884, %dma_start3A] : memref<128x64xf32, #tpu.memory_space<vmem>> -> memref<1x64xf32, #tpu.memory_space<vmem>>
              %dma_start3A_893 = arith.constant 0 : i32
              %dma_start3A_894 = tpu.memref_slice %arg4[%and3A_891, %dma_start3A_893] : memref<16384x64xf32, #tpu.memory_space<hbm>> -> memref<1x64xf32, #tpu.memory_space<hbm>>
              %dma_start3A_895 = arith.constant 0 : i32
              %dma_start3A_896 = tpu.memref_slice %arg4[%and3A_891, %dma_start3A_895] : memref<16384x64xf32, #tpu.memory_space<hbm>> -> memref<1x64xf32, #tpu.memory_space<hbm>>
              %dma_start3A_897 = arith.constant 0 : i32
              %dma_start3A_898 = tpu.memref_slice %arg11[%while3A_884, %dma_start3A_897] : memref<128x64xf32, #tpu.memory_space<vmem>> -> memref<1x64xf32, #tpu.memory_space<vmem>>
              tpu.enqueue_dma source(%dma_start3A_898 : memref<1x64xf32, #tpu.memory_space<vmem>>) target(%dma_start3A_896 : memref<1x64xf32, #tpu.memory_space<hbm>>) target_semaphore(%arg21 : memref<!tpu.dma_semaphore, #tpu.memory_space<semaphore_mem>>)
            }
            %while3A_871 = arith.constant 0 : i32
            %while3A_872 = arith.constant 0 : i32
            %while3A_873 = arith.constant 128 : i32
            %while3A_874 = arith.subi %while3A_873, %while3A_872 : i32
            %while3A_875 = arith.addi %while3A_872, %while3A_874 : i32
            %while3A_876 = arith.constant 1 : i32
            %while3A_877 = arith.divsi %while3A_874, %while3A_876 : i32
            %while3A_878 = arith.muli %while3A_877, %while3A_876 : i32
            %while3A_879 = arith.addi %while3A_872, %while3A_878 : i32
            %while3A_880 = arith.constant 1 : i32
            scf.for %while3A_884 = %while3A_872 to %while3A_879 step %while3A_880  : i32 {
              %dma_wait3A_885 = arith.constant 0 : i32
              %dma_wait3A_886 = arith.constant 0 : i32
              %dma_wait3A_887 = tpu.memref_slice %arg11[%dma_wait3A_885, %dma_wait3A_886] : memref<128x64xf32, #tpu.memory_space<vmem>> -> memref<1x64xf32, #tpu.memory_space<vmem>>
              %dma_wait3A_888 = arith.constant 0 : i32
              %dma_wait3A_889 = arith.constant 0 : i32
              %dma_wait3A_890 = tpu.memref_slice %arg4[%dma_wait3A_888, %dma_wait3A_889] : memref<16384x64xf32, #tpu.memory_space<hbm>> -> memref<1x64xf32, #tpu.memory_space<hbm>>
              %dma_wait3A_891 = arith.constant 0 : i32
              %dma_wait3A_892 = arith.constant 0 : i32
              %dma_wait3A_893 = tpu.memref_slice %arg11[%dma_wait3A_891, %dma_wait3A_892] : memref<128x64xf32, #tpu.memory_space<vmem>> -> memref<1x64xf32, #tpu.memory_space<vmem>>
              %dma_wait3A_894 = arith.constant 0 : i32
              %dma_wait3A_895 = arith.constant 0 : i32
              %dma_wait3A_896 = tpu.memref_slice %arg4[%dma_wait3A_894, %dma_wait3A_895] : memref<16384x64xf32, #tpu.memory_space<hbm>> -> memref<1x64xf32, #tpu.memory_space<hbm>>
              tpu.wait_dma2 semaphore(%arg21 : memref<!tpu.dma_semaphore, #tpu.memory_space<semaphore_mem>>) src(%dma_wait3A_896 : memref<1x64xf32, #tpu.memory_space<hbm>>) dst(%dma_wait3A_893 : memref<1x64xf32, #tpu.memory_space<vmem>>)
            }
            %while3A_881 = arith.constant 1 : i32
            scf.for %while3A_884 = %while3A_879 to %while3A_875 step %while3A_881  : i32 {
              %dma_wait3A_885 = arith.constant 0 : i32
              %dma_wait3A_886 = arith.constant 0 : i32
              %dma_wait3A_887 = tpu.memref_slice %arg11[%dma_wait3A_885, %dma_wait3A_886] : memref<128x64xf32, #tpu.memory_space<vmem>> -> memref<1x64xf32, #tpu.memory_space<vmem>>
              %dma_wait3A_888 = arith.constant 0 : i32
              %dma_wait3A_889 = arith.constant 0 : i32
              %dma_wait3A_890 = tpu.memref_slice %arg4[%dma_wait3A_888, %dma_wait3A_889] : memref<16384x64xf32, #tpu.memory_space<hbm>> -> memref<1x64xf32, #tpu.memory_space<hbm>>
              %dma_wait3A_891 = arith.constant 0 : i32
              %dma_wait3A_892 = arith.constant 0 : i32
              %dma_wait3A_893 = tpu.memref_slice %arg11[%dma_wait3A_891, %dma_wait3A_892] : memref<128x64xf32, #tpu.memory_space<vmem>> -> memref<1x64xf32, #tpu.memory_space<vmem>>
              %dma_wait3A_894 = arith.constant 0 : i32
              %dma_wait3A_895 = arith.constant 0 : i32
              %dma_wait3A_896 = tpu.memref_slice %arg4[%dma_wait3A_894, %dma_wait3A_895] : memref<16384x64xf32, #tpu.memory_space<hbm>> -> memref<1x64xf32, #tpu.memory_space<hbm>>
              tpu.wait_dma2 semaphore(%arg21 : memref<!tpu.dma_semaphore, #tpu.memory_space<semaphore_mem>>) src(%dma_wait3A_896 : memref<1x64xf32, #tpu.memory_space<hbm>>) dst(%dma_wait3A_893 : memref<1x64xf32, #tpu.memory_space<vmem>>)
            }
            %add3A_882 = arith.constant 128 : i32
            %add3A_883 = arith.addi %while3A_797, %add3A_882 : i32
            scf.yield %add3A_883 : i32
          } else {
            scf.yield %while3A_797 : i32
          }
          %broadcast_in_dim3A_805 = vector.broadcast %add3A_798 : i32 to vector<16xi32>
          %gather3A_806 = tpu.vector_load_idx %arg6[%broadcast_in_dim3A_805] : memref<16384xi32, #tpu.memory_space<vmem>>[vector<16xi32>], vector<16xi32>,
          %shift_right_arithmetic3A = arith.constant 14 : i32
          %shift_right_arithmetic3A_807 = vector.broadcast %shift_right_arithmetic3A : i32 to vector<16xi32>
          %shift_right_arithmetic3A_808 = arith.shrsi %gather3A_806, %shift_right_arithmetic3A_807 : vector<16xi32>
          %and3A_809 = arith.constant 127 : i32
          %and3A_810 = vector.broadcast %and3A_809 : i32 to vector<16xi32>
          %and3A_811 = arith.andi %shift_right_arithmetic3A_808, %and3A_810 : vector<16xi32>
          %sub3A_812 = arith.subi %add3A_798, %cond3A_804 : i32
          %iota3A = tpu.iota {dimensions = array<i32: 0>} : vector<16xi32>
          %add3A_813 = arith.constant 0 : i32
          %add3A_814 = vector.broadcast %add3A_813 : i32 to vector<16xi32>
          %add3A_815 = arith.addi %iota3A, %add3A_814 : vector<16xi32>
          %gather3A_816 = arith.constant 0 : i32
          %gather3A_817 = arith.constant 0 : i32
          %gather3A_818 = tpu.memref_slice %arg10[%while3A_784, %gather3A_816, %gather3A_817] : memref<9x64x128xf32, #tpu.memory_space<vmem>> -> memref<1x64x128xf32, #tpu.memory_space<vmem>>
          %gather3A_819 = tpu.memref_squeeze %gather3A_818 : memref<1x64x128xf32, #tpu.memory_space<vmem>> -> memref<64x128xf32, #tpu.memory_space<vmem>>
          %gather3A_820 = tpu.vector_load_idx %gather3A_819[%add3A_815, %and3A_811] : memref<64x128xf32, #tpu.memory_space<vmem>>[vector<16xi32>, vector<16xi32>], vector<16xf32>,
          %swap3A_821 = arith.index_cast %sub3A_812 : i32 to index
          %swap3A_822 = arith.constant 0 : index
          %swap3A_823 = tpu.vector_load %arg11[%swap3A_821, %swap3A_822] {strides = array<i32>} : memref<128x64xf32, #tpu.memory_space<vmem>>, vector<16xf32>,
          tpu.vector_store %arg11[%swap3A_821, %swap3A_822], %gather3A_820 {strides = array<i32>} : memref<128x64xf32, #tpu.memory_space<vmem>>, vector<16xf32>,
          %iota3A_824 = tpu.iota {dimensions = array<i32: 0>} : vector<16xi32>
          %add3A_825 = arith.constant 16 : i32
          %add3A_826 = vector.broadcast %add3A_825 : i32 to vector<16xi32>
          %add3A_827 = arith.addi %iota3A_824, %add3A_826 : vector<16xi32>
          %gather3A_828 = arith.constant 0 : i32
          %gather3A_829 = arith.constant 0 : i32
          %gather3A_830 = tpu.memref_slice %arg10[%while3A_784, %gather3A_828, %gather3A_829] : memref<9x64x128xf32, #tpu.memory_space<vmem>> -> memref<1x64x128xf32, #tpu.memory_space<vmem>>
          %gather3A_831 = tpu.memref_squeeze %gather3A_830 : memref<1x64x128xf32, #tpu.memory_space<vmem>> -> memref<64x128xf32, #tpu.memory_space<vmem>>
          %gather3A_832 = tpu.vector_load_idx %gather3A_831[%add3A_827, %and3A_811] : memref<64x128xf32, #tpu.memory_space<vmem>>[vector<16xi32>, vector<16xi32>], vector<16xf32>,
          %swap3A_833 = arith.index_cast %sub3A_812 : i32 to index
          %swap3A_834 = arith.constant 16 : index
          %swap3A_835 = tpu.vector_load %arg11[%swap3A_833, %swap3A_834] {strides = array<i32>} : memref<128x64xf32, #tpu.memory_space<vmem>>, vector<16xf32>,
          tpu.vector_store %arg11[%swap3A_833, %swap3A_834], %gather3A_832 {strides = array<i32>} : memref<128x64xf32, #tpu.memory_space<vmem>>, vector<16xf32>,
          %iota3A_836 = tpu.iota {dimensions = array<i32: 0>} : vector<16xi32>
          %add3A_837 = arith.constant 32 : i32
          %add3A_838 = vector.broadcast %add3A_837 : i32 to vector<16xi32>
          %add3A_839 = arith.addi %iota3A_836, %add3A_838 : vector<16xi32>
          %gather3A_840 = arith.constant 0 : i32
          %gather3A_841 = arith.constant 0 : i32
          %gather3A_842 = tpu.memref_slice %arg10[%while3A_784, %gather3A_840, %gather3A_841] : memref<9x64x128xf32, #tpu.memory_space<vmem>> -> memref<1x64x128xf32, #tpu.memory_space<vmem>>
          %gather3A_843 = tpu.memref_squeeze %gather3A_842 : memref<1x64x128xf32, #tpu.memory_space<vmem>> -> memref<64x128xf32, #tpu.memory_space<vmem>>
          %gather3A_844 = tpu.vector_load_idx %gather3A_843[%add3A_839, %and3A_811] : memref<64x128xf32, #tpu.memory_space<vmem>>[vector<16xi32>, vector<16xi32>], vector<16xf32>,
          %swap3A_845 = arith.index_cast %sub3A_812 : i32 to index
          %swap3A_846 = arith.constant 32 : index
          %swap3A_847 = tpu.vector_load %arg11[%swap3A_845, %swap3A_846] {strides = array<i32>} : memref<128x64xf32, #tpu.memory_space<vmem>>, vector<16xf32>,
          tpu.vector_store %arg11[%swap3A_845, %swap3A_846], %gather3A_844 {strides = array<i32>} : memref<128x64xf32, #tpu.memory_space<vmem>>, vector<16xf32>,
          %iota3A_848 = tpu.iota {dimensions = array<i32: 0>} : vector<16xi32>
          %add3A_849 = arith.constant 48 : i32
          %add3A_850 = vector.broadcast %add3A_849 : i32 to vector<16xi32>
          %add3A_851 = arith.addi %iota3A_848, %add3A_850 : vector<16xi32>
          %gather3A_852 = arith.constant 0 : i32
          %gather3A_853 = arith.constant 0 : i32
          %gather3A_854 = tpu.memref_slice %arg10[%while3A_784, %gather3A_852, %gather3A_853] : memref<9x64x128xf32, #tpu.memory_space<vmem>> -> memref<1x64x128xf32, #tpu.memory_space<vmem>>
          %gather3A_855 = tpu.memref_squeeze %gather3A_854 : memref<1x64x128xf32, #tpu.memory_space<vmem>> -> memref<64x128xf32, #tpu.memory_space<vmem>>
          %gather3A_856 = tpu.vector_load_idx %gather3A_855[%add3A_851, %and3A_811] : memref<64x128xf32, #tpu.memory_space<vmem>>[vector<16xi32>, vector<16xi32>], vector<16xf32>,
          %swap3A_857 = arith.index_cast %sub3A_812 : i32 to index
          %swap3A_858 = arith.constant 48 : index
          %swap3A_859 = tpu.vector_load %arg11[%swap3A_857, %swap3A_858] {strides = array<i32>} : memref<128x64xf32, #tpu.memory_space<vmem>>, vector<16xf32>,
          tpu.vector_store %arg11[%swap3A_857, %swap3A_858], %gather3A_856 {strides = array<i32>} : memref<128x64xf32, #tpu.memory_space<vmem>>, vector<16xf32>,
          scf.yield %cond3A_804 : i32
        }
        %while3A_794 = arith.constant 1 : i32
        %while3A_795 = scf.for %while3A_796 = %while3A_791 to %while3A_787 step %while3A_794 iter_args(%while3A_797 = %while3A_793) -> (i32)  : i32 {
          %add3A_798 = arith.addi %squeeze3A_783, %while3A_796 : i32
          %sub3A_799 = arith.subi %add3A_798, %while3A_797 : i32
          %ge3A = arith.constant 128 : i32
          %ge3A_800 = arith.cmpi sge, %sub3A_799, %ge3A : i32
          %convert_element_type3A_801 = arith.extui %ge3A_800 : i1 to i32
          %cond3A_802 = arith.constant 0 : i32
          %cond3A_803 = arith.cmpi ne, %convert_element_type3A_801, %cond3A_802 : i32
          %cond3A_804 = scf.if %cond3A_803 -> (i32) {
            %while3A_860 = arith.constant 0 : i32
            %while3A_861 = arith.constant 0 : i32
            %while3A_862 = arith.constant 128 : i32
            %while3A_863 = arith.subi %while3A_862, %while3A_861 : i32
            %while3A_864 = arith.addi %while3A_861, %while3A_863 : i32
            %while3A_865 = arith.constant 1 : i32
            %while3A_866 = arith.divsi %while3A_863, %while3A_865 : i32
            %while3A_867 = arith.muli %while3A_866, %while3A_865 : i32
            %while3A_868 = arith.addi %while3A_861, %while3A_867 : i32
            %while3A_869 = arith.constant 1 : i32
            scf.for %while3A_884 = %while3A_861 to %while3A_868 step %while3A_869  : i32 {
              %add3A_885 = arith.addi %while3A_797, %while3A_884 : i32
              %broadcast_in_dim3A_886 = vector.broadcast %add3A_885 : i32 to vector<16xi32>
              %gather3A_887 = tpu.vector_load_idx %arg6[%broadcast_in_dim3A_886] : memref<16384xi32, #tpu.memory_space<vmem>>[vector<16xi32>], vector<16xi32>,
              %slice3A_888 = vector.extract_strided_slice %gather3A_887 {offsets = [0], sizes = [1], strides = [1]} : vector<16xi32> to vector<1xi32>
              %squeeze3A_889 = vector.extract %slice3A_888[0] : i32 from vector<1xi32>
              %and3A_890 = arith.constant 16383 : i32
              %and3A_891 = arith.andi %squeeze3A_889, %and3A_890 : i32
              %dma_start3A = arith.constant 0 : i32
              %dma_start3A_892 = tpu.memref_slice %arg11[%while3A_884, %dma_start3A] : memref<128x64xf32, #tpu.memory_space<vmem>> -> memref<1x64xf32, #tpu.memory_space<vmem>>
              %dma_start3A_893 = arith.constant 0 : i32
              %dma_start3A_894 = tpu.memref_slice %arg4[%and3A_891, %dma_start3A_893] : memref<16384x64xf32, #tpu.memory_space<hbm>> -> memref<1x64xf32, #tpu.memory_space<hbm>>
              %dma_start3A_895 = arith.constant 0 : i32
              %dma_start3A_896 = tpu.memref_slice %arg4[%and3A_891, %dma_start3A_895] : memref<16384x64xf32, #tpu.memory_space<hbm>> -> memref<1x64xf32, #tpu.memory_space<hbm>>
              %dma_start3A_897 = arith.constant 0 : i32
              %dma_start3A_898 = tpu.memref_slice %arg11[%while3A_884, %dma_start3A_897] : memref<128x64xf32, #tpu.memory_space<vmem>> -> memref<1x64xf32, #tpu.memory_space<vmem>>
              tpu.enqueue_dma source(%dma_start3A_898 : memref<1x64xf32, #tpu.memory_space<vmem>>) target(%dma_start3A_896 : memref<1x64xf32, #tpu.memory_space<hbm>>) target_semaphore(%arg21 : memref<!tpu.dma_semaphore, #tpu.memory_space<semaphore_mem>>)
            }
            %while3A_870 = arith.constant 1 : i32
            scf.for %while3A_884 = %while3A_868 to %while3A_864 step %while3A_870  : i32 {
              %add3A_885 = arith.addi %while3A_797, %while3A_884 : i32
              %broadcast_in_dim3A_886 = vector.broadcast %add3A_885 : i32 to vector<16xi32>
              %gather3A_887 = tpu.vector_load_idx %arg6[%broadcast_in_dim3A_886] : memref<16384xi32, #tpu.memory_space<vmem>>[vector<16xi32>], vector<16xi32>,
              %slice3A_888 = vector.extract_strided_slice %gather3A_887 {offsets = [0], sizes = [1], strides = [1]} : vector<16xi32> to vector<1xi32>
              %squeeze3A_889 = vector.extract %slice3A_888[0] : i32 from vector<1xi32>
              %and3A_890 = arith.constant 16383 : i32
              %and3A_891 = arith.andi %squeeze3A_889, %and3A_890 : i32
              %dma_start3A = arith.constant 0 : i32
              %dma_start3A_892 = tpu.memref_slice %arg11[%while3A_884, %dma_start3A] : memref<128x64xf32, #tpu.memory_space<vmem>> -> memref<1x64xf32, #tpu.memory_space<vmem>>
              %dma_start3A_893 = arith.constant 0 : i32
              %dma_start3A_894 = tpu.memref_slice %arg4[%and3A_891, %dma_start3A_893] : memref<16384x64xf32, #tpu.memory_space<hbm>> -> memref<1x64xf32, #tpu.memory_space<hbm>>
              %dma_start3A_895 = arith.constant 0 : i32
              %dma_start3A_896 = tpu.memref_slice %arg4[%and3A_891, %dma_start3A_895] : memref<16384x64xf32, #tpu.memory_space<hbm>> -> memref<1x64xf32, #tpu.memory_space<hbm>>
              %dma_start3A_897 = arith.constant 0 : i32
              %dma_start3A_898 = tpu.memref_slice %arg11[%while3A_884, %dma_start3A_897] : memref<128x64xf32, #tpu.memory_space<vmem>> -> memref<1x64xf32, #tpu.memory_space<vmem>>
              tpu.enqueue_dma source(%dma_start3A_898 : memref<1x64xf32, #tpu.memory_space<vmem>>) target(%dma_start3A_896 : memref<1x64xf32, #tpu.memory_space<hbm>>) target_semaphore(%arg21 : memref<!tpu.dma_semaphore, #tpu.memory_space<semaphore_mem>>)
            }
            %while3A_871 = arith.constant 0 : i32
            %while3A_872 = arith.constant 0 : i32
            %while3A_873 = arith.constant 128 : i32
            %while3A_874 = arith.subi %while3A_873, %while3A_872 : i32
            %while3A_875 = arith.addi %while3A_872, %while3A_874 : i32
            %while3A_876 = arith.constant 1 : i32
            %while3A_877 = arith.divsi %while3A_874, %while3A_876 : i32
            %while3A_878 = arith.muli %while3A_877, %while3A_876 : i32
            %while3A_879 = arith.addi %while3A_872, %while3A_878 : i32
            %while3A_880 = arith.constant 1 : i32
            scf.for %while3A_884 = %while3A_872 to %while3A_879 step %while3A_880  : i32 {
              %dma_wait3A_885 = arith.constant 0 : i32
              %dma_wait3A_886 = arith.constant 0 : i32
              %dma_wait3A_887 = tpu.memref_slice %arg11[%dma_wait3A_885, %dma_wait3A_886] : memref<128x64xf32, #tpu.memory_space<vmem>> -> memref<1x64xf32, #tpu.memory_space<vmem>>
              %dma_wait3A_888 = arith.constant 0 : i32
              %dma_wait3A_889 = arith.constant 0 : i32
              %dma_wait3A_890 = tpu.memref_slice %arg4[%dma_wait3A_888, %dma_wait3A_889] : memref<16384x64xf32, #tpu.memory_space<hbm>> -> memref<1x64xf32, #tpu.memory_space<hbm>>
              %dma_wait3A_891 = arith.constant 0 : i32
              %dma_wait3A_892 = arith.constant 0 : i32
              %dma_wait3A_893 = tpu.memref_slice %arg11[%dma_wait3A_891, %dma_wait3A_892] : memref<128x64xf32, #tpu.memory_space<vmem>> -> memref<1x64xf32, #tpu.memory_space<vmem>>
              %dma_wait3A_894 = arith.constant 0 : i32
              %dma_wait3A_895 = arith.constant 0 : i32
              %dma_wait3A_896 = tpu.memref_slice %arg4[%dma_wait3A_894, %dma_wait3A_895] : memref<16384x64xf32, #tpu.memory_space<hbm>> -> memref<1x64xf32, #tpu.memory_space<hbm>>
              tpu.wait_dma2 semaphore(%arg21 : memref<!tpu.dma_semaphore, #tpu.memory_space<semaphore_mem>>) src(%dma_wait3A_896 : memref<1x64xf32, #tpu.memory_space<hbm>>) dst(%dma_wait3A_893 : memref<1x64xf32, #tpu.memory_space<vmem>>)
            }
            %while3A_881 = arith.constant 1 : i32
            scf.for %while3A_884 = %while3A_879 to %while3A_875 step %while3A_881  : i32 {
              %dma_wait3A_885 = arith.constant 0 : i32
              %dma_wait3A_886 = arith.constant 0 : i32
              %dma_wait3A_887 = tpu.memref_slice %arg11[%dma_wait3A_885, %dma_wait3A_886] : memref<128x64xf32, #tpu.memory_space<vmem>> -> memref<1x64xf32, #tpu.memory_space<vmem>>
              %dma_wait3A_888 = arith.constant 0 : i32
              %dma_wait3A_889 = arith.constant 0 : i32
              %dma_wait3A_890 = tpu.memref_slice %arg4[%dma_wait3A_888, %dma_wait3A_889] : memref<16384x64xf32, #tpu.memory_space<hbm>> -> memref<1x64xf32, #tpu.memory_space<hbm>>
              %dma_wait3A_891 = arith.constant 0 : i32
              %dma_wait3A_892 = arith.constant 0 : i32
              %dma_wait3A_893 = tpu.memref_slice %arg11[%dma_wait3A_891, %dma_wait3A_892] : memref<128x64xf32, #tpu.memory_space<vmem>> -> memref<1x64xf32, #tpu.memory_space<vmem>>
              %dma_wait3A_894 = arith.constant 0 : i32
              %dma_wait3A_895 = arith.constant 0 : i32
              %dma_wait3A_896 = tpu.memref_slice %arg4[%dma_wait3A_894, %dma_wait3A_895] : memref<16384x64xf32, #tpu.memory_space<hbm>> -> memref<1x64xf32, #tpu.memory_space<hbm>>
              tpu.wait_dma2 semaphore(%arg21 : memref<!tpu.dma_semaphore, #tpu.memory_space<semaphore_mem>>) src(%dma_wait3A_896 : memref<1x64xf32, #tpu.memory_space<hbm>>) dst(%dma_wait3A_893 : memref<1x64xf32, #tpu.memory_space<vmem>>)
            }
            %add3A_882 = arith.constant 128 : i32
            %add3A_883 = arith.addi %while3A_797, %add3A_882 : i32
            scf.yield %add3A_883 : i32
          } else {
            scf.yield %while3A_797 : i32
          }
          %broadcast_in_dim3A_805 = vector.broadcast %add3A_798 : i32 to vector<16xi32>
          %gather3A_806 = tpu.vector_load_idx %arg6[%broadcast_in_dim3A_805] : memref<16384xi32, #tpu.memory_space<vmem>>[vector<16xi32>], vector<16xi32>,
          %shift_right_arithmetic3A = arith.constant 14 : i32
          %shift_right_arithmetic3A_807 = vector.broadcast %shift_right_arithmetic3A : i32 to vector<16xi32>
          %shift_right_arithmetic3A_808 = arith.shrsi %gather3A_806, %shift_right_arithmetic3A_807 : vector<16xi32>
          %and3A_809 = arith.constant 127 : i32
          %and3A_810 = vector.broadcast %and3A_809 : i32 to vector<16xi32>
          %and3A_811 = arith.andi %shift_right_arithmetic3A_808, %and3A_810 : vector<16xi32>
          %sub3A_812 = arith.subi %add3A_798, %cond3A_804 : i32
          %iota3A = tpu.iota {dimensions = array<i32: 0>} : vector<16xi32>
          %add3A_813 = arith.constant 0 : i32
          %add3A_814 = vector.broadcast %add3A_813 : i32 to vector<16xi32>
          %add3A_815 = arith.addi %iota3A, %add3A_814 : vector<16xi32>
          %gather3A_816 = arith.constant 0 : i32
          %gather3A_817 = arith.constant 0 : i32
          %gather3A_818 = tpu.memref_slice %arg10[%while3A_784, %gather3A_816, %gather3A_817] : memref<9x64x128xf32, #tpu.memory_space<vmem>> -> memref<1x64x128xf32, #tpu.memory_space<vmem>>
          %gather3A_819 = tpu.memref_squeeze %gather3A_818 : memref<1x64x128xf32, #tpu.memory_space<vmem>> -> memref<64x128xf32, #tpu.memory_space<vmem>>
          %gather3A_820 = tpu.vector_load_idx %gather3A_819[%add3A_815, %and3A_811] : memref<64x128xf32, #tpu.memory_space<vmem>>[vector<16xi32>, vector<16xi32>], vector<16xf32>,
          %swap3A_821 = arith.index_cast %sub3A_812 : i32 to index
          %swap3A_822 = arith.constant 0 : index
          %swap3A_823 = tpu.vector_load %arg11[%swap3A_821, %swap3A_822] {strides = array<i32>} : memref<128x64xf32, #tpu.memory_space<vmem>>, vector<16xf32>,
          tpu.vector_store %arg11[%swap3A_821, %swap3A_822], %gather3A_820 {strides = array<i32>} : memref<128x64xf32, #tpu.memory_space<vmem>>, vector<16xf32>,
          %iota3A_824 = tpu.iota {dimensions = array<i32: 0>} : vector<16xi32>
          %add3A_825 = arith.constant 16 : i32
          %add3A_826 = vector.broadcast %add3A_825 : i32 to vector<16xi32>
          %add3A_827 = arith.addi %iota3A_824, %add3A_826 : vector<16xi32>
          %gather3A_828 = arith.constant 0 : i32
          %gather3A_829 = arith.constant 0 : i32
          %gather3A_830 = tpu.memref_slice %arg10[%while3A_784, %gather3A_828, %gather3A_829] : memref<9x64x128xf32, #tpu.memory_space<vmem>> -> memref<1x64x128xf32, #tpu.memory_space<vmem>>
          %gather3A_831 = tpu.memref_squeeze %gather3A_830 : memref<1x64x128xf32, #tpu.memory_space<vmem>> -> memref<64x128xf32, #tpu.memory_space<vmem>>
          %gather3A_832 = tpu.vector_load_idx %gather3A_831[%add3A_827, %and3A_811] : memref<64x128xf32, #tpu.memory_space<vmem>>[vector<16xi32>, vector<16xi32>], vector<16xf32>,
          %swap3A_833 = arith.index_cast %sub3A_812 : i32 to index
          %swap3A_834 = arith.constant 16 : index
          %swap3A_835 = tpu.vector_load %arg11[%swap3A_833, %swap3A_834] {strides = array<i32>} : memref<128x64xf32, #tpu.memory_space<vmem>>, vector<16xf32>,
          tpu.vector_store %arg11[%swap3A_833, %swap3A_834], %gather3A_832 {strides = array<i32>} : memref<128x64xf32, #tpu.memory_space<vmem>>, vector<16xf32>,
          %iota3A_836 = tpu.iota {dimensions = array<i32: 0>} : vector<16xi32>
          %add3A_837 = arith.constant 32 : i32
          %add3A_838 = vector.broadcast %add3A_837 : i32 to vector<16xi32>
          %add3A_839 = arith.addi %iota3A_836, %add3A_838 : vector<16xi32>
          %gather3A_840 = arith.constant 0 : i32
          %gather3A_841 = arith.constant 0 : i32
          %gather3A_842 = tpu.memref_slice %arg10[%while3A_784, %gather3A_840, %gather3A_841] : memref<9x64x128xf32, #tpu.memory_space<vmem>> -> memref<1x64x128xf32, #tpu.memory_space<vmem>>
          %gather3A_843 = tpu.memref_squeeze %gather3A_842 : memref<1x64x128xf32, #tpu.memory_space<vmem>> -> memref<64x128xf32, #tpu.memory_space<vmem>>
          %gather3A_844 = tpu.vector_load_idx %gather3A_843[%add3A_839, %and3A_811] : memref<64x128xf32, #tpu.memory_space<vmem>>[vector<16xi32>, vector<16xi32>], vector<16xf32>,
          %swap3A_845 = arith.index_cast %sub3A_812 : i32 to index
          %swap3A_846 = arith.constant 32 : index
          %swap3A_847 = tpu.vector_load %arg11[%swap3A_845, %swap3A_846] {strides = array<i32>} : memref<128x64xf32, #tpu.memory_space<vmem>>, vector<16xf32>,
          tpu.vector_store %arg11[%swap3A_845, %swap3A_846], %gather3A_844 {strides = array<i32>} : memref<128x64xf32, #tpu.memory_space<vmem>>, vector<16xf32>,
          %iota3A_848 = tpu.iota {dimensions = array<i32: 0>} : vector<16xi32>
          %add3A_849 = arith.constant 48 : i32
          %add3A_850 = vector.broadcast %add3A_849 : i32 to vector<16xi32>
          %add3A_851 = arith.addi %iota3A_848, %add3A_850 : vector<16xi32>
          %gather3A_852 = arith.constant 0 : i32
          %gather3A_853 = arith.constant 0 : i32
          %gather3A_854 = tpu.memref_slice %arg10[%while3A_784, %gather3A_852, %gather3A_853] : memref<9x64x128xf32, #tpu.memory_space<vmem>> -> memref<1x64x128xf32, #tpu.memory_space<vmem>>
          %gather3A_855 = tpu.memref_squeeze %gather3A_854 : memref<1x64x128xf32, #tpu.memory_space<vmem>> -> memref<64x128xf32, #tpu.memory_space<vmem>>
          %gather3A_856 = tpu.vector_load_idx %gather3A_855[%add3A_851, %and3A_811] : memref<64x128xf32, #tpu.memory_space<vmem>>[vector<16xi32>, vector<16xi32>], vector<16xf32>,
          %swap3A_857 = arith.index_cast %sub3A_812 : i32 to index
          %swap3A_858 = arith.constant 48 : index
          %swap3A_859 = tpu.vector_load %arg11[%swap3A_857, %swap3A_858] {strides = array<i32>} : memref<128x64xf32, #tpu.memory_space<vmem>>, vector<16xf32>,
          tpu.vector_store %arg11[%swap3A_857, %swap3A_858], %gather3A_856 {strides = array<i32>} : memref<128x64xf32, #tpu.memory_space<vmem>>, vector<16xf32>,
          scf.yield %cond3A_804 : i32
        }
        scf.yield %while3A_795 : i32
      } else {
        scf.yield %cond3A_552 : i32
      }
      %mul3A_586 = arith.constant 9 : i32
      %mul3A_587 = arith.muli %scan3A_467, %mul3A_586 : i32
      %add3A_588 = arith.constant 3 : i32
      %add3A_589 = arith.addi %mul3A_587, %add3A_588 : i32
      %broadcast_in_dim3A_590 = vector.broadcast %add3A_589 : i32 to vector<16xi32>
      %gather3A_591 = tpu.vector_load_idx %arg7[%broadcast_in_dim3A_590] : memref<256xi32, #tpu.memory_space<vmem>>[vector<16xi32>], vector<16xi32>,
      %slice3A_592 = vector.extract_strided_slice %gather3A_591 {offsets = [0], sizes = [1], strides = [1]} : vector<16xi32> to vector<1xi32>
      %squeeze3A_593 = vector.extract %slice3A_592[0] : i32 from vector<1xi32>
      %lt3A_594 = arith.cmpi slt, %add3A_589, %min3A_6 : i32
      %gt3A_595 = arith.constant 0 : i32
      %gt3A_596 = arith.cmpi sgt, %squeeze3A_593, %gt3A_595 : i32
      %and3A_597 = arith.andi %lt3A_594, %gt3A_596 : i1
      %convert_element_type3A_598 = arith.extui %and3A_597 : i1 to i32
      %cond3A_599 = arith.constant 0 : i32
      %cond3A_600 = arith.cmpi ne, %convert_element_type3A_598, %cond3A_599 : i32
      scf.if %cond3A_600 {
        %add3A_766 = arith.addi %add3A_4, %add3A_589 : i32
        %mul3A_767 = arith.constant 128 : i32
        %mul3A_768 = arith.muli %add3A_766, %mul3A_767 : i32
        %multiple_of3A = tpu.assume_multiple %mul3A_768, 128 : i32
        %dma_start3A = arith.constant 3 : i32
        %dma_start3A_769 = arith.constant 0 : i32
        %dma_start3A_770 = arith.constant 0 : i32
        %dma_start3A_771 = tpu.memref_slice %arg10[%dma_start3A, %dma_start3A_769, %dma_start3A_770] : memref<9x64x128xf32, #tpu.memory_space<vmem>> -> memref<1x64x128xf32, #tpu.memory_space<vmem>>
        %dma_start3A_772 = tpu.memref_squeeze %dma_start3A_771 : memref<1x64x128xf32, #tpu.memory_space<vmem>> -> memref<64x128xf32, #tpu.memory_space<vmem>>
        %dma_start3A_773 = arith.constant 0 : i32
        %dma_start3A_774 = tpu.memref_slice %arg2[%dma_start3A_773, %multiple_of3A] : memref<64x1077001xf32, #tpu.memory_space<hbm>> -> memref<64x128xf32, #tpu.memory_space<hbm>>
        %dma_start3A_775 = arith.constant 0 : i32
        %dma_start3A_776 = arith.constant 0 : i32
        %dma_start3A_777 = tpu.memref_slice %arg10[%dma_start3A, %dma_start3A_775, %dma_start3A_776] : memref<9x64x128xf32, #tpu.memory_space<vmem>> -> memref<1x64x128xf32, #tpu.memory_space<vmem>>
        %dma_start3A_778 = tpu.memref_squeeze %dma_start3A_777 : memref<1x64x128xf32, #tpu.memory_space<vmem>> -> memref<64x128xf32, #tpu.memory_space<vmem>>
        %dma_start3A_779 = arith.constant 0 : i32
        %dma_start3A_780 = tpu.memref_slice %arg2[%dma_start3A_779, %multiple_of3A] : memref<64x1077001xf32, #tpu.memory_space<hbm>> -> memref<64x128xf32, #tpu.memory_space<hbm>>
        tpu.enqueue_dma source(%dma_start3A_780 : memref<64x128xf32, #tpu.memory_space<hbm>>) target(%dma_start3A_778 : memref<64x128xf32, #tpu.memory_space<vmem>>) target_semaphore(%arg15 : memref<!tpu.dma_semaphore, #tpu.memory_space<semaphore_mem>>)
      } else {
      }
      %sub3A_601 = arith.constant 1 : i32
      %sub3A_602 = arith.subi %scan3A_467, %sub3A_601 : i32
      %mul3A_603 = arith.constant 9 : i32
      %mul3A_604 = arith.muli %sub3A_602, %mul3A_603 : i32
      %add3A_605 = arith.constant 4 : i32
      %add3A_606 = arith.addi %mul3A_604, %add3A_605 : i32
      %broadcast_in_dim3A_607 = vector.broadcast %add3A_606 : i32 to vector<16xi32>
      %gather3A_608 = tpu.vector_load_idx %arg7[%broadcast_in_dim3A_607] : memref<256xi32, #tpu.memory_space<vmem>>[vector<16xi32>], vector<16xi32>,
      %slice3A_609 = vector.extract_strided_slice %gather3A_608 {offsets = [0], sizes = [1], strides = [1]} : vector<16xi32> to vector<1xi32>
      %squeeze3A_610 = vector.extract %slice3A_609[0] : i32 from vector<1xi32>
      %lt3A_611 = arith.cmpi slt, %add3A_606, %min3A_6 : i32
      %gt3A_612 = arith.constant 0 : i32
      %gt3A_613 = arith.cmpi sgt, %squeeze3A_610, %gt3A_612 : i32
      %and3A_614 = arith.andi %lt3A_611, %gt3A_613 : i1
      %convert_element_type3A_615 = arith.extui %and3A_614 : i1 to i32
      %cond3A_616 = arith.constant 0 : i32
      %cond3A_617 = arith.cmpi ne, %convert_element_type3A_615, %cond3A_616 : i32
      %cond3A_618 = scf.if %cond3A_617 -> (i32) {
        %dma_wait3A = arith.constant 4 : i32
        %dma_wait3A_766 = arith.constant 0 : i32
        %dma_wait3A_767 = arith.constant 0 : i32
        %dma_wait3A_768 = tpu.memref_slice %arg10[%dma_wait3A, %dma_wait3A_766, %dma_wait3A_767] : memref<9x64x128xf32, #tpu.memory_space<vmem>> -> memref<1x64x128xf32, #tpu.memory_space<vmem>>
        %dma_wait3A_769 = tpu.memref_squeeze %dma_wait3A_768 : memref<1x64x128xf32, #tpu.memory_space<vmem>> -> memref<64x128xf32, #tpu.memory_space<vmem>>
        %dma_wait3A_770 = arith.constant 0 : i32
        %dma_wait3A_771 = arith.constant 0 : i32
        %dma_wait3A_772 = tpu.memref_slice %arg2[%dma_wait3A_770, %dma_wait3A_771] : memref<64x1077001xf32, #tpu.memory_space<hbm>> -> memref<64x128xf32, #tpu.memory_space<hbm>>
        %dma_wait3A_773 = arith.constant 0 : i32
        %dma_wait3A_774 = arith.constant 0 : i32
        %dma_wait3A_775 = tpu.memref_slice %arg10[%dma_wait3A, %dma_wait3A_773, %dma_wait3A_774] : memref<9x64x128xf32, #tpu.memory_space<vmem>> -> memref<1x64x128xf32, #tpu.memory_space<vmem>>
        %dma_wait3A_776 = tpu.memref_squeeze %dma_wait3A_775 : memref<1x64x128xf32, #tpu.memory_space<vmem>> -> memref<64x128xf32, #tpu.memory_space<vmem>>
        %dma_wait3A_777 = arith.constant 0 : i32
        %dma_wait3A_778 = arith.constant 0 : i32
        %dma_wait3A_779 = tpu.memref_slice %arg2[%dma_wait3A_777, %dma_wait3A_778] : memref<64x1077001xf32, #tpu.memory_space<hbm>> -> memref<64x128xf32, #tpu.memory_space<hbm>>
        tpu.wait_dma2 semaphore(%arg16 : memref<!tpu.dma_semaphore, #tpu.memory_space<semaphore_mem>>) src(%dma_wait3A_779 : memref<64x128xf32, #tpu.memory_space<hbm>>) dst(%dma_wait3A_776 : memref<64x128xf32, #tpu.memory_space<vmem>>)
        %broadcast_in_dim3A_780 = vector.broadcast %add3A_606 : i32 to vector<16xi32>
        %gather3A_781 = tpu.vector_load_idx %arg8[%broadcast_in_dim3A_780] : memref<256xi32, #tpu.memory_space<vmem>>[vector<16xi32>], vector<16xi32>,
        %slice3A_782 = vector.extract_strided_slice %gather3A_781 {offsets = [0], sizes = [1], strides = [1]} : vector<16xi32> to vector<1xi32>
        %squeeze3A_783 = vector.extract %slice3A_782[0] : i32 from vector<1xi32>
        %while3A_784 = arith.constant 4 : i32
        %while3A_785 = arith.constant 0 : i32
        %while3A_786 = arith.subi %squeeze3A_610, %while3A_785 : i32
        %while3A_787 = arith.addi %while3A_785, %while3A_786 : i32
        %while3A_788 = arith.constant 1 : i32
        %while3A_789 = arith.divsi %while3A_786, %while3A_788 : i32
        %while3A_790 = arith.muli %while3A_789, %while3A_788 : i32
        %while3A_791 = arith.addi %while3A_785, %while3A_790 : i32
        %while3A_792 = arith.constant 1 : i32
        %while3A_793 = scf.for %while3A_796 = %while3A_785 to %while3A_791 step %while3A_792 iter_args(%while3A_797 = %cond3A_585) -> (i32)  : i32 {
          %add3A_798 = arith.addi %squeeze3A_783, %while3A_796 : i32
          %sub3A_799 = arith.subi %add3A_798, %while3A_797 : i32
          %ge3A = arith.constant 128 : i32
          %ge3A_800 = arith.cmpi sge, %sub3A_799, %ge3A : i32
          %convert_element_type3A_801 = arith.extui %ge3A_800 : i1 to i32
          %cond3A_802 = arith.constant 0 : i32
          %cond3A_803 = arith.cmpi ne, %convert_element_type3A_801, %cond3A_802 : i32
          %cond3A_804 = scf.if %cond3A_803 -> (i32) {
            %while3A_860 = arith.constant 0 : i32
            %while3A_861 = arith.constant 0 : i32
            %while3A_862 = arith.constant 128 : i32
            %while3A_863 = arith.subi %while3A_862, %while3A_861 : i32
            %while3A_864 = arith.addi %while3A_861, %while3A_863 : i32
            %while3A_865 = arith.constant 1 : i32
            %while3A_866 = arith.divsi %while3A_863, %while3A_865 : i32
            %while3A_867 = arith.muli %while3A_866, %while3A_865 : i32
            %while3A_868 = arith.addi %while3A_861, %while3A_867 : i32
            %while3A_869 = arith.constant 1 : i32
            scf.for %while3A_884 = %while3A_861 to %while3A_868 step %while3A_869  : i32 {
              %add3A_885 = arith.addi %while3A_797, %while3A_884 : i32
              %broadcast_in_dim3A_886 = vector.broadcast %add3A_885 : i32 to vector<16xi32>
              %gather3A_887 = tpu.vector_load_idx %arg6[%broadcast_in_dim3A_886] : memref<16384xi32, #tpu.memory_space<vmem>>[vector<16xi32>], vector<16xi32>,
              %slice3A_888 = vector.extract_strided_slice %gather3A_887 {offsets = [0], sizes = [1], strides = [1]} : vector<16xi32> to vector<1xi32>
              %squeeze3A_889 = vector.extract %slice3A_888[0] : i32 from vector<1xi32>
              %and3A_890 = arith.constant 16383 : i32
              %and3A_891 = arith.andi %squeeze3A_889, %and3A_890 : i32
              %dma_start3A = arith.constant 0 : i32
              %dma_start3A_892 = tpu.memref_slice %arg11[%while3A_884, %dma_start3A] : memref<128x64xf32, #tpu.memory_space<vmem>> -> memref<1x64xf32, #tpu.memory_space<vmem>>
              %dma_start3A_893 = arith.constant 0 : i32
              %dma_start3A_894 = tpu.memref_slice %arg4[%and3A_891, %dma_start3A_893] : memref<16384x64xf32, #tpu.memory_space<hbm>> -> memref<1x64xf32, #tpu.memory_space<hbm>>
              %dma_start3A_895 = arith.constant 0 : i32
              %dma_start3A_896 = tpu.memref_slice %arg4[%and3A_891, %dma_start3A_895] : memref<16384x64xf32, #tpu.memory_space<hbm>> -> memref<1x64xf32, #tpu.memory_space<hbm>>
              %dma_start3A_897 = arith.constant 0 : i32
              %dma_start3A_898 = tpu.memref_slice %arg11[%while3A_884, %dma_start3A_897] : memref<128x64xf32, #tpu.memory_space<vmem>> -> memref<1x64xf32, #tpu.memory_space<vmem>>
              tpu.enqueue_dma source(%dma_start3A_898 : memref<1x64xf32, #tpu.memory_space<vmem>>) target(%dma_start3A_896 : memref<1x64xf32, #tpu.memory_space<hbm>>) target_semaphore(%arg21 : memref<!tpu.dma_semaphore, #tpu.memory_space<semaphore_mem>>)
            }
            %while3A_870 = arith.constant 1 : i32
            scf.for %while3A_884 = %while3A_868 to %while3A_864 step %while3A_870  : i32 {
              %add3A_885 = arith.addi %while3A_797, %while3A_884 : i32
              %broadcast_in_dim3A_886 = vector.broadcast %add3A_885 : i32 to vector<16xi32>
              %gather3A_887 = tpu.vector_load_idx %arg6[%broadcast_in_dim3A_886] : memref<16384xi32, #tpu.memory_space<vmem>>[vector<16xi32>], vector<16xi32>,
              %slice3A_888 = vector.extract_strided_slice %gather3A_887 {offsets = [0], sizes = [1], strides = [1]} : vector<16xi32> to vector<1xi32>
              %squeeze3A_889 = vector.extract %slice3A_888[0] : i32 from vector<1xi32>
              %and3A_890 = arith.constant 16383 : i32
              %and3A_891 = arith.andi %squeeze3A_889, %and3A_890 : i32
              %dma_start3A = arith.constant 0 : i32
              %dma_start3A_892 = tpu.memref_slice %arg11[%while3A_884, %dma_start3A] : memref<128x64xf32, #tpu.memory_space<vmem>> -> memref<1x64xf32, #tpu.memory_space<vmem>>
              %dma_start3A_893 = arith.constant 0 : i32
              %dma_start3A_894 = tpu.memref_slice %arg4[%and3A_891, %dma_start3A_893] : memref<16384x64xf32, #tpu.memory_space<hbm>> -> memref<1x64xf32, #tpu.memory_space<hbm>>
              %dma_start3A_895 = arith.constant 0 : i32
              %dma_start3A_896 = tpu.memref_slice %arg4[%and3A_891, %dma_start3A_895] : memref<16384x64xf32, #tpu.memory_space<hbm>> -> memref<1x64xf32, #tpu.memory_space<hbm>>
              %dma_start3A_897 = arith.constant 0 : i32
              %dma_start3A_898 = tpu.memref_slice %arg11[%while3A_884, %dma_start3A_897] : memref<128x64xf32, #tpu.memory_space<vmem>> -> memref<1x64xf32, #tpu.memory_space<vmem>>
              tpu.enqueue_dma source(%dma_start3A_898 : memref<1x64xf32, #tpu.memory_space<vmem>>) target(%dma_start3A_896 : memref<1x64xf32, #tpu.memory_space<hbm>>) target_semaphore(%arg21 : memref<!tpu.dma_semaphore, #tpu.memory_space<semaphore_mem>>)
            }
            %while3A_871 = arith.constant 0 : i32
            %while3A_872 = arith.constant 0 : i32
            %while3A_873 = arith.constant 128 : i32
            %while3A_874 = arith.subi %while3A_873, %while3A_872 : i32
            %while3A_875 = arith.addi %while3A_872, %while3A_874 : i32
            %while3A_876 = arith.constant 1 : i32
            %while3A_877 = arith.divsi %while3A_874, %while3A_876 : i32
            %while3A_878 = arith.muli %while3A_877, %while3A_876 : i32
            %while3A_879 = arith.addi %while3A_872, %while3A_878 : i32
            %while3A_880 = arith.constant 1 : i32
            scf.for %while3A_884 = %while3A_872 to %while3A_879 step %while3A_880  : i32 {
              %dma_wait3A_885 = arith.constant 0 : i32
              %dma_wait3A_886 = arith.constant 0 : i32
              %dma_wait3A_887 = tpu.memref_slice %arg11[%dma_wait3A_885, %dma_wait3A_886] : memref<128x64xf32, #tpu.memory_space<vmem>> -> memref<1x64xf32, #tpu.memory_space<vmem>>
              %dma_wait3A_888 = arith.constant 0 : i32
              %dma_wait3A_889 = arith.constant 0 : i32
              %dma_wait3A_890 = tpu.memref_slice %arg4[%dma_wait3A_888, %dma_wait3A_889] : memref<16384x64xf32, #tpu.memory_space<hbm>> -> memref<1x64xf32, #tpu.memory_space<hbm>>
              %dma_wait3A_891 = arith.constant 0 : i32
              %dma_wait3A_892 = arith.constant 0 : i32
              %dma_wait3A_893 = tpu.memref_slice %arg11[%dma_wait3A_891, %dma_wait3A_892] : memref<128x64xf32, #tpu.memory_space<vmem>> -> memref<1x64xf32, #tpu.memory_space<vmem>>
              %dma_wait3A_894 = arith.constant 0 : i32
              %dma_wait3A_895 = arith.constant 0 : i32
              %dma_wait3A_896 = tpu.memref_slice %arg4[%dma_wait3A_894, %dma_wait3A_895] : memref<16384x64xf32, #tpu.memory_space<hbm>> -> memref<1x64xf32, #tpu.memory_space<hbm>>
              tpu.wait_dma2 semaphore(%arg21 : memref<!tpu.dma_semaphore, #tpu.memory_space<semaphore_mem>>) src(%dma_wait3A_896 : memref<1x64xf32, #tpu.memory_space<hbm>>) dst(%dma_wait3A_893 : memref<1x64xf32, #tpu.memory_space<vmem>>)
            }
            %while3A_881 = arith.constant 1 : i32
            scf.for %while3A_884 = %while3A_879 to %while3A_875 step %while3A_881  : i32 {
              %dma_wait3A_885 = arith.constant 0 : i32
              %dma_wait3A_886 = arith.constant 0 : i32
              %dma_wait3A_887 = tpu.memref_slice %arg11[%dma_wait3A_885, %dma_wait3A_886] : memref<128x64xf32, #tpu.memory_space<vmem>> -> memref<1x64xf32, #tpu.memory_space<vmem>>
              %dma_wait3A_888 = arith.constant 0 : i32
              %dma_wait3A_889 = arith.constant 0 : i32
              %dma_wait3A_890 = tpu.memref_slice %arg4[%dma_wait3A_888, %dma_wait3A_889] : memref<16384x64xf32, #tpu.memory_space<hbm>> -> memref<1x64xf32, #tpu.memory_space<hbm>>
              %dma_wait3A_891 = arith.constant 0 : i32
              %dma_wait3A_892 = arith.constant 0 : i32
              %dma_wait3A_893 = tpu.memref_slice %arg11[%dma_wait3A_891, %dma_wait3A_892] : memref<128x64xf32, #tpu.memory_space<vmem>> -> memref<1x64xf32, #tpu.memory_space<vmem>>
              %dma_wait3A_894 = arith.constant 0 : i32
              %dma_wait3A_895 = arith.constant 0 : i32
              %dma_wait3A_896 = tpu.memref_slice %arg4[%dma_wait3A_894, %dma_wait3A_895] : memref<16384x64xf32, #tpu.memory_space<hbm>> -> memref<1x64xf32, #tpu.memory_space<hbm>>
              tpu.wait_dma2 semaphore(%arg21 : memref<!tpu.dma_semaphore, #tpu.memory_space<semaphore_mem>>) src(%dma_wait3A_896 : memref<1x64xf32, #tpu.memory_space<hbm>>) dst(%dma_wait3A_893 : memref<1x64xf32, #tpu.memory_space<vmem>>)
            }
            %add3A_882 = arith.constant 128 : i32
            %add3A_883 = arith.addi %while3A_797, %add3A_882 : i32
            scf.yield %add3A_883 : i32
          } else {
            scf.yield %while3A_797 : i32
          }
          %broadcast_in_dim3A_805 = vector.broadcast %add3A_798 : i32 to vector<16xi32>
          %gather3A_806 = tpu.vector_load_idx %arg6[%broadcast_in_dim3A_805] : memref<16384xi32, #tpu.memory_space<vmem>>[vector<16xi32>], vector<16xi32>,
          %shift_right_arithmetic3A = arith.constant 14 : i32
          %shift_right_arithmetic3A_807 = vector.broadcast %shift_right_arithmetic3A : i32 to vector<16xi32>
          %shift_right_arithmetic3A_808 = arith.shrsi %gather3A_806, %shift_right_arithmetic3A_807 : vector<16xi32>
          %and3A_809 = arith.constant 127 : i32
          %and3A_810 = vector.broadcast %and3A_809 : i32 to vector<16xi32>
          %and3A_811 = arith.andi %shift_right_arithmetic3A_808, %and3A_810 : vector<16xi32>
          %sub3A_812 = arith.subi %add3A_798, %cond3A_804 : i32
          %iota3A = tpu.iota {dimensions = array<i32: 0>} : vector<16xi32>
          %add3A_813 = arith.constant 0 : i32
          %add3A_814 = vector.broadcast %add3A_813 : i32 to vector<16xi32>
          %add3A_815 = arith.addi %iota3A, %add3A_814 : vector<16xi32>
          %gather3A_816 = arith.constant 0 : i32
          %gather3A_817 = arith.constant 0 : i32
          %gather3A_818 = tpu.memref_slice %arg10[%while3A_784, %gather3A_816, %gather3A_817] : memref<9x64x128xf32, #tpu.memory_space<vmem>> -> memref<1x64x128xf32, #tpu.memory_space<vmem>>
          %gather3A_819 = tpu.memref_squeeze %gather3A_818 : memref<1x64x128xf32, #tpu.memory_space<vmem>> -> memref<64x128xf32, #tpu.memory_space<vmem>>
          %gather3A_820 = tpu.vector_load_idx %gather3A_819[%add3A_815, %and3A_811] : memref<64x128xf32, #tpu.memory_space<vmem>>[vector<16xi32>, vector<16xi32>], vector<16xf32>,
          %swap3A_821 = arith.index_cast %sub3A_812 : i32 to index
          %swap3A_822 = arith.constant 0 : index
          %swap3A_823 = tpu.vector_load %arg11[%swap3A_821, %swap3A_822] {strides = array<i32>} : memref<128x64xf32, #tpu.memory_space<vmem>>, vector<16xf32>,
          tpu.vector_store %arg11[%swap3A_821, %swap3A_822], %gather3A_820 {strides = array<i32>} : memref<128x64xf32, #tpu.memory_space<vmem>>, vector<16xf32>,
          %iota3A_824 = tpu.iota {dimensions = array<i32: 0>} : vector<16xi32>
          %add3A_825 = arith.constant 16 : i32
          %add3A_826 = vector.broadcast %add3A_825 : i32 to vector<16xi32>
          %add3A_827 = arith.addi %iota3A_824, %add3A_826 : vector<16xi32>
          %gather3A_828 = arith.constant 0 : i32
          %gather3A_829 = arith.constant 0 : i32
          %gather3A_830 = tpu.memref_slice %arg10[%while3A_784, %gather3A_828, %gather3A_829] : memref<9x64x128xf32, #tpu.memory_space<vmem>> -> memref<1x64x128xf32, #tpu.memory_space<vmem>>
          %gather3A_831 = tpu.memref_squeeze %gather3A_830 : memref<1x64x128xf32, #tpu.memory_space<vmem>> -> memref<64x128xf32, #tpu.memory_space<vmem>>
          %gather3A_832 = tpu.vector_load_idx %gather3A_831[%add3A_827, %and3A_811] : memref<64x128xf32, #tpu.memory_space<vmem>>[vector<16xi32>, vector<16xi32>], vector<16xf32>,
          %swap3A_833 = arith.index_cast %sub3A_812 : i32 to index
          %swap3A_834 = arith.constant 16 : index
          %swap3A_835 = tpu.vector_load %arg11[%swap3A_833, %swap3A_834] {strides = array<i32>} : memref<128x64xf32, #tpu.memory_space<vmem>>, vector<16xf32>,
          tpu.vector_store %arg11[%swap3A_833, %swap3A_834], %gather3A_832 {strides = array<i32>} : memref<128x64xf32, #tpu.memory_space<vmem>>, vector<16xf32>,
          %iota3A_836 = tpu.iota {dimensions = array<i32: 0>} : vector<16xi32>
          %add3A_837 = arith.constant 32 : i32
          %add3A_838 = vector.broadcast %add3A_837 : i32 to vector<16xi32>
          %add3A_839 = arith.addi %iota3A_836, %add3A_838 : vector<16xi32>
          %gather3A_840 = arith.constant 0 : i32
          %gather3A_841 = arith.constant 0 : i32
          %gather3A_842 = tpu.memref_slice %arg10[%while3A_784, %gather3A_840, %gather3A_841] : memref<9x64x128xf32, #tpu.memory_space<vmem>> -> memref<1x64x128xf32, #tpu.memory_space<vmem>>
          %gather3A_843 = tpu.memref_squeeze %gather3A_842 : memref<1x64x128xf32, #tpu.memory_space<vmem>> -> memref<64x128xf32, #tpu.memory_space<vmem>>
          %gather3A_844 = tpu.vector_load_idx %gather3A_843[%add3A_839, %and3A_811] : memref<64x128xf32, #tpu.memory_space<vmem>>[vector<16xi32>, vector<16xi32>], vector<16xf32>,
          %swap3A_845 = arith.index_cast %sub3A_812 : i32 to index
          %swap3A_846 = arith.constant 32 : index
          %swap3A_847 = tpu.vector_load %arg11[%swap3A_845, %swap3A_846] {strides = array<i32>} : memref<128x64xf32, #tpu.memory_space<vmem>>, vector<16xf32>,
          tpu.vector_store %arg11[%swap3A_845, %swap3A_846], %gather3A_844 {strides = array<i32>} : memref<128x64xf32, #tpu.memory_space<vmem>>, vector<16xf32>,
          %iota3A_848 = tpu.iota {dimensions = array<i32: 0>} : vector<16xi32>
          %add3A_849 = arith.constant 48 : i32
          %add3A_850 = vector.broadcast %add3A_849 : i32 to vector<16xi32>
          %add3A_851 = arith.addi %iota3A_848, %add3A_850 : vector<16xi32>
          %gather3A_852 = arith.constant 0 : i32
          %gather3A_853 = arith.constant 0 : i32
          %gather3A_854 = tpu.memref_slice %arg10[%while3A_784, %gather3A_852, %gather3A_853] : memref<9x64x128xf32, #tpu.memory_space<vmem>> -> memref<1x64x128xf32, #tpu.memory_space<vmem>>
          %gather3A_855 = tpu.memref_squeeze %gather3A_854 : memref<1x64x128xf32, #tpu.memory_space<vmem>> -> memref<64x128xf32, #tpu.memory_space<vmem>>
          %gather3A_856 = tpu.vector_load_idx %gather3A_855[%add3A_851, %and3A_811] : memref<64x128xf32, #tpu.memory_space<vmem>>[vector<16xi32>, vector<16xi32>], vector<16xf32>,
          %swap3A_857 = arith.index_cast %sub3A_812 : i32 to index
          %swap3A_858 = arith.constant 48 : index
          %swap3A_859 = tpu.vector_load %arg11[%swap3A_857, %swap3A_858] {strides = array<i32>} : memref<128x64xf32, #tpu.memory_space<vmem>>, vector<16xf32>,
          tpu.vector_store %arg11[%swap3A_857, %swap3A_858], %gather3A_856 {strides = array<i32>} : memref<128x64xf32, #tpu.memory_space<vmem>>, vector<16xf32>,
          scf.yield %cond3A_804 : i32
        }
        %while3A_794 = arith.constant 1 : i32
        %while3A_795 = scf.for %while3A_796 = %while3A_791 to %while3A_787 step %while3A_794 iter_args(%while3A_797 = %while3A_793) -> (i32)  : i32 {
          %add3A_798 = arith.addi %squeeze3A_783, %while3A_796 : i32
          %sub3A_799 = arith.subi %add3A_798, %while3A_797 : i32
          %ge3A = arith.constant 128 : i32
          %ge3A_800 = arith.cmpi sge, %sub3A_799, %ge3A : i32
          %convert_element_type3A_801 = arith.extui %ge3A_800 : i1 to i32
          %cond3A_802 = arith.constant 0 : i32
          %cond3A_803 = arith.cmpi ne, %convert_element_type3A_801, %cond3A_802 : i32
          %cond3A_804 = scf.if %cond3A_803 -> (i32) {
            %while3A_860 = arith.constant 0 : i32
            %while3A_861 = arith.constant 0 : i32
            %while3A_862 = arith.constant 128 : i32
            %while3A_863 = arith.subi %while3A_862, %while3A_861 : i32
            %while3A_864 = arith.addi %while3A_861, %while3A_863 : i32
            %while3A_865 = arith.constant 1 : i32
            %while3A_866 = arith.divsi %while3A_863, %while3A_865 : i32
            %while3A_867 = arith.muli %while3A_866, %while3A_865 : i32
            %while3A_868 = arith.addi %while3A_861, %while3A_867 : i32
            %while3A_869 = arith.constant 1 : i32
            scf.for %while3A_884 = %while3A_861 to %while3A_868 step %while3A_869  : i32 {
              %add3A_885 = arith.addi %while3A_797, %while3A_884 : i32
              %broadcast_in_dim3A_886 = vector.broadcast %add3A_885 : i32 to vector<16xi32>
              %gather3A_887 = tpu.vector_load_idx %arg6[%broadcast_in_dim3A_886] : memref<16384xi32, #tpu.memory_space<vmem>>[vector<16xi32>], vector<16xi32>,
              %slice3A_888 = vector.extract_strided_slice %gather3A_887 {offsets = [0], sizes = [1], strides = [1]} : vector<16xi32> to vector<1xi32>
              %squeeze3A_889 = vector.extract %slice3A_888[0] : i32 from vector<1xi32>
              %and3A_890 = arith.constant 16383 : i32
              %and3A_891 = arith.andi %squeeze3A_889, %and3A_890 : i32
              %dma_start3A = arith.constant 0 : i32
              %dma_start3A_892 = tpu.memref_slice %arg11[%while3A_884, %dma_start3A] : memref<128x64xf32, #tpu.memory_space<vmem>> -> memref<1x64xf32, #tpu.memory_space<vmem>>
              %dma_start3A_893 = arith.constant 0 : i32
              %dma_start3A_894 = tpu.memref_slice %arg4[%and3A_891, %dma_start3A_893] : memref<16384x64xf32, #tpu.memory_space<hbm>> -> memref<1x64xf32, #tpu.memory_space<hbm>>
              %dma_start3A_895 = arith.constant 0 : i32
              %dma_start3A_896 = tpu.memref_slice %arg4[%and3A_891, %dma_start3A_895] : memref<16384x64xf32, #tpu.memory_space<hbm>> -> memref<1x64xf32, #tpu.memory_space<hbm>>
              %dma_start3A_897 = arith.constant 0 : i32
              %dma_start3A_898 = tpu.memref_slice %arg11[%while3A_884, %dma_start3A_897] : memref<128x64xf32, #tpu.memory_space<vmem>> -> memref<1x64xf32, #tpu.memory_space<vmem>>
              tpu.enqueue_dma source(%dma_start3A_898 : memref<1x64xf32, #tpu.memory_space<vmem>>) target(%dma_start3A_896 : memref<1x64xf32, #tpu.memory_space<hbm>>) target_semaphore(%arg21 : memref<!tpu.dma_semaphore, #tpu.memory_space<semaphore_mem>>)
            }
            %while3A_870 = arith.constant 1 : i32
            scf.for %while3A_884 = %while3A_868 to %while3A_864 step %while3A_870  : i32 {
              %add3A_885 = arith.addi %while3A_797, %while3A_884 : i32
              %broadcast_in_dim3A_886 = vector.broadcast %add3A_885 : i32 to vector<16xi32>
              %gather3A_887 = tpu.vector_load_idx %arg6[%broadcast_in_dim3A_886] : memref<16384xi32, #tpu.memory_space<vmem>>[vector<16xi32>], vector<16xi32>,
              %slice3A_888 = vector.extract_strided_slice %gather3A_887 {offsets = [0], sizes = [1], strides = [1]} : vector<16xi32> to vector<1xi32>
              %squeeze3A_889 = vector.extract %slice3A_888[0] : i32 from vector<1xi32>
              %and3A_890 = arith.constant 16383 : i32
              %and3A_891 = arith.andi %squeeze3A_889, %and3A_890 : i32
              %dma_start3A = arith.constant 0 : i32
              %dma_start3A_892 = tpu.memref_slice %arg11[%while3A_884, %dma_start3A] : memref<128x64xf32, #tpu.memory_space<vmem>> -> memref<1x64xf32, #tpu.memory_space<vmem>>
              %dma_start3A_893 = arith.constant 0 : i32
              %dma_start3A_894 = tpu.memref_slice %arg4[%and3A_891, %dma_start3A_893] : memref<16384x64xf32, #tpu.memory_space<hbm>> -> memref<1x64xf32, #tpu.memory_space<hbm>>
              %dma_start3A_895 = arith.constant 0 : i32
              %dma_start3A_896 = tpu.memref_slice %arg4[%and3A_891, %dma_start3A_895] : memref<16384x64xf32, #tpu.memory_space<hbm>> -> memref<1x64xf32, #tpu.memory_space<hbm>>
              %dma_start3A_897 = arith.constant 0 : i32
              %dma_start3A_898 = tpu.memref_slice %arg11[%while3A_884, %dma_start3A_897] : memref<128x64xf32, #tpu.memory_space<vmem>> -> memref<1x64xf32, #tpu.memory_space<vmem>>
              tpu.enqueue_dma source(%dma_start3A_898 : memref<1x64xf32, #tpu.memory_space<vmem>>) target(%dma_start3A_896 : memref<1x64xf32, #tpu.memory_space<hbm>>) target_semaphore(%arg21 : memref<!tpu.dma_semaphore, #tpu.memory_space<semaphore_mem>>)
            }
            %while3A_871 = arith.constant 0 : i32
            %while3A_872 = arith.constant 0 : i32
            %while3A_873 = arith.constant 128 : i32
            %while3A_874 = arith.subi %while3A_873, %while3A_872 : i32
            %while3A_875 = arith.addi %while3A_872, %while3A_874 : i32
            %while3A_876 = arith.constant 1 : i32
            %while3A_877 = arith.divsi %while3A_874, %while3A_876 : i32
            %while3A_878 = arith.muli %while3A_877, %while3A_876 : i32
            %while3A_879 = arith.addi %while3A_872, %while3A_878 : i32
            %while3A_880 = arith.constant 1 : i32
            scf.for %while3A_884 = %while3A_872 to %while3A_879 step %while3A_880  : i32 {
              %dma_wait3A_885 = arith.constant 0 : i32
              %dma_wait3A_886 = arith.constant 0 : i32
              %dma_wait3A_887 = tpu.memref_slice %arg11[%dma_wait3A_885, %dma_wait3A_886] : memref<128x64xf32, #tpu.memory_space<vmem>> -> memref<1x64xf32, #tpu.memory_space<vmem>>
              %dma_wait3A_888 = arith.constant 0 : i32
              %dma_wait3A_889 = arith.constant 0 : i32
              %dma_wait3A_890 = tpu.memref_slice %arg4[%dma_wait3A_888, %dma_wait3A_889] : memref<16384x64xf32, #tpu.memory_space<hbm>> -> memref<1x64xf32, #tpu.memory_space<hbm>>
              %dma_wait3A_891 = arith.constant 0 : i32
              %dma_wait3A_892 = arith.constant 0 : i32
              %dma_wait3A_893 = tpu.memref_slice %arg11[%dma_wait3A_891, %dma_wait3A_892] : memref<128x64xf32, #tpu.memory_space<vmem>> -> memref<1x64xf32, #tpu.memory_space<vmem>>
              %dma_wait3A_894 = arith.constant 0 : i32
              %dma_wait3A_895 = arith.constant 0 : i32
              %dma_wait3A_896 = tpu.memref_slice %arg4[%dma_wait3A_894, %dma_wait3A_895] : memref<16384x64xf32, #tpu.memory_space<hbm>> -> memref<1x64xf32, #tpu.memory_space<hbm>>
              tpu.wait_dma2 semaphore(%arg21 : memref<!tpu.dma_semaphore, #tpu.memory_space<semaphore_mem>>) src(%dma_wait3A_896 : memref<1x64xf32, #tpu.memory_space<hbm>>) dst(%dma_wait3A_893 : memref<1x64xf32, #tpu.memory_space<vmem>>)
            }
            %while3A_881 = arith.constant 1 : i32
            scf.for %while3A_884 = %while3A_879 to %while3A_875 step %while3A_881  : i32 {
              %dma_wait3A_885 = arith.constant 0 : i32
              %dma_wait3A_886 = arith.constant 0 : i32
              %dma_wait3A_887 = tpu.memref_slice %arg11[%dma_wait3A_885, %dma_wait3A_886] : memref<128x64xf32, #tpu.memory_space<vmem>> -> memref<1x64xf32, #tpu.memory_space<vmem>>
              %dma_wait3A_888 = arith.constant 0 : i32
              %dma_wait3A_889 = arith.constant 0 : i32
              %dma_wait3A_890 = tpu.memref_slice %arg4[%dma_wait3A_888, %dma_wait3A_889] : memref<16384x64xf32, #tpu.memory_space<hbm>> -> memref<1x64xf32, #tpu.memory_space<hbm>>
              %dma_wait3A_891 = arith.constant 0 : i32
              %dma_wait3A_892 = arith.constant 0 : i32
              %dma_wait3A_893 = tpu.memref_slice %arg11[%dma_wait3A_891, %dma_wait3A_892] : memref<128x64xf32, #tpu.memory_space<vmem>> -> memref<1x64xf32, #tpu.memory_space<vmem>>
              %dma_wait3A_894 = arith.constant 0 : i32
              %dma_wait3A_895 = arith.constant 0 : i32
              %dma_wait3A_896 = tpu.memref_slice %arg4[%dma_wait3A_894, %dma_wait3A_895] : memref<16384x64xf32, #tpu.memory_space<hbm>> -> memref<1x64xf32, #tpu.memory_space<hbm>>
              tpu.wait_dma2 semaphore(%arg21 : memref<!tpu.dma_semaphore, #tpu.memory_space<semaphore_mem>>) src(%dma_wait3A_896 : memref<1x64xf32, #tpu.memory_space<hbm>>) dst(%dma_wait3A_893 : memref<1x64xf32, #tpu.memory_space<vmem>>)
            }
            %add3A_882 = arith.constant 128 : i32
            %add3A_883 = arith.addi %while3A_797, %add3A_882 : i32
            scf.yield %add3A_883 : i32
          } else {
            scf.yield %while3A_797 : i32
          }
          %broadcast_in_dim3A_805 = vector.broadcast %add3A_798 : i32 to vector<16xi32>
          %gather3A_806 = tpu.vector_load_idx %arg6[%broadcast_in_dim3A_805] : memref<16384xi32, #tpu.memory_space<vmem>>[vector<16xi32>], vector<16xi32>,
          %shift_right_arithmetic3A = arith.constant 14 : i32
          %shift_right_arithmetic3A_807 = vector.broadcast %shift_right_arithmetic3A : i32 to vector<16xi32>
          %shift_right_arithmetic3A_808 = arith.shrsi %gather3A_806, %shift_right_arithmetic3A_807 : vector<16xi32>
          %and3A_809 = arith.constant 127 : i32
          %and3A_810 = vector.broadcast %and3A_809 : i32 to vector<16xi32>
          %and3A_811 = arith.andi %shift_right_arithmetic3A_808, %and3A_810 : vector<16xi32>
          %sub3A_812 = arith.subi %add3A_798, %cond3A_804 : i32
          %iota3A = tpu.iota {dimensions = array<i32: 0>} : vector<16xi32>
          %add3A_813 = arith.constant 0 : i32
          %add3A_814 = vector.broadcast %add3A_813 : i32 to vector<16xi32>
          %add3A_815 = arith.addi %iota3A, %add3A_814 : vector<16xi32>
          %gather3A_816 = arith.constant 0 : i32
          %gather3A_817 = arith.constant 0 : i32
          %gather3A_818 = tpu.memref_slice %arg10[%while3A_784, %gather3A_816, %gather3A_817] : memref<9x64x128xf32, #tpu.memory_space<vmem>> -> memref<1x64x128xf32, #tpu.memory_space<vmem>>
          %gather3A_819 = tpu.memref_squeeze %gather3A_818 : memref<1x64x128xf32, #tpu.memory_space<vmem>> -> memref<64x128xf32, #tpu.memory_space<vmem>>
          %gather3A_820 = tpu.vector_load_idx %gather3A_819[%add3A_815, %and3A_811] : memref<64x128xf32, #tpu.memory_space<vmem>>[vector<16xi32>, vector<16xi32>], vector<16xf32>,
          %swap3A_821 = arith.index_cast %sub3A_812 : i32 to index
          %swap3A_822 = arith.constant 0 : index
          %swap3A_823 = tpu.vector_load %arg11[%swap3A_821, %swap3A_822] {strides = array<i32>} : memref<128x64xf32, #tpu.memory_space<vmem>>, vector<16xf32>,
          tpu.vector_store %arg11[%swap3A_821, %swap3A_822], %gather3A_820 {strides = array<i32>} : memref<128x64xf32, #tpu.memory_space<vmem>>, vector<16xf32>,
          %iota3A_824 = tpu.iota {dimensions = array<i32: 0>} : vector<16xi32>
          %add3A_825 = arith.constant 16 : i32
          %add3A_826 = vector.broadcast %add3A_825 : i32 to vector<16xi32>
          %add3A_827 = arith.addi %iota3A_824, %add3A_826 : vector<16xi32>
          %gather3A_828 = arith.constant 0 : i32
          %gather3A_829 = arith.constant 0 : i32
          %gather3A_830 = tpu.memref_slice %arg10[%while3A_784, %gather3A_828, %gather3A_829] : memref<9x64x128xf32, #tpu.memory_space<vmem>> -> memref<1x64x128xf32, #tpu.memory_space<vmem>>
          %gather3A_831 = tpu.memref_squeeze %gather3A_830 : memref<1x64x128xf32, #tpu.memory_space<vmem>> -> memref<64x128xf32, #tpu.memory_space<vmem>>
          %gather3A_832 = tpu.vector_load_idx %gather3A_831[%add3A_827, %and3A_811] : memref<64x128xf32, #tpu.memory_space<vmem>>[vector<16xi32>, vector<16xi32>], vector<16xf32>,
          %swap3A_833 = arith.index_cast %sub3A_812 : i32 to index
          %swap3A_834 = arith.constant 16 : index
          %swap3A_835 = tpu.vector_load %arg11[%swap3A_833, %swap3A_834] {strides = array<i32>} : memref<128x64xf32, #tpu.memory_space<vmem>>, vector<16xf32>,
          tpu.vector_store %arg11[%swap3A_833, %swap3A_834], %gather3A_832 {strides = array<i32>} : memref<128x64xf32, #tpu.memory_space<vmem>>, vector<16xf32>,
          %iota3A_836 = tpu.iota {dimensions = array<i32: 0>} : vector<16xi32>
          %add3A_837 = arith.constant 32 : i32
          %add3A_838 = vector.broadcast %add3A_837 : i32 to vector<16xi32>
          %add3A_839 = arith.addi %iota3A_836, %add3A_838 : vector<16xi32>
          %gather3A_840 = arith.constant 0 : i32
          %gather3A_841 = arith.constant 0 : i32
          %gather3A_842 = tpu.memref_slice %arg10[%while3A_784, %gather3A_840, %gather3A_841] : memref<9x64x128xf32, #tpu.memory_space<vmem>> -> memref<1x64x128xf32, #tpu.memory_space<vmem>>
          %gather3A_843 = tpu.memref_squeeze %gather3A_842 : memref<1x64x128xf32, #tpu.memory_space<vmem>> -> memref<64x128xf32, #tpu.memory_space<vmem>>
          %gather3A_844 = tpu.vector_load_idx %gather3A_843[%add3A_839, %and3A_811] : memref<64x128xf32, #tpu.memory_space<vmem>>[vector<16xi32>, vector<16xi32>], vector<16xf32>,
          %swap3A_845 = arith.index_cast %sub3A_812 : i32 to index
          %swap3A_846 = arith.constant 32 : index
          %swap3A_847 = tpu.vector_load %arg11[%swap3A_845, %swap3A_846] {strides = array<i32>} : memref<128x64xf32, #tpu.memory_space<vmem>>, vector<16xf32>,
          tpu.vector_store %arg11[%swap3A_845, %swap3A_846], %gather3A_844 {strides = array<i32>} : memref<128x64xf32, #tpu.memory_space<vmem>>, vector<16xf32>,
          %iota3A_848 = tpu.iota {dimensions = array<i32: 0>} : vector<16xi32>
          %add3A_849 = arith.constant 48 : i32
          %add3A_850 = vector.broadcast %add3A_849 : i32 to vector<16xi32>
          %add3A_851 = arith.addi %iota3A_848, %add3A_850 : vector<16xi32>
          %gather3A_852 = arith.constant 0 : i32
          %gather3A_853 = arith.constant 0 : i32
          %gather3A_854 = tpu.memref_slice %arg10[%while3A_784, %gather3A_852, %gather3A_853] : memref<9x64x128xf32, #tpu.memory_space<vmem>> -> memref<1x64x128xf32, #tpu.memory_space<vmem>>
          %gather3A_855 = tpu.memref_squeeze %gather3A_854 : memref<1x64x128xf32, #tpu.memory_space<vmem>> -> memref<64x128xf32, #tpu.memory_space<vmem>>
          %gather3A_856 = tpu.vector_load_idx %gather3A_855[%add3A_851, %and3A_811] : memref<64x128xf32, #tpu.memory_space<vmem>>[vector<16xi32>, vector<16xi32>], vector<16xf32>,
          %swap3A_857 = arith.index_cast %sub3A_812 : i32 to index
          %swap3A_858 = arith.constant 48 : index
          %swap3A_859 = tpu.vector_load %arg11[%swap3A_857, %swap3A_858] {strides = array<i32>} : memref<128x64xf32, #tpu.memory_space<vmem>>, vector<16xf32>,
          tpu.vector_store %arg11[%swap3A_857, %swap3A_858], %gather3A_856 {strides = array<i32>} : memref<128x64xf32, #tpu.memory_space<vmem>>, vector<16xf32>,
          scf.yield %cond3A_804 : i32
        }
        scf.yield %while3A_795 : i32
      } else {
        scf.yield %cond3A_585 : i32
      }
      %mul3A_619 = arith.constant 9 : i32
      %mul3A_620 = arith.muli %scan3A_467, %mul3A_619 : i32
      %add3A_621 = arith.constant 4 : i32
      %add3A_622 = arith.addi %mul3A_620, %add3A_621 : i32
      %broadcast_in_dim3A_623 = vector.broadcast %add3A_622 : i32 to vector<16xi32>
      %gather3A_624 = tpu.vector_load_idx %arg7[%broadcast_in_dim3A_623] : memref<256xi32, #tpu.memory_space<vmem>>[vector<16xi32>], vector<16xi32>,
      %slice3A_625 = vector.extract_strided_slice %gather3A_624 {offsets = [0], sizes = [1], strides = [1]} : vector<16xi32> to vector<1xi32>
      %squeeze3A_626 = vector.extract %slice3A_625[0] : i32 from vector<1xi32>
      %lt3A_627 = arith.cmpi slt, %add3A_622, %min3A_6 : i32
      %gt3A_628 = arith.constant 0 : i32
      %gt3A_629 = arith.cmpi sgt, %squeeze3A_626, %gt3A_628 : i32
      %and3A_630 = arith.andi %lt3A_627, %gt3A_629 : i1
      %convert_element_type3A_631 = arith.extui %and3A_630 : i1 to i32
      %cond3A_632 = arith.constant 0 : i32
      %cond3A_633 = arith.cmpi ne, %convert_element_type3A_631, %cond3A_632 : i32
      scf.if %cond3A_633 {
        %add3A_766 = arith.addi %add3A_4, %add3A_622 : i32
        %mul3A_767 = arith.constant 128 : i32
        %mul3A_768 = arith.muli %add3A_766, %mul3A_767 : i32
        %multiple_of3A = tpu.assume_multiple %mul3A_768, 128 : i32
        %dma_start3A = arith.constant 4 : i32
        %dma_start3A_769 = arith.constant 0 : i32
        %dma_start3A_770 = arith.constant 0 : i32
        %dma_start3A_771 = tpu.memref_slice %arg10[%dma_start3A, %dma_start3A_769, %dma_start3A_770] : memref<9x64x128xf32, #tpu.memory_space<vmem>> -> memref<1x64x128xf32, #tpu.memory_space<vmem>>
        %dma_start3A_772 = tpu.memref_squeeze %dma_start3A_771 : memref<1x64x128xf32, #tpu.memory_space<vmem>> -> memref<64x128xf32, #tpu.memory_space<vmem>>
        %dma_start3A_773 = arith.constant 0 : i32
        %dma_start3A_774 = tpu.memref_slice %arg2[%dma_start3A_773, %multiple_of3A] : memref<64x1077001xf32, #tpu.memory_space<hbm>> -> memref<64x128xf32, #tpu.memory_space<hbm>>
        %dma_start3A_775 = arith.constant 0 : i32
        %dma_start3A_776 = arith.constant 0 : i32
        %dma_start3A_777 = tpu.memref_slice %arg10[%dma_start3A, %dma_start3A_775, %dma_start3A_776] : memref<9x64x128xf32, #tpu.memory_space<vmem>> -> memref<1x64x128xf32, #tpu.memory_space<vmem>>
        %dma_start3A_778 = tpu.memref_squeeze %dma_start3A_777 : memref<1x64x128xf32, #tpu.memory_space<vmem>> -> memref<64x128xf32, #tpu.memory_space<vmem>>
        %dma_start3A_779 = arith.constant 0 : i32
        %dma_start3A_780 = tpu.memref_slice %arg2[%dma_start3A_779, %multiple_of3A] : memref<64x1077001xf32, #tpu.memory_space<hbm>> -> memref<64x128xf32, #tpu.memory_space<hbm>>
        tpu.enqueue_dma source(%dma_start3A_780 : memref<64x128xf32, #tpu.memory_space<hbm>>) target(%dma_start3A_778 : memref<64x128xf32, #tpu.memory_space<vmem>>) target_semaphore(%arg16 : memref<!tpu.dma_semaphore, #tpu.memory_space<semaphore_mem>>)
      } else {
      }
      %sub3A_634 = arith.constant 1 : i32
      %sub3A_635 = arith.subi %scan3A_467, %sub3A_634 : i32
      %mul3A_636 = arith.constant 9 : i32
      %mul3A_637 = arith.muli %sub3A_635, %mul3A_636 : i32
      %add3A_638 = arith.constant 5 : i32
      %add3A_639 = arith.addi %mul3A_637, %add3A_638 : i32
      %broadcast_in_dim3A_640 = vector.broadcast %add3A_639 : i32 to vector<16xi32>
      %gather3A_641 = tpu.vector_load_idx %arg7[%broadcast_in_dim3A_640] : memref<256xi32, #tpu.memory_space<vmem>>[vector<16xi32>], vector<16xi32>,
      %slice3A_642 = vector.extract_strided_slice %gather3A_641 {offsets = [0], sizes = [1], strides = [1]} : vector<16xi32> to vector<1xi32>
      %squeeze3A_643 = vector.extract %slice3A_642[0] : i32 from vector<1xi32>
      %lt3A_644 = arith.cmpi slt, %add3A_639, %min3A_6 : i32
      %gt3A_645 = arith.constant 0 : i32
      %gt3A_646 = arith.cmpi sgt, %squeeze3A_643, %gt3A_645 : i32
      %and3A_647 = arith.andi %lt3A_644, %gt3A_646 : i1
      %convert_element_type3A_648 = arith.extui %and3A_647 : i1 to i32
      %cond3A_649 = arith.constant 0 : i32
      %cond3A_650 = arith.cmpi ne, %convert_element_type3A_648, %cond3A_649 : i32
      %cond3A_651 = scf.if %cond3A_650 -> (i32) {
        %dma_wait3A = arith.constant 5 : i32
        %dma_wait3A_766 = arith.constant 0 : i32
        %dma_wait3A_767 = arith.constant 0 : i32
        %dma_wait3A_768 = tpu.memref_slice %arg10[%dma_wait3A, %dma_wait3A_766, %dma_wait3A_767] : memref<9x64x128xf32, #tpu.memory_space<vmem>> -> memref<1x64x128xf32, #tpu.memory_space<vmem>>
        %dma_wait3A_769 = tpu.memref_squeeze %dma_wait3A_768 : memref<1x64x128xf32, #tpu.memory_space<vmem>> -> memref<64x128xf32, #tpu.memory_space<vmem>>
        %dma_wait3A_770 = arith.constant 0 : i32
        %dma_wait3A_771 = arith.constant 0 : i32
        %dma_wait3A_772 = tpu.memref_slice %arg2[%dma_wait3A_770, %dma_wait3A_771] : memref<64x1077001xf32, #tpu.memory_space<hbm>> -> memref<64x128xf32, #tpu.memory_space<hbm>>
        %dma_wait3A_773 = arith.constant 0 : i32
        %dma_wait3A_774 = arith.constant 0 : i32
        %dma_wait3A_775 = tpu.memref_slice %arg10[%dma_wait3A, %dma_wait3A_773, %dma_wait3A_774] : memref<9x64x128xf32, #tpu.memory_space<vmem>> -> memref<1x64x128xf32, #tpu.memory_space<vmem>>
        %dma_wait3A_776 = tpu.memref_squeeze %dma_wait3A_775 : memref<1x64x128xf32, #tpu.memory_space<vmem>> -> memref<64x128xf32, #tpu.memory_space<vmem>>
        %dma_wait3A_777 = arith.constant 0 : i32
        %dma_wait3A_778 = arith.constant 0 : i32
        %dma_wait3A_779 = tpu.memref_slice %arg2[%dma_wait3A_777, %dma_wait3A_778] : memref<64x1077001xf32, #tpu.memory_space<hbm>> -> memref<64x128xf32, #tpu.memory_space<hbm>>
        tpu.wait_dma2 semaphore(%arg17 : memref<!tpu.dma_semaphore, #tpu.memory_space<semaphore_mem>>) src(%dma_wait3A_779 : memref<64x128xf32, #tpu.memory_space<hbm>>) dst(%dma_wait3A_776 : memref<64x128xf32, #tpu.memory_space<vmem>>)
        %broadcast_in_dim3A_780 = vector.broadcast %add3A_639 : i32 to vector<16xi32>
        %gather3A_781 = tpu.vector_load_idx %arg8[%broadcast_in_dim3A_780] : memref<256xi32, #tpu.memory_space<vmem>>[vector<16xi32>], vector<16xi32>,
        %slice3A_782 = vector.extract_strided_slice %gather3A_781 {offsets = [0], sizes = [1], strides = [1]} : vector<16xi32> to vector<1xi32>
        %squeeze3A_783 = vector.extract %slice3A_782[0] : i32 from vector<1xi32>
        %while3A_784 = arith.constant 5 : i32
        %while3A_785 = arith.constant 0 : i32
        %while3A_786 = arith.subi %squeeze3A_643, %while3A_785 : i32
        %while3A_787 = arith.addi %while3A_785, %while3A_786 : i32
        %while3A_788 = arith.constant 1 : i32
        %while3A_789 = arith.divsi %while3A_786, %while3A_788 : i32
        %while3A_790 = arith.muli %while3A_789, %while3A_788 : i32
        %while3A_791 = arith.addi %while3A_785, %while3A_790 : i32
        %while3A_792 = arith.constant 1 : i32
        %while3A_793 = scf.for %while3A_796 = %while3A_785 to %while3A_791 step %while3A_792 iter_args(%while3A_797 = %cond3A_618) -> (i32)  : i32 {
          %add3A_798 = arith.addi %squeeze3A_783, %while3A_796 : i32
          %sub3A_799 = arith.subi %add3A_798, %while3A_797 : i32
          %ge3A = arith.constant 128 : i32
          %ge3A_800 = arith.cmpi sge, %sub3A_799, %ge3A : i32
          %convert_element_type3A_801 = arith.extui %ge3A_800 : i1 to i32
          %cond3A_802 = arith.constant 0 : i32
          %cond3A_803 = arith.cmpi ne, %convert_element_type3A_801, %cond3A_802 : i32
          %cond3A_804 = scf.if %cond3A_803 -> (i32) {
            %while3A_860 = arith.constant 0 : i32
            %while3A_861 = arith.constant 0 : i32
            %while3A_862 = arith.constant 128 : i32
            %while3A_863 = arith.subi %while3A_862, %while3A_861 : i32
            %while3A_864 = arith.addi %while3A_861, %while3A_863 : i32
            %while3A_865 = arith.constant 1 : i32
            %while3A_866 = arith.divsi %while3A_863, %while3A_865 : i32
            %while3A_867 = arith.muli %while3A_866, %while3A_865 : i32
            %while3A_868 = arith.addi %while3A_861, %while3A_867 : i32
            %while3A_869 = arith.constant 1 : i32
            scf.for %while3A_884 = %while3A_861 to %while3A_868 step %while3A_869  : i32 {
              %add3A_885 = arith.addi %while3A_797, %while3A_884 : i32
              %broadcast_in_dim3A_886 = vector.broadcast %add3A_885 : i32 to vector<16xi32>
              %gather3A_887 = tpu.vector_load_idx %arg6[%broadcast_in_dim3A_886] : memref<16384xi32, #tpu.memory_space<vmem>>[vector<16xi32>], vector<16xi32>,
              %slice3A_888 = vector.extract_strided_slice %gather3A_887 {offsets = [0], sizes = [1], strides = [1]} : vector<16xi32> to vector<1xi32>
              %squeeze3A_889 = vector.extract %slice3A_888[0] : i32 from vector<1xi32>
              %and3A_890 = arith.constant 16383 : i32
              %and3A_891 = arith.andi %squeeze3A_889, %and3A_890 : i32
              %dma_start3A = arith.constant 0 : i32
              %dma_start3A_892 = tpu.memref_slice %arg11[%while3A_884, %dma_start3A] : memref<128x64xf32, #tpu.memory_space<vmem>> -> memref<1x64xf32, #tpu.memory_space<vmem>>
              %dma_start3A_893 = arith.constant 0 : i32
              %dma_start3A_894 = tpu.memref_slice %arg4[%and3A_891, %dma_start3A_893] : memref<16384x64xf32, #tpu.memory_space<hbm>> -> memref<1x64xf32, #tpu.memory_space<hbm>>
              %dma_start3A_895 = arith.constant 0 : i32
              %dma_start3A_896 = tpu.memref_slice %arg4[%and3A_891, %dma_start3A_895] : memref<16384x64xf32, #tpu.memory_space<hbm>> -> memref<1x64xf32, #tpu.memory_space<hbm>>
              %dma_start3A_897 = arith.constant 0 : i32
              %dma_start3A_898 = tpu.memref_slice %arg11[%while3A_884, %dma_start3A_897] : memref<128x64xf32, #tpu.memory_space<vmem>> -> memref<1x64xf32, #tpu.memory_space<vmem>>
              tpu.enqueue_dma source(%dma_start3A_898 : memref<1x64xf32, #tpu.memory_space<vmem>>) target(%dma_start3A_896 : memref<1x64xf32, #tpu.memory_space<hbm>>) target_semaphore(%arg21 : memref<!tpu.dma_semaphore, #tpu.memory_space<semaphore_mem>>)
            }
            %while3A_870 = arith.constant 1 : i32
            scf.for %while3A_884 = %while3A_868 to %while3A_864 step %while3A_870  : i32 {
              %add3A_885 = arith.addi %while3A_797, %while3A_884 : i32
              %broadcast_in_dim3A_886 = vector.broadcast %add3A_885 : i32 to vector<16xi32>
              %gather3A_887 = tpu.vector_load_idx %arg6[%broadcast_in_dim3A_886] : memref<16384xi32, #tpu.memory_space<vmem>>[vector<16xi32>], vector<16xi32>,
              %slice3A_888 = vector.extract_strided_slice %gather3A_887 {offsets = [0], sizes = [1], strides = [1]} : vector<16xi32> to vector<1xi32>
              %squeeze3A_889 = vector.extract %slice3A_888[0] : i32 from vector<1xi32>
              %and3A_890 = arith.constant 16383 : i32
              %and3A_891 = arith.andi %squeeze3A_889, %and3A_890 : i32
              %dma_start3A = arith.constant 0 : i32
              %dma_start3A_892 = tpu.memref_slice %arg11[%while3A_884, %dma_start3A] : memref<128x64xf32, #tpu.memory_space<vmem>> -> memref<1x64xf32, #tpu.memory_space<vmem>>
              %dma_start3A_893 = arith.constant 0 : i32
              %dma_start3A_894 = tpu.memref_slice %arg4[%and3A_891, %dma_start3A_893] : memref<16384x64xf32, #tpu.memory_space<hbm>> -> memref<1x64xf32, #tpu.memory_space<hbm>>
              %dma_start3A_895 = arith.constant 0 : i32
              %dma_start3A_896 = tpu.memref_slice %arg4[%and3A_891, %dma_start3A_895] : memref<16384x64xf32, #tpu.memory_space<hbm>> -> memref<1x64xf32, #tpu.memory_space<hbm>>
              %dma_start3A_897 = arith.constant 0 : i32
              %dma_start3A_898 = tpu.memref_slice %arg11[%while3A_884, %dma_start3A_897] : memref<128x64xf32, #tpu.memory_space<vmem>> -> memref<1x64xf32, #tpu.memory_space<vmem>>
              tpu.enqueue_dma source(%dma_start3A_898 : memref<1x64xf32, #tpu.memory_space<vmem>>) target(%dma_start3A_896 : memref<1x64xf32, #tpu.memory_space<hbm>>) target_semaphore(%arg21 : memref<!tpu.dma_semaphore, #tpu.memory_space<semaphore_mem>>)
            }
            %while3A_871 = arith.constant 0 : i32
            %while3A_872 = arith.constant 0 : i32
            %while3A_873 = arith.constant 128 : i32
            %while3A_874 = arith.subi %while3A_873, %while3A_872 : i32
            %while3A_875 = arith.addi %while3A_872, %while3A_874 : i32
            %while3A_876 = arith.constant 1 : i32
            %while3A_877 = arith.divsi %while3A_874, %while3A_876 : i32
            %while3A_878 = arith.muli %while3A_877, %while3A_876 : i32
            %while3A_879 = arith.addi %while3A_872, %while3A_878 : i32
            %while3A_880 = arith.constant 1 : i32
            scf.for %while3A_884 = %while3A_872 to %while3A_879 step %while3A_880  : i32 {
              %dma_wait3A_885 = arith.constant 0 : i32
              %dma_wait3A_886 = arith.constant 0 : i32
              %dma_wait3A_887 = tpu.memref_slice %arg11[%dma_wait3A_885, %dma_wait3A_886] : memref<128x64xf32, #tpu.memory_space<vmem>> -> memref<1x64xf32, #tpu.memory_space<vmem>>
              %dma_wait3A_888 = arith.constant 0 : i32
              %dma_wait3A_889 = arith.constant 0 : i32
              %dma_wait3A_890 = tpu.memref_slice %arg4[%dma_wait3A_888, %dma_wait3A_889] : memref<16384x64xf32, #tpu.memory_space<hbm>> -> memref<1x64xf32, #tpu.memory_space<hbm>>
              %dma_wait3A_891 = arith.constant 0 : i32
              %dma_wait3A_892 = arith.constant 0 : i32
              %dma_wait3A_893 = tpu.memref_slice %arg11[%dma_wait3A_891, %dma_wait3A_892] : memref<128x64xf32, #tpu.memory_space<vmem>> -> memref<1x64xf32, #tpu.memory_space<vmem>>
              %dma_wait3A_894 = arith.constant 0 : i32
              %dma_wait3A_895 = arith.constant 0 : i32
              %dma_wait3A_896 = tpu.memref_slice %arg4[%dma_wait3A_894, %dma_wait3A_895] : memref<16384x64xf32, #tpu.memory_space<hbm>> -> memref<1x64xf32, #tpu.memory_space<hbm>>
              tpu.wait_dma2 semaphore(%arg21 : memref<!tpu.dma_semaphore, #tpu.memory_space<semaphore_mem>>) src(%dma_wait3A_896 : memref<1x64xf32, #tpu.memory_space<hbm>>) dst(%dma_wait3A_893 : memref<1x64xf32, #tpu.memory_space<vmem>>)
            }
            %while3A_881 = arith.constant 1 : i32
            scf.for %while3A_884 = %while3A_879 to %while3A_875 step %while3A_881  : i32 {
              %dma_wait3A_885 = arith.constant 0 : i32
              %dma_wait3A_886 = arith.constant 0 : i32
              %dma_wait3A_887 = tpu.memref_slice %arg11[%dma_wait3A_885, %dma_wait3A_886] : memref<128x64xf32, #tpu.memory_space<vmem>> -> memref<1x64xf32, #tpu.memory_space<vmem>>
              %dma_wait3A_888 = arith.constant 0 : i32
              %dma_wait3A_889 = arith.constant 0 : i32
              %dma_wait3A_890 = tpu.memref_slice %arg4[%dma_wait3A_888, %dma_wait3A_889] : memref<16384x64xf32, #tpu.memory_space<hbm>> -> memref<1x64xf32, #tpu.memory_space<hbm>>
              %dma_wait3A_891 = arith.constant 0 : i32
              %dma_wait3A_892 = arith.constant 0 : i32
              %dma_wait3A_893 = tpu.memref_slice %arg11[%dma_wait3A_891, %dma_wait3A_892] : memref<128x64xf32, #tpu.memory_space<vmem>> -> memref<1x64xf32, #tpu.memory_space<vmem>>
              %dma_wait3A_894 = arith.constant 0 : i32
              %dma_wait3A_895 = arith.constant 0 : i32
              %dma_wait3A_896 = tpu.memref_slice %arg4[%dma_wait3A_894, %dma_wait3A_895] : memref<16384x64xf32, #tpu.memory_space<hbm>> -> memref<1x64xf32, #tpu.memory_space<hbm>>
              tpu.wait_dma2 semaphore(%arg21 : memref<!tpu.dma_semaphore, #tpu.memory_space<semaphore_mem>>) src(%dma_wait3A_896 : memref<1x64xf32, #tpu.memory_space<hbm>>) dst(%dma_wait3A_893 : memref<1x64xf32, #tpu.memory_space<vmem>>)
            }
            %add3A_882 = arith.constant 128 : i32
            %add3A_883 = arith.addi %while3A_797, %add3A_882 : i32
            scf.yield %add3A_883 : i32
          } else {
            scf.yield %while3A_797 : i32
          }
          %broadcast_in_dim3A_805 = vector.broadcast %add3A_798 : i32 to vector<16xi32>
          %gather3A_806 = tpu.vector_load_idx %arg6[%broadcast_in_dim3A_805] : memref<16384xi32, #tpu.memory_space<vmem>>[vector<16xi32>], vector<16xi32>,
          %shift_right_arithmetic3A = arith.constant 14 : i32
          %shift_right_arithmetic3A_807 = vector.broadcast %shift_right_arithmetic3A : i32 to vector<16xi32>
          %shift_right_arithmetic3A_808 = arith.shrsi %gather3A_806, %shift_right_arithmetic3A_807 : vector<16xi32>
          %and3A_809 = arith.constant 127 : i32
          %and3A_810 = vector.broadcast %and3A_809 : i32 to vector<16xi32>
          %and3A_811 = arith.andi %shift_right_arithmetic3A_808, %and3A_810 : vector<16xi32>
          %sub3A_812 = arith.subi %add3A_798, %cond3A_804 : i32
          %iota3A = tpu.iota {dimensions = array<i32: 0>} : vector<16xi32>
          %add3A_813 = arith.constant 0 : i32
          %add3A_814 = vector.broadcast %add3A_813 : i32 to vector<16xi32>
          %add3A_815 = arith.addi %iota3A, %add3A_814 : vector<16xi32>
          %gather3A_816 = arith.constant 0 : i32
          %gather3A_817 = arith.constant 0 : i32
          %gather3A_818 = tpu.memref_slice %arg10[%while3A_784, %gather3A_816, %gather3A_817] : memref<9x64x128xf32, #tpu.memory_space<vmem>> -> memref<1x64x128xf32, #tpu.memory_space<vmem>>
          %gather3A_819 = tpu.memref_squeeze %gather3A_818 : memref<1x64x128xf32, #tpu.memory_space<vmem>> -> memref<64x128xf32, #tpu.memory_space<vmem>>
          %gather3A_820 = tpu.vector_load_idx %gather3A_819[%add3A_815, %and3A_811] : memref<64x128xf32, #tpu.memory_space<vmem>>[vector<16xi32>, vector<16xi32>], vector<16xf32>,
          %swap3A_821 = arith.index_cast %sub3A_812 : i32 to index
          %swap3A_822 = arith.constant 0 : index
          %swap3A_823 = tpu.vector_load %arg11[%swap3A_821, %swap3A_822] {strides = array<i32>} : memref<128x64xf32, #tpu.memory_space<vmem>>, vector<16xf32>,
          tpu.vector_store %arg11[%swap3A_821, %swap3A_822], %gather3A_820 {strides = array<i32>} : memref<128x64xf32, #tpu.memory_space<vmem>>, vector<16xf32>,
          %iota3A_824 = tpu.iota {dimensions = array<i32: 0>} : vector<16xi32>
          %add3A_825 = arith.constant 16 : i32
          %add3A_826 = vector.broadcast %add3A_825 : i32 to vector<16xi32>
          %add3A_827 = arith.addi %iota3A_824, %add3A_826 : vector<16xi32>
          %gather3A_828 = arith.constant 0 : i32
          %gather3A_829 = arith.constant 0 : i32
          %gather3A_830 = tpu.memref_slice %arg10[%while3A_784, %gather3A_828, %gather3A_829] : memref<9x64x128xf32, #tpu.memory_space<vmem>> -> memref<1x64x128xf32, #tpu.memory_space<vmem>>
          %gather3A_831 = tpu.memref_squeeze %gather3A_830 : memref<1x64x128xf32, #tpu.memory_space<vmem>> -> memref<64x128xf32, #tpu.memory_space<vmem>>
          %gather3A_832 = tpu.vector_load_idx %gather3A_831[%add3A_827, %and3A_811] : memref<64x128xf32, #tpu.memory_space<vmem>>[vector<16xi32>, vector<16xi32>], vector<16xf32>,
          %swap3A_833 = arith.index_cast %sub3A_812 : i32 to index
          %swap3A_834 = arith.constant 16 : index
          %swap3A_835 = tpu.vector_load %arg11[%swap3A_833, %swap3A_834] {strides = array<i32>} : memref<128x64xf32, #tpu.memory_space<vmem>>, vector<16xf32>,
          tpu.vector_store %arg11[%swap3A_833, %swap3A_834], %gather3A_832 {strides = array<i32>} : memref<128x64xf32, #tpu.memory_space<vmem>>, vector<16xf32>,
          %iota3A_836 = tpu.iota {dimensions = array<i32: 0>} : vector<16xi32>
          %add3A_837 = arith.constant 32 : i32
          %add3A_838 = vector.broadcast %add3A_837 : i32 to vector<16xi32>
          %add3A_839 = arith.addi %iota3A_836, %add3A_838 : vector<16xi32>
          %gather3A_840 = arith.constant 0 : i32
          %gather3A_841 = arith.constant 0 : i32
          %gather3A_842 = tpu.memref_slice %arg10[%while3A_784, %gather3A_840, %gather3A_841] : memref<9x64x128xf32, #tpu.memory_space<vmem>> -> memref<1x64x128xf32, #tpu.memory_space<vmem>>
          %gather3A_843 = tpu.memref_squeeze %gather3A_842 : memref<1x64x128xf32, #tpu.memory_space<vmem>> -> memref<64x128xf32, #tpu.memory_space<vmem>>
          %gather3A_844 = tpu.vector_load_idx %gather3A_843[%add3A_839, %and3A_811] : memref<64x128xf32, #tpu.memory_space<vmem>>[vector<16xi32>, vector<16xi32>], vector<16xf32>,
          %swap3A_845 = arith.index_cast %sub3A_812 : i32 to index
          %swap3A_846 = arith.constant 32 : index
          %swap3A_847 = tpu.vector_load %arg11[%swap3A_845, %swap3A_846] {strides = array<i32>} : memref<128x64xf32, #tpu.memory_space<vmem>>, vector<16xf32>,
          tpu.vector_store %arg11[%swap3A_845, %swap3A_846], %gather3A_844 {strides = array<i32>} : memref<128x64xf32, #tpu.memory_space<vmem>>, vector<16xf32>,
          %iota3A_848 = tpu.iota {dimensions = array<i32: 0>} : vector<16xi32>
          %add3A_849 = arith.constant 48 : i32
          %add3A_850 = vector.broadcast %add3A_849 : i32 to vector<16xi32>
          %add3A_851 = arith.addi %iota3A_848, %add3A_850 : vector<16xi32>
          %gather3A_852 = arith.constant 0 : i32
          %gather3A_853 = arith.constant 0 : i32
          %gather3A_854 = tpu.memref_slice %arg10[%while3A_784, %gather3A_852, %gather3A_853] : memref<9x64x128xf32, #tpu.memory_space<vmem>> -> memref<1x64x128xf32, #tpu.memory_space<vmem>>
          %gather3A_855 = tpu.memref_squeeze %gather3A_854 : memref<1x64x128xf32, #tpu.memory_space<vmem>> -> memref<64x128xf32, #tpu.memory_space<vmem>>
          %gather3A_856 = tpu.vector_load_idx %gather3A_855[%add3A_851, %and3A_811] : memref<64x128xf32, #tpu.memory_space<vmem>>[vector<16xi32>, vector<16xi32>], vector<16xf32>,
          %swap3A_857 = arith.index_cast %sub3A_812 : i32 to index
          %swap3A_858 = arith.constant 48 : index
          %swap3A_859 = tpu.vector_load %arg11[%swap3A_857, %swap3A_858] {strides = array<i32>} : memref<128x64xf32, #tpu.memory_space<vmem>>, vector<16xf32>,
          tpu.vector_store %arg11[%swap3A_857, %swap3A_858], %gather3A_856 {strides = array<i32>} : memref<128x64xf32, #tpu.memory_space<vmem>>, vector<16xf32>,
          scf.yield %cond3A_804 : i32
        }
        %while3A_794 = arith.constant 1 : i32
        %while3A_795 = scf.for %while3A_796 = %while3A_791 to %while3A_787 step %while3A_794 iter_args(%while3A_797 = %while3A_793) -> (i32)  : i32 {
          %add3A_798 = arith.addi %squeeze3A_783, %while3A_796 : i32
          %sub3A_799 = arith.subi %add3A_798, %while3A_797 : i32
          %ge3A = arith.constant 128 : i32
          %ge3A_800 = arith.cmpi sge, %sub3A_799, %ge3A : i32
          %convert_element_type3A_801 = arith.extui %ge3A_800 : i1 to i32
          %cond3A_802 = arith.constant 0 : i32
          %cond3A_803 = arith.cmpi ne, %convert_element_type3A_801, %cond3A_802 : i32
          %cond3A_804 = scf.if %cond3A_803 -> (i32) {
            %while3A_860 = arith.constant 0 : i32
            %while3A_861 = arith.constant 0 : i32
            %while3A_862 = arith.constant 128 : i32
            %while3A_863 = arith.subi %while3A_862, %while3A_861 : i32
            %while3A_864 = arith.addi %while3A_861, %while3A_863 : i32
            %while3A_865 = arith.constant 1 : i32
            %while3A_866 = arith.divsi %while3A_863, %while3A_865 : i32
            %while3A_867 = arith.muli %while3A_866, %while3A_865 : i32
            %while3A_868 = arith.addi %while3A_861, %while3A_867 : i32
            %while3A_869 = arith.constant 1 : i32
            scf.for %while3A_884 = %while3A_861 to %while3A_868 step %while3A_869  : i32 {
              %add3A_885 = arith.addi %while3A_797, %while3A_884 : i32
              %broadcast_in_dim3A_886 = vector.broadcast %add3A_885 : i32 to vector<16xi32>
              %gather3A_887 = tpu.vector_load_idx %arg6[%broadcast_in_dim3A_886] : memref<16384xi32, #tpu.memory_space<vmem>>[vector<16xi32>], vector<16xi32>,
              %slice3A_888 = vector.extract_strided_slice %gather3A_887 {offsets = [0], sizes = [1], strides = [1]} : vector<16xi32> to vector<1xi32>
              %squeeze3A_889 = vector.extract %slice3A_888[0] : i32 from vector<1xi32>
              %and3A_890 = arith.constant 16383 : i32
              %and3A_891 = arith.andi %squeeze3A_889, %and3A_890 : i32
              %dma_start3A = arith.constant 0 : i32
              %dma_start3A_892 = tpu.memref_slice %arg11[%while3A_884, %dma_start3A] : memref<128x64xf32, #tpu.memory_space<vmem>> -> memref<1x64xf32, #tpu.memory_space<vmem>>
              %dma_start3A_893 = arith.constant 0 : i32
              %dma_start3A_894 = tpu.memref_slice %arg4[%and3A_891, %dma_start3A_893] : memref<16384x64xf32, #tpu.memory_space<hbm>> -> memref<1x64xf32, #tpu.memory_space<hbm>>
              %dma_start3A_895 = arith.constant 0 : i32
              %dma_start3A_896 = tpu.memref_slice %arg4[%and3A_891, %dma_start3A_895] : memref<16384x64xf32, #tpu.memory_space<hbm>> -> memref<1x64xf32, #tpu.memory_space<hbm>>
              %dma_start3A_897 = arith.constant 0 : i32
              %dma_start3A_898 = tpu.memref_slice %arg11[%while3A_884, %dma_start3A_897] : memref<128x64xf32, #tpu.memory_space<vmem>> -> memref<1x64xf32, #tpu.memory_space<vmem>>
              tpu.enqueue_dma source(%dma_start3A_898 : memref<1x64xf32, #tpu.memory_space<vmem>>) target(%dma_start3A_896 : memref<1x64xf32, #tpu.memory_space<hbm>>) target_semaphore(%arg21 : memref<!tpu.dma_semaphore, #tpu.memory_space<semaphore_mem>>)
            }
            %while3A_870 = arith.constant 1 : i32
            scf.for %while3A_884 = %while3A_868 to %while3A_864 step %while3A_870  : i32 {
              %add3A_885 = arith.addi %while3A_797, %while3A_884 : i32
              %broadcast_in_dim3A_886 = vector.broadcast %add3A_885 : i32 to vector<16xi32>
              %gather3A_887 = tpu.vector_load_idx %arg6[%broadcast_in_dim3A_886] : memref<16384xi32, #tpu.memory_space<vmem>>[vector<16xi32>], vector<16xi32>,
              %slice3A_888 = vector.extract_strided_slice %gather3A_887 {offsets = [0], sizes = [1], strides = [1]} : vector<16xi32> to vector<1xi32>
              %squeeze3A_889 = vector.extract %slice3A_888[0] : i32 from vector<1xi32>
              %and3A_890 = arith.constant 16383 : i32
              %and3A_891 = arith.andi %squeeze3A_889, %and3A_890 : i32
              %dma_start3A = arith.constant 0 : i32
              %dma_start3A_892 = tpu.memref_slice %arg11[%while3A_884, %dma_start3A] : memref<128x64xf32, #tpu.memory_space<vmem>> -> memref<1x64xf32, #tpu.memory_space<vmem>>
              %dma_start3A_893 = arith.constant 0 : i32
              %dma_start3A_894 = tpu.memref_slice %arg4[%and3A_891, %dma_start3A_893] : memref<16384x64xf32, #tpu.memory_space<hbm>> -> memref<1x64xf32, #tpu.memory_space<hbm>>
              %dma_start3A_895 = arith.constant 0 : i32
              %dma_start3A_896 = tpu.memref_slice %arg4[%and3A_891, %dma_start3A_895] : memref<16384x64xf32, #tpu.memory_space<hbm>> -> memref<1x64xf32, #tpu.memory_space<hbm>>
              %dma_start3A_897 = arith.constant 0 : i32
              %dma_start3A_898 = tpu.memref_slice %arg11[%while3A_884, %dma_start3A_897] : memref<128x64xf32, #tpu.memory_space<vmem>> -> memref<1x64xf32, #tpu.memory_space<vmem>>
              tpu.enqueue_dma source(%dma_start3A_898 : memref<1x64xf32, #tpu.memory_space<vmem>>) target(%dma_start3A_896 : memref<1x64xf32, #tpu.memory_space<hbm>>) target_semaphore(%arg21 : memref<!tpu.dma_semaphore, #tpu.memory_space<semaphore_mem>>)
            }
            %while3A_871 = arith.constant 0 : i32
            %while3A_872 = arith.constant 0 : i32
            %while3A_873 = arith.constant 128 : i32
            %while3A_874 = arith.subi %while3A_873, %while3A_872 : i32
            %while3A_875 = arith.addi %while3A_872, %while3A_874 : i32
            %while3A_876 = arith.constant 1 : i32
            %while3A_877 = arith.divsi %while3A_874, %while3A_876 : i32
            %while3A_878 = arith.muli %while3A_877, %while3A_876 : i32
            %while3A_879 = arith.addi %while3A_872, %while3A_878 : i32
            %while3A_880 = arith.constant 1 : i32
            scf.for %while3A_884 = %while3A_872 to %while3A_879 step %while3A_880  : i32 {
              %dma_wait3A_885 = arith.constant 0 : i32
              %dma_wait3A_886 = arith.constant 0 : i32
              %dma_wait3A_887 = tpu.memref_slice %arg11[%dma_wait3A_885, %dma_wait3A_886] : memref<128x64xf32, #tpu.memory_space<vmem>> -> memref<1x64xf32, #tpu.memory_space<vmem>>
              %dma_wait3A_888 = arith.constant 0 : i32
              %dma_wait3A_889 = arith.constant 0 : i32
              %dma_wait3A_890 = tpu.memref_slice %arg4[%dma_wait3A_888, %dma_wait3A_889] : memref<16384x64xf32, #tpu.memory_space<hbm>> -> memref<1x64xf32, #tpu.memory_space<hbm>>
              %dma_wait3A_891 = arith.constant 0 : i32
              %dma_wait3A_892 = arith.constant 0 : i32
              %dma_wait3A_893 = tpu.memref_slice %arg11[%dma_wait3A_891, %dma_wait3A_892] : memref<128x64xf32, #tpu.memory_space<vmem>> -> memref<1x64xf32, #tpu.memory_space<vmem>>
              %dma_wait3A_894 = arith.constant 0 : i32
              %dma_wait3A_895 = arith.constant 0 : i32
              %dma_wait3A_896 = tpu.memref_slice %arg4[%dma_wait3A_894, %dma_wait3A_895] : memref<16384x64xf32, #tpu.memory_space<hbm>> -> memref<1x64xf32, #tpu.memory_space<hbm>>
              tpu.wait_dma2 semaphore(%arg21 : memref<!tpu.dma_semaphore, #tpu.memory_space<semaphore_mem>>) src(%dma_wait3A_896 : memref<1x64xf32, #tpu.memory_space<hbm>>) dst(%dma_wait3A_893 : memref<1x64xf32, #tpu.memory_space<vmem>>)
            }
            %while3A_881 = arith.constant 1 : i32
            scf.for %while3A_884 = %while3A_879 to %while3A_875 step %while3A_881  : i32 {
              %dma_wait3A_885 = arith.constant 0 : i32
              %dma_wait3A_886 = arith.constant 0 : i32
              %dma_wait3A_887 = tpu.memref_slice %arg11[%dma_wait3A_885, %dma_wait3A_886] : memref<128x64xf32, #tpu.memory_space<vmem>> -> memref<1x64xf32, #tpu.memory_space<vmem>>
              %dma_wait3A_888 = arith.constant 0 : i32
              %dma_wait3A_889 = arith.constant 0 : i32
              %dma_wait3A_890 = tpu.memref_slice %arg4[%dma_wait3A_888, %dma_wait3A_889] : memref<16384x64xf32, #tpu.memory_space<hbm>> -> memref<1x64xf32, #tpu.memory_space<hbm>>
              %dma_wait3A_891 = arith.constant 0 : i32
              %dma_wait3A_892 = arith.constant 0 : i32
              %dma_wait3A_893 = tpu.memref_slice %arg11[%dma_wait3A_891, %dma_wait3A_892] : memref<128x64xf32, #tpu.memory_space<vmem>> -> memref<1x64xf32, #tpu.memory_space<vmem>>
              %dma_wait3A_894 = arith.constant 0 : i32
              %dma_wait3A_895 = arith.constant 0 : i32
              %dma_wait3A_896 = tpu.memref_slice %arg4[%dma_wait3A_894, %dma_wait3A_895] : memref<16384x64xf32, #tpu.memory_space<hbm>> -> memref<1x64xf32, #tpu.memory_space<hbm>>
              tpu.wait_dma2 semaphore(%arg21 : memref<!tpu.dma_semaphore, #tpu.memory_space<semaphore_mem>>) src(%dma_wait3A_896 : memref<1x64xf32, #tpu.memory_space<hbm>>) dst(%dma_wait3A_893 : memref<1x64xf32, #tpu.memory_space<vmem>>)
            }
            %add3A_882 = arith.constant 128 : i32
            %add3A_883 = arith.addi %while3A_797, %add3A_882 : i32
            scf.yield %add3A_883 : i32
          } else {
            scf.yield %while3A_797 : i32
          }
          %broadcast_in_dim3A_805 = vector.broadcast %add3A_798 : i32 to vector<16xi32>
          %gather3A_806 = tpu.vector_load_idx %arg6[%broadcast_in_dim3A_805] : memref<16384xi32, #tpu.memory_space<vmem>>[vector<16xi32>], vector<16xi32>,
          %shift_right_arithmetic3A = arith.constant 14 : i32
          %shift_right_arithmetic3A_807 = vector.broadcast %shift_right_arithmetic3A : i32 to vector<16xi32>
          %shift_right_arithmetic3A_808 = arith.shrsi %gather3A_806, %shift_right_arithmetic3A_807 : vector<16xi32>
          %and3A_809 = arith.constant 127 : i32
          %and3A_810 = vector.broadcast %and3A_809 : i32 to vector<16xi32>
          %and3A_811 = arith.andi %shift_right_arithmetic3A_808, %and3A_810 : vector<16xi32>
          %sub3A_812 = arith.subi %add3A_798, %cond3A_804 : i32
          %iota3A = tpu.iota {dimensions = array<i32: 0>} : vector<16xi32>
          %add3A_813 = arith.constant 0 : i32
          %add3A_814 = vector.broadcast %add3A_813 : i32 to vector<16xi32>
          %add3A_815 = arith.addi %iota3A, %add3A_814 : vector<16xi32>
          %gather3A_816 = arith.constant 0 : i32
          %gather3A_817 = arith.constant 0 : i32
          %gather3A_818 = tpu.memref_slice %arg10[%while3A_784, %gather3A_816, %gather3A_817] : memref<9x64x128xf32, #tpu.memory_space<vmem>> -> memref<1x64x128xf32, #tpu.memory_space<vmem>>
          %gather3A_819 = tpu.memref_squeeze %gather3A_818 : memref<1x64x128xf32, #tpu.memory_space<vmem>> -> memref<64x128xf32, #tpu.memory_space<vmem>>
          %gather3A_820 = tpu.vector_load_idx %gather3A_819[%add3A_815, %and3A_811] : memref<64x128xf32, #tpu.memory_space<vmem>>[vector<16xi32>, vector<16xi32>], vector<16xf32>,
          %swap3A_821 = arith.index_cast %sub3A_812 : i32 to index
          %swap3A_822 = arith.constant 0 : index
          %swap3A_823 = tpu.vector_load %arg11[%swap3A_821, %swap3A_822] {strides = array<i32>} : memref<128x64xf32, #tpu.memory_space<vmem>>, vector<16xf32>,
          tpu.vector_store %arg11[%swap3A_821, %swap3A_822], %gather3A_820 {strides = array<i32>} : memref<128x64xf32, #tpu.memory_space<vmem>>, vector<16xf32>,
          %iota3A_824 = tpu.iota {dimensions = array<i32: 0>} : vector<16xi32>
          %add3A_825 = arith.constant 16 : i32
          %add3A_826 = vector.broadcast %add3A_825 : i32 to vector<16xi32>
          %add3A_827 = arith.addi %iota3A_824, %add3A_826 : vector<16xi32>
          %gather3A_828 = arith.constant 0 : i32
          %gather3A_829 = arith.constant 0 : i32
          %gather3A_830 = tpu.memref_slice %arg10[%while3A_784, %gather3A_828, %gather3A_829] : memref<9x64x128xf32, #tpu.memory_space<vmem>> -> memref<1x64x128xf32, #tpu.memory_space<vmem>>
          %gather3A_831 = tpu.memref_squeeze %gather3A_830 : memref<1x64x128xf32, #tpu.memory_space<vmem>> -> memref<64x128xf32, #tpu.memory_space<vmem>>
          %gather3A_832 = tpu.vector_load_idx %gather3A_831[%add3A_827, %and3A_811] : memref<64x128xf32, #tpu.memory_space<vmem>>[vector<16xi32>, vector<16xi32>], vector<16xf32>,
          %swap3A_833 = arith.index_cast %sub3A_812 : i32 to index
          %swap3A_834 = arith.constant 16 : index
          %swap3A_835 = tpu.vector_load %arg11[%swap3A_833, %swap3A_834] {strides = array<i32>} : memref<128x64xf32, #tpu.memory_space<vmem>>, vector<16xf32>,
          tpu.vector_store %arg11[%swap3A_833, %swap3A_834], %gather3A_832 {strides = array<i32>} : memref<128x64xf32, #tpu.memory_space<vmem>>, vector<16xf32>,
          %iota3A_836 = tpu.iota {dimensions = array<i32: 0>} : vector<16xi32>
          %add3A_837 = arith.constant 32 : i32
          %add3A_838 = vector.broadcast %add3A_837 : i32 to vector<16xi32>
          %add3A_839 = arith.addi %iota3A_836, %add3A_838 : vector<16xi32>
          %gather3A_840 = arith.constant 0 : i32
          %gather3A_841 = arith.constant 0 : i32
          %gather3A_842 = tpu.memref_slice %arg10[%while3A_784, %gather3A_840, %gather3A_841] : memref<9x64x128xf32, #tpu.memory_space<vmem>> -> memref<1x64x128xf32, #tpu.memory_space<vmem>>
          %gather3A_843 = tpu.memref_squeeze %gather3A_842 : memref<1x64x128xf32, #tpu.memory_space<vmem>> -> memref<64x128xf32, #tpu.memory_space<vmem>>
          %gather3A_844 = tpu.vector_load_idx %gather3A_843[%add3A_839, %and3A_811] : memref<64x128xf32, #tpu.memory_space<vmem>>[vector<16xi32>, vector<16xi32>], vector<16xf32>,
          %swap3A_845 = arith.index_cast %sub3A_812 : i32 to index
          %swap3A_846 = arith.constant 32 : index
          %swap3A_847 = tpu.vector_load %arg11[%swap3A_845, %swap3A_846] {strides = array<i32>} : memref<128x64xf32, #tpu.memory_space<vmem>>, vector<16xf32>,
          tpu.vector_store %arg11[%swap3A_845, %swap3A_846], %gather3A_844 {strides = array<i32>} : memref<128x64xf32, #tpu.memory_space<vmem>>, vector<16xf32>,
          %iota3A_848 = tpu.iota {dimensions = array<i32: 0>} : vector<16xi32>
          %add3A_849 = arith.constant 48 : i32
          %add3A_850 = vector.broadcast %add3A_849 : i32 to vector<16xi32>
          %add3A_851 = arith.addi %iota3A_848, %add3A_850 : vector<16xi32>
          %gather3A_852 = arith.constant 0 : i32
          %gather3A_853 = arith.constant 0 : i32
          %gather3A_854 = tpu.memref_slice %arg10[%while3A_784, %gather3A_852, %gather3A_853] : memref<9x64x128xf32, #tpu.memory_space<vmem>> -> memref<1x64x128xf32, #tpu.memory_space<vmem>>
          %gather3A_855 = tpu.memref_squeeze %gather3A_854 : memref<1x64x128xf32, #tpu.memory_space<vmem>> -> memref<64x128xf32, #tpu.memory_space<vmem>>
          %gather3A_856 = tpu.vector_load_idx %gather3A_855[%add3A_851, %and3A_811] : memref<64x128xf32, #tpu.memory_space<vmem>>[vector<16xi32>, vector<16xi32>], vector<16xf32>,
          %swap3A_857 = arith.index_cast %sub3A_812 : i32 to index
          %swap3A_858 = arith.constant 48 : index
          %swap3A_859 = tpu.vector_load %arg11[%swap3A_857, %swap3A_858] {strides = array<i32>} : memref<128x64xf32, #tpu.memory_space<vmem>>, vector<16xf32>,
          tpu.vector_store %arg11[%swap3A_857, %swap3A_858], %gather3A_856 {strides = array<i32>} : memref<128x64xf32, #tpu.memory_space<vmem>>, vector<16xf32>,
          scf.yield %cond3A_804 : i32
        }
        scf.yield %while3A_795 : i32
      } else {
        scf.yield %cond3A_618 : i32
      }
      %mul3A_652 = arith.constant 9 : i32
      %mul3A_653 = arith.muli %scan3A_467, %mul3A_652 : i32
      %add3A_654 = arith.constant 5 : i32
      %add3A_655 = arith.addi %mul3A_653, %add3A_654 : i32
      %broadcast_in_dim3A_656 = vector.broadcast %add3A_655 : i32 to vector<16xi32>
      %gather3A_657 = tpu.vector_load_idx %arg7[%broadcast_in_dim3A_656] : memref<256xi32, #tpu.memory_space<vmem>>[vector<16xi32>], vector<16xi32>,
      %slice3A_658 = vector.extract_strided_slice %gather3A_657 {offsets = [0], sizes = [1], strides = [1]} : vector<16xi32> to vector<1xi32>
      %squeeze3A_659 = vector.extract %slice3A_658[0] : i32 from vector<1xi32>
      %lt3A_660 = arith.cmpi slt, %add3A_655, %min3A_6 : i32
      %gt3A_661 = arith.constant 0 : i32
      %gt3A_662 = arith.cmpi sgt, %squeeze3A_659, %gt3A_661 : i32
      %and3A_663 = arith.andi %lt3A_660, %gt3A_662 : i1
      %convert_element_type3A_664 = arith.extui %and3A_663 : i1 to i32
      %cond3A_665 = arith.constant 0 : i32
      %cond3A_666 = arith.cmpi ne, %convert_element_type3A_664, %cond3A_665 : i32
      scf.if %cond3A_666 {
        %add3A_766 = arith.addi %add3A_4, %add3A_655 : i32
        %mul3A_767 = arith.constant 128 : i32
        %mul3A_768 = arith.muli %add3A_766, %mul3A_767 : i32
        %multiple_of3A = tpu.assume_multiple %mul3A_768, 128 : i32
        %dma_start3A = arith.constant 5 : i32
        %dma_start3A_769 = arith.constant 0 : i32
        %dma_start3A_770 = arith.constant 0 : i32
        %dma_start3A_771 = tpu.memref_slice %arg10[%dma_start3A, %dma_start3A_769, %dma_start3A_770] : memref<9x64x128xf32, #tpu.memory_space<vmem>> -> memref<1x64x128xf32, #tpu.memory_space<vmem>>
        %dma_start3A_772 = tpu.memref_squeeze %dma_start3A_771 : memref<1x64x128xf32, #tpu.memory_space<vmem>> -> memref<64x128xf32, #tpu.memory_space<vmem>>
        %dma_start3A_773 = arith.constant 0 : i32
        %dma_start3A_774 = tpu.memref_slice %arg2[%dma_start3A_773, %multiple_of3A] : memref<64x1077001xf32, #tpu.memory_space<hbm>> -> memref<64x128xf32, #tpu.memory_space<hbm>>
        %dma_start3A_775 = arith.constant 0 : i32
        %dma_start3A_776 = arith.constant 0 : i32
        %dma_start3A_777 = tpu.memref_slice %arg10[%dma_start3A, %dma_start3A_775, %dma_start3A_776] : memref<9x64x128xf32, #tpu.memory_space<vmem>> -> memref<1x64x128xf32, #tpu.memory_space<vmem>>
        %dma_start3A_778 = tpu.memref_squeeze %dma_start3A_777 : memref<1x64x128xf32, #tpu.memory_space<vmem>> -> memref<64x128xf32, #tpu.memory_space<vmem>>
        %dma_start3A_779 = arith.constant 0 : i32
        %dma_start3A_780 = tpu.memref_slice %arg2[%dma_start3A_779, %multiple_of3A] : memref<64x1077001xf32, #tpu.memory_space<hbm>> -> memref<64x128xf32, #tpu.memory_space<hbm>>
        tpu.enqueue_dma source(%dma_start3A_780 : memref<64x128xf32, #tpu.memory_space<hbm>>) target(%dma_start3A_778 : memref<64x128xf32, #tpu.memory_space<vmem>>) target_semaphore(%arg17 : memref<!tpu.dma_semaphore, #tpu.memory_space<semaphore_mem>>)
      } else {
      }
      %sub3A_667 = arith.constant 1 : i32
      %sub3A_668 = arith.subi %scan3A_467, %sub3A_667 : i32
      %mul3A_669 = arith.constant 9 : i32
      %mul3A_670 = arith.muli %sub3A_668, %mul3A_669 : i32
      %add3A_671 = arith.constant 6 : i32
      %add3A_672 = arith.addi %mul3A_670, %add3A_671 : i32
      %broadcast_in_dim3A_673 = vector.broadcast %add3A_672 : i32 to vector<16xi32>
      %gather3A_674 = tpu.vector_load_idx %arg7[%broadcast_in_dim3A_673] : memref<256xi32, #tpu.memory_space<vmem>>[vector<16xi32>], vector<16xi32>,
      %slice3A_675 = vector.extract_strided_slice %gather3A_674 {offsets = [0], sizes = [1], strides = [1]} : vector<16xi32> to vector<1xi32>
      %squeeze3A_676 = vector.extract %slice3A_675[0] : i32 from vector<1xi32>
      %lt3A_677 = arith.cmpi slt, %add3A_672, %min3A_6 : i32
      %gt3A_678 = arith.constant 0 : i32
      %gt3A_679 = arith.cmpi sgt, %squeeze3A_676, %gt3A_678 : i32
      %and3A_680 = arith.andi %lt3A_677, %gt3A_679 : i1
      %convert_element_type3A_681 = arith.extui %and3A_680 : i1 to i32
      %cond3A_682 = arith.constant 0 : i32
      %cond3A_683 = arith.cmpi ne, %convert_element_type3A_681, %cond3A_682 : i32
      %cond3A_684 = scf.if %cond3A_683 -> (i32) {
        %dma_wait3A = arith.constant 6 : i32
        %dma_wait3A_766 = arith.constant 0 : i32
        %dma_wait3A_767 = arith.constant 0 : i32
        %dma_wait3A_768 = tpu.memref_slice %arg10[%dma_wait3A, %dma_wait3A_766, %dma_wait3A_767] : memref<9x64x128xf32, #tpu.memory_space<vmem>> -> memref<1x64x128xf32, #tpu.memory_space<vmem>>
        %dma_wait3A_769 = tpu.memref_squeeze %dma_wait3A_768 : memref<1x64x128xf32, #tpu.memory_space<vmem>> -> memref<64x128xf32, #tpu.memory_space<vmem>>
        %dma_wait3A_770 = arith.constant 0 : i32
        %dma_wait3A_771 = arith.constant 0 : i32
        %dma_wait3A_772 = tpu.memref_slice %arg2[%dma_wait3A_770, %dma_wait3A_771] : memref<64x1077001xf32, #tpu.memory_space<hbm>> -> memref<64x128xf32, #tpu.memory_space<hbm>>
        %dma_wait3A_773 = arith.constant 0 : i32
        %dma_wait3A_774 = arith.constant 0 : i32
        %dma_wait3A_775 = tpu.memref_slice %arg10[%dma_wait3A, %dma_wait3A_773, %dma_wait3A_774] : memref<9x64x128xf32, #tpu.memory_space<vmem>> -> memref<1x64x128xf32, #tpu.memory_space<vmem>>
        %dma_wait3A_776 = tpu.memref_squeeze %dma_wait3A_775 : memref<1x64x128xf32, #tpu.memory_space<vmem>> -> memref<64x128xf32, #tpu.memory_space<vmem>>
        %dma_wait3A_777 = arith.constant 0 : i32
        %dma_wait3A_778 = arith.constant 0 : i32
        %dma_wait3A_779 = tpu.memref_slice %arg2[%dma_wait3A_777, %dma_wait3A_778] : memref<64x1077001xf32, #tpu.memory_space<hbm>> -> memref<64x128xf32, #tpu.memory_space<hbm>>
        tpu.wait_dma2 semaphore(%arg18 : memref<!tpu.dma_semaphore, #tpu.memory_space<semaphore_mem>>) src(%dma_wait3A_779 : memref<64x128xf32, #tpu.memory_space<hbm>>) dst(%dma_wait3A_776 : memref<64x128xf32, #tpu.memory_space<vmem>>)
        %broadcast_in_dim3A_780 = vector.broadcast %add3A_672 : i32 to vector<16xi32>
        %gather3A_781 = tpu.vector_load_idx %arg8[%broadcast_in_dim3A_780] : memref<256xi32, #tpu.memory_space<vmem>>[vector<16xi32>], vector<16xi32>,
        %slice3A_782 = vector.extract_strided_slice %gather3A_781 {offsets = [0], sizes = [1], strides = [1]} : vector<16xi32> to vector<1xi32>
        %squeeze3A_783 = vector.extract %slice3A_782[0] : i32 from vector<1xi32>
        %while3A_784 = arith.constant 6 : i32
        %while3A_785 = arith.constant 0 : i32
        %while3A_786 = arith.subi %squeeze3A_676, %while3A_785 : i32
        %while3A_787 = arith.addi %while3A_785, %while3A_786 : i32
        %while3A_788 = arith.constant 1 : i32
        %while3A_789 = arith.divsi %while3A_786, %while3A_788 : i32
        %while3A_790 = arith.muli %while3A_789, %while3A_788 : i32
        %while3A_791 = arith.addi %while3A_785, %while3A_790 : i32
        %while3A_792 = arith.constant 1 : i32
        %while3A_793 = scf.for %while3A_796 = %while3A_785 to %while3A_791 step %while3A_792 iter_args(%while3A_797 = %cond3A_651) -> (i32)  : i32 {
          %add3A_798 = arith.addi %squeeze3A_783, %while3A_796 : i32
          %sub3A_799 = arith.subi %add3A_798, %while3A_797 : i32
          %ge3A = arith.constant 128 : i32
          %ge3A_800 = arith.cmpi sge, %sub3A_799, %ge3A : i32
          %convert_element_type3A_801 = arith.extui %ge3A_800 : i1 to i32
          %cond3A_802 = arith.constant 0 : i32
          %cond3A_803 = arith.cmpi ne, %convert_element_type3A_801, %cond3A_802 : i32
          %cond3A_804 = scf.if %cond3A_803 -> (i32) {
            %while3A_860 = arith.constant 0 : i32
            %while3A_861 = arith.constant 0 : i32
            %while3A_862 = arith.constant 128 : i32
            %while3A_863 = arith.subi %while3A_862, %while3A_861 : i32
            %while3A_864 = arith.addi %while3A_861, %while3A_863 : i32
            %while3A_865 = arith.constant 1 : i32
            %while3A_866 = arith.divsi %while3A_863, %while3A_865 : i32
            %while3A_867 = arith.muli %while3A_866, %while3A_865 : i32
            %while3A_868 = arith.addi %while3A_861, %while3A_867 : i32
            %while3A_869 = arith.constant 1 : i32
            scf.for %while3A_884 = %while3A_861 to %while3A_868 step %while3A_869  : i32 {
              %add3A_885 = arith.addi %while3A_797, %while3A_884 : i32
              %broadcast_in_dim3A_886 = vector.broadcast %add3A_885 : i32 to vector<16xi32>
              %gather3A_887 = tpu.vector_load_idx %arg6[%broadcast_in_dim3A_886] : memref<16384xi32, #tpu.memory_space<vmem>>[vector<16xi32>], vector<16xi32>,
              %slice3A_888 = vector.extract_strided_slice %gather3A_887 {offsets = [0], sizes = [1], strides = [1]} : vector<16xi32> to vector<1xi32>
              %squeeze3A_889 = vector.extract %slice3A_888[0] : i32 from vector<1xi32>
              %and3A_890 = arith.constant 16383 : i32
              %and3A_891 = arith.andi %squeeze3A_889, %and3A_890 : i32
              %dma_start3A = arith.constant 0 : i32
              %dma_start3A_892 = tpu.memref_slice %arg11[%while3A_884, %dma_start3A] : memref<128x64xf32, #tpu.memory_space<vmem>> -> memref<1x64xf32, #tpu.memory_space<vmem>>
              %dma_start3A_893 = arith.constant 0 : i32
              %dma_start3A_894 = tpu.memref_slice %arg4[%and3A_891, %dma_start3A_893] : memref<16384x64xf32, #tpu.memory_space<hbm>> -> memref<1x64xf32, #tpu.memory_space<hbm>>
              %dma_start3A_895 = arith.constant 0 : i32
              %dma_start3A_896 = tpu.memref_slice %arg4[%and3A_891, %dma_start3A_895] : memref<16384x64xf32, #tpu.memory_space<hbm>> -> memref<1x64xf32, #tpu.memory_space<hbm>>
              %dma_start3A_897 = arith.constant 0 : i32
              %dma_start3A_898 = tpu.memref_slice %arg11[%while3A_884, %dma_start3A_897] : memref<128x64xf32, #tpu.memory_space<vmem>> -> memref<1x64xf32, #tpu.memory_space<vmem>>
              tpu.enqueue_dma source(%dma_start3A_898 : memref<1x64xf32, #tpu.memory_space<vmem>>) target(%dma_start3A_896 : memref<1x64xf32, #tpu.memory_space<hbm>>) target_semaphore(%arg21 : memref<!tpu.dma_semaphore, #tpu.memory_space<semaphore_mem>>)
            }
            %while3A_870 = arith.constant 1 : i32
            scf.for %while3A_884 = %while3A_868 to %while3A_864 step %while3A_870  : i32 {
              %add3A_885 = arith.addi %while3A_797, %while3A_884 : i32
              %broadcast_in_dim3A_886 = vector.broadcast %add3A_885 : i32 to vector<16xi32>
              %gather3A_887 = tpu.vector_load_idx %arg6[%broadcast_in_dim3A_886] : memref<16384xi32, #tpu.memory_space<vmem>>[vector<16xi32>], vector<16xi32>,
              %slice3A_888 = vector.extract_strided_slice %gather3A_887 {offsets = [0], sizes = [1], strides = [1]} : vector<16xi32> to vector<1xi32>
              %squeeze3A_889 = vector.extract %slice3A_888[0] : i32 from vector<1xi32>
              %and3A_890 = arith.constant 16383 : i32
              %and3A_891 = arith.andi %squeeze3A_889, %and3A_890 : i32
              %dma_start3A = arith.constant 0 : i32
              %dma_start3A_892 = tpu.memref_slice %arg11[%while3A_884, %dma_start3A] : memref<128x64xf32, #tpu.memory_space<vmem>> -> memref<1x64xf32, #tpu.memory_space<vmem>>
              %dma_start3A_893 = arith.constant 0 : i32
              %dma_start3A_894 = tpu.memref_slice %arg4[%and3A_891, %dma_start3A_893] : memref<16384x64xf32, #tpu.memory_space<hbm>> -> memref<1x64xf32, #tpu.memory_space<hbm>>
              %dma_start3A_895 = arith.constant 0 : i32
              %dma_start3A_896 = tpu.memref_slice %arg4[%and3A_891, %dma_start3A_895] : memref<16384x64xf32, #tpu.memory_space<hbm>> -> memref<1x64xf32, #tpu.memory_space<hbm>>
              %dma_start3A_897 = arith.constant 0 : i32
              %dma_start3A_898 = tpu.memref_slice %arg11[%while3A_884, %dma_start3A_897] : memref<128x64xf32, #tpu.memory_space<vmem>> -> memref<1x64xf32, #tpu.memory_space<vmem>>
              tpu.enqueue_dma source(%dma_start3A_898 : memref<1x64xf32, #tpu.memory_space<vmem>>) target(%dma_start3A_896 : memref<1x64xf32, #tpu.memory_space<hbm>>) target_semaphore(%arg21 : memref<!tpu.dma_semaphore, #tpu.memory_space<semaphore_mem>>)
            }
            %while3A_871 = arith.constant 0 : i32
            %while3A_872 = arith.constant 0 : i32
            %while3A_873 = arith.constant 128 : i32
            %while3A_874 = arith.subi %while3A_873, %while3A_872 : i32
            %while3A_875 = arith.addi %while3A_872, %while3A_874 : i32
            %while3A_876 = arith.constant 1 : i32
            %while3A_877 = arith.divsi %while3A_874, %while3A_876 : i32
            %while3A_878 = arith.muli %while3A_877, %while3A_876 : i32
            %while3A_879 = arith.addi %while3A_872, %while3A_878 : i32
            %while3A_880 = arith.constant 1 : i32
            scf.for %while3A_884 = %while3A_872 to %while3A_879 step %while3A_880  : i32 {
              %dma_wait3A_885 = arith.constant 0 : i32
              %dma_wait3A_886 = arith.constant 0 : i32
              %dma_wait3A_887 = tpu.memref_slice %arg11[%dma_wait3A_885, %dma_wait3A_886] : memref<128x64xf32, #tpu.memory_space<vmem>> -> memref<1x64xf32, #tpu.memory_space<vmem>>
              %dma_wait3A_888 = arith.constant 0 : i32
              %dma_wait3A_889 = arith.constant 0 : i32
              %dma_wait3A_890 = tpu.memref_slice %arg4[%dma_wait3A_888, %dma_wait3A_889] : memref<16384x64xf32, #tpu.memory_space<hbm>> -> memref<1x64xf32, #tpu.memory_space<hbm>>
              %dma_wait3A_891 = arith.constant 0 : i32
              %dma_wait3A_892 = arith.constant 0 : i32
              %dma_wait3A_893 = tpu.memref_slice %arg11[%dma_wait3A_891, %dma_wait3A_892] : memref<128x64xf32, #tpu.memory_space<vmem>> -> memref<1x64xf32, #tpu.memory_space<vmem>>
              %dma_wait3A_894 = arith.constant 0 : i32
              %dma_wait3A_895 = arith.constant 0 : i32
              %dma_wait3A_896 = tpu.memref_slice %arg4[%dma_wait3A_894, %dma_wait3A_895] : memref<16384x64xf32, #tpu.memory_space<hbm>> -> memref<1x64xf32, #tpu.memory_space<hbm>>
              tpu.wait_dma2 semaphore(%arg21 : memref<!tpu.dma_semaphore, #tpu.memory_space<semaphore_mem>>) src(%dma_wait3A_896 : memref<1x64xf32, #tpu.memory_space<hbm>>) dst(%dma_wait3A_893 : memref<1x64xf32, #tpu.memory_space<vmem>>)
            }
            %while3A_881 = arith.constant 1 : i32
            scf.for %while3A_884 = %while3A_879 to %while3A_875 step %while3A_881  : i32 {
              %dma_wait3A_885 = arith.constant 0 : i32
              %dma_wait3A_886 = arith.constant 0 : i32
              %dma_wait3A_887 = tpu.memref_slice %arg11[%dma_wait3A_885, %dma_wait3A_886] : memref<128x64xf32, #tpu.memory_space<vmem>> -> memref<1x64xf32, #tpu.memory_space<vmem>>
              %dma_wait3A_888 = arith.constant 0 : i32
              %dma_wait3A_889 = arith.constant 0 : i32
              %dma_wait3A_890 = tpu.memref_slice %arg4[%dma_wait3A_888, %dma_wait3A_889] : memref<16384x64xf32, #tpu.memory_space<hbm>> -> memref<1x64xf32, #tpu.memory_space<hbm>>
              %dma_wait3A_891 = arith.constant 0 : i32
              %dma_wait3A_892 = arith.constant 0 : i32
              %dma_wait3A_893 = tpu.memref_slice %arg11[%dma_wait3A_891, %dma_wait3A_892] : memref<128x64xf32, #tpu.memory_space<vmem>> -> memref<1x64xf32, #tpu.memory_space<vmem>>
              %dma_wait3A_894 = arith.constant 0 : i32
              %dma_wait3A_895 = arith.constant 0 : i32
              %dma_wait3A_896 = tpu.memref_slice %arg4[%dma_wait3A_894, %dma_wait3A_895] : memref<16384x64xf32, #tpu.memory_space<hbm>> -> memref<1x64xf32, #tpu.memory_space<hbm>>
              tpu.wait_dma2 semaphore(%arg21 : memref<!tpu.dma_semaphore, #tpu.memory_space<semaphore_mem>>) src(%dma_wait3A_896 : memref<1x64xf32, #tpu.memory_space<hbm>>) dst(%dma_wait3A_893 : memref<1x64xf32, #tpu.memory_space<vmem>>)
            }
            %add3A_882 = arith.constant 128 : i32
            %add3A_883 = arith.addi %while3A_797, %add3A_882 : i32
            scf.yield %add3A_883 : i32
          } else {
            scf.yield %while3A_797 : i32
          }
          %broadcast_in_dim3A_805 = vector.broadcast %add3A_798 : i32 to vector<16xi32>
          %gather3A_806 = tpu.vector_load_idx %arg6[%broadcast_in_dim3A_805] : memref<16384xi32, #tpu.memory_space<vmem>>[vector<16xi32>], vector<16xi32>,
          %shift_right_arithmetic3A = arith.constant 14 : i32
          %shift_right_arithmetic3A_807 = vector.broadcast %shift_right_arithmetic3A : i32 to vector<16xi32>
          %shift_right_arithmetic3A_808 = arith.shrsi %gather3A_806, %shift_right_arithmetic3A_807 : vector<16xi32>
          %and3A_809 = arith.constant 127 : i32
          %and3A_810 = vector.broadcast %and3A_809 : i32 to vector<16xi32>
          %and3A_811 = arith.andi %shift_right_arithmetic3A_808, %and3A_810 : vector<16xi32>
          %sub3A_812 = arith.subi %add3A_798, %cond3A_804 : i32
          %iota3A = tpu.iota {dimensions = array<i32: 0>} : vector<16xi32>
          %add3A_813 = arith.constant 0 : i32
          %add3A_814 = vector.broadcast %add3A_813 : i32 to vector<16xi32>
          %add3A_815 = arith.addi %iota3A, %add3A_814 : vector<16xi32>
          %gather3A_816 = arith.constant 0 : i32
          %gather3A_817 = arith.constant 0 : i32
          %gather3A_818 = tpu.memref_slice %arg10[%while3A_784, %gather3A_816, %gather3A_817] : memref<9x64x128xf32, #tpu.memory_space<vmem>> -> memref<1x64x128xf32, #tpu.memory_space<vmem>>
          %gather3A_819 = tpu.memref_squeeze %gather3A_818 : memref<1x64x128xf32, #tpu.memory_space<vmem>> -> memref<64x128xf32, #tpu.memory_space<vmem>>
          %gather3A_820 = tpu.vector_load_idx %gather3A_819[%add3A_815, %and3A_811] : memref<64x128xf32, #tpu.memory_space<vmem>>[vector<16xi32>, vector<16xi32>], vector<16xf32>,
          %swap3A_821 = arith.index_cast %sub3A_812 : i32 to index
          %swap3A_822 = arith.constant 0 : index
          %swap3A_823 = tpu.vector_load %arg11[%swap3A_821, %swap3A_822] {strides = array<i32>} : memref<128x64xf32, #tpu.memory_space<vmem>>, vector<16xf32>,
          tpu.vector_store %arg11[%swap3A_821, %swap3A_822], %gather3A_820 {strides = array<i32>} : memref<128x64xf32, #tpu.memory_space<vmem>>, vector<16xf32>,
          %iota3A_824 = tpu.iota {dimensions = array<i32: 0>} : vector<16xi32>
          %add3A_825 = arith.constant 16 : i32
          %add3A_826 = vector.broadcast %add3A_825 : i32 to vector<16xi32>
          %add3A_827 = arith.addi %iota3A_824, %add3A_826 : vector<16xi32>
          %gather3A_828 = arith.constant 0 : i32
          %gather3A_829 = arith.constant 0 : i32
          %gather3A_830 = tpu.memref_slice %arg10[%while3A_784, %gather3A_828, %gather3A_829] : memref<9x64x128xf32, #tpu.memory_space<vmem>> -> memref<1x64x128xf32, #tpu.memory_space<vmem>>
          %gather3A_831 = tpu.memref_squeeze %gather3A_830 : memref<1x64x128xf32, #tpu.memory_space<vmem>> -> memref<64x128xf32, #tpu.memory_space<vmem>>
          %gather3A_832 = tpu.vector_load_idx %gather3A_831[%add3A_827, %and3A_811] : memref<64x128xf32, #tpu.memory_space<vmem>>[vector<16xi32>, vector<16xi32>], vector<16xf32>,
          %swap3A_833 = arith.index_cast %sub3A_812 : i32 to index
          %swap3A_834 = arith.constant 16 : index
          %swap3A_835 = tpu.vector_load %arg11[%swap3A_833, %swap3A_834] {strides = array<i32>} : memref<128x64xf32, #tpu.memory_space<vmem>>, vector<16xf32>,
          tpu.vector_store %arg11[%swap3A_833, %swap3A_834], %gather3A_832 {strides = array<i32>} : memref<128x64xf32, #tpu.memory_space<vmem>>, vector<16xf32>,
          %iota3A_836 = tpu.iota {dimensions = array<i32: 0>} : vector<16xi32>
          %add3A_837 = arith.constant 32 : i32
          %add3A_838 = vector.broadcast %add3A_837 : i32 to vector<16xi32>
          %add3A_839 = arith.addi %iota3A_836, %add3A_838 : vector<16xi32>
          %gather3A_840 = arith.constant 0 : i32
          %gather3A_841 = arith.constant 0 : i32
          %gather3A_842 = tpu.memref_slice %arg10[%while3A_784, %gather3A_840, %gather3A_841] : memref<9x64x128xf32, #tpu.memory_space<vmem>> -> memref<1x64x128xf32, #tpu.memory_space<vmem>>
          %gather3A_843 = tpu.memref_squeeze %gather3A_842 : memref<1x64x128xf32, #tpu.memory_space<vmem>> -> memref<64x128xf32, #tpu.memory_space<vmem>>
          %gather3A_844 = tpu.vector_load_idx %gather3A_843[%add3A_839, %and3A_811] : memref<64x128xf32, #tpu.memory_space<vmem>>[vector<16xi32>, vector<16xi32>], vector<16xf32>,
          %swap3A_845 = arith.index_cast %sub3A_812 : i32 to index
          %swap3A_846 = arith.constant 32 : index
          %swap3A_847 = tpu.vector_load %arg11[%swap3A_845, %swap3A_846] {strides = array<i32>} : memref<128x64xf32, #tpu.memory_space<vmem>>, vector<16xf32>,
          tpu.vector_store %arg11[%swap3A_845, %swap3A_846], %gather3A_844 {strides = array<i32>} : memref<128x64xf32, #tpu.memory_space<vmem>>, vector<16xf32>,
          %iota3A_848 = tpu.iota {dimensions = array<i32: 0>} : vector<16xi32>
          %add3A_849 = arith.constant 48 : i32
          %add3A_850 = vector.broadcast %add3A_849 : i32 to vector<16xi32>
          %add3A_851 = arith.addi %iota3A_848, %add3A_850 : vector<16xi32>
          %gather3A_852 = arith.constant 0 : i32
          %gather3A_853 = arith.constant 0 : i32
          %gather3A_854 = tpu.memref_slice %arg10[%while3A_784, %gather3A_852, %gather3A_853] : memref<9x64x128xf32, #tpu.memory_space<vmem>> -> memref<1x64x128xf32, #tpu.memory_space<vmem>>
          %gather3A_855 = tpu.memref_squeeze %gather3A_854 : memref<1x64x128xf32, #tpu.memory_space<vmem>> -> memref<64x128xf32, #tpu.memory_space<vmem>>
          %gather3A_856 = tpu.vector_load_idx %gather3A_855[%add3A_851, %and3A_811] : memref<64x128xf32, #tpu.memory_space<vmem>>[vector<16xi32>, vector<16xi32>], vector<16xf32>,
          %swap3A_857 = arith.index_cast %sub3A_812 : i32 to index
          %swap3A_858 = arith.constant 48 : index
          %swap3A_859 = tpu.vector_load %arg11[%swap3A_857, %swap3A_858] {strides = array<i32>} : memref<128x64xf32, #tpu.memory_space<vmem>>, vector<16xf32>,
          tpu.vector_store %arg11[%swap3A_857, %swap3A_858], %gather3A_856 {strides = array<i32>} : memref<128x64xf32, #tpu.memory_space<vmem>>, vector<16xf32>,
          scf.yield %cond3A_804 : i32
        }
        %while3A_794 = arith.constant 1 : i32
        %while3A_795 = scf.for %while3A_796 = %while3A_791 to %while3A_787 step %while3A_794 iter_args(%while3A_797 = %while3A_793) -> (i32)  : i32 {
          %add3A_798 = arith.addi %squeeze3A_783, %while3A_796 : i32
          %sub3A_799 = arith.subi %add3A_798, %while3A_797 : i32
          %ge3A = arith.constant 128 : i32
          %ge3A_800 = arith.cmpi sge, %sub3A_799, %ge3A : i32
          %convert_element_type3A_801 = arith.extui %ge3A_800 : i1 to i32
          %cond3A_802 = arith.constant 0 : i32
          %cond3A_803 = arith.cmpi ne, %convert_element_type3A_801, %cond3A_802 : i32
          %cond3A_804 = scf.if %cond3A_803 -> (i32) {
            %while3A_860 = arith.constant 0 : i32
            %while3A_861 = arith.constant 0 : i32
            %while3A_862 = arith.constant 128 : i32
            %while3A_863 = arith.subi %while3A_862, %while3A_861 : i32
            %while3A_864 = arith.addi %while3A_861, %while3A_863 : i32
            %while3A_865 = arith.constant 1 : i32
            %while3A_866 = arith.divsi %while3A_863, %while3A_865 : i32
            %while3A_867 = arith.muli %while3A_866, %while3A_865 : i32
            %while3A_868 = arith.addi %while3A_861, %while3A_867 : i32
            %while3A_869 = arith.constant 1 : i32
            scf.for %while3A_884 = %while3A_861 to %while3A_868 step %while3A_869  : i32 {
              %add3A_885 = arith.addi %while3A_797, %while3A_884 : i32
              %broadcast_in_dim3A_886 = vector.broadcast %add3A_885 : i32 to vector<16xi32>
              %gather3A_887 = tpu.vector_load_idx %arg6[%broadcast_in_dim3A_886] : memref<16384xi32, #tpu.memory_space<vmem>>[vector<16xi32>], vector<16xi32>,
              %slice3A_888 = vector.extract_strided_slice %gather3A_887 {offsets = [0], sizes = [1], strides = [1]} : vector<16xi32> to vector<1xi32>
              %squeeze3A_889 = vector.extract %slice3A_888[0] : i32 from vector<1xi32>
              %and3A_890 = arith.constant 16383 : i32
              %and3A_891 = arith.andi %squeeze3A_889, %and3A_890 : i32
              %dma_start3A = arith.constant 0 : i32
              %dma_start3A_892 = tpu.memref_slice %arg11[%while3A_884, %dma_start3A] : memref<128x64xf32, #tpu.memory_space<vmem>> -> memref<1x64xf32, #tpu.memory_space<vmem>>
              %dma_start3A_893 = arith.constant 0 : i32
              %dma_start3A_894 = tpu.memref_slice %arg4[%and3A_891, %dma_start3A_893] : memref<16384x64xf32, #tpu.memory_space<hbm>> -> memref<1x64xf32, #tpu.memory_space<hbm>>
              %dma_start3A_895 = arith.constant 0 : i32
              %dma_start3A_896 = tpu.memref_slice %arg4[%and3A_891, %dma_start3A_895] : memref<16384x64xf32, #tpu.memory_space<hbm>> -> memref<1x64xf32, #tpu.memory_space<hbm>>
              %dma_start3A_897 = arith.constant 0 : i32
              %dma_start3A_898 = tpu.memref_slice %arg11[%while3A_884, %dma_start3A_897] : memref<128x64xf32, #tpu.memory_space<vmem>> -> memref<1x64xf32, #tpu.memory_space<vmem>>
              tpu.enqueue_dma source(%dma_start3A_898 : memref<1x64xf32, #tpu.memory_space<vmem>>) target(%dma_start3A_896 : memref<1x64xf32, #tpu.memory_space<hbm>>) target_semaphore(%arg21 : memref<!tpu.dma_semaphore, #tpu.memory_space<semaphore_mem>>)
            }
            %while3A_870 = arith.constant 1 : i32
            scf.for %while3A_884 = %while3A_868 to %while3A_864 step %while3A_870  : i32 {
              %add3A_885 = arith.addi %while3A_797, %while3A_884 : i32
              %broadcast_in_dim3A_886 = vector.broadcast %add3A_885 : i32 to vector<16xi32>
              %gather3A_887 = tpu.vector_load_idx %arg6[%broadcast_in_dim3A_886] : memref<16384xi32, #tpu.memory_space<vmem>>[vector<16xi32>], vector<16xi32>,
              %slice3A_888 = vector.extract_strided_slice %gather3A_887 {offsets = [0], sizes = [1], strides = [1]} : vector<16xi32> to vector<1xi32>
              %squeeze3A_889 = vector.extract %slice3A_888[0] : i32 from vector<1xi32>
              %and3A_890 = arith.constant 16383 : i32
              %and3A_891 = arith.andi %squeeze3A_889, %and3A_890 : i32
              %dma_start3A = arith.constant 0 : i32
              %dma_start3A_892 = tpu.memref_slice %arg11[%while3A_884, %dma_start3A] : memref<128x64xf32, #tpu.memory_space<vmem>> -> memref<1x64xf32, #tpu.memory_space<vmem>>
              %dma_start3A_893 = arith.constant 0 : i32
              %dma_start3A_894 = tpu.memref_slice %arg4[%and3A_891, %dma_start3A_893] : memref<16384x64xf32, #tpu.memory_space<hbm>> -> memref<1x64xf32, #tpu.memory_space<hbm>>
              %dma_start3A_895 = arith.constant 0 : i32
              %dma_start3A_896 = tpu.memref_slice %arg4[%and3A_891, %dma_start3A_895] : memref<16384x64xf32, #tpu.memory_space<hbm>> -> memref<1x64xf32, #tpu.memory_space<hbm>>
              %dma_start3A_897 = arith.constant 0 : i32
              %dma_start3A_898 = tpu.memref_slice %arg11[%while3A_884, %dma_start3A_897] : memref<128x64xf32, #tpu.memory_space<vmem>> -> memref<1x64xf32, #tpu.memory_space<vmem>>
              tpu.enqueue_dma source(%dma_start3A_898 : memref<1x64xf32, #tpu.memory_space<vmem>>) target(%dma_start3A_896 : memref<1x64xf32, #tpu.memory_space<hbm>>) target_semaphore(%arg21 : memref<!tpu.dma_semaphore, #tpu.memory_space<semaphore_mem>>)
            }
            %while3A_871 = arith.constant 0 : i32
            %while3A_872 = arith.constant 0 : i32
            %while3A_873 = arith.constant 128 : i32
            %while3A_874 = arith.subi %while3A_873, %while3A_872 : i32
            %while3A_875 = arith.addi %while3A_872, %while3A_874 : i32
            %while3A_876 = arith.constant 1 : i32
            %while3A_877 = arith.divsi %while3A_874, %while3A_876 : i32
            %while3A_878 = arith.muli %while3A_877, %while3A_876 : i32
            %while3A_879 = arith.addi %while3A_872, %while3A_878 : i32
            %while3A_880 = arith.constant 1 : i32
            scf.for %while3A_884 = %while3A_872 to %while3A_879 step %while3A_880  : i32 {
              %dma_wait3A_885 = arith.constant 0 : i32
              %dma_wait3A_886 = arith.constant 0 : i32
              %dma_wait3A_887 = tpu.memref_slice %arg11[%dma_wait3A_885, %dma_wait3A_886] : memref<128x64xf32, #tpu.memory_space<vmem>> -> memref<1x64xf32, #tpu.memory_space<vmem>>
              %dma_wait3A_888 = arith.constant 0 : i32
              %dma_wait3A_889 = arith.constant 0 : i32
              %dma_wait3A_890 = tpu.memref_slice %arg4[%dma_wait3A_888, %dma_wait3A_889] : memref<16384x64xf32, #tpu.memory_space<hbm>> -> memref<1x64xf32, #tpu.memory_space<hbm>>
              %dma_wait3A_891 = arith.constant 0 : i32
              %dma_wait3A_892 = arith.constant 0 : i32
              %dma_wait3A_893 = tpu.memref_slice %arg11[%dma_wait3A_891, %dma_wait3A_892] : memref<128x64xf32, #tpu.memory_space<vmem>> -> memref<1x64xf32, #tpu.memory_space<vmem>>
              %dma_wait3A_894 = arith.constant 0 : i32
              %dma_wait3A_895 = arith.constant 0 : i32
              %dma_wait3A_896 = tpu.memref_slice %arg4[%dma_wait3A_894, %dma_wait3A_895] : memref<16384x64xf32, #tpu.memory_space<hbm>> -> memref<1x64xf32, #tpu.memory_space<hbm>>
              tpu.wait_dma2 semaphore(%arg21 : memref<!tpu.dma_semaphore, #tpu.memory_space<semaphore_mem>>) src(%dma_wait3A_896 : memref<1x64xf32, #tpu.memory_space<hbm>>) dst(%dma_wait3A_893 : memref<1x64xf32, #tpu.memory_space<vmem>>)
            }
            %while3A_881 = arith.constant 1 : i32
            scf.for %while3A_884 = %while3A_879 to %while3A_875 step %while3A_881  : i32 {
              %dma_wait3A_885 = arith.constant 0 : i32
              %dma_wait3A_886 = arith.constant 0 : i32
              %dma_wait3A_887 = tpu.memref_slice %arg11[%dma_wait3A_885, %dma_wait3A_886] : memref<128x64xf32, #tpu.memory_space<vmem>> -> memref<1x64xf32, #tpu.memory_space<vmem>>
              %dma_wait3A_888 = arith.constant 0 : i32
              %dma_wait3A_889 = arith.constant 0 : i32
              %dma_wait3A_890 = tpu.memref_slice %arg4[%dma_wait3A_888, %dma_wait3A_889] : memref<16384x64xf32, #tpu.memory_space<hbm>> -> memref<1x64xf32, #tpu.memory_space<hbm>>
              %dma_wait3A_891 = arith.constant 0 : i32
              %dma_wait3A_892 = arith.constant 0 : i32
              %dma_wait3A_893 = tpu.memref_slice %arg11[%dma_wait3A_891, %dma_wait3A_892] : memref<128x64xf32, #tpu.memory_space<vmem>> -> memref<1x64xf32, #tpu.memory_space<vmem>>
              %dma_wait3A_894 = arith.constant 0 : i32
              %dma_wait3A_895 = arith.constant 0 : i32
              %dma_wait3A_896 = tpu.memref_slice %arg4[%dma_wait3A_894, %dma_wait3A_895] : memref<16384x64xf32, #tpu.memory_space<hbm>> -> memref<1x64xf32, #tpu.memory_space<hbm>>
              tpu.wait_dma2 semaphore(%arg21 : memref<!tpu.dma_semaphore, #tpu.memory_space<semaphore_mem>>) src(%dma_wait3A_896 : memref<1x64xf32, #tpu.memory_space<hbm>>) dst(%dma_wait3A_893 : memref<1x64xf32, #tpu.memory_space<vmem>>)
            }
            %add3A_882 = arith.constant 128 : i32
            %add3A_883 = arith.addi %while3A_797, %add3A_882 : i32
            scf.yield %add3A_883 : i32
          } else {
            scf.yield %while3A_797 : i32
          }
          %broadcast_in_dim3A_805 = vector.broadcast %add3A_798 : i32 to vector<16xi32>
          %gather3A_806 = tpu.vector_load_idx %arg6[%broadcast_in_dim3A_805] : memref<16384xi32, #tpu.memory_space<vmem>>[vector<16xi32>], vector<16xi32>,
          %shift_right_arithmetic3A = arith.constant 14 : i32
          %shift_right_arithmetic3A_807 = vector.broadcast %shift_right_arithmetic3A : i32 to vector<16xi32>
          %shift_right_arithmetic3A_808 = arith.shrsi %gather3A_806, %shift_right_arithmetic3A_807 : vector<16xi32>
          %and3A_809 = arith.constant 127 : i32
          %and3A_810 = vector.broadcast %and3A_809 : i32 to vector<16xi32>
          %and3A_811 = arith.andi %shift_right_arithmetic3A_808, %and3A_810 : vector<16xi32>
          %sub3A_812 = arith.subi %add3A_798, %cond3A_804 : i32
          %iota3A = tpu.iota {dimensions = array<i32: 0>} : vector<16xi32>
          %add3A_813 = arith.constant 0 : i32
          %add3A_814 = vector.broadcast %add3A_813 : i32 to vector<16xi32>
          %add3A_815 = arith.addi %iota3A, %add3A_814 : vector<16xi32>
          %gather3A_816 = arith.constant 0 : i32
          %gather3A_817 = arith.constant 0 : i32
          %gather3A_818 = tpu.memref_slice %arg10[%while3A_784, %gather3A_816, %gather3A_817] : memref<9x64x128xf32, #tpu.memory_space<vmem>> -> memref<1x64x128xf32, #tpu.memory_space<vmem>>
          %gather3A_819 = tpu.memref_squeeze %gather3A_818 : memref<1x64x128xf32, #tpu.memory_space<vmem>> -> memref<64x128xf32, #tpu.memory_space<vmem>>
          %gather3A_820 = tpu.vector_load_idx %gather3A_819[%add3A_815, %and3A_811] : memref<64x128xf32, #tpu.memory_space<vmem>>[vector<16xi32>, vector<16xi32>], vector<16xf32>,
          %swap3A_821 = arith.index_cast %sub3A_812 : i32 to index
          %swap3A_822 = arith.constant 0 : index
          %swap3A_823 = tpu.vector_load %arg11[%swap3A_821, %swap3A_822] {strides = array<i32>} : memref<128x64xf32, #tpu.memory_space<vmem>>, vector<16xf32>,
          tpu.vector_store %arg11[%swap3A_821, %swap3A_822], %gather3A_820 {strides = array<i32>} : memref<128x64xf32, #tpu.memory_space<vmem>>, vector<16xf32>,
          %iota3A_824 = tpu.iota {dimensions = array<i32: 0>} : vector<16xi32>
          %add3A_825 = arith.constant 16 : i32
          %add3A_826 = vector.broadcast %add3A_825 : i32 to vector<16xi32>
          %add3A_827 = arith.addi %iota3A_824, %add3A_826 : vector<16xi32>
          %gather3A_828 = arith.constant 0 : i32
          %gather3A_829 = arith.constant 0 : i32
          %gather3A_830 = tpu.memref_slice %arg10[%while3A_784, %gather3A_828, %gather3A_829] : memref<9x64x128xf32, #tpu.memory_space<vmem>> -> memref<1x64x128xf32, #tpu.memory_space<vmem>>
          %gather3A_831 = tpu.memref_squeeze %gather3A_830 : memref<1x64x128xf32, #tpu.memory_space<vmem>> -> memref<64x128xf32, #tpu.memory_space<vmem>>
          %gather3A_832 = tpu.vector_load_idx %gather3A_831[%add3A_827, %and3A_811] : memref<64x128xf32, #tpu.memory_space<vmem>>[vector<16xi32>, vector<16xi32>], vector<16xf32>,
          %swap3A_833 = arith.index_cast %sub3A_812 : i32 to index
          %swap3A_834 = arith.constant 16 : index
          %swap3A_835 = tpu.vector_load %arg11[%swap3A_833, %swap3A_834] {strides = array<i32>} : memref<128x64xf32, #tpu.memory_space<vmem>>, vector<16xf32>,
          tpu.vector_store %arg11[%swap3A_833, %swap3A_834], %gather3A_832 {strides = array<i32>} : memref<128x64xf32, #tpu.memory_space<vmem>>, vector<16xf32>,
          %iota3A_836 = tpu.iota {dimensions = array<i32: 0>} : vector<16xi32>
          %add3A_837 = arith.constant 32 : i32
          %add3A_838 = vector.broadcast %add3A_837 : i32 to vector<16xi32>
          %add3A_839 = arith.addi %iota3A_836, %add3A_838 : vector<16xi32>
          %gather3A_840 = arith.constant 0 : i32
          %gather3A_841 = arith.constant 0 : i32
          %gather3A_842 = tpu.memref_slice %arg10[%while3A_784, %gather3A_840, %gather3A_841] : memref<9x64x128xf32, #tpu.memory_space<vmem>> -> memref<1x64x128xf32, #tpu.memory_space<vmem>>
          %gather3A_843 = tpu.memref_squeeze %gather3A_842 : memref<1x64x128xf32, #tpu.memory_space<vmem>> -> memref<64x128xf32, #tpu.memory_space<vmem>>
          %gather3A_844 = tpu.vector_load_idx %gather3A_843[%add3A_839, %and3A_811] : memref<64x128xf32, #tpu.memory_space<vmem>>[vector<16xi32>, vector<16xi32>], vector<16xf32>,
          %swap3A_845 = arith.index_cast %sub3A_812 : i32 to index
          %swap3A_846 = arith.constant 32 : index
          %swap3A_847 = tpu.vector_load %arg11[%swap3A_845, %swap3A_846] {strides = array<i32>} : memref<128x64xf32, #tpu.memory_space<vmem>>, vector<16xf32>,
          tpu.vector_store %arg11[%swap3A_845, %swap3A_846], %gather3A_844 {strides = array<i32>} : memref<128x64xf32, #tpu.memory_space<vmem>>, vector<16xf32>,
          %iota3A_848 = tpu.iota {dimensions = array<i32: 0>} : vector<16xi32>
          %add3A_849 = arith.constant 48 : i32
          %add3A_850 = vector.broadcast %add3A_849 : i32 to vector<16xi32>
          %add3A_851 = arith.addi %iota3A_848, %add3A_850 : vector<16xi32>
          %gather3A_852 = arith.constant 0 : i32
          %gather3A_853 = arith.constant 0 : i32
          %gather3A_854 = tpu.memref_slice %arg10[%while3A_784, %gather3A_852, %gather3A_853] : memref<9x64x128xf32, #tpu.memory_space<vmem>> -> memref<1x64x128xf32, #tpu.memory_space<vmem>>
          %gather3A_855 = tpu.memref_squeeze %gather3A_854 : memref<1x64x128xf32, #tpu.memory_space<vmem>> -> memref<64x128xf32, #tpu.memory_space<vmem>>
          %gather3A_856 = tpu.vector_load_idx %gather3A_855[%add3A_851, %and3A_811] : memref<64x128xf32, #tpu.memory_space<vmem>>[vector<16xi32>, vector<16xi32>], vector<16xf32>,
          %swap3A_857 = arith.index_cast %sub3A_812 : i32 to index
          %swap3A_858 = arith.constant 48 : index
          %swap3A_859 = tpu.vector_load %arg11[%swap3A_857, %swap3A_858] {strides = array<i32>} : memref<128x64xf32, #tpu.memory_space<vmem>>, vector<16xf32>,
          tpu.vector_store %arg11[%swap3A_857, %swap3A_858], %gather3A_856 {strides = array<i32>} : memref<128x64xf32, #tpu.memory_space<vmem>>, vector<16xf32>,
          scf.yield %cond3A_804 : i32
        }
        scf.yield %while3A_795 : i32
      } else {
        scf.yield %cond3A_651 : i32
      }
      %mul3A_685 = arith.constant 9 : i32
      %mul3A_686 = arith.muli %scan3A_467, %mul3A_685 : i32
      %add3A_687 = arith.constant 6 : i32
      %add3A_688 = arith.addi %mul3A_686, %add3A_687 : i32
      %broadcast_in_dim3A_689 = vector.broadcast %add3A_688 : i32 to vector<16xi32>
      %gather3A_690 = tpu.vector_load_idx %arg7[%broadcast_in_dim3A_689] : memref<256xi32, #tpu.memory_space<vmem>>[vector<16xi32>], vector<16xi32>,
      %slice3A_691 = vector.extract_strided_slice %gather3A_690 {offsets = [0], sizes = [1], strides = [1]} : vector<16xi32> to vector<1xi32>
      %squeeze3A_692 = vector.extract %slice3A_691[0] : i32 from vector<1xi32>
      %lt3A_693 = arith.cmpi slt, %add3A_688, %min3A_6 : i32
      %gt3A_694 = arith.constant 0 : i32
      %gt3A_695 = arith.cmpi sgt, %squeeze3A_692, %gt3A_694 : i32
      %and3A_696 = arith.andi %lt3A_693, %gt3A_695 : i1
      %convert_element_type3A_697 = arith.extui %and3A_696 : i1 to i32
      %cond3A_698 = arith.constant 0 : i32
      %cond3A_699 = arith.cmpi ne, %convert_element_type3A_697, %cond3A_698 : i32
      scf.if %cond3A_699 {
        %add3A_766 = arith.addi %add3A_4, %add3A_688 : i32
        %mul3A_767 = arith.constant 128 : i32
        %mul3A_768 = arith.muli %add3A_766, %mul3A_767 : i32
        %multiple_of3A = tpu.assume_multiple %mul3A_768, 128 : i32
        %dma_start3A = arith.constant 6 : i32
        %dma_start3A_769 = arith.constant 0 : i32
        %dma_start3A_770 = arith.constant 0 : i32
        %dma_start3A_771 = tpu.memref_slice %arg10[%dma_start3A, %dma_start3A_769, %dma_start3A_770] : memref<9x64x128xf32, #tpu.memory_space<vmem>> -> memref<1x64x128xf32, #tpu.memory_space<vmem>>
        %dma_start3A_772 = tpu.memref_squeeze %dma_start3A_771 : memref<1x64x128xf32, #tpu.memory_space<vmem>> -> memref<64x128xf32, #tpu.memory_space<vmem>>
        %dma_start3A_773 = arith.constant 0 : i32
        %dma_start3A_774 = tpu.memref_slice %arg2[%dma_start3A_773, %multiple_of3A] : memref<64x1077001xf32, #tpu.memory_space<hbm>> -> memref<64x128xf32, #tpu.memory_space<hbm>>
        %dma_start3A_775 = arith.constant 0 : i32
        %dma_start3A_776 = arith.constant 0 : i32
        %dma_start3A_777 = tpu.memref_slice %arg10[%dma_start3A, %dma_start3A_775, %dma_start3A_776] : memref<9x64x128xf32, #tpu.memory_space<vmem>> -> memref<1x64x128xf32, #tpu.memory_space<vmem>>
        %dma_start3A_778 = tpu.memref_squeeze %dma_start3A_777 : memref<1x64x128xf32, #tpu.memory_space<vmem>> -> memref<64x128xf32, #tpu.memory_space<vmem>>
        %dma_start3A_779 = arith.constant 0 : i32
        %dma_start3A_780 = tpu.memref_slice %arg2[%dma_start3A_779, %multiple_of3A] : memref<64x1077001xf32, #tpu.memory_space<hbm>> -> memref<64x128xf32, #tpu.memory_space<hbm>>
        tpu.enqueue_dma source(%dma_start3A_780 : memref<64x128xf32, #tpu.memory_space<hbm>>) target(%dma_start3A_778 : memref<64x128xf32, #tpu.memory_space<vmem>>) target_semaphore(%arg18 : memref<!tpu.dma_semaphore, #tpu.memory_space<semaphore_mem>>)
      } else {
      }
      %sub3A_700 = arith.constant 1 : i32
      %sub3A_701 = arith.subi %scan3A_467, %sub3A_700 : i32
      %mul3A_702 = arith.constant 9 : i32
      %mul3A_703 = arith.muli %sub3A_701, %mul3A_702 : i32
      %add3A_704 = arith.constant 7 : i32
      %add3A_705 = arith.addi %mul3A_703, %add3A_704 : i32
      %broadcast_in_dim3A_706 = vector.broadcast %add3A_705 : i32 to vector<16xi32>
      %gather3A_707 = tpu.vector_load_idx %arg7[%broadcast_in_dim3A_706] : memref<256xi32, #tpu.memory_space<vmem>>[vector<16xi32>], vector<16xi32>,
      %slice3A_708 = vector.extract_strided_slice %gather3A_707 {offsets = [0], sizes = [1], strides = [1]} : vector<16xi32> to vector<1xi32>
      %squeeze3A_709 = vector.extract %slice3A_708[0] : i32 from vector<1xi32>
      %lt3A_710 = arith.cmpi slt, %add3A_705, %min3A_6 : i32
      %gt3A_711 = arith.constant 0 : i32
      %gt3A_712 = arith.cmpi sgt, %squeeze3A_709, %gt3A_711 : i32
      %and3A_713 = arith.andi %lt3A_710, %gt3A_712 : i1
      %convert_element_type3A_714 = arith.extui %and3A_713 : i1 to i32
      %cond3A_715 = arith.constant 0 : i32
      %cond3A_716 = arith.cmpi ne, %convert_element_type3A_714, %cond3A_715 : i32
      %cond3A_717 = scf.if %cond3A_716 -> (i32) {
        %dma_wait3A = arith.constant 7 : i32
        %dma_wait3A_766 = arith.constant 0 : i32
        %dma_wait3A_767 = arith.constant 0 : i32
        %dma_wait3A_768 = tpu.memref_slice %arg10[%dma_wait3A, %dma_wait3A_766, %dma_wait3A_767] : memref<9x64x128xf32, #tpu.memory_space<vmem>> -> memref<1x64x128xf32, #tpu.memory_space<vmem>>
        %dma_wait3A_769 = tpu.memref_squeeze %dma_wait3A_768 : memref<1x64x128xf32, #tpu.memory_space<vmem>> -> memref<64x128xf32, #tpu.memory_space<vmem>>
        %dma_wait3A_770 = arith.constant 0 : i32
        %dma_wait3A_771 = arith.constant 0 : i32
        %dma_wait3A_772 = tpu.memref_slice %arg2[%dma_wait3A_770, %dma_wait3A_771] : memref<64x1077001xf32, #tpu.memory_space<hbm>> -> memref<64x128xf32, #tpu.memory_space<hbm>>
        %dma_wait3A_773 = arith.constant 0 : i32
        %dma_wait3A_774 = arith.constant 0 : i32
        %dma_wait3A_775 = tpu.memref_slice %arg10[%dma_wait3A, %dma_wait3A_773, %dma_wait3A_774] : memref<9x64x128xf32, #tpu.memory_space<vmem>> -> memref<1x64x128xf32, #tpu.memory_space<vmem>>
        %dma_wait3A_776 = tpu.memref_squeeze %dma_wait3A_775 : memref<1x64x128xf32, #tpu.memory_space<vmem>> -> memref<64x128xf32, #tpu.memory_space<vmem>>
        %dma_wait3A_777 = arith.constant 0 : i32
        %dma_wait3A_778 = arith.constant 0 : i32
        %dma_wait3A_779 = tpu.memref_slice %arg2[%dma_wait3A_777, %dma_wait3A_778] : memref<64x1077001xf32, #tpu.memory_space<hbm>> -> memref<64x128xf32, #tpu.memory_space<hbm>>
        tpu.wait_dma2 semaphore(%arg19 : memref<!tpu.dma_semaphore, #tpu.memory_space<semaphore_mem>>) src(%dma_wait3A_779 : memref<64x128xf32, #tpu.memory_space<hbm>>) dst(%dma_wait3A_776 : memref<64x128xf32, #tpu.memory_space<vmem>>)
        %broadcast_in_dim3A_780 = vector.broadcast %add3A_705 : i32 to vector<16xi32>
        %gather3A_781 = tpu.vector_load_idx %arg8[%broadcast_in_dim3A_780] : memref<256xi32, #tpu.memory_space<vmem>>[vector<16xi32>], vector<16xi32>,
        %slice3A_782 = vector.extract_strided_slice %gather3A_781 {offsets = [0], sizes = [1], strides = [1]} : vector<16xi32> to vector<1xi32>
        %squeeze3A_783 = vector.extract %slice3A_782[0] : i32 from vector<1xi32>
        %while3A_784 = arith.constant 7 : i32
        %while3A_785 = arith.constant 0 : i32
        %while3A_786 = arith.subi %squeeze3A_709, %while3A_785 : i32
        %while3A_787 = arith.addi %while3A_785, %while3A_786 : i32
        %while3A_788 = arith.constant 1 : i32
        %while3A_789 = arith.divsi %while3A_786, %while3A_788 : i32
        %while3A_790 = arith.muli %while3A_789, %while3A_788 : i32
        %while3A_791 = arith.addi %while3A_785, %while3A_790 : i32
        %while3A_792 = arith.constant 1 : i32
        %while3A_793 = scf.for %while3A_796 = %while3A_785 to %while3A_791 step %while3A_792 iter_args(%while3A_797 = %cond3A_684) -> (i32)  : i32 {
          %add3A_798 = arith.addi %squeeze3A_783, %while3A_796 : i32
          %sub3A_799 = arith.subi %add3A_798, %while3A_797 : i32
          %ge3A = arith.constant 128 : i32
          %ge3A_800 = arith.cmpi sge, %sub3A_799, %ge3A : i32
          %convert_element_type3A_801 = arith.extui %ge3A_800 : i1 to i32
          %cond3A_802 = arith.constant 0 : i32
          %cond3A_803 = arith.cmpi ne, %convert_element_type3A_801, %cond3A_802 : i32
          %cond3A_804 = scf.if %cond3A_803 -> (i32) {
            %while3A_860 = arith.constant 0 : i32
            %while3A_861 = arith.constant 0 : i32
            %while3A_862 = arith.constant 128 : i32
            %while3A_863 = arith.subi %while3A_862, %while3A_861 : i32
            %while3A_864 = arith.addi %while3A_861, %while3A_863 : i32
            %while3A_865 = arith.constant 1 : i32
            %while3A_866 = arith.divsi %while3A_863, %while3A_865 : i32
            %while3A_867 = arith.muli %while3A_866, %while3A_865 : i32
            %while3A_868 = arith.addi %while3A_861, %while3A_867 : i32
            %while3A_869 = arith.constant 1 : i32
            scf.for %while3A_884 = %while3A_861 to %while3A_868 step %while3A_869  : i32 {
              %add3A_885 = arith.addi %while3A_797, %while3A_884 : i32
              %broadcast_in_dim3A_886 = vector.broadcast %add3A_885 : i32 to vector<16xi32>
              %gather3A_887 = tpu.vector_load_idx %arg6[%broadcast_in_dim3A_886] : memref<16384xi32, #tpu.memory_space<vmem>>[vector<16xi32>], vector<16xi32>,
              %slice3A_888 = vector.extract_strided_slice %gather3A_887 {offsets = [0], sizes = [1], strides = [1]} : vector<16xi32> to vector<1xi32>
              %squeeze3A_889 = vector.extract %slice3A_888[0] : i32 from vector<1xi32>
              %and3A_890 = arith.constant 16383 : i32
              %and3A_891 = arith.andi %squeeze3A_889, %and3A_890 : i32
              %dma_start3A = arith.constant 0 : i32
              %dma_start3A_892 = tpu.memref_slice %arg11[%while3A_884, %dma_start3A] : memref<128x64xf32, #tpu.memory_space<vmem>> -> memref<1x64xf32, #tpu.memory_space<vmem>>
              %dma_start3A_893 = arith.constant 0 : i32
              %dma_start3A_894 = tpu.memref_slice %arg4[%and3A_891, %dma_start3A_893] : memref<16384x64xf32, #tpu.memory_space<hbm>> -> memref<1x64xf32, #tpu.memory_space<hbm>>
              %dma_start3A_895 = arith.constant 0 : i32
              %dma_start3A_896 = tpu.memref_slice %arg4[%and3A_891, %dma_start3A_895] : memref<16384x64xf32, #tpu.memory_space<hbm>> -> memref<1x64xf32, #tpu.memory_space<hbm>>
              %dma_start3A_897 = arith.constant 0 : i32
              %dma_start3A_898 = tpu.memref_slice %arg11[%while3A_884, %dma_start3A_897] : memref<128x64xf32, #tpu.memory_space<vmem>> -> memref<1x64xf32, #tpu.memory_space<vmem>>
              tpu.enqueue_dma source(%dma_start3A_898 : memref<1x64xf32, #tpu.memory_space<vmem>>) target(%dma_start3A_896 : memref<1x64xf32, #tpu.memory_space<hbm>>) target_semaphore(%arg21 : memref<!tpu.dma_semaphore, #tpu.memory_space<semaphore_mem>>)
            }
            %while3A_870 = arith.constant 1 : i32
            scf.for %while3A_884 = %while3A_868 to %while3A_864 step %while3A_870  : i32 {
              %add3A_885 = arith.addi %while3A_797, %while3A_884 : i32
              %broadcast_in_dim3A_886 = vector.broadcast %add3A_885 : i32 to vector<16xi32>
              %gather3A_887 = tpu.vector_load_idx %arg6[%broadcast_in_dim3A_886] : memref<16384xi32, #tpu.memory_space<vmem>>[vector<16xi32>], vector<16xi32>,
              %slice3A_888 = vector.extract_strided_slice %gather3A_887 {offsets = [0], sizes = [1], strides = [1]} : vector<16xi32> to vector<1xi32>
              %squeeze3A_889 = vector.extract %slice3A_888[0] : i32 from vector<1xi32>
              %and3A_890 = arith.constant 16383 : i32
              %and3A_891 = arith.andi %squeeze3A_889, %and3A_890 : i32
              %dma_start3A = arith.constant 0 : i32
              %dma_start3A_892 = tpu.memref_slice %arg11[%while3A_884, %dma_start3A] : memref<128x64xf32, #tpu.memory_space<vmem>> -> memref<1x64xf32, #tpu.memory_space<vmem>>
              %dma_start3A_893 = arith.constant 0 : i32
              %dma_start3A_894 = tpu.memref_slice %arg4[%and3A_891, %dma_start3A_893] : memref<16384x64xf32, #tpu.memory_space<hbm>> -> memref<1x64xf32, #tpu.memory_space<hbm>>
              %dma_start3A_895 = arith.constant 0 : i32
              %dma_start3A_896 = tpu.memref_slice %arg4[%and3A_891, %dma_start3A_895] : memref<16384x64xf32, #tpu.memory_space<hbm>> -> memref<1x64xf32, #tpu.memory_space<hbm>>
              %dma_start3A_897 = arith.constant 0 : i32
              %dma_start3A_898 = tpu.memref_slice %arg11[%while3A_884, %dma_start3A_897] : memref<128x64xf32, #tpu.memory_space<vmem>> -> memref<1x64xf32, #tpu.memory_space<vmem>>
              tpu.enqueue_dma source(%dma_start3A_898 : memref<1x64xf32, #tpu.memory_space<vmem>>) target(%dma_start3A_896 : memref<1x64xf32, #tpu.memory_space<hbm>>) target_semaphore(%arg21 : memref<!tpu.dma_semaphore, #tpu.memory_space<semaphore_mem>>)
            }
            %while3A_871 = arith.constant 0 : i32
            %while3A_872 = arith.constant 0 : i32
            %while3A_873 = arith.constant 128 : i32
            %while3A_874 = arith.subi %while3A_873, %while3A_872 : i32
            %while3A_875 = arith.addi %while3A_872, %while3A_874 : i32
            %while3A_876 = arith.constant 1 : i32
            %while3A_877 = arith.divsi %while3A_874, %while3A_876 : i32
            %while3A_878 = arith.muli %while3A_877, %while3A_876 : i32
            %while3A_879 = arith.addi %while3A_872, %while3A_878 : i32
            %while3A_880 = arith.constant 1 : i32
            scf.for %while3A_884 = %while3A_872 to %while3A_879 step %while3A_880  : i32 {
              %dma_wait3A_885 = arith.constant 0 : i32
              %dma_wait3A_886 = arith.constant 0 : i32
              %dma_wait3A_887 = tpu.memref_slice %arg11[%dma_wait3A_885, %dma_wait3A_886] : memref<128x64xf32, #tpu.memory_space<vmem>> -> memref<1x64xf32, #tpu.memory_space<vmem>>
              %dma_wait3A_888 = arith.constant 0 : i32
              %dma_wait3A_889 = arith.constant 0 : i32
              %dma_wait3A_890 = tpu.memref_slice %arg4[%dma_wait3A_888, %dma_wait3A_889] : memref<16384x64xf32, #tpu.memory_space<hbm>> -> memref<1x64xf32, #tpu.memory_space<hbm>>
              %dma_wait3A_891 = arith.constant 0 : i32
              %dma_wait3A_892 = arith.constant 0 : i32
              %dma_wait3A_893 = tpu.memref_slice %arg11[%dma_wait3A_891, %dma_wait3A_892] : memref<128x64xf32, #tpu.memory_space<vmem>> -> memref<1x64xf32, #tpu.memory_space<vmem>>
              %dma_wait3A_894 = arith.constant 0 : i32
              %dma_wait3A_895 = arith.constant 0 : i32
              %dma_wait3A_896 = tpu.memref_slice %arg4[%dma_wait3A_894, %dma_wait3A_895] : memref<16384x64xf32, #tpu.memory_space<hbm>> -> memref<1x64xf32, #tpu.memory_space<hbm>>
              tpu.wait_dma2 semaphore(%arg21 : memref<!tpu.dma_semaphore, #tpu.memory_space<semaphore_mem>>) src(%dma_wait3A_896 : memref<1x64xf32, #tpu.memory_space<hbm>>) dst(%dma_wait3A_893 : memref<1x64xf32, #tpu.memory_space<vmem>>)
            }
            %while3A_881 = arith.constant 1 : i32
            scf.for %while3A_884 = %while3A_879 to %while3A_875 step %while3A_881  : i32 {
              %dma_wait3A_885 = arith.constant 0 : i32
              %dma_wait3A_886 = arith.constant 0 : i32
              %dma_wait3A_887 = tpu.memref_slice %arg11[%dma_wait3A_885, %dma_wait3A_886] : memref<128x64xf32, #tpu.memory_space<vmem>> -> memref<1x64xf32, #tpu.memory_space<vmem>>
              %dma_wait3A_888 = arith.constant 0 : i32
              %dma_wait3A_889 = arith.constant 0 : i32
              %dma_wait3A_890 = tpu.memref_slice %arg4[%dma_wait3A_888, %dma_wait3A_889] : memref<16384x64xf32, #tpu.memory_space<hbm>> -> memref<1x64xf32, #tpu.memory_space<hbm>>
              %dma_wait3A_891 = arith.constant 0 : i32
              %dma_wait3A_892 = arith.constant 0 : i32
              %dma_wait3A_893 = tpu.memref_slice %arg11[%dma_wait3A_891, %dma_wait3A_892] : memref<128x64xf32, #tpu.memory_space<vmem>> -> memref<1x64xf32, #tpu.memory_space<vmem>>
              %dma_wait3A_894 = arith.constant 0 : i32
              %dma_wait3A_895 = arith.constant 0 : i32
              %dma_wait3A_896 = tpu.memref_slice %arg4[%dma_wait3A_894, %dma_wait3A_895] : memref<16384x64xf32, #tpu.memory_space<hbm>> -> memref<1x64xf32, #tpu.memory_space<hbm>>
              tpu.wait_dma2 semaphore(%arg21 : memref<!tpu.dma_semaphore, #tpu.memory_space<semaphore_mem>>) src(%dma_wait3A_896 : memref<1x64xf32, #tpu.memory_space<hbm>>) dst(%dma_wait3A_893 : memref<1x64xf32, #tpu.memory_space<vmem>>)
            }
            %add3A_882 = arith.constant 128 : i32
            %add3A_883 = arith.addi %while3A_797, %add3A_882 : i32
            scf.yield %add3A_883 : i32
          } else {
            scf.yield %while3A_797 : i32
          }
          %broadcast_in_dim3A_805 = vector.broadcast %add3A_798 : i32 to vector<16xi32>
          %gather3A_806 = tpu.vector_load_idx %arg6[%broadcast_in_dim3A_805] : memref<16384xi32, #tpu.memory_space<vmem>>[vector<16xi32>], vector<16xi32>,
          %shift_right_arithmetic3A = arith.constant 14 : i32
          %shift_right_arithmetic3A_807 = vector.broadcast %shift_right_arithmetic3A : i32 to vector<16xi32>
          %shift_right_arithmetic3A_808 = arith.shrsi %gather3A_806, %shift_right_arithmetic3A_807 : vector<16xi32>
          %and3A_809 = arith.constant 127 : i32
          %and3A_810 = vector.broadcast %and3A_809 : i32 to vector<16xi32>
          %and3A_811 = arith.andi %shift_right_arithmetic3A_808, %and3A_810 : vector<16xi32>
          %sub3A_812 = arith.subi %add3A_798, %cond3A_804 : i32
          %iota3A = tpu.iota {dimensions = array<i32: 0>} : vector<16xi32>
          %add3A_813 = arith.constant 0 : i32
          %add3A_814 = vector.broadcast %add3A_813 : i32 to vector<16xi32>
          %add3A_815 = arith.addi %iota3A, %add3A_814 : vector<16xi32>
          %gather3A_816 = arith.constant 0 : i32
          %gather3A_817 = arith.constant 0 : i32
          %gather3A_818 = tpu.memref_slice %arg10[%while3A_784, %gather3A_816, %gather3A_817] : memref<9x64x128xf32, #tpu.memory_space<vmem>> -> memref<1x64x128xf32, #tpu.memory_space<vmem>>
          %gather3A_819 = tpu.memref_squeeze %gather3A_818 : memref<1x64x128xf32, #tpu.memory_space<vmem>> -> memref<64x128xf32, #tpu.memory_space<vmem>>
          %gather3A_820 = tpu.vector_load_idx %gather3A_819[%add3A_815, %and3A_811] : memref<64x128xf32, #tpu.memory_space<vmem>>[vector<16xi32>, vector<16xi32>], vector<16xf32>,
          %swap3A_821 = arith.index_cast %sub3A_812 : i32 to index
          %swap3A_822 = arith.constant 0 : index
          %swap3A_823 = tpu.vector_load %arg11[%swap3A_821, %swap3A_822] {strides = array<i32>} : memref<128x64xf32, #tpu.memory_space<vmem>>, vector<16xf32>,
          tpu.vector_store %arg11[%swap3A_821, %swap3A_822], %gather3A_820 {strides = array<i32>} : memref<128x64xf32, #tpu.memory_space<vmem>>, vector<16xf32>,
          %iota3A_824 = tpu.iota {dimensions = array<i32: 0>} : vector<16xi32>
          %add3A_825 = arith.constant 16 : i32
          %add3A_826 = vector.broadcast %add3A_825 : i32 to vector<16xi32>
          %add3A_827 = arith.addi %iota3A_824, %add3A_826 : vector<16xi32>
          %gather3A_828 = arith.constant 0 : i32
          %gather3A_829 = arith.constant 0 : i32
          %gather3A_830 = tpu.memref_slice %arg10[%while3A_784, %gather3A_828, %gather3A_829] : memref<9x64x128xf32, #tpu.memory_space<vmem>> -> memref<1x64x128xf32, #tpu.memory_space<vmem>>
          %gather3A_831 = tpu.memref_squeeze %gather3A_830 : memref<1x64x128xf32, #tpu.memory_space<vmem>> -> memref<64x128xf32, #tpu.memory_space<vmem>>
          %gather3A_832 = tpu.vector_load_idx %gather3A_831[%add3A_827, %and3A_811] : memref<64x128xf32, #tpu.memory_space<vmem>>[vector<16xi32>, vector<16xi32>], vector<16xf32>,
          %swap3A_833 = arith.index_cast %sub3A_812 : i32 to index
          %swap3A_834 = arith.constant 16 : index
          %swap3A_835 = tpu.vector_load %arg11[%swap3A_833, %swap3A_834] {strides = array<i32>} : memref<128x64xf32, #tpu.memory_space<vmem>>, vector<16xf32>,
          tpu.vector_store %arg11[%swap3A_833, %swap3A_834], %gather3A_832 {strides = array<i32>} : memref<128x64xf32, #tpu.memory_space<vmem>>, vector<16xf32>,
          %iota3A_836 = tpu.iota {dimensions = array<i32: 0>} : vector<16xi32>
          %add3A_837 = arith.constant 32 : i32
          %add3A_838 = vector.broadcast %add3A_837 : i32 to vector<16xi32>
          %add3A_839 = arith.addi %iota3A_836, %add3A_838 : vector<16xi32>
          %gather3A_840 = arith.constant 0 : i32
          %gather3A_841 = arith.constant 0 : i32
          %gather3A_842 = tpu.memref_slice %arg10[%while3A_784, %gather3A_840, %gather3A_841] : memref<9x64x128xf32, #tpu.memory_space<vmem>> -> memref<1x64x128xf32, #tpu.memory_space<vmem>>
          %gather3A_843 = tpu.memref_squeeze %gather3A_842 : memref<1x64x128xf32, #tpu.memory_space<vmem>> -> memref<64x128xf32, #tpu.memory_space<vmem>>
          %gather3A_844 = tpu.vector_load_idx %gather3A_843[%add3A_839, %and3A_811] : memref<64x128xf32, #tpu.memory_space<vmem>>[vector<16xi32>, vector<16xi32>], vector<16xf32>,
          %swap3A_845 = arith.index_cast %sub3A_812 : i32 to index
          %swap3A_846 = arith.constant 32 : index
          %swap3A_847 = tpu.vector_load %arg11[%swap3A_845, %swap3A_846] {strides = array<i32>} : memref<128x64xf32, #tpu.memory_space<vmem>>, vector<16xf32>,
          tpu.vector_store %arg11[%swap3A_845, %swap3A_846], %gather3A_844 {strides = array<i32>} : memref<128x64xf32, #tpu.memory_space<vmem>>, vector<16xf32>,
          %iota3A_848 = tpu.iota {dimensions = array<i32: 0>} : vector<16xi32>
          %add3A_849 = arith.constant 48 : i32
          %add3A_850 = vector.broadcast %add3A_849 : i32 to vector<16xi32>
          %add3A_851 = arith.addi %iota3A_848, %add3A_850 : vector<16xi32>
          %gather3A_852 = arith.constant 0 : i32
          %gather3A_853 = arith.constant 0 : i32
          %gather3A_854 = tpu.memref_slice %arg10[%while3A_784, %gather3A_852, %gather3A_853] : memref<9x64x128xf32, #tpu.memory_space<vmem>> -> memref<1x64x128xf32, #tpu.memory_space<vmem>>
          %gather3A_855 = tpu.memref_squeeze %gather3A_854 : memref<1x64x128xf32, #tpu.memory_space<vmem>> -> memref<64x128xf32, #tpu.memory_space<vmem>>
          %gather3A_856 = tpu.vector_load_idx %gather3A_855[%add3A_851, %and3A_811] : memref<64x128xf32, #tpu.memory_space<vmem>>[vector<16xi32>, vector<16xi32>], vector<16xf32>,
          %swap3A_857 = arith.index_cast %sub3A_812 : i32 to index
          %swap3A_858 = arith.constant 48 : index
          %swap3A_859 = tpu.vector_load %arg11[%swap3A_857, %swap3A_858] {strides = array<i32>} : memref<128x64xf32, #tpu.memory_space<vmem>>, vector<16xf32>,
          tpu.vector_store %arg11[%swap3A_857, %swap3A_858], %gather3A_856 {strides = array<i32>} : memref<128x64xf32, #tpu.memory_space<vmem>>, vector<16xf32>,
          scf.yield %cond3A_804 : i32
        }
        %while3A_794 = arith.constant 1 : i32
        %while3A_795 = scf.for %while3A_796 = %while3A_791 to %while3A_787 step %while3A_794 iter_args(%while3A_797 = %while3A_793) -> (i32)  : i32 {
          %add3A_798 = arith.addi %squeeze3A_783, %while3A_796 : i32
          %sub3A_799 = arith.subi %add3A_798, %while3A_797 : i32
          %ge3A = arith.constant 128 : i32
          %ge3A_800 = arith.cmpi sge, %sub3A_799, %ge3A : i32
          %convert_element_type3A_801 = arith.extui %ge3A_800 : i1 to i32
          %cond3A_802 = arith.constant 0 : i32
          %cond3A_803 = arith.cmpi ne, %convert_element_type3A_801, %cond3A_802 : i32
          %cond3A_804 = scf.if %cond3A_803 -> (i32) {
            %while3A_860 = arith.constant 0 : i32
            %while3A_861 = arith.constant 0 : i32
            %while3A_862 = arith.constant 128 : i32
            %while3A_863 = arith.subi %while3A_862, %while3A_861 : i32
            %while3A_864 = arith.addi %while3A_861, %while3A_863 : i32
            %while3A_865 = arith.constant 1 : i32
            %while3A_866 = arith.divsi %while3A_863, %while3A_865 : i32
            %while3A_867 = arith.muli %while3A_866, %while3A_865 : i32
            %while3A_868 = arith.addi %while3A_861, %while3A_867 : i32
            %while3A_869 = arith.constant 1 : i32
            scf.for %while3A_884 = %while3A_861 to %while3A_868 step %while3A_869  : i32 {
              %add3A_885 = arith.addi %while3A_797, %while3A_884 : i32
              %broadcast_in_dim3A_886 = vector.broadcast %add3A_885 : i32 to vector<16xi32>
              %gather3A_887 = tpu.vector_load_idx %arg6[%broadcast_in_dim3A_886] : memref<16384xi32, #tpu.memory_space<vmem>>[vector<16xi32>], vector<16xi32>,
              %slice3A_888 = vector.extract_strided_slice %gather3A_887 {offsets = [0], sizes = [1], strides = [1]} : vector<16xi32> to vector<1xi32>
              %squeeze3A_889 = vector.extract %slice3A_888[0] : i32 from vector<1xi32>
              %and3A_890 = arith.constant 16383 : i32
              %and3A_891 = arith.andi %squeeze3A_889, %and3A_890 : i32
              %dma_start3A = arith.constant 0 : i32
              %dma_start3A_892 = tpu.memref_slice %arg11[%while3A_884, %dma_start3A] : memref<128x64xf32, #tpu.memory_space<vmem>> -> memref<1x64xf32, #tpu.memory_space<vmem>>
              %dma_start3A_893 = arith.constant 0 : i32
              %dma_start3A_894 = tpu.memref_slice %arg4[%and3A_891, %dma_start3A_893] : memref<16384x64xf32, #tpu.memory_space<hbm>> -> memref<1x64xf32, #tpu.memory_space<hbm>>
              %dma_start3A_895 = arith.constant 0 : i32
              %dma_start3A_896 = tpu.memref_slice %arg4[%and3A_891, %dma_start3A_895] : memref<16384x64xf32, #tpu.memory_space<hbm>> -> memref<1x64xf32, #tpu.memory_space<hbm>>
              %dma_start3A_897 = arith.constant 0 : i32
              %dma_start3A_898 = tpu.memref_slice %arg11[%while3A_884, %dma_start3A_897] : memref<128x64xf32, #tpu.memory_space<vmem>> -> memref<1x64xf32, #tpu.memory_space<vmem>>
              tpu.enqueue_dma source(%dma_start3A_898 : memref<1x64xf32, #tpu.memory_space<vmem>>) target(%dma_start3A_896 : memref<1x64xf32, #tpu.memory_space<hbm>>) target_semaphore(%arg21 : memref<!tpu.dma_semaphore, #tpu.memory_space<semaphore_mem>>)
            }
            %while3A_870 = arith.constant 1 : i32
            scf.for %while3A_884 = %while3A_868 to %while3A_864 step %while3A_870  : i32 {
              %add3A_885 = arith.addi %while3A_797, %while3A_884 : i32
              %broadcast_in_dim3A_886 = vector.broadcast %add3A_885 : i32 to vector<16xi32>
              %gather3A_887 = tpu.vector_load_idx %arg6[%broadcast_in_dim3A_886] : memref<16384xi32, #tpu.memory_space<vmem>>[vector<16xi32>], vector<16xi32>,
              %slice3A_888 = vector.extract_strided_slice %gather3A_887 {offsets = [0], sizes = [1], strides = [1]} : vector<16xi32> to vector<1xi32>
              %squeeze3A_889 = vector.extract %slice3A_888[0] : i32 from vector<1xi32>
              %and3A_890 = arith.constant 16383 : i32
              %and3A_891 = arith.andi %squeeze3A_889, %and3A_890 : i32
              %dma_start3A = arith.constant 0 : i32
              %dma_start3A_892 = tpu.memref_slice %arg11[%while3A_884, %dma_start3A] : memref<128x64xf32, #tpu.memory_space<vmem>> -> memref<1x64xf32, #tpu.memory_space<vmem>>
              %dma_start3A_893 = arith.constant 0 : i32
              %dma_start3A_894 = tpu.memref_slice %arg4[%and3A_891, %dma_start3A_893] : memref<16384x64xf32, #tpu.memory_space<hbm>> -> memref<1x64xf32, #tpu.memory_space<hbm>>
              %dma_start3A_895 = arith.constant 0 : i32
              %dma_start3A_896 = tpu.memref_slice %arg4[%and3A_891, %dma_start3A_895] : memref<16384x64xf32, #tpu.memory_space<hbm>> -> memref<1x64xf32, #tpu.memory_space<hbm>>
              %dma_start3A_897 = arith.constant 0 : i32
              %dma_start3A_898 = tpu.memref_slice %arg11[%while3A_884, %dma_start3A_897] : memref<128x64xf32, #tpu.memory_space<vmem>> -> memref<1x64xf32, #tpu.memory_space<vmem>>
              tpu.enqueue_dma source(%dma_start3A_898 : memref<1x64xf32, #tpu.memory_space<vmem>>) target(%dma_start3A_896 : memref<1x64xf32, #tpu.memory_space<hbm>>) target_semaphore(%arg21 : memref<!tpu.dma_semaphore, #tpu.memory_space<semaphore_mem>>)
            }
            %while3A_871 = arith.constant 0 : i32
            %while3A_872 = arith.constant 0 : i32
            %while3A_873 = arith.constant 128 : i32
            %while3A_874 = arith.subi %while3A_873, %while3A_872 : i32
            %while3A_875 = arith.addi %while3A_872, %while3A_874 : i32
            %while3A_876 = arith.constant 1 : i32
            %while3A_877 = arith.divsi %while3A_874, %while3A_876 : i32
            %while3A_878 = arith.muli %while3A_877, %while3A_876 : i32
            %while3A_879 = arith.addi %while3A_872, %while3A_878 : i32
            %while3A_880 = arith.constant 1 : i32
            scf.for %while3A_884 = %while3A_872 to %while3A_879 step %while3A_880  : i32 {
              %dma_wait3A_885 = arith.constant 0 : i32
              %dma_wait3A_886 = arith.constant 0 : i32
              %dma_wait3A_887 = tpu.memref_slice %arg11[%dma_wait3A_885, %dma_wait3A_886] : memref<128x64xf32, #tpu.memory_space<vmem>> -> memref<1x64xf32, #tpu.memory_space<vmem>>
              %dma_wait3A_888 = arith.constant 0 : i32
              %dma_wait3A_889 = arith.constant 0 : i32
              %dma_wait3A_890 = tpu.memref_slice %arg4[%dma_wait3A_888, %dma_wait3A_889] : memref<16384x64xf32, #tpu.memory_space<hbm>> -> memref<1x64xf32, #tpu.memory_space<hbm>>
              %dma_wait3A_891 = arith.constant 0 : i32
              %dma_wait3A_892 = arith.constant 0 : i32
              %dma_wait3A_893 = tpu.memref_slice %arg11[%dma_wait3A_891, %dma_wait3A_892] : memref<128x64xf32, #tpu.memory_space<vmem>> -> memref<1x64xf32, #tpu.memory_space<vmem>>
              %dma_wait3A_894 = arith.constant 0 : i32
              %dma_wait3A_895 = arith.constant 0 : i32
              %dma_wait3A_896 = tpu.memref_slice %arg4[%dma_wait3A_894, %dma_wait3A_895] : memref<16384x64xf32, #tpu.memory_space<hbm>> -> memref<1x64xf32, #tpu.memory_space<hbm>>
              tpu.wait_dma2 semaphore(%arg21 : memref<!tpu.dma_semaphore, #tpu.memory_space<semaphore_mem>>) src(%dma_wait3A_896 : memref<1x64xf32, #tpu.memory_space<hbm>>) dst(%dma_wait3A_893 : memref<1x64xf32, #tpu.memory_space<vmem>>)
            }
            %while3A_881 = arith.constant 1 : i32
            scf.for %while3A_884 = %while3A_879 to %while3A_875 step %while3A_881  : i32 {
              %dma_wait3A_885 = arith.constant 0 : i32
              %dma_wait3A_886 = arith.constant 0 : i32
              %dma_wait3A_887 = tpu.memref_slice %arg11[%dma_wait3A_885, %dma_wait3A_886] : memref<128x64xf32, #tpu.memory_space<vmem>> -> memref<1x64xf32, #tpu.memory_space<vmem>>
              %dma_wait3A_888 = arith.constant 0 : i32
              %dma_wait3A_889 = arith.constant 0 : i32
              %dma_wait3A_890 = tpu.memref_slice %arg4[%dma_wait3A_888, %dma_wait3A_889] : memref<16384x64xf32, #tpu.memory_space<hbm>> -> memref<1x64xf32, #tpu.memory_space<hbm>>
              %dma_wait3A_891 = arith.constant 0 : i32
              %dma_wait3A_892 = arith.constant 0 : i32
              %dma_wait3A_893 = tpu.memref_slice %arg11[%dma_wait3A_891, %dma_wait3A_892] : memref<128x64xf32, #tpu.memory_space<vmem>> -> memref<1x64xf32, #tpu.memory_space<vmem>>
              %dma_wait3A_894 = arith.constant 0 : i32
              %dma_wait3A_895 = arith.constant 0 : i32
              %dma_wait3A_896 = tpu.memref_slice %arg4[%dma_wait3A_894, %dma_wait3A_895] : memref<16384x64xf32, #tpu.memory_space<hbm>> -> memref<1x64xf32, #tpu.memory_space<hbm>>
              tpu.wait_dma2 semaphore(%arg21 : memref<!tpu.dma_semaphore, #tpu.memory_space<semaphore_mem>>) src(%dma_wait3A_896 : memref<1x64xf32, #tpu.memory_space<hbm>>) dst(%dma_wait3A_893 : memref<1x64xf32, #tpu.memory_space<vmem>>)
            }
            %add3A_882 = arith.constant 128 : i32
            %add3A_883 = arith.addi %while3A_797, %add3A_882 : i32
            scf.yield %add3A_883 : i32
          } else {
            scf.yield %while3A_797 : i32
          }
          %broadcast_in_dim3A_805 = vector.broadcast %add3A_798 : i32 to vector<16xi32>
          %gather3A_806 = tpu.vector_load_idx %arg6[%broadcast_in_dim3A_805] : memref<16384xi32, #tpu.memory_space<vmem>>[vector<16xi32>], vector<16xi32>,
          %shift_right_arithmetic3A = arith.constant 14 : i32
          %shift_right_arithmetic3A_807 = vector.broadcast %shift_right_arithmetic3A : i32 to vector<16xi32>
          %shift_right_arithmetic3A_808 = arith.shrsi %gather3A_806, %shift_right_arithmetic3A_807 : vector<16xi32>
          %and3A_809 = arith.constant 127 : i32
          %and3A_810 = vector.broadcast %and3A_809 : i32 to vector<16xi32>
          %and3A_811 = arith.andi %shift_right_arithmetic3A_808, %and3A_810 : vector<16xi32>
          %sub3A_812 = arith.subi %add3A_798, %cond3A_804 : i32
          %iota3A = tpu.iota {dimensions = array<i32: 0>} : vector<16xi32>
          %add3A_813 = arith.constant 0 : i32
          %add3A_814 = vector.broadcast %add3A_813 : i32 to vector<16xi32>
          %add3A_815 = arith.addi %iota3A, %add3A_814 : vector<16xi32>
          %gather3A_816 = arith.constant 0 : i32
          %gather3A_817 = arith.constant 0 : i32
          %gather3A_818 = tpu.memref_slice %arg10[%while3A_784, %gather3A_816, %gather3A_817] : memref<9x64x128xf32, #tpu.memory_space<vmem>> -> memref<1x64x128xf32, #tpu.memory_space<vmem>>
          %gather3A_819 = tpu.memref_squeeze %gather3A_818 : memref<1x64x128xf32, #tpu.memory_space<vmem>> -> memref<64x128xf32, #tpu.memory_space<vmem>>
          %gather3A_820 = tpu.vector_load_idx %gather3A_819[%add3A_815, %and3A_811] : memref<64x128xf32, #tpu.memory_space<vmem>>[vector<16xi32>, vector<16xi32>], vector<16xf32>,
          %swap3A_821 = arith.index_cast %sub3A_812 : i32 to index
          %swap3A_822 = arith.constant 0 : index
          %swap3A_823 = tpu.vector_load %arg11[%swap3A_821, %swap3A_822] {strides = array<i32>} : memref<128x64xf32, #tpu.memory_space<vmem>>, vector<16xf32>,
          tpu.vector_store %arg11[%swap3A_821, %swap3A_822], %gather3A_820 {strides = array<i32>} : memref<128x64xf32, #tpu.memory_space<vmem>>, vector<16xf32>,
          %iota3A_824 = tpu.iota {dimensions = array<i32: 0>} : vector<16xi32>
          %add3A_825 = arith.constant 16 : i32
          %add3A_826 = vector.broadcast %add3A_825 : i32 to vector<16xi32>
          %add3A_827 = arith.addi %iota3A_824, %add3A_826 : vector<16xi32>
          %gather3A_828 = arith.constant 0 : i32
          %gather3A_829 = arith.constant 0 : i32
          %gather3A_830 = tpu.memref_slice %arg10[%while3A_784, %gather3A_828, %gather3A_829] : memref<9x64x128xf32, #tpu.memory_space<vmem>> -> memref<1x64x128xf32, #tpu.memory_space<vmem>>
          %gather3A_831 = tpu.memref_squeeze %gather3A_830 : memref<1x64x128xf32, #tpu.memory_space<vmem>> -> memref<64x128xf32, #tpu.memory_space<vmem>>
          %gather3A_832 = tpu.vector_load_idx %gather3A_831[%add3A_827, %and3A_811] : memref<64x128xf32, #tpu.memory_space<vmem>>[vector<16xi32>, vector<16xi32>], vector<16xf32>,
          %swap3A_833 = arith.index_cast %sub3A_812 : i32 to index
          %swap3A_834 = arith.constant 16 : index
          %swap3A_835 = tpu.vector_load %arg11[%swap3A_833, %swap3A_834] {strides = array<i32>} : memref<128x64xf32, #tpu.memory_space<vmem>>, vector<16xf32>,
          tpu.vector_store %arg11[%swap3A_833, %swap3A_834], %gather3A_832 {strides = array<i32>} : memref<128x64xf32, #tpu.memory_space<vmem>>, vector<16xf32>,
          %iota3A_836 = tpu.iota {dimensions = array<i32: 0>} : vector<16xi32>
          %add3A_837 = arith.constant 32 : i32
          %add3A_838 = vector.broadcast %add3A_837 : i32 to vector<16xi32>
          %add3A_839 = arith.addi %iota3A_836, %add3A_838 : vector<16xi32>
          %gather3A_840 = arith.constant 0 : i32
          %gather3A_841 = arith.constant 0 : i32
          %gather3A_842 = tpu.memref_slice %arg10[%while3A_784, %gather3A_840, %gather3A_841] : memref<9x64x128xf32, #tpu.memory_space<vmem>> -> memref<1x64x128xf32, #tpu.memory_space<vmem>>
          %gather3A_843 = tpu.memref_squeeze %gather3A_842 : memref<1x64x128xf32, #tpu.memory_space<vmem>> -> memref<64x128xf32, #tpu.memory_space<vmem>>
          %gather3A_844 = tpu.vector_load_idx %gather3A_843[%add3A_839, %and3A_811] : memref<64x128xf32, #tpu.memory_space<vmem>>[vector<16xi32>, vector<16xi32>], vector<16xf32>,
          %swap3A_845 = arith.index_cast %sub3A_812 : i32 to index
          %swap3A_846 = arith.constant 32 : index
          %swap3A_847 = tpu.vector_load %arg11[%swap3A_845, %swap3A_846] {strides = array<i32>} : memref<128x64xf32, #tpu.memory_space<vmem>>, vector<16xf32>,
          tpu.vector_store %arg11[%swap3A_845, %swap3A_846], %gather3A_844 {strides = array<i32>} : memref<128x64xf32, #tpu.memory_space<vmem>>, vector<16xf32>,
          %iota3A_848 = tpu.iota {dimensions = array<i32: 0>} : vector<16xi32>
          %add3A_849 = arith.constant 48 : i32
          %add3A_850 = vector.broadcast %add3A_849 : i32 to vector<16xi32>
          %add3A_851 = arith.addi %iota3A_848, %add3A_850 : vector<16xi32>
          %gather3A_852 = arith.constant 0 : i32
          %gather3A_853 = arith.constant 0 : i32
          %gather3A_854 = tpu.memref_slice %arg10[%while3A_784, %gather3A_852, %gather3A_853] : memref<9x64x128xf32, #tpu.memory_space<vmem>> -> memref<1x64x128xf32, #tpu.memory_space<vmem>>
          %gather3A_855 = tpu.memref_squeeze %gather3A_854 : memref<1x64x128xf32, #tpu.memory_space<vmem>> -> memref<64x128xf32, #tpu.memory_space<vmem>>
          %gather3A_856 = tpu.vector_load_idx %gather3A_855[%add3A_851, %and3A_811] : memref<64x128xf32, #tpu.memory_space<vmem>>[vector<16xi32>, vector<16xi32>], vector<16xf32>,
          %swap3A_857 = arith.index_cast %sub3A_812 : i32 to index
          %swap3A_858 = arith.constant 48 : index
          %swap3A_859 = tpu.vector_load %arg11[%swap3A_857, %swap3A_858] {strides = array<i32>} : memref<128x64xf32, #tpu.memory_space<vmem>>, vector<16xf32>,
          tpu.vector_store %arg11[%swap3A_857, %swap3A_858], %gather3A_856 {strides = array<i32>} : memref<128x64xf32, #tpu.memory_space<vmem>>, vector<16xf32>,
          scf.yield %cond3A_804 : i32
        }
        scf.yield %while3A_795 : i32
      } else {
        scf.yield %cond3A_684 : i32
      }
      %mul3A_718 = arith.constant 9 : i32
      %mul3A_719 = arith.muli %scan3A_467, %mul3A_718 : i32
      %add3A_720 = arith.constant 7 : i32
      %add3A_721 = arith.addi %mul3A_719, %add3A_720 : i32
      %broadcast_in_dim3A_722 = vector.broadcast %add3A_721 : i32 to vector<16xi32>
      %gather3A_723 = tpu.vector_load_idx %arg7[%broadcast_in_dim3A_722] : memref<256xi32, #tpu.memory_space<vmem>>[vector<16xi32>], vector<16xi32>,
      %slice3A_724 = vector.extract_strided_slice %gather3A_723 {offsets = [0], sizes = [1], strides = [1]} : vector<16xi32> to vector<1xi32>
      %squeeze3A_725 = vector.extract %slice3A_724[0] : i32 from vector<1xi32>
      %lt3A_726 = arith.cmpi slt, %add3A_721, %min3A_6 : i32
      %gt3A_727 = arith.constant 0 : i32
      %gt3A_728 = arith.cmpi sgt, %squeeze3A_725, %gt3A_727 : i32
      %and3A_729 = arith.andi %lt3A_726, %gt3A_728 : i1
      %convert_element_type3A_730 = arith.extui %and3A_729 : i1 to i32
      %cond3A_731 = arith.constant 0 : i32
      %cond3A_732 = arith.cmpi ne, %convert_element_type3A_730, %cond3A_731 : i32
      scf.if %cond3A_732 {
        %add3A_766 = arith.addi %add3A_4, %add3A_721 : i32
        %mul3A_767 = arith.constant 128 : i32
        %mul3A_768 = arith.muli %add3A_766, %mul3A_767 : i32
        %multiple_of3A = tpu.assume_multiple %mul3A_768, 128 : i32
        %dma_start3A = arith.constant 7 : i32
        %dma_start3A_769 = arith.constant 0 : i32
        %dma_start3A_770 = arith.constant 0 : i32
        %dma_start3A_771 = tpu.memref_slice %arg10[%dma_start3A, %dma_start3A_769, %dma_start3A_770] : memref<9x64x128xf32, #tpu.memory_space<vmem>> -> memref<1x64x128xf32, #tpu.memory_space<vmem>>
        %dma_start3A_772 = tpu.memref_squeeze %dma_start3A_771 : memref<1x64x128xf32, #tpu.memory_space<vmem>> -> memref<64x128xf32, #tpu.memory_space<vmem>>
        %dma_start3A_773 = arith.constant 0 : i32
        %dma_start3A_774 = tpu.memref_slice %arg2[%dma_start3A_773, %multiple_of3A] : memref<64x1077001xf32, #tpu.memory_space<hbm>> -> memref<64x128xf32, #tpu.memory_space<hbm>>
        %dma_start3A_775 = arith.constant 0 : i32
        %dma_start3A_776 = arith.constant 0 : i32
        %dma_start3A_777 = tpu.memref_slice %arg10[%dma_start3A, %dma_start3A_775, %dma_start3A_776] : memref<9x64x128xf32, #tpu.memory_space<vmem>> -> memref<1x64x128xf32, #tpu.memory_space<vmem>>
        %dma_start3A_778 = tpu.memref_squeeze %dma_start3A_777 : memref<1x64x128xf32, #tpu.memory_space<vmem>> -> memref<64x128xf32, #tpu.memory_space<vmem>>
        %dma_start3A_779 = arith.constant 0 : i32
        %dma_start3A_780 = tpu.memref_slice %arg2[%dma_start3A_779, %multiple_of3A] : memref<64x1077001xf32, #tpu.memory_space<hbm>> -> memref<64x128xf32, #tpu.memory_space<hbm>>
        tpu.enqueue_dma source(%dma_start3A_780 : memref<64x128xf32, #tpu.memory_space<hbm>>) target(%dma_start3A_778 : memref<64x128xf32, #tpu.memory_space<vmem>>) target_semaphore(%arg19 : memref<!tpu.dma_semaphore, #tpu.memory_space<semaphore_mem>>)
      } else {
      }
      %sub3A_733 = arith.constant 1 : i32
      %sub3A_734 = arith.subi %scan3A_467, %sub3A_733 : i32
      %mul3A_735 = arith.constant 9 : i32
      %mul3A_736 = arith.muli %sub3A_734, %mul3A_735 : i32
      %add3A_737 = arith.constant 8 : i32
      %add3A_738 = arith.addi %mul3A_736, %add3A_737 : i32
      %broadcast_in_dim3A_739 = vector.broadcast %add3A_738 : i32 to vector<16xi32>
      %gather3A_740 = tpu.vector_load_idx %arg7[%broadcast_in_dim3A_739] : memref<256xi32, #tpu.memory_space<vmem>>[vector<16xi32>], vector<16xi32>,
      %slice3A_741 = vector.extract_strided_slice %gather3A_740 {offsets = [0], sizes = [1], strides = [1]} : vector<16xi32> to vector<1xi32>
      %squeeze3A_742 = vector.extract %slice3A_741[0] : i32 from vector<1xi32>
      %lt3A_743 = arith.cmpi slt, %add3A_738, %min3A_6 : i32
      %gt3A_744 = arith.constant 0 : i32
      %gt3A_745 = arith.cmpi sgt, %squeeze3A_742, %gt3A_744 : i32
      %and3A_746 = arith.andi %lt3A_743, %gt3A_745 : i1
      %convert_element_type3A_747 = arith.extui %and3A_746 : i1 to i32
      %cond3A_748 = arith.constant 0 : i32
      %cond3A_749 = arith.cmpi ne, %convert_element_type3A_747, %cond3A_748 : i32
      %cond3A_750 = scf.if %cond3A_749 -> (i32) {
        %dma_wait3A = arith.constant 8 : i32
        %dma_wait3A_766 = arith.constant 0 : i32
        %dma_wait3A_767 = arith.constant 0 : i32
        %dma_wait3A_768 = tpu.memref_slice %arg10[%dma_wait3A, %dma_wait3A_766, %dma_wait3A_767] : memref<9x64x128xf32, #tpu.memory_space<vmem>> -> memref<1x64x128xf32, #tpu.memory_space<vmem>>
        %dma_wait3A_769 = tpu.memref_squeeze %dma_wait3A_768 : memref<1x64x128xf32, #tpu.memory_space<vmem>> -> memref<64x128xf32, #tpu.memory_space<vmem>>
        %dma_wait3A_770 = arith.constant 0 : i32
        %dma_wait3A_771 = arith.constant 0 : i32
        %dma_wait3A_772 = tpu.memref_slice %arg2[%dma_wait3A_770, %dma_wait3A_771] : memref<64x1077001xf32, #tpu.memory_space<hbm>> -> memref<64x128xf32, #tpu.memory_space<hbm>>
        %dma_wait3A_773 = arith.constant 0 : i32
        %dma_wait3A_774 = arith.constant 0 : i32
        %dma_wait3A_775 = tpu.memref_slice %arg10[%dma_wait3A, %dma_wait3A_773, %dma_wait3A_774] : memref<9x64x128xf32, #tpu.memory_space<vmem>> -> memref<1x64x128xf32, #tpu.memory_space<vmem>>
        %dma_wait3A_776 = tpu.memref_squeeze %dma_wait3A_775 : memref<1x64x128xf32, #tpu.memory_space<vmem>> -> memref<64x128xf32, #tpu.memory_space<vmem>>
        %dma_wait3A_777 = arith.constant 0 : i32
        %dma_wait3A_778 = arith.constant 0 : i32
        %dma_wait3A_779 = tpu.memref_slice %arg2[%dma_wait3A_777, %dma_wait3A_778] : memref<64x1077001xf32, #tpu.memory_space<hbm>> -> memref<64x128xf32, #tpu.memory_space<hbm>>
        tpu.wait_dma2 semaphore(%arg20 : memref<!tpu.dma_semaphore, #tpu.memory_space<semaphore_mem>>) src(%dma_wait3A_779 : memref<64x128xf32, #tpu.memory_space<hbm>>) dst(%dma_wait3A_776 : memref<64x128xf32, #tpu.memory_space<vmem>>)
        %broadcast_in_dim3A_780 = vector.broadcast %add3A_738 : i32 to vector<16xi32>
        %gather3A_781 = tpu.vector_load_idx %arg8[%broadcast_in_dim3A_780] : memref<256xi32, #tpu.memory_space<vmem>>[vector<16xi32>], vector<16xi32>,
        %slice3A_782 = vector.extract_strided_slice %gather3A_781 {offsets = [0], sizes = [1], strides = [1]} : vector<16xi32> to vector<1xi32>
        %squeeze3A_783 = vector.extract %slice3A_782[0] : i32 from vector<1xi32>
        %while3A_784 = arith.constant 8 : i32
        %while3A_785 = arith.constant 0 : i32
        %while3A_786 = arith.subi %squeeze3A_742, %while3A_785 : i32
        %while3A_787 = arith.addi %while3A_785, %while3A_786 : i32
        %while3A_788 = arith.constant 1 : i32
        %while3A_789 = arith.divsi %while3A_786, %while3A_788 : i32
        %while3A_790 = arith.muli %while3A_789, %while3A_788 : i32
        %while3A_791 = arith.addi %while3A_785, %while3A_790 : i32
        %while3A_792 = arith.constant 1 : i32
        %while3A_793 = scf.for %while3A_796 = %while3A_785 to %while3A_791 step %while3A_792 iter_args(%while3A_797 = %cond3A_717) -> (i32)  : i32 {
          %add3A_798 = arith.addi %squeeze3A_783, %while3A_796 : i32
          %sub3A_799 = arith.subi %add3A_798, %while3A_797 : i32
          %ge3A = arith.constant 128 : i32
          %ge3A_800 = arith.cmpi sge, %sub3A_799, %ge3A : i32
          %convert_element_type3A_801 = arith.extui %ge3A_800 : i1 to i32
          %cond3A_802 = arith.constant 0 : i32
          %cond3A_803 = arith.cmpi ne, %convert_element_type3A_801, %cond3A_802 : i32
          %cond3A_804 = scf.if %cond3A_803 -> (i32) {
            %while3A_860 = arith.constant 0 : i32
            %while3A_861 = arith.constant 0 : i32
            %while3A_862 = arith.constant 128 : i32
            %while3A_863 = arith.subi %while3A_862, %while3A_861 : i32
            %while3A_864 = arith.addi %while3A_861, %while3A_863 : i32
            %while3A_865 = arith.constant 1 : i32
            %while3A_866 = arith.divsi %while3A_863, %while3A_865 : i32
            %while3A_867 = arith.muli %while3A_866, %while3A_865 : i32
            %while3A_868 = arith.addi %while3A_861, %while3A_867 : i32
            %while3A_869 = arith.constant 1 : i32
            scf.for %while3A_884 = %while3A_861 to %while3A_868 step %while3A_869  : i32 {
              %add3A_885 = arith.addi %while3A_797, %while3A_884 : i32
              %broadcast_in_dim3A_886 = vector.broadcast %add3A_885 : i32 to vector<16xi32>
              %gather3A_887 = tpu.vector_load_idx %arg6[%broadcast_in_dim3A_886] : memref<16384xi32, #tpu.memory_space<vmem>>[vector<16xi32>], vector<16xi32>,
              %slice3A_888 = vector.extract_strided_slice %gather3A_887 {offsets = [0], sizes = [1], strides = [1]} : vector<16xi32> to vector<1xi32>
              %squeeze3A_889 = vector.extract %slice3A_888[0] : i32 from vector<1xi32>
              %and3A_890 = arith.constant 16383 : i32
              %and3A_891 = arith.andi %squeeze3A_889, %and3A_890 : i32
              %dma_start3A = arith.constant 0 : i32
              %dma_start3A_892 = tpu.memref_slice %arg11[%while3A_884, %dma_start3A] : memref<128x64xf32, #tpu.memory_space<vmem>> -> memref<1x64xf32, #tpu.memory_space<vmem>>
              %dma_start3A_893 = arith.constant 0 : i32
              %dma_start3A_894 = tpu.memref_slice %arg4[%and3A_891, %dma_start3A_893] : memref<16384x64xf32, #tpu.memory_space<hbm>> -> memref<1x64xf32, #tpu.memory_space<hbm>>
              %dma_start3A_895 = arith.constant 0 : i32
              %dma_start3A_896 = tpu.memref_slice %arg4[%and3A_891, %dma_start3A_895] : memref<16384x64xf32, #tpu.memory_space<hbm>> -> memref<1x64xf32, #tpu.memory_space<hbm>>
              %dma_start3A_897 = arith.constant 0 : i32
              %dma_start3A_898 = tpu.memref_slice %arg11[%while3A_884, %dma_start3A_897] : memref<128x64xf32, #tpu.memory_space<vmem>> -> memref<1x64xf32, #tpu.memory_space<vmem>>
              tpu.enqueue_dma source(%dma_start3A_898 : memref<1x64xf32, #tpu.memory_space<vmem>>) target(%dma_start3A_896 : memref<1x64xf32, #tpu.memory_space<hbm>>) target_semaphore(%arg21 : memref<!tpu.dma_semaphore, #tpu.memory_space<semaphore_mem>>)
            }
            %while3A_870 = arith.constant 1 : i32
            scf.for %while3A_884 = %while3A_868 to %while3A_864 step %while3A_870  : i32 {
              %add3A_885 = arith.addi %while3A_797, %while3A_884 : i32
              %broadcast_in_dim3A_886 = vector.broadcast %add3A_885 : i32 to vector<16xi32>
              %gather3A_887 = tpu.vector_load_idx %arg6[%broadcast_in_dim3A_886] : memref<16384xi32, #tpu.memory_space<vmem>>[vector<16xi32>], vector<16xi32>,
              %slice3A_888 = vector.extract_strided_slice %gather3A_887 {offsets = [0], sizes = [1], strides = [1]} : vector<16xi32> to vector<1xi32>
              %squeeze3A_889 = vector.extract %slice3A_888[0] : i32 from vector<1xi32>
              %and3A_890 = arith.constant 16383 : i32
              %and3A_891 = arith.andi %squeeze3A_889, %and3A_890 : i32
              %dma_start3A = arith.constant 0 : i32
              %dma_start3A_892 = tpu.memref_slice %arg11[%while3A_884, %dma_start3A] : memref<128x64xf32, #tpu.memory_space<vmem>> -> memref<1x64xf32, #tpu.memory_space<vmem>>
              %dma_start3A_893 = arith.constant 0 : i32
              %dma_start3A_894 = tpu.memref_slice %arg4[%and3A_891, %dma_start3A_893] : memref<16384x64xf32, #tpu.memory_space<hbm>> -> memref<1x64xf32, #tpu.memory_space<hbm>>
              %dma_start3A_895 = arith.constant 0 : i32
              %dma_start3A_896 = tpu.memref_slice %arg4[%and3A_891, %dma_start3A_895] : memref<16384x64xf32, #tpu.memory_space<hbm>> -> memref<1x64xf32, #tpu.memory_space<hbm>>
              %dma_start3A_897 = arith.constant 0 : i32
              %dma_start3A_898 = tpu.memref_slice %arg11[%while3A_884, %dma_start3A_897] : memref<128x64xf32, #tpu.memory_space<vmem>> -> memref<1x64xf32, #tpu.memory_space<vmem>>
              tpu.enqueue_dma source(%dma_start3A_898 : memref<1x64xf32, #tpu.memory_space<vmem>>) target(%dma_start3A_896 : memref<1x64xf32, #tpu.memory_space<hbm>>) target_semaphore(%arg21 : memref<!tpu.dma_semaphore, #tpu.memory_space<semaphore_mem>>)
            }
            %while3A_871 = arith.constant 0 : i32
            %while3A_872 = arith.constant 0 : i32
            %while3A_873 = arith.constant 128 : i32
            %while3A_874 = arith.subi %while3A_873, %while3A_872 : i32
            %while3A_875 = arith.addi %while3A_872, %while3A_874 : i32
            %while3A_876 = arith.constant 1 : i32
            %while3A_877 = arith.divsi %while3A_874, %while3A_876 : i32
            %while3A_878 = arith.muli %while3A_877, %while3A_876 : i32
            %while3A_879 = arith.addi %while3A_872, %while3A_878 : i32
            %while3A_880 = arith.constant 1 : i32
            scf.for %while3A_884 = %while3A_872 to %while3A_879 step %while3A_880  : i32 {
              %dma_wait3A_885 = arith.constant 0 : i32
              %dma_wait3A_886 = arith.constant 0 : i32
              %dma_wait3A_887 = tpu.memref_slice %arg11[%dma_wait3A_885, %dma_wait3A_886] : memref<128x64xf32, #tpu.memory_space<vmem>> -> memref<1x64xf32, #tpu.memory_space<vmem>>
              %dma_wait3A_888 = arith.constant 0 : i32
              %dma_wait3A_889 = arith.constant 0 : i32
              %dma_wait3A_890 = tpu.memref_slice %arg4[%dma_wait3A_888, %dma_wait3A_889] : memref<16384x64xf32, #tpu.memory_space<hbm>> -> memref<1x64xf32, #tpu.memory_space<hbm>>
              %dma_wait3A_891 = arith.constant 0 : i32
              %dma_wait3A_892 = arith.constant 0 : i32
              %dma_wait3A_893 = tpu.memref_slice %arg11[%dma_wait3A_891, %dma_wait3A_892] : memref<128x64xf32, #tpu.memory_space<vmem>> -> memref<1x64xf32, #tpu.memory_space<vmem>>
              %dma_wait3A_894 = arith.constant 0 : i32
              %dma_wait3A_895 = arith.constant 0 : i32
              %dma_wait3A_896 = tpu.memref_slice %arg4[%dma_wait3A_894, %dma_wait3A_895] : memref<16384x64xf32, #tpu.memory_space<hbm>> -> memref<1x64xf32, #tpu.memory_space<hbm>>
              tpu.wait_dma2 semaphore(%arg21 : memref<!tpu.dma_semaphore, #tpu.memory_space<semaphore_mem>>) src(%dma_wait3A_896 : memref<1x64xf32, #tpu.memory_space<hbm>>) dst(%dma_wait3A_893 : memref<1x64xf32, #tpu.memory_space<vmem>>)
            }
            %while3A_881 = arith.constant 1 : i32
            scf.for %while3A_884 = %while3A_879 to %while3A_875 step %while3A_881  : i32 {
              %dma_wait3A_885 = arith.constant 0 : i32
              %dma_wait3A_886 = arith.constant 0 : i32
              %dma_wait3A_887 = tpu.memref_slice %arg11[%dma_wait3A_885, %dma_wait3A_886] : memref<128x64xf32, #tpu.memory_space<vmem>> -> memref<1x64xf32, #tpu.memory_space<vmem>>
              %dma_wait3A_888 = arith.constant 0 : i32
              %dma_wait3A_889 = arith.constant 0 : i32
              %dma_wait3A_890 = tpu.memref_slice %arg4[%dma_wait3A_888, %dma_wait3A_889] : memref<16384x64xf32, #tpu.memory_space<hbm>> -> memref<1x64xf32, #tpu.memory_space<hbm>>
              %dma_wait3A_891 = arith.constant 0 : i32
              %dma_wait3A_892 = arith.constant 0 : i32
              %dma_wait3A_893 = tpu.memref_slice %arg11[%dma_wait3A_891, %dma_wait3A_892] : memref<128x64xf32, #tpu.memory_space<vmem>> -> memref<1x64xf32, #tpu.memory_space<vmem>>
              %dma_wait3A_894 = arith.constant 0 : i32
              %dma_wait3A_895 = arith.constant 0 : i32
              %dma_wait3A_896 = tpu.memref_slice %arg4[%dma_wait3A_894, %dma_wait3A_895] : memref<16384x64xf32, #tpu.memory_space<hbm>> -> memref<1x64xf32, #tpu.memory_space<hbm>>
              tpu.wait_dma2 semaphore(%arg21 : memref<!tpu.dma_semaphore, #tpu.memory_space<semaphore_mem>>) src(%dma_wait3A_896 : memref<1x64xf32, #tpu.memory_space<hbm>>) dst(%dma_wait3A_893 : memref<1x64xf32, #tpu.memory_space<vmem>>)
            }
            %add3A_882 = arith.constant 128 : i32
            %add3A_883 = arith.addi %while3A_797, %add3A_882 : i32
            scf.yield %add3A_883 : i32
          } else {
            scf.yield %while3A_797 : i32
          }
          %broadcast_in_dim3A_805 = vector.broadcast %add3A_798 : i32 to vector<16xi32>
          %gather3A_806 = tpu.vector_load_idx %arg6[%broadcast_in_dim3A_805] : memref<16384xi32, #tpu.memory_space<vmem>>[vector<16xi32>], vector<16xi32>,
          %shift_right_arithmetic3A = arith.constant 14 : i32
          %shift_right_arithmetic3A_807 = vector.broadcast %shift_right_arithmetic3A : i32 to vector<16xi32>
          %shift_right_arithmetic3A_808 = arith.shrsi %gather3A_806, %shift_right_arithmetic3A_807 : vector<16xi32>
          %and3A_809 = arith.constant 127 : i32
          %and3A_810 = vector.broadcast %and3A_809 : i32 to vector<16xi32>
          %and3A_811 = arith.andi %shift_right_arithmetic3A_808, %and3A_810 : vector<16xi32>
          %sub3A_812 = arith.subi %add3A_798, %cond3A_804 : i32
          %iota3A = tpu.iota {dimensions = array<i32: 0>} : vector<16xi32>
          %add3A_813 = arith.constant 0 : i32
          %add3A_814 = vector.broadcast %add3A_813 : i32 to vector<16xi32>
          %add3A_815 = arith.addi %iota3A, %add3A_814 : vector<16xi32>
          %gather3A_816 = arith.constant 0 : i32
          %gather3A_817 = arith.constant 0 : i32
          %gather3A_818 = tpu.memref_slice %arg10[%while3A_784, %gather3A_816, %gather3A_817] : memref<9x64x128xf32, #tpu.memory_space<vmem>> -> memref<1x64x128xf32, #tpu.memory_space<vmem>>
          %gather3A_819 = tpu.memref_squeeze %gather3A_818 : memref<1x64x128xf32, #tpu.memory_space<vmem>> -> memref<64x128xf32, #tpu.memory_space<vmem>>
          %gather3A_820 = tpu.vector_load_idx %gather3A_819[%add3A_815, %and3A_811] : memref<64x128xf32, #tpu.memory_space<vmem>>[vector<16xi32>, vector<16xi32>], vector<16xf32>,
          %swap3A_821 = arith.index_cast %sub3A_812 : i32 to index
          %swap3A_822 = arith.constant 0 : index
          %swap3A_823 = tpu.vector_load %arg11[%swap3A_821, %swap3A_822] {strides = array<i32>} : memref<128x64xf32, #tpu.memory_space<vmem>>, vector<16xf32>,
          tpu.vector_store %arg11[%swap3A_821, %swap3A_822], %gather3A_820 {strides = array<i32>} : memref<128x64xf32, #tpu.memory_space<vmem>>, vector<16xf32>,
          %iota3A_824 = tpu.iota {dimensions = array<i32: 0>} : vector<16xi32>
          %add3A_825 = arith.constant 16 : i32
          %add3A_826 = vector.broadcast %add3A_825 : i32 to vector<16xi32>
          %add3A_827 = arith.addi %iota3A_824, %add3A_826 : vector<16xi32>
          %gather3A_828 = arith.constant 0 : i32
          %gather3A_829 = arith.constant 0 : i32
          %gather3A_830 = tpu.memref_slice %arg10[%while3A_784, %gather3A_828, %gather3A_829] : memref<9x64x128xf32, #tpu.memory_space<vmem>> -> memref<1x64x128xf32, #tpu.memory_space<vmem>>
          %gather3A_831 = tpu.memref_squeeze %gather3A_830 : memref<1x64x128xf32, #tpu.memory_space<vmem>> -> memref<64x128xf32, #tpu.memory_space<vmem>>
          %gather3A_832 = tpu.vector_load_idx %gather3A_831[%add3A_827, %and3A_811] : memref<64x128xf32, #tpu.memory_space<vmem>>[vector<16xi32>, vector<16xi32>], vector<16xf32>,
          %swap3A_833 = arith.index_cast %sub3A_812 : i32 to index
          %swap3A_834 = arith.constant 16 : index
          %swap3A_835 = tpu.vector_load %arg11[%swap3A_833, %swap3A_834] {strides = array<i32>} : memref<128x64xf32, #tpu.memory_space<vmem>>, vector<16xf32>,
          tpu.vector_store %arg11[%swap3A_833, %swap3A_834], %gather3A_832 {strides = array<i32>} : memref<128x64xf32, #tpu.memory_space<vmem>>, vector<16xf32>,
          %iota3A_836 = tpu.iota {dimensions = array<i32: 0>} : vector<16xi32>
          %add3A_837 = arith.constant 32 : i32
          %add3A_838 = vector.broadcast %add3A_837 : i32 to vector<16xi32>
          %add3A_839 = arith.addi %iota3A_836, %add3A_838 : vector<16xi32>
          %gather3A_840 = arith.constant 0 : i32
          %gather3A_841 = arith.constant 0 : i32
          %gather3A_842 = tpu.memref_slice %arg10[%while3A_784, %gather3A_840, %gather3A_841] : memref<9x64x128xf32, #tpu.memory_space<vmem>> -> memref<1x64x128xf32, #tpu.memory_space<vmem>>
          %gather3A_843 = tpu.memref_squeeze %gather3A_842 : memref<1x64x128xf32, #tpu.memory_space<vmem>> -> memref<64x128xf32, #tpu.memory_space<vmem>>
          %gather3A_844 = tpu.vector_load_idx %gather3A_843[%add3A_839, %and3A_811] : memref<64x128xf32, #tpu.memory_space<vmem>>[vector<16xi32>, vector<16xi32>], vector<16xf32>,
          %swap3A_845 = arith.index_cast %sub3A_812 : i32 to index
          %swap3A_846 = arith.constant 32 : index
          %swap3A_847 = tpu.vector_load %arg11[%swap3A_845, %swap3A_846] {strides = array<i32>} : memref<128x64xf32, #tpu.memory_space<vmem>>, vector<16xf32>,
          tpu.vector_store %arg11[%swap3A_845, %swap3A_846], %gather3A_844 {strides = array<i32>} : memref<128x64xf32, #tpu.memory_space<vmem>>, vector<16xf32>,
          %iota3A_848 = tpu.iota {dimensions = array<i32: 0>} : vector<16xi32>
          %add3A_849 = arith.constant 48 : i32
          %add3A_850 = vector.broadcast %add3A_849 : i32 to vector<16xi32>
          %add3A_851 = arith.addi %iota3A_848, %add3A_850 : vector<16xi32>
          %gather3A_852 = arith.constant 0 : i32
          %gather3A_853 = arith.constant 0 : i32
          %gather3A_854 = tpu.memref_slice %arg10[%while3A_784, %gather3A_852, %gather3A_853] : memref<9x64x128xf32, #tpu.memory_space<vmem>> -> memref<1x64x128xf32, #tpu.memory_space<vmem>>
          %gather3A_855 = tpu.memref_squeeze %gather3A_854 : memref<1x64x128xf32, #tpu.memory_space<vmem>> -> memref<64x128xf32, #tpu.memory_space<vmem>>
          %gather3A_856 = tpu.vector_load_idx %gather3A_855[%add3A_851, %and3A_811] : memref<64x128xf32, #tpu.memory_space<vmem>>[vector<16xi32>, vector<16xi32>], vector<16xf32>,
          %swap3A_857 = arith.index_cast %sub3A_812 : i32 to index
          %swap3A_858 = arith.constant 48 : index
          %swap3A_859 = tpu.vector_load %arg11[%swap3A_857, %swap3A_858] {strides = array<i32>} : memref<128x64xf32, #tpu.memory_space<vmem>>, vector<16xf32>,
          tpu.vector_store %arg11[%swap3A_857, %swap3A_858], %gather3A_856 {strides = array<i32>} : memref<128x64xf32, #tpu.memory_space<vmem>>, vector<16xf32>,
          scf.yield %cond3A_804 : i32
        }
        %while3A_794 = arith.constant 1 : i32
        %while3A_795 = scf.for %while3A_796 = %while3A_791 to %while3A_787 step %while3A_794 iter_args(%while3A_797 = %while3A_793) -> (i32)  : i32 {
          %add3A_798 = arith.addi %squeeze3A_783, %while3A_796 : i32
          %sub3A_799 = arith.subi %add3A_798, %while3A_797 : i32
          %ge3A = arith.constant 128 : i32
          %ge3A_800 = arith.cmpi sge, %sub3A_799, %ge3A : i32
          %convert_element_type3A_801 = arith.extui %ge3A_800 : i1 to i32
          %cond3A_802 = arith.constant 0 : i32
          %cond3A_803 = arith.cmpi ne, %convert_element_type3A_801, %cond3A_802 : i32
          %cond3A_804 = scf.if %cond3A_803 -> (i32) {
            %while3A_860 = arith.constant 0 : i32
            %while3A_861 = arith.constant 0 : i32
            %while3A_862 = arith.constant 128 : i32
            %while3A_863 = arith.subi %while3A_862, %while3A_861 : i32
            %while3A_864 = arith.addi %while3A_861, %while3A_863 : i32
            %while3A_865 = arith.constant 1 : i32
            %while3A_866 = arith.divsi %while3A_863, %while3A_865 : i32
            %while3A_867 = arith.muli %while3A_866, %while3A_865 : i32
            %while3A_868 = arith.addi %while3A_861, %while3A_867 : i32
            %while3A_869 = arith.constant 1 : i32
            scf.for %while3A_884 = %while3A_861 to %while3A_868 step %while3A_869  : i32 {
              %add3A_885 = arith.addi %while3A_797, %while3A_884 : i32
              %broadcast_in_dim3A_886 = vector.broadcast %add3A_885 : i32 to vector<16xi32>
              %gather3A_887 = tpu.vector_load_idx %arg6[%broadcast_in_dim3A_886] : memref<16384xi32, #tpu.memory_space<vmem>>[vector<16xi32>], vector<16xi32>,
              %slice3A_888 = vector.extract_strided_slice %gather3A_887 {offsets = [0], sizes = [1], strides = [1]} : vector<16xi32> to vector<1xi32>
              %squeeze3A_889 = vector.extract %slice3A_888[0] : i32 from vector<1xi32>
              %and3A_890 = arith.constant 16383 : i32
              %and3A_891 = arith.andi %squeeze3A_889, %and3A_890 : i32
              %dma_start3A = arith.constant 0 : i32
              %dma_start3A_892 = tpu.memref_slice %arg11[%while3A_884, %dma_start3A] : memref<128x64xf32, #tpu.memory_space<vmem>> -> memref<1x64xf32, #tpu.memory_space<vmem>>
              %dma_start3A_893 = arith.constant 0 : i32
              %dma_start3A_894 = tpu.memref_slice %arg4[%and3A_891, %dma_start3A_893] : memref<16384x64xf32, #tpu.memory_space<hbm>> -> memref<1x64xf32, #tpu.memory_space<hbm>>
              %dma_start3A_895 = arith.constant 0 : i32
              %dma_start3A_896 = tpu.memref_slice %arg4[%and3A_891, %dma_start3A_895] : memref<16384x64xf32, #tpu.memory_space<hbm>> -> memref<1x64xf32, #tpu.memory_space<hbm>>
              %dma_start3A_897 = arith.constant 0 : i32
              %dma_start3A_898 = tpu.memref_slice %arg11[%while3A_884, %dma_start3A_897] : memref<128x64xf32, #tpu.memory_space<vmem>> -> memref<1x64xf32, #tpu.memory_space<vmem>>
              tpu.enqueue_dma source(%dma_start3A_898 : memref<1x64xf32, #tpu.memory_space<vmem>>) target(%dma_start3A_896 : memref<1x64xf32, #tpu.memory_space<hbm>>) target_semaphore(%arg21 : memref<!tpu.dma_semaphore, #tpu.memory_space<semaphore_mem>>)
            }
            %while3A_870 = arith.constant 1 : i32
            scf.for %while3A_884 = %while3A_868 to %while3A_864 step %while3A_870  : i32 {
              %add3A_885 = arith.addi %while3A_797, %while3A_884 : i32
              %broadcast_in_dim3A_886 = vector.broadcast %add3A_885 : i32 to vector<16xi32>
              %gather3A_887 = tpu.vector_load_idx %arg6[%broadcast_in_dim3A_886] : memref<16384xi32, #tpu.memory_space<vmem>>[vector<16xi32>], vector<16xi32>,
              %slice3A_888 = vector.extract_strided_slice %gather3A_887 {offsets = [0], sizes = [1], strides = [1]} : vector<16xi32> to vector<1xi32>
              %squeeze3A_889 = vector.extract %slice3A_888[0] : i32 from vector<1xi32>
              %and3A_890 = arith.constant 16383 : i32
              %and3A_891 = arith.andi %squeeze3A_889, %and3A_890 : i32
              %dma_start3A = arith.constant 0 : i32
              %dma_start3A_892 = tpu.memref_slice %arg11[%while3A_884, %dma_start3A] : memref<128x64xf32, #tpu.memory_space<vmem>> -> memref<1x64xf32, #tpu.memory_space<vmem>>
              %dma_start3A_893 = arith.constant 0 : i32
              %dma_start3A_894 = tpu.memref_slice %arg4[%and3A_891, %dma_start3A_893] : memref<16384x64xf32, #tpu.memory_space<hbm>> -> memref<1x64xf32, #tpu.memory_space<hbm>>
              %dma_start3A_895 = arith.constant 0 : i32
              %dma_start3A_896 = tpu.memref_slice %arg4[%and3A_891, %dma_start3A_895] : memref<16384x64xf32, #tpu.memory_space<hbm>> -> memref<1x64xf32, #tpu.memory_space<hbm>>
              %dma_start3A_897 = arith.constant 0 : i32
              %dma_start3A_898 = tpu.memref_slice %arg11[%while3A_884, %dma_start3A_897] : memref<128x64xf32, #tpu.memory_space<vmem>> -> memref<1x64xf32, #tpu.memory_space<vmem>>
              tpu.enqueue_dma source(%dma_start3A_898 : memref<1x64xf32, #tpu.memory_space<vmem>>) target(%dma_start3A_896 : memref<1x64xf32, #tpu.memory_space<hbm>>) target_semaphore(%arg21 : memref<!tpu.dma_semaphore, #tpu.memory_space<semaphore_mem>>)
            }
            %while3A_871 = arith.constant 0 : i32
            %while3A_872 = arith.constant 0 : i32
            %while3A_873 = arith.constant 128 : i32
            %while3A_874 = arith.subi %while3A_873, %while3A_872 : i32
            %while3A_875 = arith.addi %while3A_872, %while3A_874 : i32
            %while3A_876 = arith.constant 1 : i32
            %while3A_877 = arith.divsi %while3A_874, %while3A_876 : i32
            %while3A_878 = arith.muli %while3A_877, %while3A_876 : i32
            %while3A_879 = arith.addi %while3A_872, %while3A_878 : i32
            %while3A_880 = arith.constant 1 : i32
            scf.for %while3A_884 = %while3A_872 to %while3A_879 step %while3A_880  : i32 {
              %dma_wait3A_885 = arith.constant 0 : i32
              %dma_wait3A_886 = arith.constant 0 : i32
              %dma_wait3A_887 = tpu.memref_slice %arg11[%dma_wait3A_885, %dma_wait3A_886] : memref<128x64xf32, #tpu.memory_space<vmem>> -> memref<1x64xf32, #tpu.memory_space<vmem>>
              %dma_wait3A_888 = arith.constant 0 : i32
              %dma_wait3A_889 = arith.constant 0 : i32
              %dma_wait3A_890 = tpu.memref_slice %arg4[%dma_wait3A_888, %dma_wait3A_889] : memref<16384x64xf32, #tpu.memory_space<hbm>> -> memref<1x64xf32, #tpu.memory_space<hbm>>
              %dma_wait3A_891 = arith.constant 0 : i32
              %dma_wait3A_892 = arith.constant 0 : i32
              %dma_wait3A_893 = tpu.memref_slice %arg11[%dma_wait3A_891, %dma_wait3A_892] : memref<128x64xf32, #tpu.memory_space<vmem>> -> memref<1x64xf32, #tpu.memory_space<vmem>>
              %dma_wait3A_894 = arith.constant 0 : i32
              %dma_wait3A_895 = arith.constant 0 : i32
              %dma_wait3A_896 = tpu.memref_slice %arg4[%dma_wait3A_894, %dma_wait3A_895] : memref<16384x64xf32, #tpu.memory_space<hbm>> -> memref<1x64xf32, #tpu.memory_space<hbm>>
              tpu.wait_dma2 semaphore(%arg21 : memref<!tpu.dma_semaphore, #tpu.memory_space<semaphore_mem>>) src(%dma_wait3A_896 : memref<1x64xf32, #tpu.memory_space<hbm>>) dst(%dma_wait3A_893 : memref<1x64xf32, #tpu.memory_space<vmem>>)
            }
            %while3A_881 = arith.constant 1 : i32
            scf.for %while3A_884 = %while3A_879 to %while3A_875 step %while3A_881  : i32 {
              %dma_wait3A_885 = arith.constant 0 : i32
              %dma_wait3A_886 = arith.constant 0 : i32
              %dma_wait3A_887 = tpu.memref_slice %arg11[%dma_wait3A_885, %dma_wait3A_886] : memref<128x64xf32, #tpu.memory_space<vmem>> -> memref<1x64xf32, #tpu.memory_space<vmem>>
              %dma_wait3A_888 = arith.constant 0 : i32
              %dma_wait3A_889 = arith.constant 0 : i32
              %dma_wait3A_890 = tpu.memref_slice %arg4[%dma_wait3A_888, %dma_wait3A_889] : memref<16384x64xf32, #tpu.memory_space<hbm>> -> memref<1x64xf32, #tpu.memory_space<hbm>>
              %dma_wait3A_891 = arith.constant 0 : i32
              %dma_wait3A_892 = arith.constant 0 : i32
              %dma_wait3A_893 = tpu.memref_slice %arg11[%dma_wait3A_891, %dma_wait3A_892] : memref<128x64xf32, #tpu.memory_space<vmem>> -> memref<1x64xf32, #tpu.memory_space<vmem>>
              %dma_wait3A_894 = arith.constant 0 : i32
              %dma_wait3A_895 = arith.constant 0 : i32
              %dma_wait3A_896 = tpu.memref_slice %arg4[%dma_wait3A_894, %dma_wait3A_895] : memref<16384x64xf32, #tpu.memory_space<hbm>> -> memref<1x64xf32, #tpu.memory_space<hbm>>
              tpu.wait_dma2 semaphore(%arg21 : memref<!tpu.dma_semaphore, #tpu.memory_space<semaphore_mem>>) src(%dma_wait3A_896 : memref<1x64xf32, #tpu.memory_space<hbm>>) dst(%dma_wait3A_893 : memref<1x64xf32, #tpu.memory_space<vmem>>)
            }
            %add3A_882 = arith.constant 128 : i32
            %add3A_883 = arith.addi %while3A_797, %add3A_882 : i32
            scf.yield %add3A_883 : i32
          } else {
            scf.yield %while3A_797 : i32
          }
          %broadcast_in_dim3A_805 = vector.broadcast %add3A_798 : i32 to vector<16xi32>
          %gather3A_806 = tpu.vector_load_idx %arg6[%broadcast_in_dim3A_805] : memref<16384xi32, #tpu.memory_space<vmem>>[vector<16xi32>], vector<16xi32>,
          %shift_right_arithmetic3A = arith.constant 14 : i32
          %shift_right_arithmetic3A_807 = vector.broadcast %shift_right_arithmetic3A : i32 to vector<16xi32>
          %shift_right_arithmetic3A_808 = arith.shrsi %gather3A_806, %shift_right_arithmetic3A_807 : vector<16xi32>
          %and3A_809 = arith.constant 127 : i32
          %and3A_810 = vector.broadcast %and3A_809 : i32 to vector<16xi32>
          %and3A_811 = arith.andi %shift_right_arithmetic3A_808, %and3A_810 : vector<16xi32>
          %sub3A_812 = arith.subi %add3A_798, %cond3A_804 : i32
          %iota3A = tpu.iota {dimensions = array<i32: 0>} : vector<16xi32>
          %add3A_813 = arith.constant 0 : i32
          %add3A_814 = vector.broadcast %add3A_813 : i32 to vector<16xi32>
          %add3A_815 = arith.addi %iota3A, %add3A_814 : vector<16xi32>
          %gather3A_816 = arith.constant 0 : i32
          %gather3A_817 = arith.constant 0 : i32
          %gather3A_818 = tpu.memref_slice %arg10[%while3A_784, %gather3A_816, %gather3A_817] : memref<9x64x128xf32, #tpu.memory_space<vmem>> -> memref<1x64x128xf32, #tpu.memory_space<vmem>>
          %gather3A_819 = tpu.memref_squeeze %gather3A_818 : memref<1x64x128xf32, #tpu.memory_space<vmem>> -> memref<64x128xf32, #tpu.memory_space<vmem>>
          %gather3A_820 = tpu.vector_load_idx %gather3A_819[%add3A_815, %and3A_811] : memref<64x128xf32, #tpu.memory_space<vmem>>[vector<16xi32>, vector<16xi32>], vector<16xf32>,
          %swap3A_821 = arith.index_cast %sub3A_812 : i32 to index
          %swap3A_822 = arith.constant 0 : index
          %swap3A_823 = tpu.vector_load %arg11[%swap3A_821, %swap3A_822] {strides = array<i32>} : memref<128x64xf32, #tpu.memory_space<vmem>>, vector<16xf32>,
          tpu.vector_store %arg11[%swap3A_821, %swap3A_822], %gather3A_820 {strides = array<i32>} : memref<128x64xf32, #tpu.memory_space<vmem>>, vector<16xf32>,
          %iota3A_824 = tpu.iota {dimensions = array<i32: 0>} : vector<16xi32>
          %add3A_825 = arith.constant 16 : i32
          %add3A_826 = vector.broadcast %add3A_825 : i32 to vector<16xi32>
          %add3A_827 = arith.addi %iota3A_824, %add3A_826 : vector<16xi32>
          %gather3A_828 = arith.constant 0 : i32
          %gather3A_829 = arith.constant 0 : i32
          %gather3A_830 = tpu.memref_slice %arg10[%while3A_784, %gather3A_828, %gather3A_829] : memref<9x64x128xf32, #tpu.memory_space<vmem>> -> memref<1x64x128xf32, #tpu.memory_space<vmem>>
          %gather3A_831 = tpu.memref_squeeze %gather3A_830 : memref<1x64x128xf32, #tpu.memory_space<vmem>> -> memref<64x128xf32, #tpu.memory_space<vmem>>
          %gather3A_832 = tpu.vector_load_idx %gather3A_831[%add3A_827, %and3A_811] : memref<64x128xf32, #tpu.memory_space<vmem>>[vector<16xi32>, vector<16xi32>], vector<16xf32>,
          %swap3A_833 = arith.index_cast %sub3A_812 : i32 to index
          %swap3A_834 = arith.constant 16 : index
          %swap3A_835 = tpu.vector_load %arg11[%swap3A_833, %swap3A_834] {strides = array<i32>} : memref<128x64xf32, #tpu.memory_space<vmem>>, vector<16xf32>,
          tpu.vector_store %arg11[%swap3A_833, %swap3A_834], %gather3A_832 {strides = array<i32>} : memref<128x64xf32, #tpu.memory_space<vmem>>, vector<16xf32>,
          %iota3A_836 = tpu.iota {dimensions = array<i32: 0>} : vector<16xi32>
          %add3A_837 = arith.constant 32 : i32
          %add3A_838 = vector.broadcast %add3A_837 : i32 to vector<16xi32>
          %add3A_839 = arith.addi %iota3A_836, %add3A_838 : vector<16xi32>
          %gather3A_840 = arith.constant 0 : i32
          %gather3A_841 = arith.constant 0 : i32
          %gather3A_842 = tpu.memref_slice %arg10[%while3A_784, %gather3A_840, %gather3A_841] : memref<9x64x128xf32, #tpu.memory_space<vmem>> -> memref<1x64x128xf32, #tpu.memory_space<vmem>>
          %gather3A_843 = tpu.memref_squeeze %gather3A_842 : memref<1x64x128xf32, #tpu.memory_space<vmem>> -> memref<64x128xf32, #tpu.memory_space<vmem>>
          %gather3A_844 = tpu.vector_load_idx %gather3A_843[%add3A_839, %and3A_811] : memref<64x128xf32, #tpu.memory_space<vmem>>[vector<16xi32>, vector<16xi32>], vector<16xf32>,
          %swap3A_845 = arith.index_cast %sub3A_812 : i32 to index
          %swap3A_846 = arith.constant 32 : index
          %swap3A_847 = tpu.vector_load %arg11[%swap3A_845, %swap3A_846] {strides = array<i32>} : memref<128x64xf32, #tpu.memory_space<vmem>>, vector<16xf32>,
          tpu.vector_store %arg11[%swap3A_845, %swap3A_846], %gather3A_844 {strides = array<i32>} : memref<128x64xf32, #tpu.memory_space<vmem>>, vector<16xf32>,
          %iota3A_848 = tpu.iota {dimensions = array<i32: 0>} : vector<16xi32>
          %add3A_849 = arith.constant 48 : i32
          %add3A_850 = vector.broadcast %add3A_849 : i32 to vector<16xi32>
          %add3A_851 = arith.addi %iota3A_848, %add3A_850 : vector<16xi32>
          %gather3A_852 = arith.constant 0 : i32
          %gather3A_853 = arith.constant 0 : i32
          %gather3A_854 = tpu.memref_slice %arg10[%while3A_784, %gather3A_852, %gather3A_853] : memref<9x64x128xf32, #tpu.memory_space<vmem>> -> memref<1x64x128xf32, #tpu.memory_space<vmem>>
          %gather3A_855 = tpu.memref_squeeze %gather3A_854 : memref<1x64x128xf32, #tpu.memory_space<vmem>> -> memref<64x128xf32, #tpu.memory_space<vmem>>
          %gather3A_856 = tpu.vector_load_idx %gather3A_855[%add3A_851, %and3A_811] : memref<64x128xf32, #tpu.memory_space<vmem>>[vector<16xi32>, vector<16xi32>], vector<16xf32>,
          %swap3A_857 = arith.index_cast %sub3A_812 : i32 to index
          %swap3A_858 = arith.constant 48 : index
          %swap3A_859 = tpu.vector_load %arg11[%swap3A_857, %swap3A_858] {strides = array<i32>} : memref<128x64xf32, #tpu.memory_space<vmem>>, vector<16xf32>,
          tpu.vector_store %arg11[%swap3A_857, %swap3A_858], %gather3A_856 {strides = array<i32>} : memref<128x64xf32, #tpu.memory_space<vmem>>, vector<16xf32>,
          scf.yield %cond3A_804 : i32
        }
        scf.yield %while3A_795 : i32
      } else {
        scf.yield %cond3A_717 : i32
      }
      %mul3A_751 = arith.constant 9 : i32
      %mul3A_752 = arith.muli %scan3A_467, %mul3A_751 : i32
      %add3A_753 = arith.constant 8 : i32
      %add3A_754 = arith.addi %mul3A_752, %add3A_753 : i32
      %broadcast_in_dim3A_755 = vector.broadcast %add3A_754 : i32 to vector<16xi32>
      %gather3A_756 = tpu.vector_load_idx %arg7[%broadcast_in_dim3A_755] : memref<256xi32, #tpu.memory_space<vmem>>[vector<16xi32>], vector<16xi32>,
      %slice3A_757 = vector.extract_strided_slice %gather3A_756 {offsets = [0], sizes = [1], strides = [1]} : vector<16xi32> to vector<1xi32>
      %squeeze3A_758 = vector.extract %slice3A_757[0] : i32 from vector<1xi32>
      %lt3A_759 = arith.cmpi slt, %add3A_754, %min3A_6 : i32
      %gt3A_760 = arith.constant 0 : i32
      %gt3A_761 = arith.cmpi sgt, %squeeze3A_758, %gt3A_760 : i32
      %and3A_762 = arith.andi %lt3A_759, %gt3A_761 : i1
      %convert_element_type3A_763 = arith.extui %and3A_762 : i1 to i32
      %cond3A_764 = arith.constant 0 : i32
      %cond3A_765 = arith.cmpi ne, %convert_element_type3A_763, %cond3A_764 : i32
      scf.if %cond3A_765 {
        %add3A_766 = arith.addi %add3A_4, %add3A_754 : i32
        %mul3A_767 = arith.constant 128 : i32
        %mul3A_768 = arith.muli %add3A_766, %mul3A_767 : i32
        %multiple_of3A = tpu.assume_multiple %mul3A_768, 128 : i32
        %dma_start3A = arith.constant 8 : i32
        %dma_start3A_769 = arith.constant 0 : i32
        %dma_start3A_770 = arith.constant 0 : i32
        %dma_start3A_771 = tpu.memref_slice %arg10[%dma_start3A, %dma_start3A_769, %dma_start3A_770] : memref<9x64x128xf32, #tpu.memory_space<vmem>> -> memref<1x64x128xf32, #tpu.memory_space<vmem>>
        %dma_start3A_772 = tpu.memref_squeeze %dma_start3A_771 : memref<1x64x128xf32, #tpu.memory_space<vmem>> -> memref<64x128xf32, #tpu.memory_space<vmem>>
        %dma_start3A_773 = arith.constant 0 : i32
        %dma_start3A_774 = tpu.memref_slice %arg2[%dma_start3A_773, %multiple_of3A] : memref<64x1077001xf32, #tpu.memory_space<hbm>> -> memref<64x128xf32, #tpu.memory_space<hbm>>
        %dma_start3A_775 = arith.constant 0 : i32
        %dma_start3A_776 = arith.constant 0 : i32
        %dma_start3A_777 = tpu.memref_slice %arg10[%dma_start3A, %dma_start3A_775, %dma_start3A_776] : memref<9x64x128xf32, #tpu.memory_space<vmem>> -> memref<1x64x128xf32, #tpu.memory_space<vmem>>
        %dma_start3A_778 = tpu.memref_squeeze %dma_start3A_777 : memref<1x64x128xf32, #tpu.memory_space<vmem>> -> memref<64x128xf32, #tpu.memory_space<vmem>>
        %dma_start3A_779 = arith.constant 0 : i32
        %dma_start3A_780 = tpu.memref_slice %arg2[%dma_start3A_779, %multiple_of3A] : memref<64x1077001xf32, #tpu.memory_space<hbm>> -> memref<64x128xf32, #tpu.memory_space<hbm>>
        tpu.enqueue_dma source(%dma_start3A_780 : memref<64x128xf32, #tpu.memory_space<hbm>>) target(%dma_start3A_778 : memref<64x128xf32, #tpu.memory_space<vmem>>) target_semaphore(%arg20 : memref<!tpu.dma_semaphore, #tpu.memory_space<semaphore_mem>>)
      } else {
      }
      scf.yield %cond3A_750 : i32
    }
    %scan3A_446 = arith.constant 28 : i32
    %sub3A_447 = arith.subi %add3A_313, %scan3A_445 : i32
    %while3A = arith.constant 0 : i32
    %while3A_448 = arith.constant 0 : i32
    %while3A_449 = arith.subi %sub3A_447, %while3A_448 : i32
    %while3A_450 = arith.addi %while3A_448, %while3A_449 : i32
    %while3A_451 = arith.constant 1 : i32
    %while3A_452 = arith.divsi %while3A_449, %while3A_451 : i32
    %while3A_453 = arith.muli %while3A_452, %while3A_451 : i32
    %while3A_454 = arith.addi %while3A_448, %while3A_453 : i32
    %while3A_455 = arith.constant 1 : i32
    scf.for %while3A_467 = %while3A_448 to %while3A_454 step %while3A_455  : i32 {
      %add3A_468 = arith.addi %scan3A_445, %while3A_467 : i32
      %broadcast_in_dim3A_469 = vector.broadcast %add3A_468 : i32 to vector<16xi32>
      %gather3A_470 = tpu.vector_load_idx %arg6[%broadcast_in_dim3A_469] : memref<16384xi32, #tpu.memory_space<vmem>>[vector<16xi32>], vector<16xi32>,
      %slice3A_471 = vector.extract_strided_slice %gather3A_470 {offsets = [0], sizes = [1], strides = [1]} : vector<16xi32> to vector<1xi32>
      %squeeze3A_472 = vector.extract %slice3A_471[0] : i32 from vector<1xi32>
      %and3A_473 = arith.constant 16383 : i32
      %and3A_474 = arith.andi %squeeze3A_472, %and3A_473 : i32
      %dma_start3A = arith.constant 0 : i32
      %dma_start3A_475 = tpu.memref_slice %arg11[%while3A_467, %dma_start3A] : memref<128x64xf32, #tpu.memory_space<vmem>> -> memref<1x64xf32, #tpu.memory_space<vmem>>
      %dma_start3A_476 = arith.constant 0 : i32
      %dma_start3A_477 = tpu.memref_slice %arg4[%and3A_474, %dma_start3A_476] : memref<16384x64xf32, #tpu.memory_space<hbm>> -> memref<1x64xf32, #tpu.memory_space<hbm>>
      %dma_start3A_478 = arith.constant 0 : i32
      %dma_start3A_479 = tpu.memref_slice %arg4[%and3A_474, %dma_start3A_478] : memref<16384x64xf32, #tpu.memory_space<hbm>> -> memref<1x64xf32, #tpu.memory_space<hbm>>
      %dma_start3A_480 = arith.constant 0 : i32
      %dma_start3A_481 = tpu.memref_slice %arg11[%while3A_467, %dma_start3A_480] : memref<128x64xf32, #tpu.memory_space<vmem>> -> memref<1x64xf32, #tpu.memory_space<vmem>>
      tpu.enqueue_dma source(%dma_start3A_481 : memref<1x64xf32, #tpu.memory_space<vmem>>) target(%dma_start3A_479 : memref<1x64xf32, #tpu.memory_space<hbm>>) target_semaphore(%arg21 : memref<!tpu.dma_semaphore, #tpu.memory_space<semaphore_mem>>)
    }
    %while3A_456 = arith.constant 1 : i32
    scf.for %while3A_467 = %while3A_454 to %while3A_450 step %while3A_456  : i32 {
      %add3A_468 = arith.addi %scan3A_445, %while3A_467 : i32
      %broadcast_in_dim3A_469 = vector.broadcast %add3A_468 : i32 to vector<16xi32>
      %gather3A_470 = tpu.vector_load_idx %arg6[%broadcast_in_dim3A_469] : memref<16384xi32, #tpu.memory_space<vmem>>[vector<16xi32>], vector<16xi32>,
      %slice3A_471 = vector.extract_strided_slice %gather3A_470 {offsets = [0], sizes = [1], strides = [1]} : vector<16xi32> to vector<1xi32>
      %squeeze3A_472 = vector.extract %slice3A_471[0] : i32 from vector<1xi32>
      %and3A_473 = arith.constant 16383 : i32
      %and3A_474 = arith.andi %squeeze3A_472, %and3A_473 : i32
      %dma_start3A = arith.constant 0 : i32
      %dma_start3A_475 = tpu.memref_slice %arg11[%while3A_467, %dma_start3A] : memref<128x64xf32, #tpu.memory_space<vmem>> -> memref<1x64xf32, #tpu.memory_space<vmem>>
      %dma_start3A_476 = arith.constant 0 : i32
      %dma_start3A_477 = tpu.memref_slice %arg4[%and3A_474, %dma_start3A_476] : memref<16384x64xf32, #tpu.memory_space<hbm>> -> memref<1x64xf32, #tpu.memory_space<hbm>>
      %dma_start3A_478 = arith.constant 0 : i32
      %dma_start3A_479 = tpu.memref_slice %arg4[%and3A_474, %dma_start3A_478] : memref<16384x64xf32, #tpu.memory_space<hbm>> -> memref<1x64xf32, #tpu.memory_space<hbm>>
      %dma_start3A_480 = arith.constant 0 : i32
      %dma_start3A_481 = tpu.memref_slice %arg11[%while3A_467, %dma_start3A_480] : memref<128x64xf32, #tpu.memory_space<vmem>> -> memref<1x64xf32, #tpu.memory_space<vmem>>
      tpu.enqueue_dma source(%dma_start3A_481 : memref<1x64xf32, #tpu.memory_space<vmem>>) target(%dma_start3A_479 : memref<1x64xf32, #tpu.memory_space<hbm>>) target_semaphore(%arg21 : memref<!tpu.dma_semaphore, #tpu.memory_space<semaphore_mem>>)
    }
    %while3A_457 = arith.constant 0 : i32
    %while3A_458 = arith.constant 0 : i32
    %while3A_459 = arith.subi %sub3A_447, %while3A_458 : i32
    %while3A_460 = arith.addi %while3A_458, %while3A_459 : i32
    %while3A_461 = arith.constant 1 : i32
    %while3A_462 = arith.divsi %while3A_459, %while3A_461 : i32
    %while3A_463 = arith.muli %while3A_462, %while3A_461 : i32
    %while3A_464 = arith.addi %while3A_458, %while3A_463 : i32
    %while3A_465 = arith.constant 1 : i32
    scf.for %while3A_467 = %while3A_458 to %while3A_464 step %while3A_465  : i32 {
      %dma_wait3A = arith.constant 0 : i32
      %dma_wait3A_468 = arith.constant 0 : i32
      %dma_wait3A_469 = tpu.memref_slice %arg11[%dma_wait3A, %dma_wait3A_468] : memref<128x64xf32, #tpu.memory_space<vmem>> -> memref<1x64xf32, #tpu.memory_space<vmem>>
      %dma_wait3A_470 = arith.constant 0 : i32
      %dma_wait3A_471 = arith.constant 0 : i32
      %dma_wait3A_472 = tpu.memref_slice %arg4[%dma_wait3A_470, %dma_wait3A_471] : memref<16384x64xf32, #tpu.memory_space<hbm>> -> memref<1x64xf32, #tpu.memory_space<hbm>>
      %dma_wait3A_473 = arith.constant 0 : i32
      %dma_wait3A_474 = arith.constant 0 : i32
      %dma_wait3A_475 = tpu.memref_slice %arg11[%dma_wait3A_473, %dma_wait3A_474] : memref<128x64xf32, #tpu.memory_space<vmem>> -> memref<1x64xf32, #tpu.memory_space<vmem>>
      %dma_wait3A_476 = arith.constant 0 : i32
      %dma_wait3A_477 = arith.constant 0 : i32
      %dma_wait3A_478 = tpu.memref_slice %arg4[%dma_wait3A_476, %dma_wait3A_477] : memref<16384x64xf32, #tpu.memory_space<hbm>> -> memref<1x64xf32, #tpu.memory_space<hbm>>
      tpu.wait_dma2 semaphore(%arg21 : memref<!tpu.dma_semaphore, #tpu.memory_space<semaphore_mem>>) src(%dma_wait3A_478 : memref<1x64xf32, #tpu.memory_space<hbm>>) dst(%dma_wait3A_475 : memref<1x64xf32, #tpu.memory_space<vmem>>)
    }
    %while3A_466 = arith.constant 1 : i32
    scf.for %while3A_467 = %while3A_464 to %while3A_460 step %while3A_466  : i32 {
      %dma_wait3A = arith.constant 0 : i32
      %dma_wait3A_468 = arith.constant 0 : i32
      %dma_wait3A_469 = tpu.memref_slice %arg11[%dma_wait3A, %dma_wait3A_468] : memref<128x64xf32, #tpu.memory_space<vmem>> -> memref<1x64xf32, #tpu.memory_space<vmem>>
      %dma_wait3A_470 = arith.constant 0 : i32
      %dma_wait3A_471 = arith.constant 0 : i32
      %dma_wait3A_472 = tpu.memref_slice %arg4[%dma_wait3A_470, %dma_wait3A_471] : memref<16384x64xf32, #tpu.memory_space<hbm>> -> memref<1x64xf32, #tpu.memory_space<hbm>>
      %dma_wait3A_473 = arith.constant 0 : i32
      %dma_wait3A_474 = arith.constant 0 : i32
      %dma_wait3A_475 = tpu.memref_slice %arg11[%dma_wait3A_473, %dma_wait3A_474] : memref<128x64xf32, #tpu.memory_space<vmem>> -> memref<1x64xf32, #tpu.memory_space<vmem>>
      %dma_wait3A_476 = arith.constant 0 : i32
      %dma_wait3A_477 = arith.constant 0 : i32
      %dma_wait3A_478 = tpu.memref_slice %arg4[%dma_wait3A_476, %dma_wait3A_477] : memref<16384x64xf32, #tpu.memory_space<hbm>> -> memref<1x64xf32, #tpu.memory_space<hbm>>
      tpu.wait_dma2 semaphore(%arg21 : memref<!tpu.dma_semaphore, #tpu.memory_space<semaphore_mem>>) src(%dma_wait3A_478 : memref<1x64xf32, #tpu.memory_space<hbm>>) dst(%dma_wait3A_475 : memref<1x64xf32, #tpu.memory_space<vmem>>)
    }
    return
  }
}

</mosaic_0001>

<sc_bundles>
// kernel: kernel.3.cloned.1.call-start
scs
__scs_entry_jumppad:
0x0: {  	(pc) =	sbr.rel $0x88, $3  }
0x1: {  	(tag) =	ssettag $0x0;
	lr =	simm.s32 $0x1  }
0x2: {  	[smem:$0x3F9F] =	sst lr;
	_ =	strace $0xD0000000  }
0x3: {  	_ = 	snop  }
0x4: {  	_ = 	snop  }
0x5: {  	_ = 	snop  }
0x6: {  	_ = 	snop  }
0x7: {  	_ = 	snop  }
__scs_overlays_trampoline_lowered:
0x8: {  	[smem:$0x3FAE] =	sst s0  }
0x9: {  	[smem:$0x3FAF] =	sst s1  }
0xa: {  	[smem:$0x3FB0] =	sst s2  }
0xb: {  	[smem:$0x3FB1] =	sst s3  }
0xc: {  	[smem:$0x3FB2] =	sst s4  }
0xd: {  	[smem:$0x3FB3] =	sst s5  }
0xe: {  	[smem:$0x3FB4] =	sst s6  }
0xf: {  	[smem:$0x3FB5] =	sst s7  }
0x10: {  	[smem:$0x3FB6] =	sst s8  }
0x11: {  	[smem:$0x3FB7] =	sst s9;
	s0 =	simm.s32 @!p0 $0x0  }
0x12: {  	s1 =	sld [smem:$0x3F9D];
	s0 =	simm.s32 @p0 $0x1  }
0x13: {  	[smem:$0x3FB8] =	sst s0;
	s0 =	simm.s32 @!p1 $0x0  }
0x14: {  	s2 =	sld [smem:$0x3F9C];
	s0 =	simm.s32 @p1 $0x1  }
0x15: {  	[smem:$0x3FB9] =	sst s0;
	s0 =	simm.s32 @!p2 $0x0  }
0x16: {  	s3 =	sld [smem:$0x3FDB];
	s0 =	simm.s32 @p2 $0x1  }
0x17: {  	s4 =	simm.s32 $0x1BF5;
	[smem:$0x3FBB] =	sst s0  }
0x18: {  	s0 =	sld [smem:$0x3F9E];
	_ =	swait.ge [sflag:s4], $0x0  }
0x19: {  	s7 =	sld [smem:$0x3F9F]  }
0x1a: {  	s8 =	sadd.s32 $0xFFFFE003, lr  }
0x1b: {  	s9 =	sadd.s32 $0xFFFFFEF7, lr;
	s5 =	simm.s32 $0xFFFFFFFF;
	p2 =	slt.u32 s8, $0xFFFFF086  }
0x1c: {  	p1 =	slt.u32 s9, $0xF7A;
	s5 =	simm.s32 @!p2 $0x0  }
0x1d: {  	s5 =	simm.s32 @p1 $0x1;
	p0 =	seq.s32 s7, s2  }
0x1e: {  	s7 =	smul.u32 @!p0 $0xF7A, s2;
	p2 =	seq.s32 @!p0 s5, $0x0  }
0x1f: {  	s9 =	smul.u32 $0xF7A, s1;
	s8 =	simm.s32 @!p0 $0x1BF5;
	p2 =	por !p2, p0  }
0x20: {  	[sflag:s8] =	ssyncset.s32 @!p0 $0xFFFFF086;
	s6 =	sadd.s32 @!p0 s3, s7;
	s7 =	simm.s32 @!p0 $0x108  }
0x21: {  	s3 =	sadd.s32 s3, s9;
	s6 =	sadd.s32 @!p0 $0x88, s6;
	s7 =	simm.s32 @p2 $0x1082  }
0x22: {  	[simem:s7], [sflag:s8] =	dma.local @!p0 [hbm:s6], $0xF7A  }
0x23: {  	s9 =	sor.u32 $0xD0000000, s2;
	s6 =	simm.s32 $0x108;
	_ =	swait.ge @!p0 [sflag:s8], $0x0  }
0x24: {  	s3 =	sadd.s32 $0x88, s3;
	s6 =	simm.s32 @!p1 $0x1082;
	[sflag:s4] =	ssyncset.s32 $0xFFFFF086  }
0x25: {  	[simem:s6], [sflag:s4] =	dma.local [hbm:s3], $0xF7A  }
0x26: {  	[smem:$0x3F9F] =	sst s1;
	(tag) =	ssettag s2;
	_ =	strace s9  }
0x27: {  	s1 =	sld [smem:$0x3FAF]  }
0x28: {  	s2 =	sld [smem:$0x3FB0]  }
0x29: {  	s4 =	sld [smem:$0x3FB2]  }
0x2a: {  	p0 =	seq.s32 s5, $0x0;
	s5 =	sld [smem:$0x3FB3]  }
0x2b: {  	s6 =	sld [smem:$0x3FB4]  }
0x2c: {  	s7 =	sld [smem:$0x3FB5]  }
0x2d: {  	s3 =	simm.s32 $0x108;
	s8 =	sld [smem:$0x3FB6]  }
0x2e: {  	s3 =	simm.s32 @!p0 $0x1082;
	s9 =	sld [smem:$0x3FB7]  }
0x2f: {  	lr =	sadd.s32 s0, s3;
	s0 =	sld [smem:$0x3FAE]  }
0x30: {  	s3 =	sld [smem:$0x3FB1]  }
0x31: {  	[smem:$0x3FBA] =	sst s10  }
0x32: {  	s10 =	sld [smem:$0x3FB8];
	_ =	sdelay $0x3  }
0x33: {  	p0 =	seq.s32 s10, $0x1;
	s10 =	sld [smem:$0x3FBA];
	_ =	sdelay $0x3  }
0x34: {  	[smem:$0x3FBA] =	sst s10  }
0x35: {  	s10 =	sld [smem:$0x3FB9];
	_ =	sdelay $0x3  }
0x36: {  	p1 =	seq.s32 s10, $0x1;
	s10 =	sld [smem:$0x3FBA];
	_ =	sdelay $0x3  }
0x37: {  	[smem:$0x3FBA] =	sst s10  }
0x38: {  	s10 =	sld [smem:$0x3FBB]  }
0x39: {  	_ = 	snop;
	(pc) =	sbr.ind lr, $3  }
0x3a: {  	_ = 	snop  }
0x3b: {  	_ = 	snop  }
0x3c: {  	p2 =	seq.s32 s10, $0x1;
	s10 =	sld [smem:$0x3FBA]  }
0x3d: {  	_ =	shalt  }
0x3e: {  	_ =	shalt  }
0x3f: {  	_ =	shalt  }
0x40: {  	_ =	shalt  }
0x41: {  	_ =	shalt  }
0x42: {  	_ =	shalt  }
0x43: {  	_ =	shalt  }
0x44: {  	_ =	shalt  }
0x45: {  	_ =	shalt  }
0x46: {  	_ =	shalt  }
0x47: {  	_ =	shalt  }
0x48: {  	_ =	shalt  }
0x49: {  	_ =	shalt  }
0x4a: {  	_ =	shalt  }
0x4b: {  	_ =	shalt  }
0x4c: {  	_ =	shalt  }
0x4d: {  	_ =	shalt  }
0x4e: {  	_ =	shalt  }
0x4f: {  	_ =	shalt  }
0x50: {  	_ =	shalt  }
0x51: {  	_ =	shalt  }
0x52: {  	_ =	shalt  }
0x53: {  	_ =	shalt  }
0x54: {  	_ =	shalt  }
0x55: {  	_ =	shalt  }
0x56: {  	_ =	shalt  }
0x57: {  	_ =	shalt  }
0x58: {  	_ =	shalt  }
0x59: {  	_ =	shalt  }
0x5a: {  	_ =	shalt  }
0x5b: {  	_ =	shalt  }
0x5c: {  	_ =	shalt  }
0x5d: {  	_ =	shalt  }
0x5e: {  	_ =	shalt  }
0x5f: {  	_ =	shalt  }
0x60: {  	_ =	shalt  }
0x61: {  	_ =	shalt  }
0x62: {  	_ =	shalt  }
0x63: {  	_ =	shalt  }
0x64: {  	_ =	shalt  }
0x65: {  	_ =	shalt  }
0x66: {  	_ =	shalt  }
0x67: {  	_ =	shalt  }
0x68: {  	_ =	shalt  }
0x69: {  	_ =	shalt  }
0x6a: {  	_ =	shalt  }
0x6b: {  	_ =	shalt  }
0x6c: {  	_ =	shalt  }
0x6d: {  	_ =	shalt  }
0x6e: {  	_ =	shalt  }
0x6f: {  	_ =	shalt  }
0x70: {  	_ =	shalt  }
0x71: {  	_ =	shalt  }
0x72: {  	_ =	shalt  }
0x73: {  	_ =	shalt  }
0x74: {  	_ =	shalt  }
0x75: {  	_ =	shalt  }
0x76: {  	_ =	shalt  }
0x77: {  	_ =	shalt  }
0x78: {  	_ =	shalt  }
0x79: {  	_ =	shalt  }
0x7a: {  	_ =	shalt  }
0x7b: {  	_ =	shalt  }
0x7c: {  	_ =	shalt  }
0x7d: {  	_ =	shalt  }
0x7e: {  	_ =	shalt  }
0x7f: {  	_ =	shalt  }
0x80: {  	_ =	shalt  }
0x81: {  	_ =	shalt  }
0x82: {  	_ =	shalt  }
0x83: {  	_ =	shalt  }
0x84: {  	_ =	shalt  }
0x85: {  	_ =	shalt  }
0x86: {  	_ =	shalt  }
0x87: {  	_ =	shalt  }
.Lfunc_end0:
.L_simem_size_0:
called_computation_lowered:
.L_overlay_start_0:
0x88: {  	s2 =	sld [smem:$0x3FD9]  }
0x89: {  	s3 =	sld [smem:$0x3FFE];
	_ =	sdelay $0x1  }
0x8a: {  	s1 =	srdreg.scid  }
0x8b: {  	s0 =	sand.u32 $0x1, s1  }
0x8c: {  	s17 =	sshll.u32 s0, $0xA;
	s2 =	sadd.s32 s3, s2  }
0x8d: {  	s2 =	sadd.s32 s2, s17  }
0x8e: {  	[smem:$0x3FC6] =	sst s2  }
0x8f: {  	_ = 	snop  }
0x90: {  	s2 =	sld [smem:$0x3FC9]  }
0x91: {  	s18 =	sld [smem:$0x3FC8];
	(tm) =	ssettm $0x1  }
0x92: {  	s4 =	sld [smem:$0x3FFB];
	_ =	sdelay $0x3  }
0x93: {  	_ =	strace s4  }
0x94: {  	s4 =	sld [smem:$0x3FFC];
	_ =	sdelay $0x3  }
0x95: {  	_ =	strace s4  }
0x96: {  	s4 =	sld [smem:$0x3FFD];
	_ =	sdelay $0x3  }
0x97: {  	_ =	strace s4  }
0x98: {  	_ =	strace $0x8FFFFFFF  }
0x99: {  	s19 =	sld [smem:$0x3FDB];
	_ =	sdelay $0x1  }
0x9a: {  	s5 =	simm.s32 $_scs_section_size  }
0x9b: {  	s6 =	simm.s32 $_size__tile_overlayer_lowered;
	s7 =	simm.s32 $_tile_overlayer_lowered  }
0x9c: {  	s22 =	simm.s32 $0x1BFF;
	s21 =	sshll.u32 s7, $0x1;
	s4 =	sadd.s32 s5, s19  }
0x9d: {  	s8 =	simm.s32 $0x0;
	s20 =	sshll.u32 s6, $0x1;
	s6 =	sadd.s32 s21, s4  }
0x9e: {  	[timem:s8], [sflag:s22] =	dma.local [hbm:s6], s20  }
0x9f: {  	_ =	swait.ge [sflag:s22], s20  }
0xa0: {  	s5 =	ssub.s32 $0x0, s20;
	[sflag:s22] =	ssyncset.done $0x0  }
0xa1: {  	[sflag:s22] =	ssyncadd.s32 s5;
	_ =	sdelay $0x1  }
0xa2: {  	s23 =	simm.s32 $0x1B8B  }
0xa3: {  	_ =	swait.ge [sflag:s23], $0x1  }
0xa4: {  	[sflag:s23] =	ssyncset.done $0x0  }
0xa5: {  	s25 =	simm.s32 $0x1B8E;
	s24 =	sld [smem:$0x3FFE];
	[sflag:s23] =	ssyncadd.s32 $0xFFFFFFFF  }
0xa6: {  	s26 =	simm.s32 $execute0_lowered;
	[smem:$0x3FD2] =	sst s25  }
0xa7: {  	s6 =	sshll.u32 s26, $0x1;
	_ =	strace $0x80000046;
	[dreg:$0x1] =	wrdreg $0xFFFFFFFF  }
0xa8: {  	s28 =	simm.s32 $_size_execute0_lowered;
	s4 =	sadd.s32 s4, s6;
	[dreg:$0x0] =	wrdreg $0x0  }
0xa9: {  	s6 =	sshll.u32 s28, $0x1;
	[dreg:$0x2] =	wrdreg s4  }
0xaa: {  	[dreg:$0x3] =	wrdreg s6  }
0xab: {  	[dreg:$0x4] =	wrdreg $0xC0  }
0xac: {  	_ =	task [dreg:s8], $0x5FFFF  }
0xad: {  	[dreg:$0x1] =	wrdreg $0xFFFFFFFF  }
0xae: {  	[dreg:$0x0] =	wrdreg $0x60  }
0xaf: {  	[dreg:$0x2] =	wrdreg s2  }
0xb0: {  	[dreg:$0x3] =	wrdreg s18  }
0xb1: {  	[dreg:$0x4] =	wrdreg s24  }
0xb2: {  	[dreg:$0x5] =	wrdreg $0x9  }
0xb3: {  	_ =	task.clear_ibuf [dreg:s8], $0x6FFFF;
	_ =	strace $0x90000046  }
0xb4: {  	s29 =	simm.s32 $0x9;
	_ =	strace $0x80000048  }
0xb5: {  	_ =	swait.ge [sflag:s29], $0x1  }
0xb6: {  	[sflag:s29] =	ssyncadd.s32 $0xFFFFFFFF  }
0xb7: {  	_ =	strace $0x90000048  }
0xb8: {  	_ =	sfence  }
0xb9: {  	s30 =	sld [smem:$0x0];
	_ =	sdelay $0x2  }
0xba: {  	s31 =	sshll.u32 s1, $0xD;
	s1 =	sshrl.u32 s1, $0x2  }
0xbb: {  	s3 =	sand.u32 $0x4000, s31;
	s1 =	sadd.s32 s1, s30  }
0xbc: {  	s0 =	sor.u32 s3, s0;
	s1 =	sshll.u32 s1, $0x11  }
0xbd: {  	s0 =	sor.u32 s1, s0  }
0xbe: {  	s0 =	sadd.s32 $0x8F2B, s0  }
0xbf: {  	[sflag:s0] =	ssyncadd.remote.s32 $0x1  }
0xc0: {  	_ =	sfence.sel $0xFFFF  }
0xc1: {  	[dreg:$0x0] =	wrdreg $0xFFFFFFFF;
	(pc) =	sbr.abs _section_cstart, $3  }
0xc2: {  	[dreg:$0x1] =	wrdreg $0xFFFFFFFF  }
0xc3: {  	_ =	task.clear_ibuf [dreg:s8], $0x2FFFF;
	_ =	strace $0x9FFFFFFF  }
0xc4: {  	(tm) =	ssettm $0x7FFFFFFF  }
0xc5: {  	_ =	shalt  }
tec
execute0_lowered:
.L_overlay_start_1:
0x0: {  	(tag) =	ssettag $0x1  }
0x1: {  	s1 =	rddreg [dreg:$0x0];
	s0 =	srdreg.scid  }
0x2: {  	s2 =	stileid.u32;
	s3 =	rddreg [dreg:$0x2];
	s4 =	simm.s32 $0x0  }
0x3: {  	s28 =	simm.s32 $0xA300;
	s30 =	simm.s32 $0xC300;
	s9 =	simm.s32 $0x12300  }
0x4: {  	s11 =	simm.s32 $0x14300;
	s0 =	sand.u32 $0x1, s0;
	s2 =	sshll.u32 s2, $0x1  }
0x5: {  	s13 =	simm.s32 $0x16300;
	s14 =	simm.s32 $0x9;
	s2 =	sor.u32 s0, s2  }
0x6: {  	s15 =	simm.s32 $0x18300;
	s0 =	ssub.s32 $0x2, s0;
	s7 =	smul.u32 $0xF5, s2  }
0x7: {  	[smem:$0x7FF] =	sst s4;
	s2 =	smul.u32 $0x3D400, s2;
	s19 =	sshrl.u32 s0, $0x1  }
0x8: {  	_ =	strace $0x80000047;
	s0 =	ssub.s32 s0, s19;
	s6 =	sadd.s32 $0x1FB, s7  }
0x9: {  	s2 =	sshrl.u32 s2, $0x3;
	s0 =	smax.u32 s0, $0x1;
	s8 =	sshll.u32 s6, $0x7  }
0xa: {  	s2 =	sadd.s32 s1, s2;
	[dreg:$0xd] =	wrdreg s0;
	s21 =	sadd.s32 s1, s8  }
0xb: {  	s5 =	sadd.s32 $0x400, s3;
	s22 =	sadd.s32 $0xFE00, s2;
	[dreg:$0x4] =	wrdreg s21  }
0xc: {  	s3 =	simm.s32 $0x10300;
	s23 =	sadd.s32 $0xFE80, s2;
	[dreg:$0x5] =	wrdreg s22  }
0xd: {  	s19 =	simm.s32 $0x8000;
	s24 =	sadd.s32 $0xFF00, s2;
	[dreg:$0x6] =	wrdreg s23  }
0xe: {  	s20 =	ssub.s32 $0x1E86, s7;
	s25 =	sadd.s32 $0xFF80, s2;
	[dreg:$0x7] =	wrdreg s24  }
0xf: {  	s7 =	smin.u32 s20, $0xF5;
	s26 =	sadd.s32 $0x10000, s2;
	[dreg:$0x8] =	wrdreg s25  }
.Ltmp0:
0x10: {  	s29 =	sadd.s32 $0x10080, s2;
	[dreg:$0x9] =	wrdreg s26;
	(pc) =	sbr.rel .LBB2_1-.Ltmp0, $4  }
0x11: {  	v2 =	vimm.s32 $0x0;
	v3 =	vimm.s32 $0x1;
	v4 =	vimm.s32 $0x2;
	s20 =	simm.s32 $0x8200;
	s31 =	sadd.s32 $0x10100, s2;
	[dreg:$0xa] =	wrdreg s29  }
0x12: {  	v5 =	vimm.s32 $0x3;
	v6 =	vimm.s32 $0x4;
	v7 =	vimm.s32 $0x5;
	s2 =	sadd.s32 $0x10180, s2;
	s8 =	simm.s32 $0x0;
	[dreg:$0xb] =	wrdreg s31  }
0x13: {  	v8 =	vimm.s32 $0x6;
	v9 =	vimm.s32 $0x7;
	v10 =	vimm.s32 $0x8;
	[dreg:$0xc] =	wrdreg s2;
	s21 =	simm.s32 $0x4000;
	s23 =	simm.s32 $0x8100  }
0x14: {  	v11 =	vlaneseq.u32;
	v0 =	vmov s6;
	v1 =	vmov s7;
	s24 =	simm.s32 $0xA;
	s25 =	simm.s32 $0x8300;
	s2 =	simm.s32 $0xE300  }
.LBB2_105:
0x15: {  	[sflag:s24] =	ssyncadd.s32 $0xFFFFFF80;
	s8 =	rddreg [dreg:$0xe]  }
.LBB2_106:
0x16: {  	s8 =	sadd.s32 $0x1, s8;
	s0 =	rddreg [dreg:$0xd]  }
0x17: {  	p0 =	sne.s32 s8, s0  }
.Ltmp1:
0x18: {  	_ = 	snop;
	(pc) =	sbr.rel @!p0 .LBB2_107-.Ltmp1, $1  }
0x19: {  	_ =	sdelay $0x3  }
.LBB2_1:
0x1a: {  	[dreg:$0xe] =	wrdreg s8  }
0x1b: {  	s0 =	rddreg [dreg:$0x1];
	s31 =	simm.s32 $0xB  }
0x1c: {  	[tilespmem:s4], [sflag:$0xB] =	stream.linear.gather [hbm4b:s0+s4], $0x4000, $0x38;
	[tilespmem:$0x1E300] =	vst v63  }
0x1d: {  	_ =	swait.ge [sflag:s31], $0x4000  }
0x1e: {  	[sflag:s31] =	ssyncset.done $0x0  }
0x1f: {  	[sflag:s31] =	ssyncadd.s32 $0xFFFFC000  }
0x20: {  	[tilespmem:$0x8000] =	vst v2  }
0x21: {  	[tilespmem:$0x8010] =	vst v2  }
0x22: {  	[tilespmem:$0x8020] =	vst v2  }
0x23: {  	[tilespmem:$0x8030] =	vst v2  }
0x24: {  	[tilespmem:$0x8040] =	vst v2  }
0x25: {  	[tilespmem:$0x8050] =	vst v2  }
0x26: {  	[tilespmem:$0x8060] =	vst v2  }
0x27: {  	[tilespmem:$0x8070] =	vst v2  }
0x28: {  	[tilespmem:$0x8080] =	vst v2  }
0x29: {  	[tilespmem:$0x8090] =	vst v2  }
0x2a: {  	[tilespmem:$0x80A0] =	vst v2  }
0x2b: {  	[tilespmem:$0x80B0] =	vst v2  }
0x2c: {  	[tilespmem:$0x80C0] =	vst v2  }
0x2d: {  	[tilespmem:$0x80D0] =	vst v2  }
0x2e: {  	[tilespmem:$0x80E0] =	vst v2  }
0x2f: {  	s0 =	simm.s32 $0x0;
	[tilespmem:$0x80F0] =	vst v2  }
.LBB2_2:
0x30: {  	s8 =	sshra.s32 s0, $0x2  }
0x31: {  	v12 =	vld [tilespmem:s8+$0x0];
	_ =	sdelay $0x4  }
0x32: {  	v12 =	vadd.s32 $0xFDE8, v12  }
0x33: {  	v12 =	vshra.s32 v12, $0x7  }
0x34: {  	v13 =	vsub.s32 v12, v0  }
0x35: {  	vm0 =	vge.s32 v12, v0;
	vm1 =	vlt.s32 v13, v1  }
0x36: {  	vm0 =	vmand vm0, vm1;
	_ =	sdelay $0x5  }
0x37: {  	[tilespmem:v13+s19+$0x0] =	vst.idx.add.s32.msk vm0, v3  }
0x38: {  	v58 =	vld [tilespmem:s8+$0x10];
	_ =	sdelay $0x4  }
0x39: {  	v12 =	vadd.s32 $0xFDE8, v58  }
0x3a: {  	v12 =	vshra.s32 v12, $0x7  }
0x3b: {  	v59 =	vsub.s32 v12, v0  }
0x3c: {  	vm10 =	vge.s32 v12, v0;
	vm11 =	vlt.s32 v59, v1  }
0x3d: {  	vm0 =	vmand vm10, vm11;
	_ =	sdelay $0x5  }
0x3e: {  	[tilespmem:v59+s19+$0x0] =	vst.idx.add.s32.msk vm0, v3  }
0x3f: {  	v60 =	vld [tilespmem:s8+$0x20];
	_ =	sdelay $0x4  }
0x40: {  	v12 =	vadd.s32 $0xFDE8, v60  }
0x41: {  	v12 =	vshra.s32 v12, $0x7  }
0x42: {  	v61 =	vsub.s32 v12, v0  }
0x43: {  	vm12 =	vge.s32 v12, v0;
	vm13 =	vlt.s32 v61, v1  }
0x44: {  	vm0 =	vmand vm12, vm13;
	_ =	sdelay $0x5  }
0x45: {  	[tilespmem:v61+s19+$0x0] =	vst.idx.add.s32.msk vm0, v3  }
0x46: {  	v62 =	vld [tilespmem:s8+$0x30];
	_ =	sdelay $0x4  }
0x47: {  	v12 =	vadd.s32 $0xFDE8, v62  }
0x48: {  	v12 =	vshra.s32 v12, $0x7  }
0x49: {  	v63 =	vsub.s32 v12, v0  }
0x4a: {  	vm14 =	vge.s32 v12, v0;
	vm15 =	vlt.s32 v63, v1  }
0x4b: {  	vm0 =	vmand vm14, vm15  }
0x4c: {  	p0 =	sne.s32 s0, $0xFF00  }
.Ltmp2:
0x4d: {  	_ = 	snop;
	(pc) =	sbr.rel @p0 .LBB2_2-.Ltmp2, $2  }
0x4e: {  	_ =	sdelay $0x2  }
0x4f: {  	s0 =	sadd.s32 $0x100, s0;
	[tilespmem:v63+s19+$0x0] =	vst.idx.add.s32.msk vm0, v3  }
0x50: {  	v12 =	vld [tilespmem:$0x8000]  }
0x51: {  	v13 =	vld [tilespmem:$0x8010];
	_ =	sdelay $0x1  }
0x52: {  	v14 =	vld [tilespmem:$0x8020];
	_ =	sdelay $0x1  }
0x53: {  	v15 =	vld [tilespmem:$0x8030];
	(xrf0) =	vadd.scan.msk.s32 $0xffff, v12  }
0x54: {  	(xrf0) =	vadd.scan.msk.s32 $0xffff, v13  }
0x55: {  	v16 =	vld [tilespmem:$0x8040]  }
0x56: {  	(xrf0) =	vadd.scan.msk.s32 $0xffff, v14  }
0x57: {  	v17 =	vld [tilespmem:$0x8050]  }
0x58: {  	(xrf0) =	vadd.scan.msk.s32 $0xffff, v15  }
0x59: {  	v19 =	vld [tilespmem:$0x8060];
	v18, _, _ =	vpop (xrf0)  }
0x5a: {  	(xrf0) =	vadd.scan.msk.s32 $0xffff, v16;
	(v2sf) =	vpush v18, $0xF;
	v20, _, _ =	vpop (xrf0)  }
0x5b: {  	v21 =	vld [tilespmem:$0x8070];
	(v2sf) =	vpush v20, $0xF  }
0x5c: {  	(xrf0) =	vadd.scan.msk.s32 $0xffff, v17;
	v22, _, _ =	vpop (xrf0)  }
0x5d: {  	v23 =	vld [tilespmem:$0x8080];
	(v2sf) =	vpush v22, $0xF  }
0x5e: {  	(xrf0) =	vadd.scan.msk.s32 $0xffff, v19;
	v24, _, _ =	vpop (xrf0)  }
0x5f: {  	v25 =	vld [tilespmem:$0x8090];
	(v2sf) =	vpush v24, $0xF  }
0x60: {  	v26, _, _ =	vpop (xrf0);
	(xrf0) =	vadd.scan.msk.s32 $0xffff, v21  }
0x61: {  	v27 =	vld [tilespmem:$0x80A0];
	(v2sf) =	vpush v26, $0xF  }
0x62: {  	v28, _, _ =	vpop (xrf0);
	(xrf0) =	vadd.scan.msk.s32 $0xffff, v23  }
0x63: {  	v29 =	vld [tilespmem:$0x80B0];
	(v2sf) =	vpush v28, $0xF  }
0x64: {  	v30, _, _ =	vpop (xrf0);
	(xrf0) =	vadd.scan.msk.s32 $0xffff, v25  }
0x65: {  	v31 =	vld [tilespmem:$0x80C0];
	(v2sf) =	vpush v30, $0xF  }
0x66: {  	v32, _, _ =	vpop (xrf0);
	(xrf0) =	vadd.scan.msk.s32 $0xffff, v27  }
0x67: {  	v33 =	vld [tilespmem:$0x80D0];
	(v2sf) =	vpush v32, $0xF  }
0x68: {  	v12 =	vsub.s32 v18, v12;
	v18 =	vbroadcast v18, $0xF;
	v34, _, _ =	vpop (xrf0);
	(xrf0) =	vadd.scan.msk.s32 $0xffff, v29  }
0x69: {  	v56 =	vld [tilespmem:$0x80E0];
	[tilespmem:$0x8100] =	vst v12;
	v13 =	vsub.s32 v20, v13;
	s0 =	spop (v2sf);
	(v2sf) =	vpush v34, $0xF  }
0x6a: {  	[tilespmem:$0x8200] =	vst v12;
	v57 =	vadd.s32 v18, v13;
	v58, _, _ =	vpop (xrf0);
	(xrf0) =	vadd.scan.msk.s32 $0xffff, v31;
	s8 =	spop (v2sf)  }
0x6b: {  	v14 =	vsub.s32 v22, v14;
	[tilespmem:$0x8110] =	vst v57;
	(v2sf) =	vpush v58, $0xF;
	s0 =	sadd.s32 s0, s8  }
0x6c: {  	[tilespmem:$0x8210] =	vst v57;
	s18 =	spop (v2sf);
	v60, _, _ =	vpop (xrf0);
	(xrf0) =	vadd.scan.msk.s32 $0xffff, v33;
	v59 =	vadd.s32 s0, v14  }
0x6d: {  	v15 =	vsub.s32 v24, v15;
	s0 =	sadd.s32 s0, s18;
	(v2sf) =	vpush v60, $0xF;
	[tilespmem:$0x8120] =	vst v59  }
0x6e: {  	s22 =	spop (v2sf);
	v62, _, _ =	vpop (xrf0);
	(xrf0) =	vadd.scan.msk.s32 $0xffff, v56;
	[tilespmem:$0x8220] =	vst v59;
	v61 =	vadd.s32 s0, v15  }
0x6f: {  	v16 =	vsub.s32 v26, v16;
	s0 =	sadd.s32 s0, s22;
	(v2sf) =	vpush v62, $0xF;
	[tilespmem:$0x8130] =	vst v61  }
0x70: {  	v63, _, _ =	vpop (xrf0);
	[tilespmem:$0x8230] =	vst v61;
	v22 =	vadd.s32 s0, v16;
	s26 =	spop (v2sf)  }
0x71: {  	v24 =	vsub.s32 v28, v17;
	[tilespmem:$0x8140] =	vst v22;
	(v2sf) =	vpush v63, $0xF;
	s0 =	sadd.s32 s0, s26  }
0x72: {  	[tilespmem:$0x8240] =	vst v22;
	s29 =	spop (v2sf);
	v26, _, _ =	vpop (xrf0);
	v28 =	vadd.s32 s0, v24  }
0x73: {  	v30 =	vsub.s32 v30, v19;
	s0 =	sadd.s32 s0, s29;
	[tilespmem:$0x8150] =	vst v28;
	(v2sf) =	vpush v26, $0xF  }
0x74: {  	s31 =	spop (v2sf);
	[tilespmem:$0x8250] =	vst v28;
	v35 =	vadd.s32 s0, v30;
	v36, _, _ =	vpop (xrf0)  }
0x75: {  	v37 =	vsub.s32 v32, v21;
	s0 =	sadd.s32 s0, s31;
	[tilespmem:$0x8160] =	vst v35;
	(v2sf) =	vpush v36, $0xF  }
0x76: {  	[tilespmem:$0x8260] =	vst v35;
	v38 =	vadd.s32 s0, v37;
	s10 =	spop (v2sf)  }
0x77: {  	v39 =	vsub.s32 v34, v23;
	[tilespmem:$0x8170] =	vst v38;
	s0 =	sadd.s32 s0, s10  }
0x78: {  	[tilespmem:$0x8270] =	vst v38;
	v40 =	vadd.s32 s0, v39;
	s12 =	spop (v2sf)  }
0x79: {  	v41 =	vld [tilespmem:$0x80F0];
	v13 =	vsub.s32 v58, v25;
	[tilespmem:$0x8180] =	vst v40;
	s0 =	sadd.s32 s0, s12  }
0x7a: {  	[tilespmem:$0x8280] =	vst v40;
	s16 =	spop (v2sf);
	v42 =	vadd.s32 s0, v13  }
0x7b: {  	v43 =	vsub.s32 v60, v27;
	s0 =	sadd.s32 s0, s16;
	[tilespmem:$0x8190] =	vst v42  }
0x7c: {  	[tilespmem:$0x8290] =	vst v42;
	s17 =	spop (v2sf);
	v44 =	vadd.s32 s0, v43  }
0x7d: {  	v45 =	vsub.s32 v62, v29;
	[tilespmem:$0x81A0] =	vst v44;
	s0 =	sadd.s32 s0, s17  }
0x7e: {  	(xrf0) =	vadd.scan.msk.s32 $0xffff, v41;
	[tilespmem:$0x82A0] =	vst v44;
	s18 =	spop (v2sf);
	v46 =	vadd.s32 s0, v45  }
0x7f: {  	v47 =	vsub.s32 v63, v31;
	s0 =	sadd.s32 s0, s18;
	[tilespmem:$0x81B0] =	vst v46  }
0x80: {  	[tilespmem:$0x82B0] =	vst v46;
	s22 =	spop (v2sf);
	v48 =	vadd.s32 s0, v47  }
0x81: {  	v49 =	vsub.s32 v26, v33;
	[tilespmem:$0x81C0] =	vst v48;
	s0 =	sadd.s32 s0, s22  }
0x82: {  	[tilespmem:$0x82C0] =	vst v48;
	v50 =	vadd.s32 s0, v49;
	s26 =	spop (v2sf)  }
0x83: {  	v51 =	vsub.s32 v36, v56;
	[tilespmem:$0x81D0] =	vst v50;
	s0 =	sadd.s32 s0, s26  }
0x84: {  	v53, _, _ =	vpop (xrf0);
	[tilespmem:$0x82D0] =	vst v50;
	s29 =	spop (v2sf);
	v52 =	vadd.s32 s0, v51  }
0x85: {  	v54 =	vsub.s32 v53, v41;
	s0 =	sadd.s32 s0, s29;
	[tilespmem:$0x81E0] =	vst v52  }
0x86: {  	[tilespmem:$0x82E0] =	vst v52;
	v55 =	vadd.s32 s0, v54  }
0x87: {  	[tilespmem:$0x81F0] =	vst v55  }
0x88: {  	[tilespmem:$0x82F0] =	vst v55  }
0x89: {  	v12 =	vld.msk [tilespmem:s19+$0x0], $0xffff;
	_ =	sdelay $0x3  }
0x8a: {  	(v2sf) =	vpush v53, $0xF  }
0x8b: {  	(v2sf) =	vpush v12, $0x0;
	_ =	sdelay $0xd  }
0x8c: {  	s16 =	spop (v2sf)  }
0x8d: {  	s31 =	spop (v2sf)  }
0x8e: {  	s17 =	rddreg [dreg:$0x4];
	p0 =	slt.s32 s31, $0x1  }
0x8f: {  	s8 =	simm.s32 @!p0 $0x400;
	s10 =	simm.s32 @!p0 $0x837C00;
	s12 =	simm.s32 @!p0 $0x8300  }
0x90: {  	[tilespmem:s12], [sflag:$0x1] =	stream.strided.gather @!p0 [hbm4b:s17+s8], $0x2000, s10, s8, $0x38;
	[tilespmem:$0x1E300] =	vst v63  }
0x91: {  	v56 =	vld.idx.msk [tilespmem:v3+s19+$0x0], $0xffff;
	_ =	sdelay $0x4  }
0x92: {  	(v2sf) =	vpush v56, $0x0;
	_ =	sdelay $0xe  }
0x93: {  	s10 =	spop (v2sf)  }
0x94: {  	s17 =	rddreg [dreg:$0x5];
	p0 =	slt.s32 s10, $0x1  }
0x95: {  	s8 =	simm.s32 @!p0 $0x400;
	s10 =	simm.s32 @!p0 $0x837C00;
	s12 =	simm.s32 @!p0 $0xA300  }
0x96: {  	[tilespmem:s12], [sflag:$0x2] =	stream.strided.gather @!p0 [hbm4b:s17+s8], $0x2000, s10, s8, $0x38;
	[tilespmem:$0x1E300] =	vst v63  }
0x97: {  	v57 =	vld.idx.msk [tilespmem:v4+s19+$0x0], $0xffff;
	_ =	sdelay $0x4  }
0x98: {  	(v2sf) =	vpush v57, $0x0;
	_ =	sdelay $0xe  }
0x99: {  	s12 =	spop (v2sf)  }
0x9a: {  	s17 =	rddreg [dreg:$0x6];
	p0 =	slt.s32 s12, $0x1  }
0x9b: {  	s8 =	simm.s32 @!p0 $0x400;
	s10 =	simm.s32 @!p0 $0x837C00;
	s12 =	simm.s32 @!p0 $0xC300  }
0x9c: {  	[tilespmem:s12], [sflag:$0x3] =	stream.strided.gather @!p0 [hbm4b:s17+s8], $0x2000, s10, s8, $0x38;
	[tilespmem:$0x1E300] =	vst v63  }
0x9d: {  	v58 =	vld.idx.msk [tilespmem:v5+s19+$0x0], $0xffff;
	_ =	sdelay $0x4  }
0x9e: {  	(v2sf) =	vpush v58, $0x0;
	_ =	sdelay $0xe  }
0x9f: {  	s17 =	spop (v2sf)  }
0xa0: {  	p0 =	slt.s32 s17, $0x1;
	s17 =	rddreg [dreg:$0x7]  }
0xa1: {  	s8 =	simm.s32 @!p0 $0x400;
	s10 =	simm.s32 @!p0 $0x837C00;
	s12 =	simm.s32 @!p0 $0xE300  }
0xa2: {  	[tilespmem:s12], [sflag:$0x4] =	stream.strided.gather @!p0 [hbm4b:s17+s8], $0x2000, s10, s8, $0x38;
	[tilespmem:$0x1E300] =	vst v63  }
0xa3: {  	v59 =	vld.idx.msk [tilespmem:v6+s19+$0x0], $0xffff;
	_ =	sdelay $0x4  }
0xa4: {  	(v2sf) =	vpush v59, $0x0;
	_ =	sdelay $0xe  }
0xa5: {  	s18 =	spop (v2sf)  }
0xa6: {  	s17 =	rddreg [dreg:$0x8];
	p0 =	slt.s32 s18, $0x1  }
0xa7: {  	s8 =	simm.s32 @!p0 $0x400;
	s10 =	simm.s32 @!p0 $0x837C00;
	s12 =	simm.s32 @!p0 $0x10300  }
0xa8: {  	[tilespmem:s12], [sflag:$0x5] =	stream.strided.gather @!p0 [hbm4b:s17+s8], $0x2000, s10, s8, $0x38;
	[tilespmem:$0x1E300] =	vst v63  }
0xa9: {  	v60 =	vld.idx.msk [tilespmem:v7+s19+$0x0], $0xffff;
	_ =	sdelay $0x4  }
0xaa: {  	(v2sf) =	vpush v60, $0x0;
	_ =	sdelay $0xe  }
0xab: {  	s22 =	spop (v2sf)  }
0xac: {  	s17 =	rddreg [dreg:$0x9];
	p0 =	slt.s32 s22, $0x1  }
0xad: {  	s8 =	simm.s32 @!p0 $0x400;
	s10 =	simm.s32 @!p0 $0x837C00;
	s12 =	simm.s32 @!p0 $0x12300  }
0xae: {  	[tilespmem:s12], [sflag:$0x6] =	stream.strided.gather @!p0 [hbm4b:s17+s8], $0x2000, s10, s8, $0x38;
	[tilespmem:$0x1E300] =	vst v63  }
0xaf: {  	v61 =	vld.idx.msk [tilespmem:v8+s19+$0x0], $0xffff;
	_ =	sdelay $0x4  }
0xb0: {  	(v2sf) =	vpush v61, $0x0;
	_ =	sdelay $0xe  }
0xb1: {  	s26 =	spop (v2sf)  }
0xb2: {  	s17 =	rddreg [dreg:$0xa];
	p0 =	slt.s32 s26, $0x1  }
0xb3: {  	s8 =	simm.s32 @!p0 $0x400;
	s10 =	simm.s32 @!p0 $0x837C00;
	s12 =	simm.s32 @!p0 $0x14300  }
0xb4: {  	[tilespmem:s12], [sflag:$0x7] =	stream.strided.gather @!p0 [hbm4b:s17+s8], $0x2000, s10, s8, $0x38;
	[tilespmem:$0x1E300] =	vst v63  }
0xb5: {  	v62 =	vld.idx.msk [tilespmem:v9+s19+$0x0], $0xffff;
	_ =	sdelay $0x4  }
0xb6: {  	(v2sf) =	vpush v62, $0x0;
	_ =	sdelay $0xe  }
0xb7: {  	s29 =	spop (v2sf)  }
0xb8: {  	s17 =	rddreg [dreg:$0xb];
	p0 =	slt.s32 s29, $0x1  }
0xb9: {  	s8 =	simm.s32 @!p0 $0x400;
	s10 =	simm.s32 @!p0 $0x837C00;
	s12 =	simm.s32 @!p0 $0x16300  }
0xba: {  	[tilespmem:s12], [sflag:$0x8] =	stream.strided.gather @!p0 [hbm4b:s17+s8], $0x2000, s10, s8, $0x38;
	[tilespmem:$0x1E300] =	vst v63  }
0xbb: {  	v63 =	vld.idx.msk [tilespmem:v10+s19+$0x0], $0xffff;
	_ =	sdelay $0x4  }
0xbc: {  	(v2sf) =	vpush v63, $0x0;
	_ =	sdelay $0xe  }
0xbd: {  	s0 =	sadd.s32 s0, s16;
	s31 =	spop (v2sf)  }
0xbe: {  	s16 =	simm.s32 $0x0;
	s17 =	rddreg [dreg:$0xc];
	p0 =	slt.s32 s31, $0x1  }
0xbf: {  	s8 =	simm.s32 @!p0 $0x400;
	s10 =	simm.s32 @!p0 $0x837C00;
	s12 =	simm.s32 @!p0 $0x18300  }
0xc0: {  	[tilespmem:s12], [sflag:$0x9] =	stream.strided.gather @!p0 [hbm4b:s17+s8], $0x2000, s10, s8, $0x38;
	[tilespmem:$0x1E300] =	vst v63  }
0xc1: {  	[dreg:$0xf] =	wrdreg s0;
	s0 =	simm.s32 $0x20;
	s17 =	simm.s32 $0x0  }
.LBB2_4:
0xc2: {  	v12 =	vld [tilespmem:s0+$0xFFFFFFE0];
	_ =	sdelay $0x4  }
0xc3: {  	v12 =	vadd.s32 $0xFDE8, v12  }
0xc4: {  	v13 =	vshra.s32 v12, $0x7  }
0xc5: {  	v14 =	vsub.s32 v13, v0  }
0xc6: {  	vm0 =	vge.s32 v13, v0;
	vm1 =	vlt.s32 v14, v1  }
0xc7: {  	vm0 =	vmand vm0, vm1  }
0xc8: {  	(xrf1) =	vunique.msk.u32 vm0, v14;
	_ =	sdelay $0x9  }
0xc9: {  	v51 =	vld.idx.msk [tilespmem:v14+s20+$0x0], vm0;
	_ =	sdelay $0x3  }
0xca: {  	_, v15, _ =	vpop (xrf1)  }
0xcb: {  	v13 =	vadd.s32 v15, v51  }
0xcc: {  	v13 =	vadd.s32 $0xFFFFFFFF, v13  }
0xcd: {  	v12 =	vshll.u32 v12, $0xE  }
0xce: {  	v12 =	vand.u32 $0x1FC000, v12  }
0xcf: {  	v12 =	vor.u32 s16, v12  }
0xd0: {  	v12 =	vor.u32 v11, v12  }
0xd1: {  	[tilespmem:v13+s21+$0x0] =	vst.idx.msk vm0, v12  }
0xd2: {  	[tilespmem:v14+s20+$0x0] =	vst.idx.add.s32.msk vm0, v3  }
0xd3: {  	v12 =	vld [tilespmem:s0+$0xFFFFFFF0];
	_ =	sdelay $0x4  }
0xd4: {  	v12 =	vadd.s32 $0xFDE8, v12  }
0xd5: {  	v52 =	vshra.s32 v12, $0x7  }
0xd6: {  	v53 =	vsub.s32 v52, v0  }
0xd7: {  	vm10 =	vge.s32 v52, v0;
	vm11 =	vlt.s32 v53, v1  }
0xd8: {  	vm0 =	vmand vm10, vm11  }
0xd9: {  	(xrf1) =	vunique.msk.u32 vm0, v53;
	_ =	sdelay $0x9  }
0xda: {  	v54 =	vld.idx.msk [tilespmem:v53+s20+$0x0], vm0;
	_ =	sdelay $0x3  }
0xdb: {  	_, v55, _ =	vpop (xrf1)  }
0xdc: {  	v13 =	vadd.s32 v55, v54  }
0xdd: {  	v13 =	vadd.s32 $0xFFFFFFFF, v13  }
0xde: {  	v12 =	vshll.u32 v12, $0xE  }
0xdf: {  	s8 =	sadd.s32 $0x10, s16;
	v12 =	vand.u32 $0x1FC000, v12  }
0xe0: {  	v12 =	vor.u32 s8, v12  }
0xe1: {  	v12 =	vor.u32 v11, v12  }
0xe2: {  	[tilespmem:v13+s21+$0x0] =	vst.idx.msk vm0, v12  }
0xe3: {  	[tilespmem:v53+s20+$0x0] =	vst.idx.add.s32.msk vm0, v3  }
0xe4: {  	v12 =	vld [tilespmem:s0+$0x0];
	_ =	sdelay $0x4  }
0xe5: {  	v12 =	vadd.s32 $0xFDE8, v12  }
0xe6: {  	v56 =	vshra.s32 v12, $0x7  }
0xe7: {  	v57 =	vsub.s32 v56, v0  }
0xe8: {  	vm12 =	vge.s32 v56, v0;
	vm13 =	vlt.s32 v57, v1  }
0xe9: {  	vm0 =	vmand vm12, vm13  }
0xea: {  	(xrf1) =	vunique.msk.u32 vm0, v57;
	_ =	sdelay $0x9  }
0xeb: {  	v58 =	vld.idx.msk [tilespmem:v57+s20+$0x0], vm0;
	_ =	sdelay $0x3  }
0xec: {  	_, v59, _ =	vpop (xrf1)  }
0xed: {  	v13 =	vadd.s32 v59, v58  }
0xee: {  	v13 =	vadd.s32 $0xFFFFFFFF, v13  }
0xef: {  	v12 =	vshll.u32 v12, $0xE  }
0xf0: {  	s29 =	sadd.s32 $0x20, s16;
	v12 =	vand.u32 $0x1FC000, v12  }
0xf1: {  	v12 =	vor.u32 s29, v12  }
0xf2: {  	v12 =	vor.u32 v11, v12  }
0xf3: {  	[tilespmem:v13+s21+$0x0] =	vst.idx.msk vm0, v12  }
0xf4: {  	[tilespmem:v57+s20+$0x0] =	vst.idx.add.s32.msk vm0, v3  }
0xf5: {  	v12 =	vld [tilespmem:s0+$0x10];
	_ =	sdelay $0x4  }
0xf6: {  	v12 =	vadd.s32 $0xFDE8, v12  }
0xf7: {  	v60 =	vshra.s32 v12, $0x7  }
0xf8: {  	v61 =	vsub.s32 v60, v0  }
0xf9: {  	vm14 =	vge.s32 v60, v0;
	vm15 =	vlt.s32 v61, v1  }
0xfa: {  	vm0 =	vmand vm14, vm15  }
0xfb: {  	(xrf1) =	vunique.msk.u32 vm0, v61;
	_ =	sdelay $0x9  }
0xfc: {  	v62 =	vld.idx.msk [tilespmem:v61+s20+$0x0], vm0;
	_ =	sdelay $0x3  }
0xfd: {  	_, v63, _ =	vpop (xrf1)  }
0xfe: {  	v13 =	vadd.s32 v63, v62  }
0xff: {  	v13 =	vadd.s32 $0xFFFFFFFF, v13  }
0x100: {  	p0 =	sne.s32 s16, $0x3FC0;
	v12 =	vshll.u32 v12, $0xE  }
.Ltmp3:
0x101: {  	s31 =	sadd.s32 $0x30, s16;
	v12 =	vand.u32 $0x1FC000, v12;
	(pc) =	sbr.rel @p0 .LBB2_4-.Ltmp3, $4  }
0x102: {  	v12 =	vor.u32 s31, v12  }
0x103: {  	v12 =	vor.u32 v11, v12  }
0x104: {  	[tilespmem:v13+s21+$0x0] =	vst.idx.msk vm0, v12  }
0x105: {  	s16 =	sadd.s32 $0x40, s16;
	s0 =	sadd.s32 $0x40, s0;
	[tilespmem:v61+s20+$0x0] =	vst.idx.add.s32.msk vm0, v3  }
.Ltmp4:
0x106: {  	(pc) =	sbr.rel .LBB2_6-.Ltmp4, $2  }
0x107: {  	_ =	sdelay $0x2  }
0x108: {  	s18 =	simm.s32 $0x1  }
.LBB2_87:
0x109: {  	s17 =	smov.u32 @p0 s17  }
.LBB2_96:
0x10a: {  	s0 =	sadd.s32 $0x8, s16  }
0x10b: {  	v12 =	vmov s0;
	_ =	sdelay $0x4  }
0x10c: {  	v12 =	vld.idx.msk [tilespmem:v12+s19+$0x0], $0xffff;
	_ =	sdelay $0x4  }
0x10d: {  	(v2sf) =	vpush v12, $0x0;
	_ =	sdelay $0xe  }
0x10e: {  	p0 =	sge.u32 s0, s7;
	s8 =	spop (v2sf)  }
0x10f: {  	p1 =	slt.s32 @!p0 s8, $0x1  }
0x110: {  	p0 =	por p1, p0  }
0x111: {  	s0 =	sadd.s32 @!p0 s6, s0  }
0x112: {  	s0 =	sshll.u32 @!p0 s0, $0x7  }
0x113: {  	s18 =	sadd.s32 $0x1, s18;
	s8 =	simm.s32 @!p0 $0x400;
	s0 =	sand.u32 @!p0 $0x1FFFFF80, s0  }
0x114: {  	s10 =	simm.s32 @!p0 $0x837C00;
	s12 =	simm.s32 @!p0 $0x18300;
	s0 =	sadd.s32 @!p0 s1, s0  }
0x115: {  	[tilespmem:s12], [sflag:$0x9] =	stream.strided.gather @!p0 [hbm4b:s0+s8], $0x2000, s10, s8, $0x38;
	[tilespmem:$0x1E300] =	vst v63  }
0x116: {  	p0 =	sne.s32 s18, $0x1D  }
.Ltmp5:
0x117: {  	_ = 	snop;
	(pc) =	sbr.rel @!p0 .LBB2_97-.Ltmp5, $1  }
0x118: {  	_ =	sdelay $0x3  }
.LBB2_6:
0x119: {  	s16 =	smul.u32 $0x9, s18;
	_ =	sdelay $0x1  }
0x11a: {  	s0 =	sadd.s32 $0xFFFFFFF7, s16  }
0x11b: {  	v12 =	vmov s0;
	_ =	sdelay $0x4  }
0x11c: {  	v13 =	vld.idx.msk [tilespmem:v12+s19+$0x0], $0xffff;
	_ =	sdelay $0x4  }
0x11d: {  	(v2sf) =	vpush v13, $0x0;
	_ =	sdelay $0xe  }
0x11e: {  	p0 =	sge.u32 s0, s7;
	s22 =	spop (v2sf)  }
0x11f: {  	p1 =	slt.s32 @!p0 s22, $0x1  }
0x120: {  	p1 =	por p0, p1  }
.Ltmp6:
0x121: {  	_ = 	snop;
	(pc) =	sbr.rel @p1 .LBB2_7-.Ltmp6, $1  }
0x122: {  	_ =	sdelay $0x3  }
0x123: {  	s0 =	simm.s32 $0x1  }
0x124: {  	_ =	swait.ge [sflag:s0], $0x2000  }
0x125: {  	[sflag:s0] =	ssyncset.done $0x0  }
0x126: {  	[sflag:s0] =	ssyncadd.s32 $0xFFFFE000  }
0x127: {  	v12 =	vld.idx.msk [tilespmem:v12+s23+$0x0], $0xffff;
	_ =	sdelay $0x4  }
0x128: {  	(v2sf) =	vpush v12, $0x0;
	_ =	sdelay $0xa  }
.Ltmp7:
0x129: {  	_ = 	snop;
	(pc) =	sbr.rel .LBB2_9-.Ltmp7, $2  }
0x12a: {  	_ =	sdelay $0x2  }
0x12b: {  	s29 =	simm.s32 $0x0;
	s31 =	simm.s32 $0x0;
	s26 =	spop (v2sf)  }
.LBB2_14:
0x12c: {  	s17 =	sadd.s32 $0x80, s17  }
0x12d: {  	[sflag:s24] =	ssyncadd.s32 $0xFFFFFF80;
	s10 =	ssub.s32 s0, s17  }
.LBB2_15:
0x12e: {  	v12 =	vmov s0;
	_ =	sdelay $0x4  }
0x12f: {  	v12 =	vld.idx.msk [tilespmem:v12+s21+$0x0], $0xffff;
	_ =	sdelay $0x4  }
0x130: {  	v13 =	vmul.u32 $0x80, v11;
	v12 =	vshrl.u32 v12, $0xE  }
0x131: {  	v12 =	vand.u32 $0x7F, v12  }
0x132: {  	v14 =	vor.u32 v13, v12;
	_ =	sdelay $0x4  }
0x133: {  	v15 =	vor.u32 $0x800, v13;
	v14 =	vld.idx.msk [tilespmem:v14+s25+$0x0], $0xffff  }
0x134: {  	v15 =	vor.u32 v15, v12;
	_ =	sdelay $0x1  }
0x135: {  	s12 =	sshll.u32 s10, $0x9  }
0x136: {  	s0 =	sshra.s32 s12, $0x2  }
0x137: {  	[tilespmem:s0+$0x1A300] =	vst v14  }
0x138: {  	v63 =	vor.u32 $0x1000, v13;
	v14 =	vld.idx.msk [tilespmem:v15+s25+$0x0], $0xffff  }
0x139: {  	v15 =	vor.u32 v63, v12;
	_ =	sdelay $0x3  }
0x13a: {  	[tilespmem:s0+$0x1A310] =	vst v14  }
0x13b: {  	v13 =	vor.u32 $0x1800, v13;
	v14 =	vld.idx.msk [tilespmem:v15+s25+$0x0], $0xffff  }
0x13c: {  	v12 =	vor.u32 v13, v12;
	_ =	sdelay $0x3  }
0x13d: {  	s31 =	sadd.s32 $0x1, s31;
	[tilespmem:s0+$0x1A320] =	vst v14  }
0x13e: {  	p0 =	sne.s32 s31, s22;
	v12 =	vld.idx.msk [tilespmem:v12+s25+$0x0], $0xffff  }
.Ltmp8:
0x13f: {  	_ = 	snop;
	(pc) =	sbr.rel @!p0 .LBB2_16-.Ltmp8, $2  }
0x140: {  	_ =	sdelay $0x2  }
0x141: {  	[tilespmem:s0+$0x1A330] =	vst v12  }
.LBB2_9:
0x142: {  	s0 =	sadd.s32 s26, s31  }
0x143: {  	s10 =	ssub.s32 s0, s17  }
0x144: {  	p0 =	slt.s32 s10, $0x80  }
.Ltmp9:
0x145: {  	_ = 	snop;
	(pc) =	sbr.rel @p0 .LBB2_15-.Ltmp9, $2  }
0x146: {  	_ =	sdelay $0x2  }
0x147: {  	s8 =	simm.s32 $0x1A300  }
0x148: {  	s10 =	sadd.s32 s29, s17  }
0x149: {  	v12 =	vmov s10;
	_ =	sdelay $0x4  }
0x14a: {  	v12 =	vld.idx.msk [tilespmem:v12+s21+$0x0], $0xffff;
	_ =	sdelay $0x4  }
0x14b: {  	(v2sf) =	vpush v12, $0x0;
	_ =	sdelay $0xc  }
0x14c: {  	s10 =	sadd.s32 $0x1, s29  }
0x14d: {  	s12 =	sadd.s32 s10, s17  }
0x14e: {  	v63 =	vmov s12;
	s12 =	spop (v2sf)  }
0x14f: {  	s12 =	sshll.u32 s12, $0x4  }
0x150: {  	s12 =	sand.u32 $0x3FFF0, s12  }
0x151: {  	s12 =	sadd.s32 s5, s12  }
0x152: {  	[hbm4b:s12+s4] =	stream.linear.scatter [tilespmem:s8], [sflag:$0xA], $0x80, $0x38;
	[tilespmem:$0x1E300] =	vst v63  }
0x153: {  	v12 =	vld.idx.msk [tilespmem:v63+s21+$0x0], $0xffff;
	_ =	sdelay $0x4  }
0x154: {  	(v2sf) =	vpush v12, $0x0;
	_ =	sdelay $0xc  }
0x155: {  	s10 =	sadd.s32 $0x1, s10  }
0x156: {  	s12 =	sadd.s32 s10, s17;
	s10 =	sadd.s32 $0x1, s10  }
.LBB2_11:
0x157: {  	p0 =	sne.s32 s10, $0x7F;
	v12 =	vmov s12;
	s12 =	spop (v2sf)  }
0x158: {  	s12 =	sshll.u32 s12, $0x4  }
0x159: {  	s12 =	sand.u32 $0x3FFF0, s12  }
0x15a: {  	s8 =	sadd.s32 $0x80, s8;
	s12 =	sadd.s32 s5, s12  }
0x15b: {  	[hbm4b:s12+s4] =	stream.linear.scatter [tilespmem:s8], [sflag:$0xA], $0x80, $0x38;
	[tilespmem:$0x1E300] =	vst v63  }
0x15c: {  	v12 =	vld.idx.msk [tilespmem:v12+s21+$0x0], $0xffff;
	_ =	sdelay $0x5  }
0x15d: {  	(v2sf) =	vpush v12, $0x0;
	_ =	sdelay $0x9  }
.Ltmp10:
0x15e: {  	(pc) =	sbr.rel @p0 .LBB2_11-.Ltmp10, $2  }
0x15f: {  	_ =	sdelay $0x2  }
0x160: {  	s12 =	sadd.s32 s10, s17;
	s10 =	sadd.s32 $0x1, s10  }
0x161: {  	v12 =	vmov s12;
	s10 =	spop (v2sf)  }
0x162: {  	s10 =	sshll.u32 s10, $0x4  }
0x163: {  	s10 =	sand.u32 $0x3FFF0, s10  }
0x164: {  	s8 =	sadd.s32 $0x80, s8;
	s10 =	sadd.s32 s5, s10  }
0x165: {  	[hbm4b:s10+s4] =	stream.linear.scatter [tilespmem:s8], [sflag:$0xA], $0x80, $0x38;
	[tilespmem:$0x1E300] =	vst v63  }
0x166: {  	v12 =	vld.idx.msk [tilespmem:v12+s21+$0x0], $0xffff;
	_ =	sdelay $0x4  }
0x167: {  	(v2sf) =	vpush v12, $0x0;
	_ =	sdelay $0xe  }
0x168: {  	s12 =	spop (v2sf)  }
0x169: {  	s10 =	sshll.u32 s12, $0x4  }
0x16a: {  	s10 =	sand.u32 $0x3FFF0, s10  }
0x16b: {  	s8 =	sadd.s32 $0x80, s8;
	s10 =	sadd.s32 s5, s10  }
0x16c: {  	[hbm4b:s10+s4] =	stream.linear.scatter [tilespmem:s8], [sflag:$0xA], $0x80, $0x38;
	[tilespmem:$0x1E300] =	vst v63  }
0x16d: {  	_ =	swait.ge [sflag:s24], $0x80  }
0x16e: {  	s8 =	simm.s32 $0x7F;
	[sflag:s24] =	ssyncset.done $0x0  }
.LBB2_13:
0x16f: {  	p0 =	sne.s32 s8, $0x1;
	s8 =	sadd.s32 $0xFFFFFFFF, s8;
	[sflag:s24] =	ssyncadd.s32 $0xFFFFFF80  }
.Ltmp11:
0x170: {  	(pc) =	sbr.rel @p0 .LBB2_13-.Ltmp11, $3  }
0x171: {  	_ =	sdelay $0x1  }
0x172: {  	_ =	swait.ge [sflag:s24], $0x80  }
0x173: {  	[sflag:s24] =	ssyncset.done $0x0  }
.Ltmp12:
0x174: {  	_ = 	snop;
	(pc) =	sbr.rel .LBB2_14-.Ltmp12, $1  }
0x175: {  	_ =	sdelay $0x3  }
.LBB2_7:
0x176: {  	s17 =	smov.u32 @p0 s17  }
.LBB2_16:
0x177: {  	v12 =	vmov s16;
	_ =	sdelay $0x4  }
0x178: {  	v12 =	vld.idx.msk [tilespmem:v12+s19+$0x0], $0xffff;
	_ =	sdelay $0x4  }
0x179: {  	(v2sf) =	vpush v12, $0x0;
	_ =	sdelay $0xe  }
0x17a: {  	p0 =	sge.u32 s16, s7;
	s0 =	spop (v2sf)  }
0x17b: {  	p1 =	slt.s32 @!p0 s0, $0x1  }
0x17c: {  	s8 =	sadd.s32 $0xFFFFFFF8, s16;
	p0 =	por p1, p0  }
0x17d: {  	v12 =	vmov s8;
	s0 =	sadd.s32 @!p0 s6, s16  }
0x17e: {  	s0 =	sshll.u32 @!p0 s0, $0x7  }
0x17f: {  	s10 =	simm.s32 @!p0 $0x400;
	s0 =	sand.u32 @!p0 $0x1FFFFF80, s0  }
0x180: {  	s12 =	simm.s32 @!p0 $0x837C00;
	s22 =	simm.s32 @!p0 $0x8300;
	s0 =	sadd.s32 @!p0 s1, s0  }
0x181: {  	[tilespmem:s22], [sflag:$0x1] =	stream.strided.gather @!p0 [hbm4b:s0+s10], $0x2000, s12, s10, $0x38;
	[tilespmem:$0x1E300] =	vst v63  }
0x182: {  	v13 =	vld.idx.msk [tilespmem:v12+s19+$0x0], $0xffff;
	_ =	sdelay $0x4  }
0x183: {  	(v2sf) =	vpush v13, $0x0;
	_ =	sdelay $0xe  }
0x184: {  	p0 =	sge.u32 s8, s7;
	s22 =	spop (v2sf)  }
0x185: {  	p1 =	slt.s32 @!p0 s22, $0x1  }
0x186: {  	p1 =	por p0, p1  }
.Ltmp13:
0x187: {  	_ = 	snop;
	(pc) =	sbr.rel @p1 .LBB2_17-.Ltmp13, $1  }
0x188: {  	_ =	sdelay $0x3  }
0x189: {  	s0 =	simm.s32 $0x2  }
0x18a: {  	_ =	swait.ge [sflag:s0], $0x2000  }
0x18b: {  	[sflag:s0] =	ssyncset.done $0x0  }
0x18c: {  	[sflag:s0] =	ssyncadd.s32 $0xFFFFE000  }
0x18d: {  	v12 =	vld.idx.msk [tilespmem:v12+s23+$0x0], $0xffff;
	_ =	sdelay $0x4  }
0x18e: {  	(v2sf) =	vpush v12, $0x0;
	_ =	sdelay $0xa  }
.Ltmp14:
0x18f: {  	_ = 	snop;
	(pc) =	sbr.rel .LBB2_19-.Ltmp14, $2  }
0x190: {  	_ =	sdelay $0x2  }
0x191: {  	s29 =	simm.s32 $0x0;
	s31 =	simm.s32 $0x0;
	s26 =	spop (v2sf)  }
.LBB2_24:
0x192: {  	s17 =	sadd.s32 $0x80, s17  }
0x193: {  	[sflag:s24] =	ssyncadd.s32 $0xFFFFFF80;
	s10 =	ssub.s32 s0, s17  }
.LBB2_25:
0x194: {  	v12 =	vmov s0;
	_ =	sdelay $0x4  }
0x195: {  	v12 =	vld.idx.msk [tilespmem:v12+s21+$0x0], $0xffff;
	_ =	sdelay $0x4  }
0x196: {  	v13 =	vmul.u32 $0x80, v11;
	v12 =	vshrl.u32 v12, $0xE  }
0x197: {  	v12 =	vand.u32 $0x7F, v12  }
0x198: {  	v14 =	vor.u32 v13, v12;
	_ =	sdelay $0x4  }
0x199: {  	v15 =	vor.u32 $0x800, v13;
	v14 =	vld.idx.msk [tilespmem:v14+s28+$0x0], $0xffff  }
0x19a: {  	v15 =	vor.u32 v15, v12;
	_ =	sdelay $0x1  }
0x19b: {  	s12 =	sshll.u32 s10, $0x9  }
0x19c: {  	s0 =	sshra.s32 s12, $0x2  }
0x19d: {  	[tilespmem:s0+$0x1A300] =	vst v14  }
0x19e: {  	v63 =	vor.u32 $0x1000, v13;
	v14 =	vld.idx.msk [tilespmem:v15+s28+$0x0], $0xffff  }
0x19f: {  	v15 =	vor.u32 v63, v12;
	_ =	sdelay $0x3  }
0x1a0: {  	[tilespmem:s0+$0x1A310] =	vst v14  }
0x1a1: {  	v13 =	vor.u32 $0x1800, v13;
	v14 =	vld.idx.msk [tilespmem:v15+s28+$0x0], $0xffff  }
0x1a2: {  	v12 =	vor.u32 v13, v12;
	_ =	sdelay $0x3  }
0x1a3: {  	s31 =	sadd.s32 $0x1, s31;
	[tilespmem:s0+$0x1A320] =	vst v14  }
0x1a4: {  	p0 =	sne.s32 s31, s22;
	v12 =	vld.idx.msk [tilespmem:v12+s28+$0x0], $0xffff  }
.Ltmp15:
0x1a5: {  	_ = 	snop;
	(pc) =	sbr.rel @!p0 .LBB2_26-.Ltmp15, $2  }
0x1a6: {  	_ =	sdelay $0x2  }
0x1a7: {  	[tilespmem:s0+$0x1A330] =	vst v12  }
.LBB2_19:
0x1a8: {  	s0 =	sadd.s32 s26, s31  }
0x1a9: {  	s10 =	ssub.s32 s0, s17  }
0x1aa: {  	p0 =	slt.s32 s10, $0x80  }
.Ltmp16:
0x1ab: {  	_ = 	snop;
	(pc) =	sbr.rel @p0 .LBB2_25-.Ltmp16, $2  }
0x1ac: {  	_ =	sdelay $0x2  }
0x1ad: {  	s8 =	simm.s32 $0x1A300  }
0x1ae: {  	s10 =	sadd.s32 s29, s17  }
0x1af: {  	v12 =	vmov s10;
	_ =	sdelay $0x4  }
0x1b0: {  	v12 =	vld.idx.msk [tilespmem:v12+s21+$0x0], $0xffff;
	_ =	sdelay $0x4  }
0x1b1: {  	(v2sf) =	vpush v12, $0x0;
	_ =	sdelay $0xc  }
0x1b2: {  	s10 =	sadd.s32 $0x1, s29  }
0x1b3: {  	s12 =	sadd.s32 s10, s17  }
0x1b4: {  	v63 =	vmov s12;
	s12 =	spop (v2sf)  }
0x1b5: {  	s12 =	sshll.u32 s12, $0x4  }
0x1b6: {  	s12 =	sand.u32 $0x3FFF0, s12  }
0x1b7: {  	s12 =	sadd.s32 s5, s12  }
0x1b8: {  	[hbm4b:s12+s4] =	stream.linear.scatter [tilespmem:s8], [sflag:$0xA], $0x80, $0x38;
	[tilespmem:$0x1E300] =	vst v63  }
0x1b9: {  	v12 =	vld.idx.msk [tilespmem:v63+s21+$0x0], $0xffff;
	_ =	sdelay $0x4  }
0x1ba: {  	(v2sf) =	vpush v12, $0x0;
	_ =	sdelay $0xc  }
0x1bb: {  	s10 =	sadd.s32 $0x1, s10  }
0x1bc: {  	s12 =	sadd.s32 s10, s17;
	s10 =	sadd.s32 $0x1, s10  }
.LBB2_21:
0x1bd: {  	p0 =	sne.s32 s10, $0x7F;
	v12 =	vmov s12;
	s12 =	spop (v2sf)  }
0x1be: {  	s12 =	sshll.u32 s12, $0x4  }
0x1bf: {  	s12 =	sand.u32 $0x3FFF0, s12  }
0x1c0: {  	s8 =	sadd.s32 $0x80, s8;
	s12 =	sadd.s32 s5, s12  }
0x1c1: {  	[hbm4b:s12+s4] =	stream.linear.scatter [tilespmem:s8], [sflag:$0xA], $0x80, $0x38;
	[tilespmem:$0x1E300] =	vst v63  }
0x1c2: {  	v12 =	vld.idx.msk [tilespmem:v12+s21+$0x0], $0xffff;
	_ =	sdelay $0x5  }
0x1c3: {  	(v2sf) =	vpush v12, $0x0;
	_ =	sdelay $0x9  }
.Ltmp17:
0x1c4: {  	(pc) =	sbr.rel @p0 .LBB2_21-.Ltmp17, $2  }
0x1c5: {  	_ =	sdelay $0x2  }
0x1c6: {  	s12 =	sadd.s32 s10, s17;
	s10 =	sadd.s32 $0x1, s10  }
0x1c7: {  	v12 =	vmov s12;
	s10 =	spop (v2sf)  }
0x1c8: {  	s10 =	sshll.u32 s10, $0x4  }
0x1c9: {  	s10 =	sand.u32 $0x3FFF0, s10  }
0x1ca: {  	s8 =	sadd.s32 $0x80, s8;
	s10 =	sadd.s32 s5, s10  }
0x1cb: {  	[hbm4b:s10+s4] =	stream.linear.scatter [tilespmem:s8], [sflag:$0xA], $0x80, $0x38;
	[tilespmem:$0x1E300] =	vst v63  }
0x1cc: {  	v12 =	vld.idx.msk [tilespmem:v12+s21+$0x0], $0xffff;
	_ =	sdelay $0x4  }
0x1cd: {  	(v2sf) =	vpush v12, $0x0;
	_ =	sdelay $0xe  }
0x1ce: {  	s12 =	spop (v2sf)  }
0x1cf: {  	s10 =	sshll.u32 s12, $0x4  }
0x1d0: {  	s10 =	sand.u32 $0x3FFF0, s10  }
0x1d1: {  	s8 =	sadd.s32 $0x80, s8;
	s10 =	sadd.s32 s5, s10  }
0x1d2: {  	[hbm4b:s10+s4] =	stream.linear.scatter [tilespmem:s8], [sflag:$0xA], $0x80, $0x38;
	[tilespmem:$0x1E300] =	vst v63  }
0x1d3: {  	_ =	swait.ge [sflag:s24], $0x80  }
0x1d4: {  	s8 =	simm.s32 $0x7F;
	[sflag:s24] =	ssyncset.done $0x0  }
.LBB2_23:
0x1d5: {  	p0 =	sne.s32 s8, $0x1;
	s8 =	sadd.s32 $0xFFFFFFFF, s8;
	[sflag:s24] =	ssyncadd.s32 $0xFFFFFF80  }
.Ltmp18:
0x1d6: {  	(pc) =	sbr.rel @p0 .LBB2_23-.Ltmp18, $3  }
0x1d7: {  	_ =	sdelay $0x1  }
0x1d8: {  	_ =	swait.ge [sflag:s24], $0x80  }
0x1d9: {  	[sflag:s24] =	ssyncset.done $0x0  }
.Ltmp19:
0x1da: {  	_ = 	snop;
	(pc) =	sbr.rel .LBB2_24-.Ltmp19, $1  }
0x1db: {  	_ =	sdelay $0x3  }
.LBB2_17:
0x1dc: {  	s17 =	smov.u32 @p0 s17  }
.LBB2_26:
0x1dd: {  	s0 =	sadd.s32 $0x1, s16  }
0x1de: {  	v12 =	vmov s0;
	_ =	sdelay $0x4  }
0x1df: {  	v12 =	vld.idx.msk [tilespmem:v12+s19+$0x0], $0xffff;
	_ =	sdelay $0x4  }
0x1e0: {  	(v2sf) =	vpush v12, $0x0;
	_ =	sdelay $0xe  }
0x1e1: {  	p0 =	sge.u32 s0, s7;
	s8 =	spop (v2sf)  }
0x1e2: {  	p1 =	slt.s32 @!p0 s8, $0x1  }
0x1e3: {  	s31 =	sadd.s32 $0xFFFFFFF9, s16;
	p0 =	por p1, p0  }
0x1e4: {  	v12 =	vmov s31;
	s0 =	sadd.s32 @!p0 s6, s0  }
0x1e5: {  	s0 =	sshll.u32 @!p0 s0, $0x7  }
0x1e6: {  	s10 =	simm.s32 @!p0 $0x400;
	s0 =	sand.u32 @!p0 $0x1FFFFF80, s0  }
0x1e7: {  	s12 =	simm.s32 @!p0 $0x837C00;
	s22 =	simm.s32 @!p0 $0xA300;
	s0 =	sadd.s32 @!p0 s1, s0  }
0x1e8: {  	[tilespmem:s22], [sflag:$0x2] =	stream.strided.gather @!p0 [hbm4b:s0+s10], $0x2000, s12, s10, $0x38;
	[tilespmem:$0x1E300] =	vst v63  }
0x1e9: {  	v13 =	vld.idx.msk [tilespmem:v12+s19+$0x0], $0xffff;
	_ =	sdelay $0x4  }
0x1ea: {  	(v2sf) =	vpush v13, $0x0;
	_ =	sdelay $0xe  }
0x1eb: {  	p0 =	sge.u32 s31, s7;
	s22 =	spop (v2sf)  }
0x1ec: {  	p1 =	slt.s32 @!p0 s22, $0x1  }
0x1ed: {  	p1 =	por p0, p1  }
.Ltmp20:
0x1ee: {  	_ = 	snop;
	(pc) =	sbr.rel @p1 .LBB2_27-.Ltmp20, $1  }
0x1ef: {  	_ =	sdelay $0x3  }
0x1f0: {  	s0 =	simm.s32 $0x3  }
0x1f1: {  	_ =	swait.ge [sflag:s0], $0x2000  }
0x1f2: {  	[sflag:s0] =	ssyncset.done $0x0  }
0x1f3: {  	[sflag:s0] =	ssyncadd.s32 $0xFFFFE000  }
0x1f4: {  	v12 =	vld.idx.msk [tilespmem:v12+s23+$0x0], $0xffff;
	_ =	sdelay $0x4  }
0x1f5: {  	(v2sf) =	vpush v12, $0x0;
	_ =	sdelay $0xa  }
.Ltmp21:
0x1f6: {  	_ = 	snop;
	(pc) =	sbr.rel .LBB2_29-.Ltmp21, $2  }
0x1f7: {  	_ =	sdelay $0x2  }
0x1f8: {  	s29 =	simm.s32 $0x0;
	s31 =	simm.s32 $0x0;
	s26 =	spop (v2sf)  }
.LBB2_34:
0x1f9: {  	s17 =	sadd.s32 $0x80, s17  }
0x1fa: {  	[sflag:s24] =	ssyncadd.s32 $0xFFFFFF80;
	s10 =	ssub.s32 s0, s17  }
.LBB2_35:
0x1fb: {  	v12 =	vmov s0;
	_ =	sdelay $0x4  }
0x1fc: {  	v12 =	vld.idx.msk [tilespmem:v12+s21+$0x0], $0xffff;
	_ =	sdelay $0x4  }
0x1fd: {  	v13 =	vmul.u32 $0x80, v11;
	v12 =	vshrl.u32 v12, $0xE  }
0x1fe: {  	v12 =	vand.u32 $0x7F, v12  }
0x1ff: {  	v14 =	vor.u32 v13, v12;
	_ =	sdelay $0x4  }
0x200: {  	v15 =	vor.u32 $0x800, v13;
	v14 =	vld.idx.msk [tilespmem:v14+s30+$0x0], $0xffff  }
0x201: {  	v15 =	vor.u32 v15, v12;
	_ =	sdelay $0x1  }
0x202: {  	s12 =	sshll.u32 s10, $0x9  }
0x203: {  	s0 =	sshra.s32 s12, $0x2  }
0x204: {  	[tilespmem:s0+$0x1A300] =	vst v14  }
0x205: {  	v63 =	vor.u32 $0x1000, v13;
	v14 =	vld.idx.msk [tilespmem:v15+s30+$0x0], $0xffff  }
0x206: {  	v15 =	vor.u32 v63, v12;
	_ =	sdelay $0x3  }
0x207: {  	[tilespmem:s0+$0x1A310] =	vst v14  }
0x208: {  	v13 =	vor.u32 $0x1800, v13;
	v14 =	vld.idx.msk [tilespmem:v15+s30+$0x0], $0xffff  }
0x209: {  	v12 =	vor.u32 v13, v12;
	_ =	sdelay $0x3  }
0x20a: {  	s31 =	sadd.s32 $0x1, s31;
	[tilespmem:s0+$0x1A320] =	vst v14  }
0x20b: {  	p0 =	sne.s32 s31, s22;
	v12 =	vld.idx.msk [tilespmem:v12+s30+$0x0], $0xffff  }
.Ltmp22:
0x20c: {  	_ = 	snop;
	(pc) =	sbr.rel @!p0 .LBB2_36-.Ltmp22, $2  }
0x20d: {  	_ =	sdelay $0x2  }
0x20e: {  	[tilespmem:s0+$0x1A330] =	vst v12  }
.LBB2_29:
0x20f: {  	s0 =	sadd.s32 s26, s31  }
0x210: {  	s10 =	ssub.s32 s0, s17  }
0x211: {  	p0 =	slt.s32 s10, $0x80  }
.Ltmp23:
0x212: {  	_ = 	snop;
	(pc) =	sbr.rel @p0 .LBB2_35-.Ltmp23, $2  }
0x213: {  	_ =	sdelay $0x2  }
0x214: {  	s8 =	simm.s32 $0x1A300  }
0x215: {  	s10 =	sadd.s32 s29, s17  }
0x216: {  	v12 =	vmov s10;
	_ =	sdelay $0x4  }
0x217: {  	v12 =	vld.idx.msk [tilespmem:v12+s21+$0x0], $0xffff;
	_ =	sdelay $0x4  }
0x218: {  	(v2sf) =	vpush v12, $0x0;
	_ =	sdelay $0xc  }
0x219: {  	s10 =	sadd.s32 $0x1, s29  }
0x21a: {  	s12 =	sadd.s32 s10, s17  }
0x21b: {  	v63 =	vmov s12;
	s12 =	spop (v2sf)  }
0x21c: {  	s12 =	sshll.u32 s12, $0x4  }
0x21d: {  	s12 =	sand.u32 $0x3FFF0, s12  }
0x21e: {  	s12 =	sadd.s32 s5, s12  }
0x21f: {  	[hbm4b:s12+s4] =	stream.linear.scatter [tilespmem:s8], [sflag:$0xA], $0x80, $0x38;
	[tilespmem:$0x1E300] =	vst v63  }
0x220: {  	v12 =	vld.idx.msk [tilespmem:v63+s21+$0x0], $0xffff;
	_ =	sdelay $0x4  }
0x221: {  	(v2sf) =	vpush v12, $0x0;
	_ =	sdelay $0xc  }
0x222: {  	s10 =	sadd.s32 $0x1, s10  }
0x223: {  	s12 =	sadd.s32 s10, s17;
	s10 =	sadd.s32 $0x1, s10  }
.LBB2_31:
0x224: {  	p0 =	sne.s32 s10, $0x7F;
	v12 =	vmov s12;
	s12 =	spop (v2sf)  }
0x225: {  	s12 =	sshll.u32 s12, $0x4  }
0x226: {  	s12 =	sand.u32 $0x3FFF0, s12  }
0x227: {  	s8 =	sadd.s32 $0x80, s8;
	s12 =	sadd.s32 s5, s12  }
0x228: {  	[hbm4b:s12+s4] =	stream.linear.scatter [tilespmem:s8], [sflag:$0xA], $0x80, $0x38;
	[tilespmem:$0x1E300] =	vst v63  }
0x229: {  	v12 =	vld.idx.msk [tilespmem:v12+s21+$0x0], $0xffff;
	_ =	sdelay $0x5  }
0x22a: {  	(v2sf) =	vpush v12, $0x0;
	_ =	sdelay $0x9  }
.Ltmp24:
0x22b: {  	(pc) =	sbr.rel @p0 .LBB2_31-.Ltmp24, $2  }
0x22c: {  	_ =	sdelay $0x2  }
0x22d: {  	s12 =	sadd.s32 s10, s17;
	s10 =	sadd.s32 $0x1, s10  }
0x22e: {  	v12 =	vmov s12;
	s10 =	spop (v2sf)  }
0x22f: {  	s10 =	sshll.u32 s10, $0x4  }
0x230: {  	s10 =	sand.u32 $0x3FFF0, s10  }
0x231: {  	s8 =	sadd.s32 $0x80, s8;
	s10 =	sadd.s32 s5, s10  }
0x232: {  	[hbm4b:s10+s4] =	stream.linear.scatter [tilespmem:s8], [sflag:$0xA], $0x80, $0x38;
	[tilespmem:$0x1E300] =	vst v63  }
0x233: {  	v12 =	vld.idx.msk [tilespmem:v12+s21+$0x0], $0xffff;
	_ =	sdelay $0x4  }
0x234: {  	(v2sf) =	vpush v12, $0x0;
	_ =	sdelay $0xe  }
0x235: {  	s12 =	spop (v2sf)  }
0x236: {  	s10 =	sshll.u32 s12, $0x4  }
0x237: {  	s10 =	sand.u32 $0x3FFF0, s10  }
0x238: {  	s8 =	sadd.s32 $0x80, s8;
	s10 =	sadd.s32 s5, s10  }
0x239: {  	[hbm4b:s10+s4] =	stream.linear.scatter [tilespmem:s8], [sflag:$0xA], $0x80, $0x38;
	[tilespmem:$0x1E300] =	vst v63  }
0x23a: {  	_ =	swait.ge [sflag:s24], $0x80  }
0x23b: {  	s8 =	simm.s32 $0x7F;
	[sflag:s24] =	ssyncset.done $0x0  }
.LBB2_33:
0x23c: {  	p0 =	sne.s32 s8, $0x1;
	s8 =	sadd.s32 $0xFFFFFFFF, s8;
	[sflag:s24] =	ssyncadd.s32 $0xFFFFFF80  }
.Ltmp25:
0x23d: {  	(pc) =	sbr.rel @p0 .LBB2_33-.Ltmp25, $3  }
0x23e: {  	_ =	sdelay $0x1  }
0x23f: {  	_ =	swait.ge [sflag:s24], $0x80  }
0x240: {  	[sflag:s24] =	ssyncset.done $0x0  }
.Ltmp26:
0x241: {  	_ = 	snop;
	(pc) =	sbr.rel .LBB2_34-.Ltmp26, $1  }
0x242: {  	_ =	sdelay $0x3  }
.LBB2_27:
0x243: {  	s17 =	smov.u32 @p0 s17  }
.LBB2_36:
0x244: {  	s0 =	sadd.s32 $0x2, s16  }
0x245: {  	v12 =	vmov s0;
	_ =	sdelay $0x4  }
0x246: {  	v12 =	vld.idx.msk [tilespmem:v12+s19+$0x0], $0xffff;
	_ =	sdelay $0x4  }
0x247: {  	(v2sf) =	vpush v12, $0x0;
	_ =	sdelay $0xe  }
0x248: {  	p0 =	sge.u32 s0, s7;
	s8 =	spop (v2sf)  }
0x249: {  	p1 =	slt.s32 @!p0 s8, $0x1  }
0x24a: {  	s31 =	sadd.s32 $0xFFFFFFFA, s16;
	p0 =	por p1, p0  }
0x24b: {  	v12 =	vmov s31;
	s0 =	sadd.s32 @!p0 s6, s0  }
0x24c: {  	s0 =	sshll.u32 @!p0 s0, $0x7  }
0x24d: {  	s10 =	simm.s32 @!p0 $0x400;
	s0 =	sand.u32 @!p0 $0x1FFFFF80, s0  }
0x24e: {  	s12 =	simm.s32 @!p0 $0x837C00;
	s22 =	simm.s32 @!p0 $0xC300;
	s0 =	sadd.s32 @!p0 s1, s0  }
0x24f: {  	[tilespmem:s22], [sflag:$0x3] =	stream.strided.gather @!p0 [hbm4b:s0+s10], $0x2000, s12, s10, $0x38;
	[tilespmem:$0x1E300] =	vst v63  }
0x250: {  	v13 =	vld.idx.msk [tilespmem:v12+s19+$0x0], $0xffff;
	_ =	sdelay $0x4  }
0x251: {  	(v2sf) =	vpush v13, $0x0;
	_ =	sdelay $0xe  }
0x252: {  	p0 =	sge.u32 s31, s7;
	s22 =	spop (v2sf)  }
0x253: {  	p1 =	slt.s32 @!p0 s22, $0x1  }
0x254: {  	p1 =	por p0, p1  }
.Ltmp27:
0x255: {  	_ = 	snop;
	(pc) =	sbr.rel @p1 .LBB2_37-.Ltmp27, $1  }
0x256: {  	_ =	sdelay $0x3  }
0x257: {  	s0 =	simm.s32 $0x4  }
0x258: {  	_ =	swait.ge [sflag:s0], $0x2000  }
0x259: {  	[sflag:s0] =	ssyncset.done $0x0  }
0x25a: {  	[sflag:s0] =	ssyncadd.s32 $0xFFFFE000  }
0x25b: {  	v12 =	vld.idx.msk [tilespmem:v12+s23+$0x0], $0xffff;
	_ =	sdelay $0x4  }
0x25c: {  	(v2sf) =	vpush v12, $0x0;
	_ =	sdelay $0xa  }
.Ltmp28:
0x25d: {  	_ = 	snop;
	(pc) =	sbr.rel .LBB2_39-.Ltmp28, $2  }
0x25e: {  	_ =	sdelay $0x2  }
0x25f: {  	s29 =	simm.s32 $0x0;
	s31 =	simm.s32 $0x0;
	s26 =	spop (v2sf)  }
.LBB2_44:
0x260: {  	s17 =	sadd.s32 $0x80, s17  }
0x261: {  	[sflag:s24] =	ssyncadd.s32 $0xFFFFFF80;
	s10 =	ssub.s32 s0, s17  }
.LBB2_45:
0x262: {  	v12 =	vmov s0;
	_ =	sdelay $0x4  }
0x263: {  	v12 =	vld.idx.msk [tilespmem:v12+s21+$0x0], $0xffff;
	_ =	sdelay $0x4  }
0x264: {  	v13 =	vmul.u32 $0x80, v11;
	v12 =	vshrl.u32 v12, $0xE  }
0x265: {  	v12 =	vand.u32 $0x7F, v12  }
0x266: {  	v14 =	vor.u32 v13, v12;
	_ =	sdelay $0x4  }
0x267: {  	v15 =	vor.u32 $0x800, v13;
	v14 =	vld.idx.msk [tilespmem:v14+s2+$0x0], $0xffff  }
0x268: {  	v15 =	vor.u32 v15, v12;
	_ =	sdelay $0x1  }
0x269: {  	s12 =	sshll.u32 s10, $0x9  }
0x26a: {  	s0 =	sshra.s32 s12, $0x2  }
0x26b: {  	[tilespmem:s0+$0x1A300] =	vst v14  }
0x26c: {  	v63 =	vor.u32 $0x1000, v13;
	v14 =	vld.idx.msk [tilespmem:v15+s2+$0x0], $0xffff  }
0x26d: {  	v15 =	vor.u32 v63, v12;
	_ =	sdelay $0x3  }
0x26e: {  	[tilespmem:s0+$0x1A310] =	vst v14  }
0x26f: {  	v13 =	vor.u32 $0x1800, v13;
	v14 =	vld.idx.msk [tilespmem:v15+s2+$0x0], $0xffff  }
0x270: {  	v12 =	vor.u32 v13, v12;
	_ =	sdelay $0x3  }
0x271: {  	s31 =	sadd.s32 $0x1, s31;
	[tilespmem:s0+$0x1A320] =	vst v14  }
0x272: {  	p0 =	sne.s32 s31, s22;
	v12 =	vld.idx.msk [tilespmem:v12+s2+$0x0], $0xffff  }
.Ltmp29:
0x273: {  	_ = 	snop;
	(pc) =	sbr.rel @!p0 .LBB2_46-.Ltmp29, $2  }
0x274: {  	_ =	sdelay $0x2  }
0x275: {  	[tilespmem:s0+$0x1A330] =	vst v12  }
.LBB2_39:
0x276: {  	s0 =	sadd.s32 s26, s31  }
0x277: {  	s10 =	ssub.s32 s0, s17  }
0x278: {  	p0 =	slt.s32 s10, $0x80  }
.Ltmp30:
0x279: {  	_ = 	snop;
	(pc) =	sbr.rel @p0 .LBB2_45-.Ltmp30, $2  }
0x27a: {  	_ =	sdelay $0x2  }
0x27b: {  	s8 =	simm.s32 $0x1A300  }
0x27c: {  	s10 =	sadd.s32 s29, s17  }
0x27d: {  	v12 =	vmov s10;
	_ =	sdelay $0x4  }
0x27e: {  	v12 =	vld.idx.msk [tilespmem:v12+s21+$0x0], $0xffff;
	_ =	sdelay $0x4  }
0x27f: {  	(v2sf) =	vpush v12, $0x0;
	_ =	sdelay $0xc  }
0x280: {  	s10 =	sadd.s32 $0x1, s29  }
0x281: {  	s12 =	sadd.s32 s10, s17  }
0x282: {  	v63 =	vmov s12;
	s12 =	spop (v2sf)  }
0x283: {  	s12 =	sshll.u32 s12, $0x4  }
0x284: {  	s12 =	sand.u32 $0x3FFF0, s12  }
0x285: {  	s12 =	sadd.s32 s5, s12  }
0x286: {  	[hbm4b:s12+s4] =	stream.linear.scatter [tilespmem:s8], [sflag:$0xA], $0x80, $0x38;
	[tilespmem:$0x1E300] =	vst v63  }
0x287: {  	v12 =	vld.idx.msk [tilespmem:v63+s21+$0x0], $0xffff;
	_ =	sdelay $0x4  }
0x288: {  	(v2sf) =	vpush v12, $0x0;
	_ =	sdelay $0xc  }
0x289: {  	s10 =	sadd.s32 $0x1, s10  }
0x28a: {  	s12 =	sadd.s32 s10, s17;
	s10 =	sadd.s32 $0x1, s10  }
.LBB2_41:
0x28b: {  	p0 =	sne.s32 s10, $0x7F;
	v12 =	vmov s12;
	s12 =	spop (v2sf)  }
0x28c: {  	s12 =	sshll.u32 s12, $0x4  }
0x28d: {  	s12 =	sand.u32 $0x3FFF0, s12  }
0x28e: {  	s8 =	sadd.s32 $0x80, s8;
	s12 =	sadd.s32 s5, s12  }
0x28f: {  	[hbm4b:s12+s4] =	stream.linear.scatter [tilespmem:s8], [sflag:$0xA], $0x80, $0x38;
	[tilespmem:$0x1E300] =	vst v63  }
0x290: {  	v12 =	vld.idx.msk [tilespmem:v12+s21+$0x0], $0xffff;
	_ =	sdelay $0x5  }
0x291: {  	(v2sf) =	vpush v12, $0x0;
	_ =	sdelay $0x9  }
.Ltmp31:
0x292: {  	(pc) =	sbr.rel @p0 .LBB2_41-.Ltmp31, $2  }
0x293: {  	_ =	sdelay $0x2  }
0x294: {  	s12 =	sadd.s32 s10, s17;
	s10 =	sadd.s32 $0x1, s10  }
0x295: {  	v12 =	vmov s12;
	s10 =	spop (v2sf)  }
0x296: {  	s10 =	sshll.u32 s10, $0x4  }
0x297: {  	s10 =	sand.u32 $0x3FFF0, s10  }
0x298: {  	s8 =	sadd.s32 $0x80, s8;
	s10 =	sadd.s32 s5, s10  }
0x299: {  	[hbm4b:s10+s4] =	stream.linear.scatter [tilespmem:s8], [sflag:$0xA], $0x80, $0x38;
	[tilespmem:$0x1E300] =	vst v63  }
0x29a: {  	v12 =	vld.idx.msk [tilespmem:v12+s21+$0x0], $0xffff;
	_ =	sdelay $0x4  }
0x29b: {  	(v2sf) =	vpush v12, $0x0;
	_ =	sdelay $0xe  }
0x29c: {  	s12 =	spop (v2sf)  }
0x29d: {  	s10 =	sshll.u32 s12, $0x4  }
0x29e: {  	s10 =	sand.u32 $0x3FFF0, s10  }
0x29f: {  	s8 =	sadd.s32 $0x80, s8;
	s10 =	sadd.s32 s5, s10  }
0x2a0: {  	[hbm4b:s10+s4] =	stream.linear.scatter [tilespmem:s8], [sflag:$0xA], $0x80, $0x38;
	[tilespmem:$0x1E300] =	vst v63  }
0x2a1: {  	_ =	swait.ge [sflag:s24], $0x80  }
0x2a2: {  	s8 =	simm.s32 $0x7F;
	[sflag:s24] =	ssyncset.done $0x0  }
.LBB2_43:
0x2a3: {  	p0 =	sne.s32 s8, $0x1;
	s8 =	sadd.s32 $0xFFFFFFFF, s8;
	[sflag:s24] =	ssyncadd.s32 $0xFFFFFF80  }
.Ltmp32:
0x2a4: {  	(pc) =	sbr.rel @p0 .LBB2_43-.Ltmp32, $3  }
0x2a5: {  	_ =	sdelay $0x1  }
0x2a6: {  	_ =	swait.ge [sflag:s24], $0x80  }
0x2a7: {  	[sflag:s24] =	ssyncset.done $0x0  }
.Ltmp33:
0x2a8: {  	_ = 	snop;
	(pc) =	sbr.rel .LBB2_44-.Ltmp33, $1  }
0x2a9: {  	_ =	sdelay $0x3  }
.LBB2_37:
0x2aa: {  	s17 =	smov.u32 @p0 s17  }
.LBB2_46:
0x2ab: {  	s0 =	sadd.s32 $0x3, s16  }
0x2ac: {  	v12 =	vmov s0;
	_ =	sdelay $0x4  }
0x2ad: {  	v12 =	vld.idx.msk [tilespmem:v12+s19+$0x0], $0xffff;
	_ =	sdelay $0x4  }
0x2ae: {  	(v2sf) =	vpush v12, $0x0;
	_ =	sdelay $0xe  }
0x2af: {  	p0 =	sge.u32 s0, s7;
	s8 =	spop (v2sf)  }
0x2b0: {  	p1 =	slt.s32 @!p0 s8, $0x1  }
0x2b1: {  	s31 =	sadd.s32 $0xFFFFFFFB, s16;
	p0 =	por p1, p0  }
0x2b2: {  	v12 =	vmov s31;
	s0 =	sadd.s32 @!p0 s6, s0  }
0x2b3: {  	s0 =	sshll.u32 @!p0 s0, $0x7  }
0x2b4: {  	s10 =	simm.s32 @!p0 $0x400;
	s0 =	sand.u32 @!p0 $0x1FFFFF80, s0  }
0x2b5: {  	s12 =	simm.s32 @!p0 $0x837C00;
	s22 =	simm.s32 @!p0 $0xE300;
	s0 =	sadd.s32 @!p0 s1, s0  }
0x2b6: {  	[tilespmem:s22], [sflag:$0x4] =	stream.strided.gather @!p0 [hbm4b:s0+s10], $0x2000, s12, s10, $0x38;
	[tilespmem:$0x1E300] =	vst v63  }
0x2b7: {  	v13 =	vld.idx.msk [tilespmem:v12+s19+$0x0], $0xffff;
	_ =	sdelay $0x4  }
0x2b8: {  	(v2sf) =	vpush v13, $0x0;
	_ =	sdelay $0xe  }
0x2b9: {  	p0 =	sge.u32 s31, s7;
	s22 =	spop (v2sf)  }
0x2ba: {  	p1 =	slt.s32 @!p0 s22, $0x1  }
0x2bb: {  	p1 =	por p0, p1  }
.Ltmp34:
0x2bc: {  	_ = 	snop;
	(pc) =	sbr.rel @p1 .LBB2_47-.Ltmp34, $1  }
0x2bd: {  	_ =	sdelay $0x3  }
0x2be: {  	s0 =	simm.s32 $0x5  }
0x2bf: {  	_ =	swait.ge [sflag:s0], $0x2000  }
0x2c0: {  	[sflag:s0] =	ssyncset.done $0x0  }
0x2c1: {  	[sflag:s0] =	ssyncadd.s32 $0xFFFFE000  }
0x2c2: {  	v12 =	vld.idx.msk [tilespmem:v12+s23+$0x0], $0xffff;
	_ =	sdelay $0x4  }
0x2c3: {  	(v2sf) =	vpush v12, $0x0;
	_ =	sdelay $0xa  }
.Ltmp35:
0x2c4: {  	_ = 	snop;
	(pc) =	sbr.rel .LBB2_49-.Ltmp35, $2  }
0x2c5: {  	_ =	sdelay $0x2  }
0x2c6: {  	s29 =	simm.s32 $0x0;
	s31 =	simm.s32 $0x0;
	s26 =	spop (v2sf)  }
.LBB2_54:
0x2c7: {  	s17 =	sadd.s32 $0x80, s17  }
0x2c8: {  	[sflag:s24] =	ssyncadd.s32 $0xFFFFFF80;
	s10 =	ssub.s32 s0, s17  }
.LBB2_55:
0x2c9: {  	v12 =	vmov s0;
	_ =	sdelay $0x4  }
0x2ca: {  	v12 =	vld.idx.msk [tilespmem:v12+s21+$0x0], $0xffff;
	_ =	sdelay $0x4  }
0x2cb: {  	v13 =	vmul.u32 $0x80, v11;
	v12 =	vshrl.u32 v12, $0xE  }
0x2cc: {  	v12 =	vand.u32 $0x7F, v12  }
0x2cd: {  	v14 =	vor.u32 v13, v12;
	_ =	sdelay $0x4  }
0x2ce: {  	v15 =	vor.u32 $0x800, v13;
	v14 =	vld.idx.msk [tilespmem:v14+s3+$0x0], $0xffff  }
0x2cf: {  	v15 =	vor.u32 v15, v12;
	_ =	sdelay $0x1  }
0x2d0: {  	s12 =	sshll.u32 s10, $0x9  }
0x2d1: {  	s0 =	sshra.s32 s12, $0x2  }
0x2d2: {  	[tilespmem:s0+$0x1A300] =	vst v14  }
0x2d3: {  	v63 =	vor.u32 $0x1000, v13;
	v14 =	vld.idx.msk [tilespmem:v15+s3+$0x0], $0xffff  }
0x2d4: {  	v15 =	vor.u32 v63, v12;
	_ =	sdelay $0x3  }
0x2d5: {  	[tilespmem:s0+$0x1A310] =	vst v14  }
0x2d6: {  	v13 =	vor.u32 $0x1800, v13;
	v14 =	vld.idx.msk [tilespmem:v15+s3+$0x0], $0xffff  }
0x2d7: {  	v12 =	vor.u32 v13, v12;
	_ =	sdelay $0x3  }
0x2d8: {  	s31 =	sadd.s32 $0x1, s31;
	[tilespmem:s0+$0x1A320] =	vst v14  }
0x2d9: {  	p0 =	sne.s32 s31, s22;
	v12 =	vld.idx.msk [tilespmem:v12+s3+$0x0], $0xffff  }
.Ltmp36:
0x2da: {  	_ = 	snop;
	(pc) =	sbr.rel @!p0 .LBB2_56-.Ltmp36, $2  }
0x2db: {  	_ =	sdelay $0x2  }
0x2dc: {  	[tilespmem:s0+$0x1A330] =	vst v12  }
.LBB2_49:
0x2dd: {  	s0 =	sadd.s32 s26, s31  }
0x2de: {  	s10 =	ssub.s32 s0, s17  }
0x2df: {  	p0 =	slt.s32 s10, $0x80  }
.Ltmp37:
0x2e0: {  	_ = 	snop;
	(pc) =	sbr.rel @p0 .LBB2_55-.Ltmp37, $2  }
0x2e1: {  	_ =	sdelay $0x2  }
0x2e2: {  	s8 =	simm.s32 $0x1A300  }
0x2e3: {  	s10 =	sadd.s32 s29, s17  }
0x2e4: {  	v12 =	vmov s10;
	_ =	sdelay $0x4  }
0x2e5: {  	v12 =	vld.idx.msk [tilespmem:v12+s21+$0x0], $0xffff;
	_ =	sdelay $0x4  }
0x2e6: {  	(v2sf) =	vpush v12, $0x0;
	_ =	sdelay $0xc  }
0x2e7: {  	s10 =	sadd.s32 $0x1, s29  }
0x2e8: {  	s12 =	sadd.s32 s10, s17  }
0x2e9: {  	v63 =	vmov s12;
	s12 =	spop (v2sf)  }
0x2ea: {  	s12 =	sshll.u32 s12, $0x4  }
0x2eb: {  	s12 =	sand.u32 $0x3FFF0, s12  }
0x2ec: {  	s12 =	sadd.s32 s5, s12  }
0x2ed: {  	[hbm4b:s12+s4] =	stream.linear.scatter [tilespmem:s8], [sflag:$0xA], $0x80, $0x38;
	[tilespmem:$0x1E300] =	vst v63  }
0x2ee: {  	v12 =	vld.idx.msk [tilespmem:v63+s21+$0x0], $0xffff;
	_ =	sdelay $0x4  }
0x2ef: {  	(v2sf) =	vpush v12, $0x0;
	_ =	sdelay $0xc  }
0x2f0: {  	s10 =	sadd.s32 $0x1, s10  }
0x2f1: {  	s12 =	sadd.s32 s10, s17;
	s10 =	sadd.s32 $0x1, s10  }
.LBB2_51:
0x2f2: {  	p0 =	sne.s32 s10, $0x7F;
	v12 =	vmov s12;
	s12 =	spop (v2sf)  }
0x2f3: {  	s12 =	sshll.u32 s12, $0x4  }
0x2f4: {  	s12 =	sand.u32 $0x3FFF0, s12  }
0x2f5: {  	s8 =	sadd.s32 $0x80, s8;
	s12 =	sadd.s32 s5, s12  }
0x2f6: {  	[hbm4b:s12+s4] =	stream.linear.scatter [tilespmem:s8], [sflag:$0xA], $0x80, $0x38;
	[tilespmem:$0x1E300] =	vst v63  }
0x2f7: {  	v12 =	vld.idx.msk [tilespmem:v12+s21+$0x0], $0xffff;
	_ =	sdelay $0x5  }
0x2f8: {  	(v2sf) =	vpush v12, $0x0;
	_ =	sdelay $0x9  }
.Ltmp38:
0x2f9: {  	(pc) =	sbr.rel @p0 .LBB2_51-.Ltmp38, $2  }
0x2fa: {  	_ =	sdelay $0x2  }
0x2fb: {  	s12 =	sadd.s32 s10, s17;
	s10 =	sadd.s32 $0x1, s10  }
0x2fc: {  	v12 =	vmov s12;
	s10 =	spop (v2sf)  }
0x2fd: {  	s10 =	sshll.u32 s10, $0x4  }
0x2fe: {  	s10 =	sand.u32 $0x3FFF0, s10  }
0x2ff: {  	s8 =	sadd.s32 $0x80, s8;
	s10 =	sadd.s32 s5, s10  }
0x300: {  	[hbm4b:s10+s4] =	stream.linear.scatter [tilespmem:s8], [sflag:$0xA], $0x80, $0x38;
	[tilespmem:$0x1E300] =	vst v63  }
0x301: {  	v12 =	vld.idx.msk [tilespmem:v12+s21+$0x0], $0xffff;
	_ =	sdelay $0x4  }
0x302: {  	(v2sf) =	vpush v12, $0x0;
	_ =	sdelay $0xe  }
0x303: {  	s12 =	spop (v2sf)  }
0x304: {  	s10 =	sshll.u32 s12, $0x4  }
0x305: {  	s10 =	sand.u32 $0x3FFF0, s10  }
0x306: {  	s8 =	sadd.s32 $0x80, s8;
	s10 =	sadd.s32 s5, s10  }
0x307: {  	[hbm4b:s10+s4] =	stream.linear.scatter [tilespmem:s8], [sflag:$0xA], $0x80, $0x38;
	[tilespmem:$0x1E300] =	vst v63  }
0x308: {  	_ =	swait.ge [sflag:s24], $0x80  }
0x309: {  	s8 =	simm.s32 $0x7F;
	[sflag:s24] =	ssyncset.done $0x0  }
.LBB2_53:
0x30a: {  	p0 =	sne.s32 s8, $0x1;
	s8 =	sadd.s32 $0xFFFFFFFF, s8;
	[sflag:s24] =	ssyncadd.s32 $0xFFFFFF80  }
.Ltmp39:
0x30b: {  	(pc) =	sbr.rel @p0 .LBB2_53-.Ltmp39, $3  }
0x30c: {  	_ =	sdelay $0x1  }
0x30d: {  	_ =	swait.ge [sflag:s24], $0x80  }
0x30e: {  	[sflag:s24] =	ssyncset.done $0x0  }
.Ltmp40:
0x30f: {  	_ = 	snop;
	(pc) =	sbr.rel .LBB2_54-.Ltmp40, $1  }
0x310: {  	_ =	sdelay $0x3  }
.LBB2_47:
0x311: {  	s17 =	smov.u32 @p0 s17  }
.LBB2_56:
0x312: {  	s0 =	sadd.s32 $0x4, s16  }
0x313: {  	v12 =	vmov s0;
	_ =	sdelay $0x4  }
0x314: {  	v12 =	vld.idx.msk [tilespmem:v12+s19+$0x0], $0xffff;
	_ =	sdelay $0x4  }
0x315: {  	(v2sf) =	vpush v12, $0x0;
	_ =	sdelay $0xe  }
0x316: {  	p0 =	sge.u32 s0, s7;
	s8 =	spop (v2sf)  }
0x317: {  	p1 =	slt.s32 @!p0 s8, $0x1  }
0x318: {  	s31 =	sadd.s32 $0xFFFFFFFC, s16;
	p0 =	por p1, p0  }
0x319: {  	v12 =	vmov s31;
	s0 =	sadd.s32 @!p0 s6, s0  }
0x31a: {  	s0 =	sshll.u32 @!p0 s0, $0x7  }
0x31b: {  	s10 =	simm.s32 @!p0 $0x400;
	s0 =	sand.u32 @!p0 $0x1FFFFF80, s0  }
0x31c: {  	s12 =	simm.s32 @!p0 $0x837C00;
	s22 =	simm.s32 @!p0 $0x10300;
	s0 =	sadd.s32 @!p0 s1, s0  }
0x31d: {  	[tilespmem:s22], [sflag:$0x5] =	stream.strided.gather @!p0 [hbm4b:s0+s10], $0x2000, s12, s10, $0x38;
	[tilespmem:$0x1E300] =	vst v63  }
0x31e: {  	v13 =	vld.idx.msk [tilespmem:v12+s19+$0x0], $0xffff;
	_ =	sdelay $0x4  }
0x31f: {  	(v2sf) =	vpush v13, $0x0;
	_ =	sdelay $0xe  }
0x320: {  	p0 =	sge.u32 s31, s7;
	s22 =	spop (v2sf)  }
0x321: {  	p1 =	slt.s32 @!p0 s22, $0x1  }
0x322: {  	p1 =	por p0, p1  }
.Ltmp41:
0x323: {  	_ = 	snop;
	(pc) =	sbr.rel @p1 .LBB2_57-.Ltmp41, $1  }
0x324: {  	_ =	sdelay $0x3  }
0x325: {  	s0 =	simm.s32 $0x6  }
0x326: {  	_ =	swait.ge [sflag:s0], $0x2000  }
0x327: {  	[sflag:s0] =	ssyncset.done $0x0  }
0x328: {  	[sflag:s0] =	ssyncadd.s32 $0xFFFFE000  }
0x329: {  	v12 =	vld.idx.msk [tilespmem:v12+s23+$0x0], $0xffff;
	_ =	sdelay $0x4  }
0x32a: {  	(v2sf) =	vpush v12, $0x0;
	_ =	sdelay $0xa  }
.Ltmp42:
0x32b: {  	_ = 	snop;
	(pc) =	sbr.rel .LBB2_59-.Ltmp42, $2  }
0x32c: {  	_ =	sdelay $0x2  }
0x32d: {  	s29 =	simm.s32 $0x0;
	s31 =	simm.s32 $0x0;
	s26 =	spop (v2sf)  }
.LBB2_64:
0x32e: {  	s17 =	sadd.s32 $0x80, s17  }
0x32f: {  	[sflag:s24] =	ssyncadd.s32 $0xFFFFFF80;
	s10 =	ssub.s32 s0, s17  }
.LBB2_65:
0x330: {  	v12 =	vmov s0;
	_ =	sdelay $0x4  }
0x331: {  	v12 =	vld.idx.msk [tilespmem:v12+s21+$0x0], $0xffff;
	_ =	sdelay $0x4  }
0x332: {  	v13 =	vmul.u32 $0x80, v11;
	v12 =	vshrl.u32 v12, $0xE  }
0x333: {  	v12 =	vand.u32 $0x7F, v12  }
0x334: {  	v14 =	vor.u32 v13, v12;
	_ =	sdelay $0x4  }
0x335: {  	v15 =	vor.u32 $0x800, v13;
	v14 =	vld.idx.msk [tilespmem:v14+s9+$0x0], $0xffff  }
0x336: {  	v15 =	vor.u32 v15, v12;
	_ =	sdelay $0x1  }
0x337: {  	s12 =	sshll.u32 s10, $0x9  }
0x338: {  	s0 =	sshra.s32 s12, $0x2  }
0x339: {  	[tilespmem:s0+$0x1A300] =	vst v14  }
0x33a: {  	v63 =	vor.u32 $0x1000, v13;
	v14 =	vld.idx.msk [tilespmem:v15+s9+$0x0], $0xffff  }
0x33b: {  	v15 =	vor.u32 v63, v12;
	_ =	sdelay $0x3  }
0x33c: {  	[tilespmem:s0+$0x1A310] =	vst v14  }
0x33d: {  	v13 =	vor.u32 $0x1800, v13;
	v14 =	vld.idx.msk [tilespmem:v15+s9+$0x0], $0xffff  }
0x33e: {  	v12 =	vor.u32 v13, v12;
	_ =	sdelay $0x3  }
0x33f: {  	s31 =	sadd.s32 $0x1, s31;
	[tilespmem:s0+$0x1A320] =	vst v14  }
0x340: {  	p0 =	sne.s32 s31, s22;
	v12 =	vld.idx.msk [tilespmem:v12+s9+$0x0], $0xffff  }
.Ltmp43:
0x341: {  	_ = 	snop;
	(pc) =	sbr.rel @!p0 .LBB2_66-.Ltmp43, $2  }
0x342: {  	_ =	sdelay $0x2  }
0x343: {  	[tilespmem:s0+$0x1A330] =	vst v12  }
.LBB2_59:
0x344: {  	s0 =	sadd.s32 s26, s31  }
0x345: {  	s10 =	ssub.s32 s0, s17  }
0x346: {  	p0 =	slt.s32 s10, $0x80  }
.Ltmp44:
0x347: {  	_ = 	snop;
	(pc) =	sbr.rel @p0 .LBB2_65-.Ltmp44, $2  }
0x348: {  	_ =	sdelay $0x2  }
0x349: {  	s8 =	simm.s32 $0x1A300  }
0x34a: {  	s10 =	sadd.s32 s29, s17  }
0x34b: {  	v12 =	vmov s10;
	_ =	sdelay $0x4  }
0x34c: {  	v12 =	vld.idx.msk [tilespmem:v12+s21+$0x0], $0xffff;
	_ =	sdelay $0x4  }
0x34d: {  	(v2sf) =	vpush v12, $0x0;
	_ =	sdelay $0xc  }
0x34e: {  	s10 =	sadd.s32 $0x1, s29  }
0x34f: {  	s12 =	sadd.s32 s10, s17  }
0x350: {  	v63 =	vmov s12;
	s12 =	spop (v2sf)  }
0x351: {  	s12 =	sshll.u32 s12, $0x4  }
0x352: {  	s12 =	sand.u32 $0x3FFF0, s12  }
0x353: {  	s12 =	sadd.s32 s5, s12  }
0x354: {  	[hbm4b:s12+s4] =	stream.linear.scatter [tilespmem:s8], [sflag:$0xA], $0x80, $0x38;
	[tilespmem:$0x1E300] =	vst v63  }
0x355: {  	v12 =	vld.idx.msk [tilespmem:v63+s21+$0x0], $0xffff;
	_ =	sdelay $0x4  }
0x356: {  	(v2sf) =	vpush v12, $0x0;
	_ =	sdelay $0xc  }
0x357: {  	s10 =	sadd.s32 $0x1, s10  }
0x358: {  	s12 =	sadd.s32 s10, s17;
	s10 =	sadd.s32 $0x1, s10  }
.LBB2_61:
0x359: {  	p0 =	sne.s32 s10, $0x7F;
	v12 =	vmov s12;
	s12 =	spop (v2sf)  }
0x35a: {  	s12 =	sshll.u32 s12, $0x4  }
0x35b: {  	s12 =	sand.u32 $0x3FFF0, s12  }
0x35c: {  	s8 =	sadd.s32 $0x80, s8;
	s12 =	sadd.s32 s5, s12  }
0x35d: {  	[hbm4b:s12+s4] =	stream.linear.scatter [tilespmem:s8], [sflag:$0xA], $0x80, $0x38;
	[tilespmem:$0x1E300] =	vst v63  }
0x35e: {  	v12 =	vld.idx.msk [tilespmem:v12+s21+$0x0], $0xffff;
	_ =	sdelay $0x5  }
0x35f: {  	(v2sf) =	vpush v12, $0x0;
	_ =	sdelay $0x9  }
.Ltmp45:
0x360: {  	(pc) =	sbr.rel @p0 .LBB2_61-.Ltmp45, $2  }
0x361: {  	_ =	sdelay $0x2  }
0x362: {  	s12 =	sadd.s32 s10, s17;
	s10 =	sadd.s32 $0x1, s10  }
0x363: {  	v12 =	vmov s12;
	s10 =	spop (v2sf)  }
0x364: {  	s10 =	sshll.u32 s10, $0x4  }
0x365: {  	s10 =	sand.u32 $0x3FFF0, s10  }
0x366: {  	s8 =	sadd.s32 $0x80, s8;
	s10 =	sadd.s32 s5, s10  }
0x367: {  	[hbm4b:s10+s4] =	stream.linear.scatter [tilespmem:s8], [sflag:$0xA], $0x80, $0x38;
	[tilespmem:$0x1E300] =	vst v63  }
0x368: {  	v12 =	vld.idx.msk [tilespmem:v12+s21+$0x0], $0xffff;
	_ =	sdelay $0x4  }
0x369: {  	(v2sf) =	vpush v12, $0x0;
	_ =	sdelay $0xe  }
0x36a: {  	s12 =	spop (v2sf)  }
0x36b: {  	s10 =	sshll.u32 s12, $0x4  }
0x36c: {  	s10 =	sand.u32 $0x3FFF0, s10  }
0x36d: {  	s8 =	sadd.s32 $0x80, s8;
	s10 =	sadd.s32 s5, s10  }
0x36e: {  	[hbm4b:s10+s4] =	stream.linear.scatter [tilespmem:s8], [sflag:$0xA], $0x80, $0x38;
	[tilespmem:$0x1E300] =	vst v63  }
0x36f: {  	_ =	swait.ge [sflag:s24], $0x80  }
0x370: {  	s8 =	simm.s32 $0x7F;
	[sflag:s24] =	ssyncset.done $0x0  }
.LBB2_63:
0x371: {  	p0 =	sne.s32 s8, $0x1;
	s8 =	sadd.s32 $0xFFFFFFFF, s8;
	[sflag:s24] =	ssyncadd.s32 $0xFFFFFF80  }
.Ltmp46:
0x372: {  	(pc) =	sbr.rel @p0 .LBB2_63-.Ltmp46, $3  }
0x373: {  	_ =	sdelay $0x1  }
0x374: {  	_ =	swait.ge [sflag:s24], $0x80  }
0x375: {  	[sflag:s24] =	ssyncset.done $0x0  }
.Ltmp47:
0x376: {  	_ = 	snop;
	(pc) =	sbr.rel .LBB2_64-.Ltmp47, $1  }
0x377: {  	_ =	sdelay $0x3  }
.LBB2_57:
0x378: {  	s17 =	smov.u32 @p0 s17  }
.LBB2_66:
0x379: {  	s0 =	sadd.s32 $0x5, s16  }
0x37a: {  	v12 =	vmov s0;
	_ =	sdelay $0x4  }
0x37b: {  	v12 =	vld.idx.msk [tilespmem:v12+s19+$0x0], $0xffff;
	_ =	sdelay $0x4  }
0x37c: {  	(v2sf) =	vpush v12, $0x0;
	_ =	sdelay $0xe  }
0x37d: {  	p0 =	sge.u32 s0, s7;
	s8 =	spop (v2sf)  }
0x37e: {  	p1 =	slt.s32 @!p0 s8, $0x1  }
0x37f: {  	s31 =	sadd.s32 $0xFFFFFFFD, s16;
	p0 =	por p1, p0  }
0x380: {  	v12 =	vmov s31;
	s0 =	sadd.s32 @!p0 s6, s0  }
0x381: {  	s0 =	sshll.u32 @!p0 s0, $0x7  }
0x382: {  	s10 =	simm.s32 @!p0 $0x400;
	s0 =	sand.u32 @!p0 $0x1FFFFF80, s0  }
0x383: {  	s12 =	simm.s32 @!p0 $0x837C00;
	s22 =	simm.s32 @!p0 $0x12300;
	s0 =	sadd.s32 @!p0 s1, s0  }
0x384: {  	[tilespmem:s22], [sflag:$0x6] =	stream.strided.gather @!p0 [hbm4b:s0+s10], $0x2000, s12, s10, $0x38;
	[tilespmem:$0x1E300] =	vst v63  }
0x385: {  	v13 =	vld.idx.msk [tilespmem:v12+s19+$0x0], $0xffff;
	_ =	sdelay $0x4  }
0x386: {  	(v2sf) =	vpush v13, $0x0;
	_ =	sdelay $0xe  }
0x387: {  	p0 =	sge.u32 s31, s7;
	s22 =	spop (v2sf)  }
0x388: {  	p1 =	slt.s32 @!p0 s22, $0x1  }
0x389: {  	p1 =	por p0, p1  }
.Ltmp48:
0x38a: {  	_ = 	snop;
	(pc) =	sbr.rel @p1 .LBB2_67-.Ltmp48, $1  }
0x38b: {  	_ =	sdelay $0x3  }
0x38c: {  	s0 =	simm.s32 $0x7  }
0x38d: {  	_ =	swait.ge [sflag:s0], $0x2000  }
0x38e: {  	[sflag:s0] =	ssyncset.done $0x0  }
0x38f: {  	[sflag:s0] =	ssyncadd.s32 $0xFFFFE000  }
0x390: {  	v12 =	vld.idx.msk [tilespmem:v12+s23+$0x0], $0xffff;
	_ =	sdelay $0x4  }
0x391: {  	(v2sf) =	vpush v12, $0x0;
	_ =	sdelay $0xa  }
.Ltmp49:
0x392: {  	_ = 	snop;
	(pc) =	sbr.rel .LBB2_69-.Ltmp49, $2  }
0x393: {  	_ =	sdelay $0x2  }
0x394: {  	s29 =	simm.s32 $0x0;
	s31 =	simm.s32 $0x0;
	s26 =	spop (v2sf)  }
.LBB2_74:
0x395: {  	s17 =	sadd.s32 $0x80, s17  }
0x396: {  	[sflag:s24] =	ssyncadd.s32 $0xFFFFFF80;
	s10 =	ssub.s32 s0, s17  }
.LBB2_75:
0x397: {  	v12 =	vmov s0;
	_ =	sdelay $0x4  }
0x398: {  	v12 =	vld.idx.msk [tilespmem:v12+s21+$0x0], $0xffff;
	_ =	sdelay $0x4  }
0x399: {  	v13 =	vmul.u32 $0x80, v11;
	v12 =	vshrl.u32 v12, $0xE  }
0x39a: {  	v12 =	vand.u32 $0x7F, v12  }
0x39b: {  	v14 =	vor.u32 v13, v12;
	_ =	sdelay $0x4  }
0x39c: {  	v15 =	vor.u32 $0x800, v13;
	v14 =	vld.idx.msk [tilespmem:v14+s11+$0x0], $0xffff  }
0x39d: {  	v15 =	vor.u32 v15, v12;
	_ =	sdelay $0x1  }
0x39e: {  	s12 =	sshll.u32 s10, $0x9  }
0x39f: {  	s0 =	sshra.s32 s12, $0x2  }
0x3a0: {  	[tilespmem:s0+$0x1A300] =	vst v14  }
0x3a1: {  	v63 =	vor.u32 $0x1000, v13;
	v14 =	vld.idx.msk [tilespmem:v15+s11+$0x0], $0xffff  }
0x3a2: {  	v15 =	vor.u32 v63, v12;
	_ =	sdelay $0x3  }
0x3a3: {  	[tilespmem:s0+$0x1A310] =	vst v14  }
0x3a4: {  	v13 =	vor.u32 $0x1800, v13;
	v14 =	vld.idx.msk [tilespmem:v15+s11+$0x0], $0xffff  }
0x3a5: {  	v12 =	vor.u32 v13, v12;
	_ =	sdelay $0x3  }
0x3a6: {  	s31 =	sadd.s32 $0x1, s31;
	[tilespmem:s0+$0x1A320] =	vst v14  }
0x3a7: {  	p0 =	sne.s32 s31, s22;
	v12 =	vld.idx.msk [tilespmem:v12+s11+$0x0], $0xffff  }
.Ltmp50:
0x3a8: {  	_ = 	snop;
	(pc) =	sbr.rel @!p0 .LBB2_76-.Ltmp50, $2  }
0x3a9: {  	_ =	sdelay $0x2  }
0x3aa: {  	[tilespmem:s0+$0x1A330] =	vst v12  }
.LBB2_69:
0x3ab: {  	s0 =	sadd.s32 s26, s31  }
0x3ac: {  	s10 =	ssub.s32 s0, s17  }
0x3ad: {  	p0 =	slt.s32 s10, $0x80  }
.Ltmp51:
0x3ae: {  	_ = 	snop;
	(pc) =	sbr.rel @p0 .LBB2_75-.Ltmp51, $2  }
0x3af: {  	_ =	sdelay $0x2  }
0x3b0: {  	s8 =	simm.s32 $0x1A300  }
0x3b1: {  	s10 =	sadd.s32 s29, s17  }
0x3b2: {  	v12 =	vmov s10;
	_ =	sdelay $0x4  }
0x3b3: {  	v12 =	vld.idx.msk [tilespmem:v12+s21+$0x0], $0xffff;
	_ =	sdelay $0x4  }
0x3b4: {  	(v2sf) =	vpush v12, $0x0;
	_ =	sdelay $0xc  }
0x3b5: {  	s10 =	sadd.s32 $0x1, s29  }
0x3b6: {  	s12 =	sadd.s32 s10, s17  }
0x3b7: {  	v63 =	vmov s12;
	s12 =	spop (v2sf)  }
0x3b8: {  	s12 =	sshll.u32 s12, $0x4  }
0x3b9: {  	s12 =	sand.u32 $0x3FFF0, s12  }
0x3ba: {  	s12 =	sadd.s32 s5, s12  }
0x3bb: {  	[hbm4b:s12+s4] =	stream.linear.scatter [tilespmem:s8], [sflag:$0xA], $0x80, $0x38;
	[tilespmem:$0x1E300] =	vst v63  }
0x3bc: {  	v12 =	vld.idx.msk [tilespmem:v63+s21+$0x0], $0xffff;
	_ =	sdelay $0x4  }
0x3bd: {  	(v2sf) =	vpush v12, $0x0;
	_ =	sdelay $0xc  }
0x3be: {  	s10 =	sadd.s32 $0x1, s10  }
0x3bf: {  	s12 =	sadd.s32 s10, s17;
	s10 =	sadd.s32 $0x1, s10  }
.LBB2_71:
0x3c0: {  	p0 =	sne.s32 s10, $0x7F;
	v12 =	vmov s12;
	s12 =	spop (v2sf)  }
0x3c1: {  	s12 =	sshll.u32 s12, $0x4  }
0x3c2: {  	s12 =	sand.u32 $0x3FFF0, s12  }
0x3c3: {  	s8 =	sadd.s32 $0x80, s8;
	s12 =	sadd.s32 s5, s12  }
0x3c4: {  	[hbm4b:s12+s4] =	stream.linear.scatter [tilespmem:s8], [sflag:$0xA], $0x80, $0x38;
	[tilespmem:$0x1E300] =	vst v63  }
0x3c5: {  	v12 =	vld.idx.msk [tilespmem:v12+s21+$0x0], $0xffff;
	_ =	sdelay $0x5  }
0x3c6: {  	(v2sf) =	vpush v12, $0x0;
	_ =	sdelay $0x9  }
.Ltmp52:
0x3c7: {  	(pc) =	sbr.rel @p0 .LBB2_71-.Ltmp52, $2  }
0x3c8: {  	_ =	sdelay $0x2  }
0x3c9: {  	s12 =	sadd.s32 s10, s17;
	s10 =	sadd.s32 $0x1, s10  }
0x3ca: {  	v12 =	vmov s12;
	s10 =	spop (v2sf)  }
0x3cb: {  	s10 =	sshll.u32 s10, $0x4  }
0x3cc: {  	s10 =	sand.u32 $0x3FFF0, s10  }
0x3cd: {  	s8 =	sadd.s32 $0x80, s8;
	s10 =	sadd.s32 s5, s10  }
0x3ce: {  	[hbm4b:s10+s4] =	stream.linear.scatter [tilespmem:s8], [sflag:$0xA], $0x80, $0x38;
	[tilespmem:$0x1E300] =	vst v63  }
0x3cf: {  	v12 =	vld.idx.msk [tilespmem:v12+s21+$0x0], $0xffff;
	_ =	sdelay $0x4  }
0x3d0: {  	(v2sf) =	vpush v12, $0x0;
	_ =	sdelay $0xe  }
0x3d1: {  	s12 =	spop (v2sf)  }
0x3d2: {  	s10 =	sshll.u32 s12, $0x4  }
0x3d3: {  	s10 =	sand.u32 $0x3FFF0, s10  }
0x3d4: {  	s8 =	sadd.s32 $0x80, s8;
	s10 =	sadd.s32 s5, s10  }
0x3d5: {  	[hbm4b:s10+s4] =	stream.linear.scatter [tilespmem:s8], [sflag:$0xA], $0x80, $0x38;
	[tilespmem:$0x1E300] =	vst v63  }
0x3d6: {  	_ =	swait.ge [sflag:s24], $0x80  }
0x3d7: {  	s8 =	simm.s32 $0x7F;
	[sflag:s24] =	ssyncset.done $0x0  }
.LBB2_73:
0x3d8: {  	p0 =	sne.s32 s8, $0x1;
	s8 =	sadd.s32 $0xFFFFFFFF, s8;
	[sflag:s24] =	ssyncadd.s32 $0xFFFFFF80  }
.Ltmp53:
0x3d9: {  	(pc) =	sbr.rel @p0 .LBB2_73-.Ltmp53, $3  }
0x3da: {  	_ =	sdelay $0x1  }
0x3db: {  	_ =	swait.ge [sflag:s24], $0x80  }
0x3dc: {  	[sflag:s24] =	ssyncset.done $0x0  }
.Ltmp54:
0x3dd: {  	_ = 	snop;
	(pc) =	sbr.rel .LBB2_74-.Ltmp54, $1  }
0x3de: {  	_ =	sdelay $0x3  }
.LBB2_67:
0x3df: {  	s17 =	smov.u32 @p0 s17  }
.LBB2_76:
0x3e0: {  	s0 =	sadd.s32 $0x6, s16  }
0x3e1: {  	v12 =	vmov s0;
	_ =	sdelay $0x4  }
0x3e2: {  	v12 =	vld.idx.msk [tilespmem:v12+s19+$0x0], $0xffff;
	_ =	sdelay $0x4  }
0x3e3: {  	(v2sf) =	vpush v12, $0x0;
	_ =	sdelay $0xe  }
0x3e4: {  	p0 =	sge.u32 s0, s7;
	s8 =	spop (v2sf)  }
0x3e5: {  	p1 =	slt.s32 @!p0 s8, $0x1  }
0x3e6: {  	s31 =	sadd.s32 $0xFFFFFFFE, s16;
	p0 =	por p1, p0  }
0x3e7: {  	v12 =	vmov s31;
	s0 =	sadd.s32 @!p0 s6, s0  }
0x3e8: {  	s0 =	sshll.u32 @!p0 s0, $0x7  }
0x3e9: {  	s10 =	simm.s32 @!p0 $0x400;
	s0 =	sand.u32 @!p0 $0x1FFFFF80, s0  }
0x3ea: {  	s12 =	simm.s32 @!p0 $0x837C00;
	s22 =	simm.s32 @!p0 $0x14300;
	s0 =	sadd.s32 @!p0 s1, s0  }
0x3eb: {  	[tilespmem:s22], [sflag:$0x7] =	stream.strided.gather @!p0 [hbm4b:s0+s10], $0x2000, s12, s10, $0x38;
	[tilespmem:$0x1E300] =	vst v63  }
0x3ec: {  	v13 =	vld.idx.msk [tilespmem:v12+s19+$0x0], $0xffff;
	_ =	sdelay $0x4  }
0x3ed: {  	(v2sf) =	vpush v13, $0x0;
	_ =	sdelay $0xe  }
0x3ee: {  	p0 =	sge.u32 s31, s7;
	s22 =	spop (v2sf)  }
0x3ef: {  	p1 =	slt.s32 @!p0 s22, $0x1  }
0x3f0: {  	p1 =	por p0, p1  }
.Ltmp55:
0x3f1: {  	_ = 	snop;
	(pc) =	sbr.rel @p1 .LBB2_77-.Ltmp55, $1  }
0x3f2: {  	_ =	sdelay $0x3  }
0x3f3: {  	s0 =	simm.s32 $0x8  }
0x3f4: {  	_ =	swait.ge [sflag:s0], $0x2000  }
0x3f5: {  	[sflag:s0] =	ssyncset.done $0x0  }
0x3f6: {  	[sflag:s0] =	ssyncadd.s32 $0xFFFFE000  }
0x3f7: {  	v12 =	vld.idx.msk [tilespmem:v12+s23+$0x0], $0xffff;
	_ =	sdelay $0x4  }
0x3f8: {  	(v2sf) =	vpush v12, $0x0;
	_ =	sdelay $0xa  }
.Ltmp56:
0x3f9: {  	_ = 	snop;
	(pc) =	sbr.rel .LBB2_79-.Ltmp56, $2  }
0x3fa: {  	_ =	sdelay $0x2  }
0x3fb: {  	s29 =	simm.s32 $0x0;
	s31 =	simm.s32 $0x0;
	s26 =	spop (v2sf)  }
.LBB2_84:
0x3fc: {  	s17 =	sadd.s32 $0x80, s17  }
0x3fd: {  	[sflag:s24] =	ssyncadd.s32 $0xFFFFFF80;
	s10 =	ssub.s32 s0, s17  }
.LBB2_85:
0x3fe: {  	v12 =	vmov s0;
	_ =	sdelay $0x4  }
0x3ff: {  	v12 =	vld.idx.msk [tilespmem:v12+s21+$0x0], $0xffff;
	_ =	sdelay $0x4  }
0x400: {  	v13 =	vmul.u32 $0x80, v11;
	v12 =	vshrl.u32 v12, $0xE  }
0x401: {  	v12 =	vand.u32 $0x7F, v12  }
0x402: {  	v14 =	vor.u32 v13, v12;
	_ =	sdelay $0x4  }
0x403: {  	v15 =	vor.u32 $0x800, v13;
	v14 =	vld.idx.msk [tilespmem:v14+s13+$0x0], $0xffff  }
0x404: {  	v15 =	vor.u32 v15, v12;
	_ =	sdelay $0x1  }
0x405: {  	s12 =	sshll.u32 s10, $0x9  }
0x406: {  	s0 =	sshra.s32 s12, $0x2  }
0x407: {  	[tilespmem:s0+$0x1A300] =	vst v14  }
0x408: {  	v63 =	vor.u32 $0x1000, v13;
	v14 =	vld.idx.msk [tilespmem:v15+s13+$0x0], $0xffff  }
0x409: {  	v15 =	vor.u32 v63, v12;
	_ =	sdelay $0x3  }
0x40a: {  	[tilespmem:s0+$0x1A310] =	vst v14  }
0x40b: {  	v13 =	vor.u32 $0x1800, v13;
	v14 =	vld.idx.msk [tilespmem:v15+s13+$0x0], $0xffff  }
0x40c: {  	v12 =	vor.u32 v13, v12;
	_ =	sdelay $0x3  }
0x40d: {  	s31 =	sadd.s32 $0x1, s31;
	[tilespmem:s0+$0x1A320] =	vst v14  }
0x40e: {  	p0 =	sne.s32 s31, s22;
	v12 =	vld.idx.msk [tilespmem:v12+s13+$0x0], $0xffff  }
.Ltmp57:
0x40f: {  	_ = 	snop;
	(pc) =	sbr.rel @!p0 .LBB2_86-.Ltmp57, $2  }
0x410: {  	_ =	sdelay $0x2  }
0x411: {  	[tilespmem:s0+$0x1A330] =	vst v12  }
.LBB2_79:
0x412: {  	s0 =	sadd.s32 s26, s31  }
0x413: {  	s10 =	ssub.s32 s0, s17  }
0x414: {  	p0 =	slt.s32 s10, $0x80  }
.Ltmp58:
0x415: {  	_ = 	snop;
	(pc) =	sbr.rel @p0 .LBB2_85-.Ltmp58, $2  }
0x416: {  	_ =	sdelay $0x2  }
0x417: {  	s8 =	simm.s32 $0x1A300  }
0x418: {  	s10 =	sadd.s32 s29, s17  }
0x419: {  	v12 =	vmov s10;
	_ =	sdelay $0x4  }
0x41a: {  	v12 =	vld.idx.msk [tilespmem:v12+s21+$0x0], $0xffff;
	_ =	sdelay $0x4  }
0x41b: {  	(v2sf) =	vpush v12, $0x0;
	_ =	sdelay $0xc  }
0x41c: {  	s10 =	sadd.s32 $0x1, s29  }
0x41d: {  	s12 =	sadd.s32 s10, s17  }
0x41e: {  	v63 =	vmov s12;
	s12 =	spop (v2sf)  }
0x41f: {  	s12 =	sshll.u32 s12, $0x4  }
0x420: {  	s12 =	sand.u32 $0x3FFF0, s12  }
0x421: {  	s12 =	sadd.s32 s5, s12  }
0x422: {  	[hbm4b:s12+s4] =	stream.linear.scatter [tilespmem:s8], [sflag:$0xA], $0x80, $0x38;
	[tilespmem:$0x1E300] =	vst v63  }
0x423: {  	v12 =	vld.idx.msk [tilespmem:v63+s21+$0x0], $0xffff;
	_ =	sdelay $0x4  }
0x424: {  	(v2sf) =	vpush v12, $0x0;
	_ =	sdelay $0xc  }
0x425: {  	s10 =	sadd.s32 $0x1, s10  }
0x426: {  	s12 =	sadd.s32 s10, s17;
	s10 =	sadd.s32 $0x1, s10  }
.LBB2_81:
0x427: {  	p0 =	sne.s32 s10, $0x7F;
	v12 =	vmov s12;
	s12 =	spop (v2sf)  }
0x428: {  	s12 =	sshll.u32 s12, $0x4  }
0x429: {  	s12 =	sand.u32 $0x3FFF0, s12  }
0x42a: {  	s8 =	sadd.s32 $0x80, s8;
	s12 =	sadd.s32 s5, s12  }
0x42b: {  	[hbm4b:s12+s4] =	stream.linear.scatter [tilespmem:s8], [sflag:$0xA], $0x80, $0x38;
	[tilespmem:$0x1E300] =	vst v63  }
0x42c: {  	v12 =	vld.idx.msk [tilespmem:v12+s21+$0x0], $0xffff;
	_ =	sdelay $0x5  }
0x42d: {  	(v2sf) =	vpush v12, $0x0;
	_ =	sdelay $0x9  }
.Ltmp59:
0x42e: {  	(pc) =	sbr.rel @p0 .LBB2_81-.Ltmp59, $2  }
0x42f: {  	_ =	sdelay $0x2  }
0x430: {  	s12 =	sadd.s32 s10, s17;
	s10 =	sadd.s32 $0x1, s10  }
0x431: {  	v12 =	vmov s12;
	s10 =	spop (v2sf)  }
0x432: {  	s10 =	sshll.u32 s10, $0x4  }
0x433: {  	s10 =	sand.u32 $0x3FFF0, s10  }
0x434: {  	s8 =	sadd.s32 $0x80, s8;
	s10 =	sadd.s32 s5, s10  }
0x435: {  	[hbm4b:s10+s4] =	stream.linear.scatter [tilespmem:s8], [sflag:$0xA], $0x80, $0x38;
	[tilespmem:$0x1E300] =	vst v63  }
0x436: {  	v12 =	vld.idx.msk [tilespmem:v12+s21+$0x0], $0xffff;
	_ =	sdelay $0x4  }
0x437: {  	(v2sf) =	vpush v12, $0x0;
	_ =	sdelay $0xe  }
0x438: {  	s12 =	spop (v2sf)  }
0x439: {  	s10 =	sshll.u32 s12, $0x4  }
0x43a: {  	s10 =	sand.u32 $0x3FFF0, s10  }
0x43b: {  	s8 =	sadd.s32 $0x80, s8;
	s10 =	sadd.s32 s5, s10  }
0x43c: {  	[hbm4b:s10+s4] =	stream.linear.scatter [tilespmem:s8], [sflag:$0xA], $0x80, $0x38;
	[tilespmem:$0x1E300] =	vst v63  }
0x43d: {  	_ =	swait.ge [sflag:s24], $0x80  }
0x43e: {  	s8 =	simm.s32 $0x7F;
	[sflag:s24] =	ssyncset.done $0x0  }
.LBB2_83:
0x43f: {  	p0 =	sne.s32 s8, $0x1;
	s8 =	sadd.s32 $0xFFFFFFFF, s8;
	[sflag:s24] =	ssyncadd.s32 $0xFFFFFF80  }
.Ltmp60:
0x440: {  	(pc) =	sbr.rel @p0 .LBB2_83-.Ltmp60, $3  }
0x441: {  	_ =	sdelay $0x1  }
0x442: {  	_ =	swait.ge [sflag:s24], $0x80  }
0x443: {  	[sflag:s24] =	ssyncset.done $0x0  }
.Ltmp61:
0x444: {  	_ = 	snop;
	(pc) =	sbr.rel .LBB2_84-.Ltmp61, $1  }
0x445: {  	_ =	sdelay $0x3  }
.LBB2_77:
0x446: {  	s17 =	smov.u32 @p0 s17  }
.LBB2_86:
0x447: {  	s0 =	sadd.s32 $0x7, s16  }
0x448: {  	v12 =	vmov s0;
	_ =	sdelay $0x4  }
0x449: {  	v12 =	vld.idx.msk [tilespmem:v12+s19+$0x0], $0xffff;
	_ =	sdelay $0x4  }
0x44a: {  	(v2sf) =	vpush v12, $0x0;
	_ =	sdelay $0xe  }
0x44b: {  	p0 =	sge.u32 s0, s7;
	s8 =	spop (v2sf)  }
0x44c: {  	p1 =	slt.s32 @!p0 s8, $0x1  }
0x44d: {  	s31 =	sadd.s32 $0xFFFFFFFF, s16;
	p0 =	por p1, p0  }
0x44e: {  	v12 =	vmov s31;
	s0 =	sadd.s32 @!p0 s6, s0  }
0x44f: {  	s0 =	sshll.u32 @!p0 s0, $0x7  }
0x450: {  	s8 =	simm.s32 @!p0 $0x400;
	s0 =	sand.u32 @!p0 $0x1FFFFF80, s0  }
0x451: {  	s10 =	simm.s32 @!p0 $0x837C00;
	s12 =	simm.s32 @!p0 $0x16300;
	s0 =	sadd.s32 @!p0 s1, s0  }
0x452: {  	[tilespmem:s12], [sflag:$0x8] =	stream.strided.gather @!p0 [hbm4b:s0+s8], $0x2000, s10, s8, $0x38;
	[tilespmem:$0x1E300] =	vst v63  }
0x453: {  	v13 =	vld.idx.msk [tilespmem:v12+s19+$0x0], $0xffff;
	_ =	sdelay $0x4  }
0x454: {  	(v2sf) =	vpush v13, $0x0;
	_ =	sdelay $0xe  }
0x455: {  	p0 =	sgt.u32 s16, s7;
	s22 =	spop (v2sf)  }
0x456: {  	p1 =	slt.s32 @!p0 s22, $0x1  }
0x457: {  	p1 =	por p0, p1  }
.Ltmp62:
0x458: {  	_ = 	snop;
	(pc) =	sbr.rel @p1 .LBB2_87-.Ltmp62, $1  }
0x459: {  	_ =	sdelay $0x3  }
0x45a: {  	_ = 	snop  }
0x45b: {  	_ =	swait.ge [sflag:s14], $0x2000  }
0x45c: {  	[sflag:s14] =	ssyncset.done $0x0  }
0x45d: {  	[sflag:s14] =	ssyncadd.s32 $0xFFFFE000  }
0x45e: {  	v12 =	vld.idx.msk [tilespmem:v12+s23+$0x0], $0xffff;
	_ =	sdelay $0x4  }
0x45f: {  	(v2sf) =	vpush v12, $0x0;
	_ =	sdelay $0xa  }
.Ltmp63:
0x460: {  	_ = 	snop;
	(pc) =	sbr.rel .LBB2_89-.Ltmp63, $2  }
0x461: {  	_ =	sdelay $0x2  }
0x462: {  	s29 =	simm.s32 $0x0;
	s31 =	simm.s32 $0x0;
	s26 =	spop (v2sf)  }
.LBB2_94:
0x463: {  	s17 =	sadd.s32 $0x80, s17  }
0x464: {  	[sflag:s24] =	ssyncadd.s32 $0xFFFFFF80;
	s10 =	ssub.s32 s0, s17  }
.LBB2_95:
0x465: {  	v12 =	vmov s0;
	_ =	sdelay $0x4  }
0x466: {  	v12 =	vld.idx.msk [tilespmem:v12+s21+$0x0], $0xffff;
	_ =	sdelay $0x4  }
0x467: {  	v13 =	vmul.u32 $0x80, v11;
	v12 =	vshrl.u32 v12, $0xE  }
0x468: {  	v12 =	vand.u32 $0x7F, v12  }
0x469: {  	v14 =	vor.u32 v13, v12;
	_ =	sdelay $0x4  }
0x46a: {  	v15 =	vor.u32 $0x800, v13;
	v14 =	vld.idx.msk [tilespmem:v14+s15+$0x0], $0xffff  }
0x46b: {  	v15 =	vor.u32 v15, v12;
	_ =	sdelay $0x1  }
0x46c: {  	s12 =	sshll.u32 s10, $0x9  }
0x46d: {  	s0 =	sshra.s32 s12, $0x2  }
0x46e: {  	[tilespmem:s0+$0x1A300] =	vst v14  }
0x46f: {  	v63 =	vor.u32 $0x1000, v13;
	v14 =	vld.idx.msk [tilespmem:v15+s15+$0x0], $0xffff  }
0x470: {  	v15 =	vor.u32 v63, v12;
	_ =	sdelay $0x3  }
0x471: {  	[tilespmem:s0+$0x1A310] =	vst v14  }
0x472: {  	v13 =	vor.u32 $0x1800, v13;
	v14 =	vld.idx.msk [tilespmem:v15+s15+$0x0], $0xffff  }
0x473: {  	v12 =	vor.u32 v13, v12;
	_ =	sdelay $0x3  }
0x474: {  	s31 =	sadd.s32 $0x1, s31;
	[tilespmem:s0+$0x1A320] =	vst v14  }
0x475: {  	p0 =	sne.s32 s31, s22;
	v12 =	vld.idx.msk [tilespmem:v12+s15+$0x0], $0xffff  }
.Ltmp64:
0x476: {  	_ = 	snop;
	(pc) =	sbr.rel @!p0 .LBB2_96-.Ltmp64, $2  }
0x477: {  	_ =	sdelay $0x2  }
0x478: {  	[tilespmem:s0+$0x1A330] =	vst v12  }
.LBB2_89:
0x479: {  	s0 =	sadd.s32 s26, s31  }
0x47a: {  	s10 =	ssub.s32 s0, s17  }
0x47b: {  	p0 =	slt.s32 s10, $0x80  }
.Ltmp65:
0x47c: {  	_ = 	snop;
	(pc) =	sbr.rel @p0 .LBB2_95-.Ltmp65, $2  }
0x47d: {  	_ =	sdelay $0x2  }
0x47e: {  	s8 =	simm.s32 $0x1A300  }
0x47f: {  	s10 =	sadd.s32 s29, s17  }
0x480: {  	v12 =	vmov s10;
	_ =	sdelay $0x4  }
0x481: {  	v12 =	vld.idx.msk [tilespmem:v12+s21+$0x0], $0xffff;
	_ =	sdelay $0x4  }
0x482: {  	(v2sf) =	vpush v12, $0x0;
	_ =	sdelay $0xc  }
0x483: {  	s10 =	sadd.s32 $0x1, s29  }
0x484: {  	s12 =	sadd.s32 s10, s17  }
0x485: {  	v63 =	vmov s12;
	s12 =	spop (v2sf)  }
0x486: {  	s12 =	sshll.u32 s12, $0x4  }
0x487: {  	s12 =	sand.u32 $0x3FFF0, s12  }
0x488: {  	s12 =	sadd.s32 s5, s12  }
0x489: {  	[hbm4b:s12+s4] =	stream.linear.scatter [tilespmem:s8], [sflag:$0xA], $0x80, $0x38;
	[tilespmem:$0x1E300] =	vst v63  }
0x48a: {  	v12 =	vld.idx.msk [tilespmem:v63+s21+$0x0], $0xffff;
	_ =	sdelay $0x4  }
0x48b: {  	(v2sf) =	vpush v12, $0x0;
	_ =	sdelay $0xc  }
0x48c: {  	s10 =	sadd.s32 $0x1, s10  }
0x48d: {  	s12 =	sadd.s32 s10, s17;
	s10 =	sadd.s32 $0x1, s10  }
.LBB2_91:
0x48e: {  	p0 =	sne.s32 s10, $0x7F;
	v12 =	vmov s12;
	s12 =	spop (v2sf)  }
0x48f: {  	s12 =	sshll.u32 s12, $0x4  }
0x490: {  	s12 =	sand.u32 $0x3FFF0, s12  }
0x491: {  	s8 =	sadd.s32 $0x80, s8;
	s12 =	sadd.s32 s5, s12  }
0x492: {  	[hbm4b:s12+s4] =	stream.linear.scatter [tilespmem:s8], [sflag:$0xA], $0x80, $0x38;
	[tilespmem:$0x1E300] =	vst v63  }
0x493: {  	v12 =	vld.idx.msk [tilespmem:v12+s21+$0x0], $0xffff;
	_ =	sdelay $0x5  }
0x494: {  	(v2sf) =	vpush v12, $0x0;
	_ =	sdelay $0x9  }
.Ltmp66:
0x495: {  	(pc) =	sbr.rel @p0 .LBB2_91-.Ltmp66, $2  }
0x496: {  	_ =	sdelay $0x2  }
0x497: {  	s12 =	sadd.s32 s10, s17;
	s10 =	sadd.s32 $0x1, s10  }
0x498: {  	v12 =	vmov s12;
	s10 =	spop (v2sf)  }
0x499: {  	s10 =	sshll.u32 s10, $0x4  }
0x49a: {  	s10 =	sand.u32 $0x3FFF0, s10  }
0x49b: {  	s8 =	sadd.s32 $0x80, s8;
	s10 =	sadd.s32 s5, s10  }
0x49c: {  	[hbm4b:s10+s4] =	stream.linear.scatter [tilespmem:s8], [sflag:$0xA], $0x80, $0x38;
	[tilespmem:$0x1E300] =	vst v63  }
0x49d: {  	v12 =	vld.idx.msk [tilespmem:v12+s21+$0x0], $0xffff;
	_ =	sdelay $0x4  }
0x49e: {  	(v2sf) =	vpush v12, $0x0;
	_ =	sdelay $0xe  }
0x49f: {  	s12 =	spop (v2sf)  }
0x4a0: {  	s10 =	sshll.u32 s12, $0x4  }
0x4a1: {  	s10 =	sand.u32 $0x3FFF0, s10  }
0x4a2: {  	s8 =	sadd.s32 $0x80, s8;
	s10 =	sadd.s32 s5, s10  }
0x4a3: {  	[hbm4b:s10+s4] =	stream.linear.scatter [tilespmem:s8], [sflag:$0xA], $0x80, $0x38;
	[tilespmem:$0x1E300] =	vst v63  }
0x4a4: {  	_ =	swait.ge [sflag:s24], $0x80  }
0x4a5: {  	s8 =	simm.s32 $0x7F;
	[sflag:s24] =	ssyncset.done $0x0  }
.LBB2_93:
0x4a6: {  	p0 =	sne.s32 s8, $0x1;
	s8 =	sadd.s32 $0xFFFFFFFF, s8;
	[sflag:s24] =	ssyncadd.s32 $0xFFFFFF80  }
.Ltmp67:
0x4a7: {  	(pc) =	sbr.rel @p0 .LBB2_93-.Ltmp67, $3  }
0x4a8: {  	_ =	sdelay $0x1  }
0x4a9: {  	_ =	swait.ge [sflag:s24], $0x80  }
0x4aa: {  	[sflag:s24] =	ssyncset.done $0x0  }
.Ltmp68:
0x4ab: {  	_ = 	snop;
	(pc) =	sbr.rel .LBB2_94-.Ltmp68, $1  }
0x4ac: {  	_ =	sdelay $0x3  }
.LBB2_97:
0x4ad: {  	s0 =	rddreg [dreg:$0xf]  }
0x4ae: {  	s0 =	ssub.s32 s0, s17  }
0x4af: {  	p0 =	slt.s32 s0, $0x1  }
.Ltmp69:
0x4b0: {  	_ = 	snop;
	(pc) =	sbr.rel @p0 .LBB2_106-.Ltmp69, $2  }
0x4b1: {  	_ =	sdelay $0x2  }
0x4b2: {  	s16 =	simm.s32 $0x0;
	s18 =	simm.s32 $0x1A300;
	s8 =	rddreg [dreg:$0xe]  }
0x4b3: {  	s8 =	sadd.s32 s16, s17  }
0x4b4: {  	v12 =	vmov s8;
	_ =	sdelay $0x3  }
0x4b5: {  	s8 =	sadd.s32 $0x1, s16  }
0x4b6: {  	p1 =	slt.s32 s8, s0;
	v12 =	vld.idx.msk [tilespmem:v12+s21+$0x0], $0xffff  }
.Ltmp70:
0x4b7: {  	_ = 	snop;
	(pc) =	sbr.rel @!p1 .LBB2_99-.Ltmp70, $2  }
0x4b8: {  	_ =	sdelay $0x2  }
0x4b9: {  	p0 =	por $0x0, $0x0;
	(v2sf) =	vpush v12, $0x0  }
0x4ba: {  	_ =	sdelay $0xd  }
0x4bb: {  	s10 =	sadd.s32 s8, s17;
	s31 =	spop (v2sf)  }
0x4bc: {  	v12 =	vmov s10;
	s10 =	sshll.u32 s31, $0x4  }
0x4bd: {  	s10 =	sand.u32 $0x3FFF0, s10  }
0x4be: {  	s10 =	sadd.s32 s5, s10  }
0x4bf: {  	[hbm4b:s10+s16] =	stream.linear.scatter [tilespmem:s18], [sflag:$0xA], $0x80, $0x38;
	[tilespmem:$0x1E300] =	vst v63  }
0x4c0: {  	s10 =	sadd.s32 $0x1, s8  }
0x4c1: {  	v12 =	vld.idx.msk [tilespmem:v12+s21+$0x0], $0xffff;
	p1 =	slt.s32 s10, s0  }
.Ltmp71:
0x4c2: {  	_ = 	snop;
	(pc) =	sbr.rel @!p1 .LBB2_101-.Ltmp71, $2  }
0x4c3: {  	_ =	sdelay $0x2  }
0x4c4: {  	p0 =	por $0x1, $0x1;
	s8 =	simm.s32 $0x1A300;
	(v2sf) =	vpush v12, $0x0  }
.LBB2_102:
0x4c5: {  	_ =	sdelay $0xc  }
0x4c6: {  	s12 =	sadd.s32 s10, s17;
	s10 =	sadd.s32 $0x1, s10  }
0x4c7: {  	v12 =	vmov s12;
	p1 =	slt.s32 s10, s0;
	s12 =	spop (v2sf)  }
0x4c8: {  	s12 =	sshll.u32 s12, $0x4  }
0x4c9: {  	s12 =	sand.u32 $0x3FFF0, s12  }
0x4ca: {  	s8 =	sadd.s32 $0x80, s8;
	s12 =	sadd.s32 s5, s12  }
0x4cb: {  	[hbm4b:s12+s16] =	stream.linear.scatter [tilespmem:s8], [sflag:$0xA], $0x80, $0x38;
	[tilespmem:$0x1E300] =	vst v63  }
0x4cc: {  	v12 =	vld.idx.msk [tilespmem:v12+s21+$0x0], $0xffff;
	_ =	sdelay $0x1  }
.Ltmp72:
0x4cd: {  	(pc) =	sbr.rel @p1 .LBB2_102-.Ltmp72, $2  }
0x4ce: {  	_ =	sdelay $0x2  }
0x4cf: {  	(v2sf) =	vpush v12, $0x0  }
.LBB2_103:
0x4d0: {  	_ =	sdelay $0xd  }
0x4d1: {  	s8 =	sadd.s32 @p0 $0x80, s8;
	s10 =	spop (v2sf)  }
0x4d2: {  	s18 =	smov.u32 @p0 s8;
	p0 =	sgt.s32 s0, $0x1;
	s10 =	sshll.u32 s10, $0x4  }
.Ltmp73:
0x4d3: {  	s10 =	sand.u32 $0x3FFF0, s10;
	(pc) =	sbr.rel @!p0 .LBB2_105-.Ltmp73, $4  }
0x4d4: {  	s10 =	sadd.s32 s5, s10  }
0x4d5: {  	[hbm4b:s10+s16] =	stream.linear.scatter [tilespmem:s18], [sflag:$0xA], $0x80, $0x38;
	[tilespmem:$0x1E300] =	vst v63  }
0x4d6: {  	_ =	swait.ge [sflag:s24], $0x80  }
0x4d7: {  	s8 =	simm.s32 $0x1;
	[sflag:s24] =	ssyncset.done $0x0  }
.LBB2_104:
0x4d8: {  	s8 =	sadd.s32 $0x1, s8  }
0x4d9: {  	[sflag:s24] =	ssyncadd.s32 $0xFFFFFF80;
	p0 =	slt.s32 s8, s0  }
.Ltmp74:
0x4da: {  	(pc) =	sbr.rel @p0 .LBB2_104-.Ltmp74, $3  }
0x4db: {  	_ =	sdelay $0x1  }
0x4dc: {  	_ =	swait.ge [sflag:s24], $0x80  }
0x4dd: {  	[sflag:s24] =	ssyncset.done $0x0  }
.Ltmp75:
0x4de: {  	_ = 	snop;
	(pc) =	sbr.rel .LBB2_105-.Ltmp75, $1  }
0x4df: {  	_ =	sdelay $0x3  }
.LBB2_99:
.Ltmp76:
0x4e0: {  	(pc) =	sbr.rel .LBB2_103-.Ltmp76, $2  }
0x4e1: {  	_ =	sdelay $0x2  }
0x4e2: {  	s8 =	simm.s32 $0x1A300  }
.LBB2_101:
.Ltmp77:
0x4e3: {  	(pc) =	sbr.rel .LBB2_103-.Ltmp77, $2  }
0x4e4: {  	_ =	sdelay $0x2  }
0x4e5: {  	s8 =	simm.s32 $0x1A300  }
.LBB2_107:
0x4e6: {  	_ =	sfence.sel $0x180000  }
0x4e7: {  	[bflag:$0x0] =	sbarrier.arrive $0xFFFF  }
0x4e8: {  	_ =	strace $0x90000047  }
0x4e9: {  	s0 =	stileid.u32;
	[bflag:$0x2] =	sbarrier.arrive $0xFFFF  }
0x4ea: {  	p0 =	sne.s32 s0, $0x0;
	s0 =	rddreg [dreg:$0x3]  }
0x4eb: {  	s0 =	sadd.s32 @!p0 $0x100000, s0  }
0x4ec: {  	[sflag:s0] =	ssyncadd.tile.s32 @!p0 $0x1;
	_ =	shalt  }
.Lfunc_end2:
_tile_overlayer_lowered:
.L_overlay_start_2:
0x4ed: {  	(tag) =	ssettag $0x2  }
0x4ee: {  	s0 =	rddreg [dreg:$0x0];
	s2 =	stileid.u32  }
0x4ef: {  	s1 =	rddreg [dreg:$0x1];
	p0 =	sne.s32 s2, $0x0  }
0x4f0: {  	s3 =	rddreg [dreg:$0x2];
	[bflag:$0x3] =	sbarrier.arrive $0xFFFF;
	s2 =	simm.s32 @!p0 $0x1C0B  }
0x4f1: {  	[timem:s3], [sflag:s2] =	dma.local @!p0 [hbm:s0], s1  }
0x4f2: {  	s0 =	simm.s32 @!p0 $0xB  }
0x4f3: {  	_ =	swait.ge @!p0 [sflag:s0], s1  }
0x4f4: {  	s1 =	ssub.s32 @!p0 $0x0, s1;
	[sflag:s0] =	ssyncset.done @!p0 $0x0  }
0x4f5: {  	[sflag:s0] =	ssyncadd.s32 @!p0 s1  }
0x4f6: {  	[bflag:$0x3] =	sbarrier.arrive $0xFFFF  }
0x4f7: {  	_ =	shalt  }

</sc_bundles>
